<compile_context>
chip_gen: v7x
topology: tpu7x:2x2x1
jax: 0.10.2.dev20260603
libtpu: 0.0.44.dev20260713+nightly
codegen_flags: <defaults>
</compile_context>

<pallas_src>
import functools

import jax
import jax.numpy as jnp
from jax import lax
from jax.experimental import pallas as pl
from jax.experimental.pallas import tpu as pltpu
from jax.experimental.pallas import tpu_sc as plsc

_NC = 2
_NS = 16
_NW = _NC * _NS
_L = 16
_F = 32
_CH = 128


@functools.lru_cache(maxsize=None)
def _build(batch: int, n_rows: int):
  assert batch % (_NW * _CH) == 0
  b_per_w = batch // _NW
  n_idx_ch = b_per_w // _CH
  n_groups = b_per_w // _L
  mesh = plsc.VectorSubcoreMesh(core_axis_name="c", subcore_axis_name="s")

  @functools.partial(
      pl.kernel,
      mesh=mesh,
      out_type=jax.ShapeDtypeStruct((batch,), jnp.float32),
      compiler_params=pltpu.CompilerParams(
          needs_layout_passes=False, use_tc_tiling_on_sc=True),
      scratch_types=[
          pltpu.VMEM((n_idx_ch, _CH), jnp.int32),
          pltpu.VMEM((n_idx_ch, _CH), jnp.int32),
          pltpu.VMEM((8, 4, 8, 128), jnp.float32),
          pltpu.VMEM((8, 4, 8, 128), jnp.float32),
          pltpu.VMEM((b_per_w,), jnp.float32),
          pltpu.VMEM((b_per_w,), jnp.float32),
          pltpu.VMEM((b_per_w + _L,), jnp.float32),
          pltpu.SemaphoreType.DMA,
          pltpu.SemaphoreType.DMA,
      ],
  )
  def mf_kernel(user_hbm, item_hbm, uf_hbm, if_hbm, ub_hbm, ib_hbm,
                out_hbm, idx_u, idx_i, st_u, st_i, b_u, b_i, out_v, sem,
                sem_b):
    wid = lax.axis_index("s") * _NC + lax.axis_index("c")
    base = wid * b_per_w

    bias_copies = []
    for c in range(n_idx_ch):
      pltpu.sync_copy(user_hbm.at[pl.ds(base + c * _CH, _CH)], idx_u.at[c])
      pltpu.sync_copy(item_hbm.at[pl.ds(base + c * _CH, _CH)], idx_i.at[c])
      bias_copies.append(pltpu.async_copy(
          ub_hbm.at[idx_u.at[c]], b_u.at[pl.ds(c * _CH, _CH)], sem_b))
      bias_copies.append(pltpu.async_copy(
          ib_hbm.at[idx_i.at[c]], b_i.at[pl.ds(c * _CH, _CH)], sem_b))

    lane = lax.iota(jnp.int32, _L)
    half = lane // 8
    eslot = lane % 8
    lo8 = lane % 8
    hi8 = lane % 8 + 8
    lmask = lane < 8
    xor8 = lane ^ 8

    def pair_body(s, _):
      c = s // 8
      p16 = (s % 8) * _L
      uv16 = idx_u[c, pl.ds(p16, _L)]
      iv16 = idx_i[c, pl.ds(p16, _L)]

      def half_chunk(off, dup):
        cps = []
        for l in range(8):
          us = pl.multiple_of((uv16[off + l] >> 7) * 128, 128)
          is_ = pl.multiple_of((iv16[off + l] >> 7) * 128, 128)
          cps.append(pltpu.async_copy(
              uf_hbm.at[:, :, pl.ds(us, 128)], st_u.at[l], sem))
          cps.append(pltpu.async_copy(
              if_hbm.at[:, :, pl.ds(is_, 128)], st_i.at[l], sem))
          if l >= 7:
            cps[2 * (l - 7)].wait()
            cps[2 * (l - 7) + 1].wait()
        for cp in cps[2:]:
          cp.wait()
        ucol = uv16.at[dup].get(mode="promise_in_bounds") & 127
        icol = iv16.at[dup].get(mode="promise_in_bounds") & 127
        acc = jnp.zeros((_L,), jnp.float32)
        for k in range(_F // 2):
          kk = k + half * (_F // 2)
          kft = kk // 8
          kf8 = kk % 8
          acc = acc + (plsc.load_gather(st_u, [eslot, kft, kf8, ucol])
                       * plsc.load_gather(st_i, [eslot, kft, kf8, icol]))
        folded = acc + acc.at[xor8].get(mode="promise_in_bounds")
        plsc.store_compressed(
            out_v.at[pl.ds(s * 2 * 8 + off, _L)], folded, mask=lmask)

      half_chunk(0, lo8)
      half_chunk(8, hi8)
      return 0

    lax.fori_loop(0, b_per_w // _L, pair_body, 0)

    for cp in bias_copies:
      cp.wait()

    def bias_body(g, _):
      e0 = g * _L
      out_v[pl.ds(e0, _L)] = (out_v[pl.ds(e0, _L)]
                              + b_u[pl.ds(e0, _L)] + b_i[pl.ds(e0, _L)])
      return 0

    lax.fori_loop(0, n_groups, bias_body, 0)
    pltpu.sync_copy(out_v.at[pl.ds(0, b_per_w)],
                    out_hbm.at[pl.ds(base, b_per_w)])

  return mf_kernel


def kernel(user, item, user_factors, item_factors, user_bias, item_bias):
  n_rows = user_factors.shape[0]
  mf = _build(user.shape[0], n_rows)
  uf3 = user_factors.T.reshape(4, 8, n_rows)
  if3 = item_factors.T.reshape(4, 8, n_rows)
  return mf(user, item, uf3, if3,
            user_bias.reshape(-1), item_bias.reshape(-1))

# --- scband reference (transcript-rebuilt; emitter-appended) ---
"""Pipeline reference for scband-matrix-factorization-3977139716783 (READ-ONLY COPY).

The authoritative reference and input builder live on the scoring server;
editing this copy changes nothing except your own understanding.
"""

import jax, jax.numpy as jnp
import numpy as np

N_USERS = 1000000
N_ITEMS = 1000000
N_FACTORS = 32
BATCH = 16384


def setup_inputs(seed: int = 0) -> dict:
    key = jax.random.key(seed)
    k_user, k_item, k_uf, k_if, k_ub, k_ib = jax.random.split(key, 6)
    user = jax.random.randint(k_user, (BATCH,), 0, N_USERS, dtype=jnp.int64 if jax.config.jax_enable_x64 else jnp.int32).astype(jnp.int32)
    item = jax.random.randint(k_item, (BATCH,), 0, N_ITEMS, dtype=jnp.int64 if jax.config.jax_enable_x64 else jnp.int32).astype(jnp.int32)
    user_factors = jax.random.normal(k_uf, (N_USERS, N_FACTORS), dtype=jnp.float32)
    item_factors = jax.random.normal(k_if, (N_ITEMS, N_FACTORS), dtype=jnp.float32)
    user_bias = jax.random.normal(k_ub, (N_USERS, 1), dtype=jnp.float32)
    item_bias = jax.random.normal(k_ib, (N_ITEMS, 1), dtype=jnp.float32)
    return {
        "user": user,
        "item": item,
        "user_factors": user_factors,
        "item_factors": item_factors,
        "user_bias": user_bias,
        "item_bias": item_bias,
    }


def reference(user, item, user_factors, item_factors, user_bias, item_bias):
    # Embedding lookups (gathers)
    uf = jnp.take(user_factors, user, axis=0)   # [B, F]
    itf = jnp.take(item_factors, item, axis=0)  # [B, F]
    ub = jnp.take(user_bias, user, axis=0)      # [B, 1]
    ib = jnp.take(item_bias, item, axis=0)      # [B, 1]
    pred = (uf * itf).sum(axis=1) + jnp.squeeze(ub, axis=1) + jnp.squeeze(ib, axis=1)
    return pred

if __name__ == "__main__":
    import jax
    _d = setup_inputs()
    print(jax.jit(kernel)(*tuple(_d.values())))

</pallas_src>

<mosaic_0001>
#map = affine_map<(d0, d1) -> (0)>
#map1 = affine_map<(d0, d1) -> (0, 0, 0)>
module attributes {stable_mosaic.version = 14 : i64} {
  func.func @mf_kernel(%arg0: i32, %arg1: i32, %arg2: memref<16384xi32, #tpu.memory_space<hbm>>, %arg3: memref<16384xi32, #tpu.memory_space<hbm>>, %arg4: memref<4x8x1000000xf32, #tpu.memory_space<hbm>>, %arg5: memref<4x8x1000000xf32, #tpu.memory_space<hbm>>, %arg6: memref<1000000xf32, #tpu.memory_space<hbm>>, %arg7: memref<1000000xf32, #tpu.memory_space<hbm>>, %arg8: memref<16384xf32, #tpu.memory_space<hbm>>, %arg9: memref<4x128xi32, #tpu.memory_space<vmem>>, %arg10: memref<4x128xi32, #tpu.memory_space<vmem>>, %arg11: memref<8x4x8x128xf32, #tpu.memory_space<vmem>>, %arg12: memref<8x4x8x128xf32, #tpu.memory_space<vmem>>, %arg13: memref<512xf32, #tpu.memory_space<vmem>>, %arg14: memref<512xf32, #tpu.memory_space<vmem>>, %arg15: memref<528xf32, #tpu.memory_space<vmem>>, %arg16: memref<!tpu.dma_semaphore, #tpu.memory_space<semaphore_mem>>, %arg17: memref<!tpu.dma_semaphore, #tpu.memory_space<semaphore_mem>>) attributes {dimension_semantics = [#tpu.dimension_semantics<core_parallel>, #tpu.dimension_semantics<subcore_parallel>], iteration_bounds = array<i64: 2, 16>, scalar_prefetch = 0 : i64, scratch_operands = 9 : i64, tpu.core_type = #tpu.core_type<sc_vector_subcore>, window_params = [{transform_indices = #map}, {transform_indices = #map}, {transform_indices = #map1}, {transform_indices = #map1}, {transform_indices = #map}, {transform_indices = #map}, {transform_indices = #map}]} {
    %mul3A = arith.constant 2 : i32
    %mul3A_0 = arith.muli %arg1, %mul3A : i32
    %add3A = arith.addi %mul3A_0, %arg0 : i32
    %mul3A_1 = arith.constant 512 : i32
    %mul3A_2 = arith.muli %add3A, %mul3A_1 : i32
    %add3A_3 = arith.constant 0 : i32
    %add3A_4 = arith.addi %mul3A_2, %add3A_3 : i32
    %run_scoped3A = arith.constant 0 : i32
    "tpu.region"() ({
      %run_scoped3A_260 = tpu.sem_alloc : memref<!tpu.dma_semaphore, #tpu.memory_space<semaphore_mem>>
      %dma_start3A_261 = arith.constant 0 : i32
      %dma_start3A_262 = tpu.memref_slice %arg9[%run_scoped3A, %dma_start3A_261] : memref<4x128xi32, #tpu.memory_space<vmem>> -> memref<1x128xi32, #tpu.memory_space<vmem>>
      %dma_start3A_263 = tpu.memref_squeeze %dma_start3A_262 : memref<1x128xi32, #tpu.memory_space<vmem>> -> memref<128xi32, #tpu.memory_space<vmem>>
      %dma_start3A_264 = tpu.memref_slice %arg2[%add3A_4] : memref<16384xi32, #tpu.memory_space<hbm>> -> memref<128xi32, #tpu.memory_space<hbm>>
      %dma_start3A_265 = arith.constant 0 : i32
      %dma_start3A_266 = tpu.memref_slice %arg9[%run_scoped3A, %dma_start3A_265] : memref<4x128xi32, #tpu.memory_space<vmem>> -> memref<1x128xi32, #tpu.memory_space<vmem>>
      %dma_start3A_267 = tpu.memref_squeeze %dma_start3A_266 : memref<1x128xi32, #tpu.memory_space<vmem>> -> memref<128xi32, #tpu.memory_space<vmem>>
      %dma_start3A_268 = tpu.memref_slice %arg2[%add3A_4] : memref<16384xi32, #tpu.memory_space<hbm>> -> memref<128xi32, #tpu.memory_space<hbm>>
      tpu.enqueue_dma source(%dma_start3A_268 : memref<128xi32, #tpu.memory_space<hbm>>) target(%dma_start3A_267 : memref<128xi32, #tpu.memory_space<vmem>>) target_semaphore(%run_scoped3A_260 : memref<!tpu.dma_semaphore, #tpu.memory_space<semaphore_mem>>)
      %dma_wait3A_269 = arith.constant 0 : i32
      %dma_wait3A_270 = tpu.memref_slice %arg9[%run_scoped3A, %dma_wait3A_269] : memref<4x128xi32, #tpu.memory_space<vmem>> -> memref<1x128xi32, #tpu.memory_space<vmem>>
      %dma_wait3A_271 = tpu.memref_squeeze %dma_wait3A_270 : memref<1x128xi32, #tpu.memory_space<vmem>> -> memref<128xi32, #tpu.memory_space<vmem>>
      %dma_wait3A_272 = tpu.memref_slice %arg2[%add3A_4] : memref<16384xi32, #tpu.memory_space<hbm>> -> memref<128xi32, #tpu.memory_space<hbm>>
      %dma_wait3A_273 = arith.constant 0 : i32
      %dma_wait3A_274 = tpu.memref_slice %arg9[%run_scoped3A, %dma_wait3A_273] : memref<4x128xi32, #tpu.memory_space<vmem>> -> memref<1x128xi32, #tpu.memory_space<vmem>>
      %dma_wait3A_275 = tpu.memref_squeeze %dma_wait3A_274 : memref<1x128xi32, #tpu.memory_space<vmem>> -> memref<128xi32, #tpu.memory_space<vmem>>
      %dma_wait3A_276 = tpu.memref_slice %arg2[%add3A_4] : memref<16384xi32, #tpu.memory_space<hbm>> -> memref<128xi32, #tpu.memory_space<hbm>>
      tpu.wait_dma2 semaphore(%run_scoped3A_260 : memref<!tpu.dma_semaphore, #tpu.memory_space<semaphore_mem>>) src(%dma_wait3A_276 : memref<128xi32, #tpu.memory_space<hbm>>) dst(%dma_wait3A_275 : memref<128xi32, #tpu.memory_space<vmem>>)
      tpu.yield
    }) : () -> ()
    %add3A_5 = arith.constant 0 : i32
    %add3A_6 = arith.addi %mul3A_2, %add3A_5 : i32
    %run_scoped3A_7 = arith.constant 0 : i32
    "tpu.region"() ({
      %run_scoped3A_260 = tpu.sem_alloc : memref<!tpu.dma_semaphore, #tpu.memory_space<semaphore_mem>>
      %dma_start3A_261 = arith.constant 0 : i32
      %dma_start3A_262 = tpu.memref_slice %arg10[%run_scoped3A_7, %dma_start3A_261] : memref<4x128xi32, #tpu.memory_space<vmem>> -> memref<1x128xi32, #tpu.memory_space<vmem>>
      %dma_start3A_263 = tpu.memref_squeeze %dma_start3A_262 : memref<1x128xi32, #tpu.memory_space<vmem>> -> memref<128xi32, #tpu.memory_space<vmem>>
      %dma_start3A_264 = tpu.memref_slice %arg3[%add3A_6] : memref<16384xi32, #tpu.memory_space<hbm>> -> memref<128xi32, #tpu.memory_space<hbm>>
      %dma_start3A_265 = arith.constant 0 : i32
      %dma_start3A_266 = tpu.memref_slice %arg10[%run_scoped3A_7, %dma_start3A_265] : memref<4x128xi32, #tpu.memory_space<vmem>> -> memref<1x128xi32, #tpu.memory_space<vmem>>
      %dma_start3A_267 = tpu.memref_squeeze %dma_start3A_266 : memref<1x128xi32, #tpu.memory_space<vmem>> -> memref<128xi32, #tpu.memory_space<vmem>>
      %dma_start3A_268 = tpu.memref_slice %arg3[%add3A_6] : memref<16384xi32, #tpu.memory_space<hbm>> -> memref<128xi32, #tpu.memory_space<hbm>>
      tpu.enqueue_dma source(%dma_start3A_268 : memref<128xi32, #tpu.memory_space<hbm>>) target(%dma_start3A_267 : memref<128xi32, #tpu.memory_space<vmem>>) target_semaphore(%run_scoped3A_260 : memref<!tpu.dma_semaphore, #tpu.memory_space<semaphore_mem>>)
      %dma_wait3A_269 = arith.constant 0 : i32
      %dma_wait3A_270 = tpu.memref_slice %arg10[%run_scoped3A_7, %dma_wait3A_269] : memref<4x128xi32, #tpu.memory_space<vmem>> -> memref<1x128xi32, #tpu.memory_space<vmem>>
      %dma_wait3A_271 = tpu.memref_squeeze %dma_wait3A_270 : memref<1x128xi32, #tpu.memory_space<vmem>> -> memref<128xi32, #tpu.memory_space<vmem>>
      %dma_wait3A_272 = tpu.memref_slice %arg3[%add3A_6] : memref<16384xi32, #tpu.memory_space<hbm>> -> memref<128xi32, #tpu.memory_space<hbm>>
      %dma_wait3A_273 = arith.constant 0 : i32
      %dma_wait3A_274 = tpu.memref_slice %arg10[%run_scoped3A_7, %dma_wait3A_273] : memref<4x128xi32, #tpu.memory_space<vmem>> -> memref<1x128xi32, #tpu.memory_space<vmem>>
      %dma_wait3A_275 = tpu.memref_squeeze %dma_wait3A_274 : memref<1x128xi32, #tpu.memory_space<vmem>> -> memref<128xi32, #tpu.memory_space<vmem>>
      %dma_wait3A_276 = tpu.memref_slice %arg3[%add3A_6] : memref<16384xi32, #tpu.memory_space<hbm>> -> memref<128xi32, #tpu.memory_space<hbm>>
      tpu.wait_dma2 semaphore(%run_scoped3A_260 : memref<!tpu.dma_semaphore, #tpu.memory_space<semaphore_mem>>) src(%dma_wait3A_276 : memref<128xi32, #tpu.memory_space<hbm>>) dst(%dma_wait3A_275 : memref<128xi32, #tpu.memory_space<vmem>>)
      tpu.yield
    }) : () -> ()
    %dma_start3A = arith.constant 0 : i32
    %dma_start3A_8 = arith.constant 0 : i32
    %dma_start3A_9 = tpu.memref_slice %arg13[%dma_start3A_8] : memref<512xf32, #tpu.memory_space<vmem>> -> memref<128xf32, #tpu.memory_space<vmem>>
    %dma_start3A_10 = arith.constant 0 : i32
    %dma_start3A_11 = tpu.memref_slice %arg9[%dma_start3A, %dma_start3A_10] : memref<4x128xi32, #tpu.memory_space<vmem>> -> memref<1x128xi32, #tpu.memory_space<vmem>>
    %dma_start3A_12 = tpu.memref_squeeze %dma_start3A_11 : memref<1x128xi32, #tpu.memory_space<vmem>> -> memref<128xi32, #tpu.memory_space<vmem>>
    %dma_start3A_13 = arith.constant 0 : i32
    %dma_start3A_14 = tpu.memref_slice %arg6[%dma_start3A_13] : memref<1000000xf32, #tpu.memory_space<hbm>> -> memref<1000000xf32, #tpu.memory_space<hbm>>
    tpu.enqueue_indirect_dma source(%dma_start3A_14 : memref<1000000xf32, #tpu.memory_space<hbm>>) target(%dma_start3A_9 : memref<128xf32, #tpu.memory_space<vmem>>) offsets(%dma_start3A_12 : memref<128xi32, #tpu.memory_space<vmem>>) semaphore(%arg17 : memref<!tpu.dma_semaphore, #tpu.memory_space<semaphore_mem>>)
    %dma_start3A_15 = arith.constant 0 : i32
    %dma_start3A_16 = arith.constant 0 : i32
    %dma_start3A_17 = tpu.memref_slice %arg14[%dma_start3A_16] : memref<512xf32, #tpu.memory_space<vmem>> -> memref<128xf32, #tpu.memory_space<vmem>>
    %dma_start3A_18 = arith.constant 0 : i32
    %dma_start3A_19 = tpu.memref_slice %arg10[%dma_start3A_15, %dma_start3A_18] : memref<4x128xi32, #tpu.memory_space<vmem>> -> memref<1x128xi32, #tpu.memory_space<vmem>>
    %dma_start3A_20 = tpu.memref_squeeze %dma_start3A_19 : memref<1x128xi32, #tpu.memory_space<vmem>> -> memref<128xi32, #tpu.memory_space<vmem>>
    %dma_start3A_21 = arith.constant 0 : i32
    %dma_start3A_22 = tpu.memref_slice %arg7[%dma_start3A_21] : memref<1000000xf32, #tpu.memory_space<hbm>> -> memref<1000000xf32, #tpu.memory_space<hbm>>
    tpu.enqueue_indirect_dma source(%dma_start3A_22 : memref<1000000xf32, #tpu.memory_space<hbm>>) target(%dma_start3A_17 : memref<128xf32, #tpu.memory_space<vmem>>) offsets(%dma_start3A_20 : memref<128xi32, #tpu.memory_space<vmem>>) semaphore(%arg17 : memref<!tpu.dma_semaphore, #tpu.memory_space<semaphore_mem>>)
    %add3A_23 = arith.constant 128 : i32
    %add3A_24 = arith.addi %mul3A_2, %add3A_23 : i32
    %run_scoped3A_25 = arith.constant 1 : i32
    "tpu.region"() ({
      %run_scoped3A_260 = tpu.sem_alloc : memref<!tpu.dma_semaphore, #tpu.memory_space<semaphore_mem>>
      %dma_start3A_261 = arith.constant 0 : i32
      %dma_start3A_262 = tpu.memref_slice %arg9[%run_scoped3A_25, %dma_start3A_261] : memref<4x128xi32, #tpu.memory_space<vmem>> -> memref<1x128xi32, #tpu.memory_space<vmem>>
      %dma_start3A_263 = tpu.memref_squeeze %dma_start3A_262 : memref<1x128xi32, #tpu.memory_space<vmem>> -> memref<128xi32, #tpu.memory_space<vmem>>
      %dma_start3A_264 = tpu.memref_slice %arg2[%add3A_24] : memref<16384xi32, #tpu.memory_space<hbm>> -> memref<128xi32, #tpu.memory_space<hbm>>
      %dma_start3A_265 = arith.constant 0 : i32
      %dma_start3A_266 = tpu.memref_slice %arg9[%run_scoped3A_25, %dma_start3A_265] : memref<4x128xi32, #tpu.memory_space<vmem>> -> memref<1x128xi32, #tpu.memory_space<vmem>>
      %dma_start3A_267 = tpu.memref_squeeze %dma_start3A_266 : memref<1x128xi32, #tpu.memory_space<vmem>> -> memref<128xi32, #tpu.memory_space<vmem>>
      %dma_start3A_268 = tpu.memref_slice %arg2[%add3A_24] : memref<16384xi32, #tpu.memory_space<hbm>> -> memref<128xi32, #tpu.memory_space<hbm>>
      tpu.enqueue_dma source(%dma_start3A_268 : memref<128xi32, #tpu.memory_space<hbm>>) target(%dma_start3A_267 : memref<128xi32, #tpu.memory_space<vmem>>) target_semaphore(%run_scoped3A_260 : memref<!tpu.dma_semaphore, #tpu.memory_space<semaphore_mem>>)
      %dma_wait3A_269 = arith.constant 0 : i32
      %dma_wait3A_270 = tpu.memref_slice %arg9[%run_scoped3A_25, %dma_wait3A_269] : memref<4x128xi32, #tpu.memory_space<vmem>> -> memref<1x128xi32, #tpu.memory_space<vmem>>
      %dma_wait3A_271 = tpu.memref_squeeze %dma_wait3A_270 : memref<1x128xi32, #tpu.memory_space<vmem>> -> memref<128xi32, #tpu.memory_space<vmem>>
      %dma_wait3A_272 = tpu.memref_slice %arg2[%add3A_24] : memref<16384xi32, #tpu.memory_space<hbm>> -> memref<128xi32, #tpu.memory_space<hbm>>
      %dma_wait3A_273 = arith.constant 0 : i32
      %dma_wait3A_274 = tpu.memref_slice %arg9[%run_scoped3A_25, %dma_wait3A_273] : memref<4x128xi32, #tpu.memory_space<vmem>> -> memref<1x128xi32, #tpu.memory_space<vmem>>
      %dma_wait3A_275 = tpu.memref_squeeze %dma_wait3A_274 : memref<1x128xi32, #tpu.memory_space<vmem>> -> memref<128xi32, #tpu.memory_space<vmem>>
      %dma_wait3A_276 = tpu.memref_slice %arg2[%add3A_24] : memref<16384xi32, #tpu.memory_space<hbm>> -> memref<128xi32, #tpu.memory_space<hbm>>
      tpu.wait_dma2 semaphore(%run_scoped3A_260 : memref<!tpu.dma_semaphore, #tpu.memory_space<semaphore_mem>>) src(%dma_wait3A_276 : memref<128xi32, #tpu.memory_space<hbm>>) dst(%dma_wait3A_275 : memref<128xi32, #tpu.memory_space<vmem>>)
      tpu.yield
    }) : () -> ()
    %add3A_26 = arith.constant 128 : i32
    %add3A_27 = arith.addi %mul3A_2, %add3A_26 : i32
    %run_scoped3A_28 = arith.constant 1 : i32
    "tpu.region"() ({
      %run_scoped3A_260 = tpu.sem_alloc : memref<!tpu.dma_semaphore, #tpu.memory_space<semaphore_mem>>
      %dma_start3A_261 = arith.constant 0 : i32
      %dma_start3A_262 = tpu.memref_slice %arg10[%run_scoped3A_28, %dma_start3A_261] : memref<4x128xi32, #tpu.memory_space<vmem>> -> memref<1x128xi32, #tpu.memory_space<vmem>>
      %dma_start3A_263 = tpu.memref_squeeze %dma_start3A_262 : memref<1x128xi32, #tpu.memory_space<vmem>> -> memref<128xi32, #tpu.memory_space<vmem>>
      %dma_start3A_264 = tpu.memref_slice %arg3[%add3A_27] : memref<16384xi32, #tpu.memory_space<hbm>> -> memref<128xi32, #tpu.memory_space<hbm>>
      %dma_start3A_265 = arith.constant 0 : i32
      %dma_start3A_266 = tpu.memref_slice %arg10[%run_scoped3A_28, %dma_start3A_265] : memref<4x128xi32, #tpu.memory_space<vmem>> -> memref<1x128xi32, #tpu.memory_space<vmem>>
      %dma_start3A_267 = tpu.memref_squeeze %dma_start3A_266 : memref<1x128xi32, #tpu.memory_space<vmem>> -> memref<128xi32, #tpu.memory_space<vmem>>
      %dma_start3A_268 = tpu.memref_slice %arg3[%add3A_27] : memref<16384xi32, #tpu.memory_space<hbm>> -> memref<128xi32, #tpu.memory_space<hbm>>
      tpu.enqueue_dma source(%dma_start3A_268 : memref<128xi32, #tpu.memory_space<hbm>>) target(%dma_start3A_267 : memref<128xi32, #tpu.memory_space<vmem>>) target_semaphore(%run_scoped3A_260 : memref<!tpu.dma_semaphore, #tpu.memory_space<semaphore_mem>>)
      %dma_wait3A_269 = arith.constant 0 : i32
      %dma_wait3A_270 = tpu.memref_slice %arg10[%run_scoped3A_28, %dma_wait3A_269] : memref<4x128xi32, #tpu.memory_space<vmem>> -> memref<1x128xi32, #tpu.memory_space<vmem>>
      %dma_wait3A_271 = tpu.memref_squeeze %dma_wait3A_270 : memref<1x128xi32, #tpu.memory_space<vmem>> -> memref<128xi32, #tpu.memory_space<vmem>>
      %dma_wait3A_272 = tpu.memref_slice %arg3[%add3A_27] : memref<16384xi32, #tpu.memory_space<hbm>> -> memref<128xi32, #tpu.memory_space<hbm>>
      %dma_wait3A_273 = arith.constant 0 : i32
      %dma_wait3A_274 = tpu.memref_slice %arg10[%run_scoped3A_28, %dma_wait3A_273] : memref<4x128xi32, #tpu.memory_space<vmem>> -> memref<1x128xi32, #tpu.memory_space<vmem>>
      %dma_wait3A_275 = tpu.memref_squeeze %dma_wait3A_274 : memref<1x128xi32, #tpu.memory_space<vmem>> -> memref<128xi32, #tpu.memory_space<vmem>>
      %dma_wait3A_276 = tpu.memref_slice %arg3[%add3A_27] : memref<16384xi32, #tpu.memory_space<hbm>> -> memref<128xi32, #tpu.memory_space<hbm>>
      tpu.wait_dma2 semaphore(%run_scoped3A_260 : memref<!tpu.dma_semaphore, #tpu.memory_space<semaphore_mem>>) src(%dma_wait3A_276 : memref<128xi32, #tpu.memory_space<hbm>>) dst(%dma_wait3A_275 : memref<128xi32, #tpu.memory_space<vmem>>)
      tpu.yield
    }) : () -> ()
    %dma_start3A_29 = arith.constant 1 : i32
    %dma_start3A_30 = arith.constant 128 : i32
    %dma_start3A_31 = tpu.memref_slice %arg13[%dma_start3A_30] : memref<512xf32, #tpu.memory_space<vmem>> -> memref<128xf32, #tpu.memory_space<vmem>>
    %dma_start3A_32 = arith.constant 0 : i32
    %dma_start3A_33 = tpu.memref_slice %arg9[%dma_start3A_29, %dma_start3A_32] : memref<4x128xi32, #tpu.memory_space<vmem>> -> memref<1x128xi32, #tpu.memory_space<vmem>>
    %dma_start3A_34 = tpu.memref_squeeze %dma_start3A_33 : memref<1x128xi32, #tpu.memory_space<vmem>> -> memref<128xi32, #tpu.memory_space<vmem>>
    %dma_start3A_35 = arith.constant 0 : i32
    %dma_start3A_36 = tpu.memref_slice %arg6[%dma_start3A_35] : memref<1000000xf32, #tpu.memory_space<hbm>> -> memref<1000000xf32, #tpu.memory_space<hbm>>
    tpu.enqueue_indirect_dma source(%dma_start3A_36 : memref<1000000xf32, #tpu.memory_space<hbm>>) target(%dma_start3A_31 : memref<128xf32, #tpu.memory_space<vmem>>) offsets(%dma_start3A_34 : memref<128xi32, #tpu.memory_space<vmem>>) semaphore(%arg17 : memref<!tpu.dma_semaphore, #tpu.memory_space<semaphore_mem>>)
    %dma_start3A_37 = arith.constant 1 : i32
    %dma_start3A_38 = arith.constant 128 : i32
    %dma_start3A_39 = tpu.memref_slice %arg14[%dma_start3A_38] : memref<512xf32, #tpu.memory_space<vmem>> -> memref<128xf32, #tpu.memory_space<vmem>>
    %dma_start3A_40 = arith.constant 0 : i32
    %dma_start3A_41 = tpu.memref_slice %arg10[%dma_start3A_37, %dma_start3A_40] : memref<4x128xi32, #tpu.memory_space<vmem>> -> memref<1x128xi32, #tpu.memory_space<vmem>>
    %dma_start3A_42 = tpu.memref_squeeze %dma_start3A_41 : memref<1x128xi32, #tpu.memory_space<vmem>> -> memref<128xi32, #tpu.memory_space<vmem>>
    %dma_start3A_43 = arith.constant 0 : i32
    %dma_start3A_44 = tpu.memref_slice %arg7[%dma_start3A_43] : memref<1000000xf32, #tpu.memory_space<hbm>> -> memref<1000000xf32, #tpu.memory_space<hbm>>
    tpu.enqueue_indirect_dma source(%dma_start3A_44 : memref<1000000xf32, #tpu.memory_space<hbm>>) target(%dma_start3A_39 : memref<128xf32, #tpu.memory_space<vmem>>) offsets(%dma_start3A_42 : memref<128xi32, #tpu.memory_space<vmem>>) semaphore(%arg17 : memref<!tpu.dma_semaphore, #tpu.memory_space<semaphore_mem>>)
    %add3A_45 = arith.constant 256 : i32
    %add3A_46 = arith.addi %mul3A_2, %add3A_45 : i32
    %run_scoped3A_47 = arith.constant 2 : i32
    "tpu.region"() ({
      %run_scoped3A_260 = tpu.sem_alloc : memref<!tpu.dma_semaphore, #tpu.memory_space<semaphore_mem>>
      %dma_start3A_261 = arith.constant 0 : i32
      %dma_start3A_262 = tpu.memref_slice %arg9[%run_scoped3A_47, %dma_start3A_261] : memref<4x128xi32, #tpu.memory_space<vmem>> -> memref<1x128xi32, #tpu.memory_space<vmem>>
      %dma_start3A_263 = tpu.memref_squeeze %dma_start3A_262 : memref<1x128xi32, #tpu.memory_space<vmem>> -> memref<128xi32, #tpu.memory_space<vmem>>
      %dma_start3A_264 = tpu.memref_slice %arg2[%add3A_46] : memref<16384xi32, #tpu.memory_space<hbm>> -> memref<128xi32, #tpu.memory_space<hbm>>
      %dma_start3A_265 = arith.constant 0 : i32
      %dma_start3A_266 = tpu.memref_slice %arg9[%run_scoped3A_47, %dma_start3A_265] : memref<4x128xi32, #tpu.memory_space<vmem>> -> memref<1x128xi32, #tpu.memory_space<vmem>>
      %dma_start3A_267 = tpu.memref_squeeze %dma_start3A_266 : memref<1x128xi32, #tpu.memory_space<vmem>> -> memref<128xi32, #tpu.memory_space<vmem>>
      %dma_start3A_268 = tpu.memref_slice %arg2[%add3A_46] : memref<16384xi32, #tpu.memory_space<hbm>> -> memref<128xi32, #tpu.memory_space<hbm>>
      tpu.enqueue_dma source(%dma_start3A_268 : memref<128xi32, #tpu.memory_space<hbm>>) target(%dma_start3A_267 : memref<128xi32, #tpu.memory_space<vmem>>) target_semaphore(%run_scoped3A_260 : memref<!tpu.dma_semaphore, #tpu.memory_space<semaphore_mem>>)
      %dma_wait3A_269 = arith.constant 0 : i32
      %dma_wait3A_270 = tpu.memref_slice %arg9[%run_scoped3A_47, %dma_wait3A_269] : memref<4x128xi32, #tpu.memory_space<vmem>> -> memref<1x128xi32, #tpu.memory_space<vmem>>
      %dma_wait3A_271 = tpu.memref_squeeze %dma_wait3A_270 : memref<1x128xi32, #tpu.memory_space<vmem>> -> memref<128xi32, #tpu.memory_space<vmem>>
      %dma_wait3A_272 = tpu.memref_slice %arg2[%add3A_46] : memref<16384xi32, #tpu.memory_space<hbm>> -> memref<128xi32, #tpu.memory_space<hbm>>
      %dma_wait3A_273 = arith.constant 0 : i32
      %dma_wait3A_274 = tpu.memref_slice %arg9[%run_scoped3A_47, %dma_wait3A_273] : memref<4x128xi32, #tpu.memory_space<vmem>> -> memref<1x128xi32, #tpu.memory_space<vmem>>
      %dma_wait3A_275 = tpu.memref_squeeze %dma_wait3A_274 : memref<1x128xi32, #tpu.memory_space<vmem>> -> memref<128xi32, #tpu.memory_space<vmem>>
      %dma_wait3A_276 = tpu.memref_slice %arg2[%add3A_46] : memref<16384xi32, #tpu.memory_space<hbm>> -> memref<128xi32, #tpu.memory_space<hbm>>
      tpu.wait_dma2 semaphore(%run_scoped3A_260 : memref<!tpu.dma_semaphore, #tpu.memory_space<semaphore_mem>>) src(%dma_wait3A_276 : memref<128xi32, #tpu.memory_space<hbm>>) dst(%dma_wait3A_275 : memref<128xi32, #tpu.memory_space<vmem>>)
      tpu.yield
    }) : () -> ()
    %add3A_48 = arith.constant 256 : i32
    %add3A_49 = arith.addi %mul3A_2, %add3A_48 : i32
    %run_scoped3A_50 = arith.constant 2 : i32
    "tpu.region"() ({
      %run_scoped3A_260 = tpu.sem_alloc : memref<!tpu.dma_semaphore, #tpu.memory_space<semaphore_mem>>
      %dma_start3A_261 = arith.constant 0 : i32
      %dma_start3A_262 = tpu.memref_slice %arg10[%run_scoped3A_50, %dma_start3A_261] : memref<4x128xi32, #tpu.memory_space<vmem>> -> memref<1x128xi32, #tpu.memory_space<vmem>>
      %dma_start3A_263 = tpu.memref_squeeze %dma_start3A_262 : memref<1x128xi32, #tpu.memory_space<vmem>> -> memref<128xi32, #tpu.memory_space<vmem>>
      %dma_start3A_264 = tpu.memref_slice %arg3[%add3A_49] : memref<16384xi32, #tpu.memory_space<hbm>> -> memref<128xi32, #tpu.memory_space<hbm>>
      %dma_start3A_265 = arith.constant 0 : i32
      %dma_start3A_266 = tpu.memref_slice %arg10[%run_scoped3A_50, %dma_start3A_265] : memref<4x128xi32, #tpu.memory_space<vmem>> -> memref<1x128xi32, #tpu.memory_space<vmem>>
      %dma_start3A_267 = tpu.memref_squeeze %dma_start3A_266 : memref<1x128xi32, #tpu.memory_space<vmem>> -> memref<128xi32, #tpu.memory_space<vmem>>
      %dma_start3A_268 = tpu.memref_slice %arg3[%add3A_49] : memref<16384xi32, #tpu.memory_space<hbm>> -> memref<128xi32, #tpu.memory_space<hbm>>
      tpu.enqueue_dma source(%dma_start3A_268 : memref<128xi32, #tpu.memory_space<hbm>>) target(%dma_start3A_267 : memref<128xi32, #tpu.memory_space<vmem>>) target_semaphore(%run_scoped3A_260 : memref<!tpu.dma_semaphore, #tpu.memory_space<semaphore_mem>>)
      %dma_wait3A_269 = arith.constant 0 : i32
      %dma_wait3A_270 = tpu.memref_slice %arg10[%run_scoped3A_50, %dma_wait3A_269] : memref<4x128xi32, #tpu.memory_space<vmem>> -> memref<1x128xi32, #tpu.memory_space<vmem>>
      %dma_wait3A_271 = tpu.memref_squeeze %dma_wait3A_270 : memref<1x128xi32, #tpu.memory_space<vmem>> -> memref<128xi32, #tpu.memory_space<vmem>>
      %dma_wait3A_272 = tpu.memref_slice %arg3[%add3A_49] : memref<16384xi32, #tpu.memory_space<hbm>> -> memref<128xi32, #tpu.memory_space<hbm>>
      %dma_wait3A_273 = arith.constant 0 : i32
      %dma_wait3A_274 = tpu.memref_slice %arg10[%run_scoped3A_50, %dma_wait3A_273] : memref<4x128xi32, #tpu.memory_space<vmem>> -> memref<1x128xi32, #tpu.memory_space<vmem>>
      %dma_wait3A_275 = tpu.memref_squeeze %dma_wait3A_274 : memref<1x128xi32, #tpu.memory_space<vmem>> -> memref<128xi32, #tpu.memory_space<vmem>>
      %dma_wait3A_276 = tpu.memref_slice %arg3[%add3A_49] : memref<16384xi32, #tpu.memory_space<hbm>> -> memref<128xi32, #tpu.memory_space<hbm>>
      tpu.wait_dma2 semaphore(%run_scoped3A_260 : memref<!tpu.dma_semaphore, #tpu.memory_space<semaphore_mem>>) src(%dma_wait3A_276 : memref<128xi32, #tpu.memory_space<hbm>>) dst(%dma_wait3A_275 : memref<128xi32, #tpu.memory_space<vmem>>)
      tpu.yield
    }) : () -> ()
    %dma_start3A_51 = arith.constant 2 : i32
    %dma_start3A_52 = arith.constant 256 : i32
    %dma_start3A_53 = tpu.memref_slice %arg13[%dma_start3A_52] : memref<512xf32, #tpu.memory_space<vmem>> -> memref<128xf32, #tpu.memory_space<vmem>>
    %dma_start3A_54 = arith.constant 0 : i32
    %dma_start3A_55 = tpu.memref_slice %arg9[%dma_start3A_51, %dma_start3A_54] : memref<4x128xi32, #tpu.memory_space<vmem>> -> memref<1x128xi32, #tpu.memory_space<vmem>>
    %dma_start3A_56 = tpu.memref_squeeze %dma_start3A_55 : memref<1x128xi32, #tpu.memory_space<vmem>> -> memref<128xi32, #tpu.memory_space<vmem>>
    %dma_start3A_57 = arith.constant 0 : i32
    %dma_start3A_58 = tpu.memref_slice %arg6[%dma_start3A_57] : memref<1000000xf32, #tpu.memory_space<hbm>> -> memref<1000000xf32, #tpu.memory_space<hbm>>
    tpu.enqueue_indirect_dma source(%dma_start3A_58 : memref<1000000xf32, #tpu.memory_space<hbm>>) target(%dma_start3A_53 : memref<128xf32, #tpu.memory_space<vmem>>) offsets(%dma_start3A_56 : memref<128xi32, #tpu.memory_space<vmem>>) semaphore(%arg17 : memref<!tpu.dma_semaphore, #tpu.memory_space<semaphore_mem>>)
    %dma_start3A_59 = arith.constant 2 : i32
    %dma_start3A_60 = arith.constant 256 : i32
    %dma_start3A_61 = tpu.memref_slice %arg14[%dma_start3A_60] : memref<512xf32, #tpu.memory_space<vmem>> -> memref<128xf32, #tpu.memory_space<vmem>>
    %dma_start3A_62 = arith.constant 0 : i32
    %dma_start3A_63 = tpu.memref_slice %arg10[%dma_start3A_59, %dma_start3A_62] : memref<4x128xi32, #tpu.memory_space<vmem>> -> memref<1x128xi32, #tpu.memory_space<vmem>>
    %dma_start3A_64 = tpu.memref_squeeze %dma_start3A_63 : memref<1x128xi32, #tpu.memory_space<vmem>> -> memref<128xi32, #tpu.memory_space<vmem>>
    %dma_start3A_65 = arith.constant 0 : i32
    %dma_start3A_66 = tpu.memref_slice %arg7[%dma_start3A_65] : memref<1000000xf32, #tpu.memory_space<hbm>> -> memref<1000000xf32, #tpu.memory_space<hbm>>
    tpu.enqueue_indirect_dma source(%dma_start3A_66 : memref<1000000xf32, #tpu.memory_space<hbm>>) target(%dma_start3A_61 : memref<128xf32, #tpu.memory_space<vmem>>) offsets(%dma_start3A_64 : memref<128xi32, #tpu.memory_space<vmem>>) semaphore(%arg17 : memref<!tpu.dma_semaphore, #tpu.memory_space<semaphore_mem>>)
    %add3A_67 = arith.constant 384 : i32
    %add3A_68 = arith.addi %mul3A_2, %add3A_67 : i32
    %run_scoped3A_69 = arith.constant 3 : i32
    "tpu.region"() ({
      %run_scoped3A_260 = tpu.sem_alloc : memref<!tpu.dma_semaphore, #tpu.memory_space<semaphore_mem>>
      %dma_start3A_261 = arith.constant 0 : i32
      %dma_start3A_262 = tpu.memref_slice %arg9[%run_scoped3A_69, %dma_start3A_261] : memref<4x128xi32, #tpu.memory_space<vmem>> -> memref<1x128xi32, #tpu.memory_space<vmem>>
      %dma_start3A_263 = tpu.memref_squeeze %dma_start3A_262 : memref<1x128xi32, #tpu.memory_space<vmem>> -> memref<128xi32, #tpu.memory_space<vmem>>
      %dma_start3A_264 = tpu.memref_slice %arg2[%add3A_68] : memref<16384xi32, #tpu.memory_space<hbm>> -> memref<128xi32, #tpu.memory_space<hbm>>
      %dma_start3A_265 = arith.constant 0 : i32
      %dma_start3A_266 = tpu.memref_slice %arg9[%run_scoped3A_69, %dma_start3A_265] : memref<4x128xi32, #tpu.memory_space<vmem>> -> memref<1x128xi32, #tpu.memory_space<vmem>>
      %dma_start3A_267 = tpu.memref_squeeze %dma_start3A_266 : memref<1x128xi32, #tpu.memory_space<vmem>> -> memref<128xi32, #tpu.memory_space<vmem>>
      %dma_start3A_268 = tpu.memref_slice %arg2[%add3A_68] : memref<16384xi32, #tpu.memory_space<hbm>> -> memref<128xi32, #tpu.memory_space<hbm>>
      tpu.enqueue_dma source(%dma_start3A_268 : memref<128xi32, #tpu.memory_space<hbm>>) target(%dma_start3A_267 : memref<128xi32, #tpu.memory_space<vmem>>) target_semaphore(%run_scoped3A_260 : memref<!tpu.dma_semaphore, #tpu.memory_space<semaphore_mem>>)
      %dma_wait3A_269 = arith.constant 0 : i32
      %dma_wait3A_270 = tpu.memref_slice %arg9[%run_scoped3A_69, %dma_wait3A_269] : memref<4x128xi32, #tpu.memory_space<vmem>> -> memref<1x128xi32, #tpu.memory_space<vmem>>
      %dma_wait3A_271 = tpu.memref_squeeze %dma_wait3A_270 : memref<1x128xi32, #tpu.memory_space<vmem>> -> memref<128xi32, #tpu.memory_space<vmem>>
      %dma_wait3A_272 = tpu.memref_slice %arg2[%add3A_68] : memref<16384xi32, #tpu.memory_space<hbm>> -> memref<128xi32, #tpu.memory_space<hbm>>
      %dma_wait3A_273 = arith.constant 0 : i32
      %dma_wait3A_274 = tpu.memref_slice %arg9[%run_scoped3A_69, %dma_wait3A_273] : memref<4x128xi32, #tpu.memory_space<vmem>> -> memref<1x128xi32, #tpu.memory_space<vmem>>
      %dma_wait3A_275 = tpu.memref_squeeze %dma_wait3A_274 : memref<1x128xi32, #tpu.memory_space<vmem>> -> memref<128xi32, #tpu.memory_space<vmem>>
      %dma_wait3A_276 = tpu.memref_slice %arg2[%add3A_68] : memref<16384xi32, #tpu.memory_space<hbm>> -> memref<128xi32, #tpu.memory_space<hbm>>
      tpu.wait_dma2 semaphore(%run_scoped3A_260 : memref<!tpu.dma_semaphore, #tpu.memory_space<semaphore_mem>>) src(%dma_wait3A_276 : memref<128xi32, #tpu.memory_space<hbm>>) dst(%dma_wait3A_275 : memref<128xi32, #tpu.memory_space<vmem>>)
      tpu.yield
    }) : () -> ()
    %add3A_70 = arith.constant 384 : i32
    %add3A_71 = arith.addi %mul3A_2, %add3A_70 : i32
    %run_scoped3A_72 = arith.constant 3 : i32
    "tpu.region"() ({
      %run_scoped3A_260 = tpu.sem_alloc : memref<!tpu.dma_semaphore, #tpu.memory_space<semaphore_mem>>
      %dma_start3A_261 = arith.constant 0 : i32
      %dma_start3A_262 = tpu.memref_slice %arg10[%run_scoped3A_72, %dma_start3A_261] : memref<4x128xi32, #tpu.memory_space<vmem>> -> memref<1x128xi32, #tpu.memory_space<vmem>>
      %dma_start3A_263 = tpu.memref_squeeze %dma_start3A_262 : memref<1x128xi32, #tpu.memory_space<vmem>> -> memref<128xi32, #tpu.memory_space<vmem>>
      %dma_start3A_264 = tpu.memref_slice %arg3[%add3A_71] : memref<16384xi32, #tpu.memory_space<hbm>> -> memref<128xi32, #tpu.memory_space<hbm>>
      %dma_start3A_265 = arith.constant 0 : i32
      %dma_start3A_266 = tpu.memref_slice %arg10[%run_scoped3A_72, %dma_start3A_265] : memref<4x128xi32, #tpu.memory_space<vmem>> -> memref<1x128xi32, #tpu.memory_space<vmem>>
      %dma_start3A_267 = tpu.memref_squeeze %dma_start3A_266 : memref<1x128xi32, #tpu.memory_space<vmem>> -> memref<128xi32, #tpu.memory_space<vmem>>
      %dma_start3A_268 = tpu.memref_slice %arg3[%add3A_71] : memref<16384xi32, #tpu.memory_space<hbm>> -> memref<128xi32, #tpu.memory_space<hbm>>
      tpu.enqueue_dma source(%dma_start3A_268 : memref<128xi32, #tpu.memory_space<hbm>>) target(%dma_start3A_267 : memref<128xi32, #tpu.memory_space<vmem>>) target_semaphore(%run_scoped3A_260 : memref<!tpu.dma_semaphore, #tpu.memory_space<semaphore_mem>>)
      %dma_wait3A_269 = arith.constant 0 : i32
      %dma_wait3A_270 = tpu.memref_slice %arg10[%run_scoped3A_72, %dma_wait3A_269] : memref<4x128xi32, #tpu.memory_space<vmem>> -> memref<1x128xi32, #tpu.memory_space<vmem>>
      %dma_wait3A_271 = tpu.memref_squeeze %dma_wait3A_270 : memref<1x128xi32, #tpu.memory_space<vmem>> -> memref<128xi32, #tpu.memory_space<vmem>>
      %dma_wait3A_272 = tpu.memref_slice %arg3[%add3A_71] : memref<16384xi32, #tpu.memory_space<hbm>> -> memref<128xi32, #tpu.memory_space<hbm>>
      %dma_wait3A_273 = arith.constant 0 : i32
      %dma_wait3A_274 = tpu.memref_slice %arg10[%run_scoped3A_72, %dma_wait3A_273] : memref<4x128xi32, #tpu.memory_space<vmem>> -> memref<1x128xi32, #tpu.memory_space<vmem>>
      %dma_wait3A_275 = tpu.memref_squeeze %dma_wait3A_274 : memref<1x128xi32, #tpu.memory_space<vmem>> -> memref<128xi32, #tpu.memory_space<vmem>>
      %dma_wait3A_276 = tpu.memref_slice %arg3[%add3A_71] : memref<16384xi32, #tpu.memory_space<hbm>> -> memref<128xi32, #tpu.memory_space<hbm>>
      tpu.wait_dma2 semaphore(%run_scoped3A_260 : memref<!tpu.dma_semaphore, #tpu.memory_space<semaphore_mem>>) src(%dma_wait3A_276 : memref<128xi32, #tpu.memory_space<hbm>>) dst(%dma_wait3A_275 : memref<128xi32, #tpu.memory_space<vmem>>)
      tpu.yield
    }) : () -> ()
    %dma_start3A_73 = arith.constant 3 : i32
    %dma_start3A_74 = arith.constant 384 : i32
    %dma_start3A_75 = tpu.memref_slice %arg13[%dma_start3A_74] : memref<512xf32, #tpu.memory_space<vmem>> -> memref<128xf32, #tpu.memory_space<vmem>>
    %dma_start3A_76 = arith.constant 0 : i32
    %dma_start3A_77 = tpu.memref_slice %arg9[%dma_start3A_73, %dma_start3A_76] : memref<4x128xi32, #tpu.memory_space<vmem>> -> memref<1x128xi32, #tpu.memory_space<vmem>>
    %dma_start3A_78 = tpu.memref_squeeze %dma_start3A_77 : memref<1x128xi32, #tpu.memory_space<vmem>> -> memref<128xi32, #tpu.memory_space<vmem>>
    %dma_start3A_79 = arith.constant 0 : i32
    %dma_start3A_80 = tpu.memref_slice %arg6[%dma_start3A_79] : memref<1000000xf32, #tpu.memory_space<hbm>> -> memref<1000000xf32, #tpu.memory_space<hbm>>
    tpu.enqueue_indirect_dma source(%dma_start3A_80 : memref<1000000xf32, #tpu.memory_space<hbm>>) target(%dma_start3A_75 : memref<128xf32, #tpu.memory_space<vmem>>) offsets(%dma_start3A_78 : memref<128xi32, #tpu.memory_space<vmem>>) semaphore(%arg17 : memref<!tpu.dma_semaphore, #tpu.memory_space<semaphore_mem>>)
    %dma_start3A_81 = arith.constant 3 : i32
    %dma_start3A_82 = arith.constant 384 : i32
    %dma_start3A_83 = tpu.memref_slice %arg14[%dma_start3A_82] : memref<512xf32, #tpu.memory_space<vmem>> -> memref<128xf32, #tpu.memory_space<vmem>>
    %dma_start3A_84 = arith.constant 0 : i32
    %dma_start3A_85 = tpu.memref_slice %arg10[%dma_start3A_81, %dma_start3A_84] : memref<4x128xi32, #tpu.memory_space<vmem>> -> memref<1x128xi32, #tpu.memory_space<vmem>>
    %dma_start3A_86 = tpu.memref_squeeze %dma_start3A_85 : memref<1x128xi32, #tpu.memory_space<vmem>> -> memref<128xi32, #tpu.memory_space<vmem>>
    %dma_start3A_87 = arith.constant 0 : i32
    %dma_start3A_88 = tpu.memref_slice %arg7[%dma_start3A_87] : memref<1000000xf32, #tpu.memory_space<hbm>> -> memref<1000000xf32, #tpu.memory_space<hbm>>
    tpu.enqueue_indirect_dma source(%dma_start3A_88 : memref<1000000xf32, #tpu.memory_space<hbm>>) target(%dma_start3A_83 : memref<128xf32, #tpu.memory_space<vmem>>) offsets(%dma_start3A_86 : memref<128xi32, #tpu.memory_space<vmem>>) semaphore(%arg17 : memref<!tpu.dma_semaphore, #tpu.memory_space<semaphore_mem>>)
    %iota3A = tpu.iota {dimensions = array<i32: 0>} : vector<16xi32>
    %jit3A = arith.constant 8 : i32
    %div3A = vector.broadcast %jit3A : i32 to vector<16xi32>
    %div3A_89 = arith.divsi %iota3A, %div3A : vector<16xi32>
    %sign3A = arith.constant 0 : i32
    %sign3A_90 = vector.broadcast %sign3A : i32 to vector<16xi32>
    %sign3A_91 = arith.cmpi sgt, %iota3A, %sign3A_90 : vector<16xi32>
    %sign3A_92 = arith.extui %sign3A_91 : vector<16xi1> to vector<16xi32>
    %sign3A_93 = arith.constant 0 : i32
    %sign3A_94 = vector.broadcast %sign3A_93 : i32 to vector<16xi32>
    %sign3A_95 = arith.cmpi slt, %iota3A, %sign3A_94 : vector<16xi32>
    %sign3A_96 = arith.extui %sign3A_95 : vector<16xi1> to vector<16xi32>
    %sign3A_97 = arith.subi %sign3A_92, %sign3A_96 : vector<16xi32>
    %sign3A_98 = arith.constant 0 : i32
    %sign3A_99 = arith.cmpi sgt, %jit3A, %sign3A_98 : i32
    %sign3A_100 = arith.extui %sign3A_99 : i1 to i32
    %sign3A_101 = arith.constant 0 : i32
    %sign3A_102 = arith.cmpi slt, %jit3A, %sign3A_101 : i32
    %sign3A_103 = arith.extui %sign3A_102 : i1 to i32
    %sign3A_104 = arith.subi %sign3A_100, %sign3A_103 : i32
    %ne3A = vector.broadcast %sign3A_104 : i32 to vector<16xi32>
    %ne3A_105 = arith.cmpi ne, %sign3A_97, %ne3A : vector<16xi32>
    %rem3A = vector.broadcast %jit3A : i32 to vector<16xi32>
    %rem3A_106 = arith.remsi %iota3A, %rem3A : vector<16xi32>
    %ne3A_107 = arith.constant 0 : i32
    %ne3A_108 = vector.broadcast %ne3A_107 : i32 to vector<16xi32>
    %ne3A_109 = arith.cmpi ne, %rem3A_106, %ne3A_108 : vector<16xi32>
    %and3A = arith.andi %ne3A_105, %ne3A_109 : vector<16xi1>
    %sub3A = arith.constant 1 : i32
    %sub3A_110 = vector.broadcast %sub3A : i32 to vector<16xi32>
    %sub3A_111 = arith.subi %div3A_89, %sub3A_110 : vector<16xi32>
    %select_n3A = arith.select %and3A, %sub3A_111, %div3A_89 : vector<16xi1>, vector<16xi32>
    %jit3A_112 = arith.constant 8 : i32
    %eq3A = arith.constant 0 : i32
    %eq3A_113 = arith.cmpi eq, %jit3A_112, %eq3A : i32
    %jit3A_114 = arith.constant 1 : i32
    %select_n3A_115 = arith.select %eq3A_113, %jit3A_114, %jit3A_112 : i32
    %rem3A_116 = vector.broadcast %select_n3A_115 : i32 to vector<16xi32>
    %rem3A_117 = arith.remsi %iota3A, %rem3A_116 : vector<16xi32>
    %ne3A_118 = arith.constant 0 : i32
    %ne3A_119 = vector.broadcast %ne3A_118 : i32 to vector<16xi32>
    %ne3A_120 = arith.cmpi ne, %rem3A_117, %ne3A_119 : vector<16xi32>
    %lt3A = arith.constant 0 : i32
    %lt3A_121 = vector.broadcast %lt3A : i32 to vector<16xi32>
    %lt3A_122 = arith.cmpi slt, %rem3A_117, %lt3A_121 : vector<16xi32>
    %lt3A_123 = arith.constant 0 : i32
    %lt3A_124 = arith.cmpi slt, %select_n3A_115, %lt3A_123 : i32
    %ne3A_125 = vector.broadcast %lt3A_124 : i1 to vector<16xi1>
    %ne3A_126 = vector.broadcast %ne3A_125 : vector<16xi1> to vector<16xi1>
    %ne3A_127 = arith.xori %lt3A_122, %ne3A_126 : vector<16xi1>
    %and3A_128 = arith.andi %ne3A_127, %ne3A_120 : vector<16xi1>
    %add3A_129 = vector.broadcast %select_n3A_115 : i32 to vector<16xi32>
    %add3A_130 = arith.addi %rem3A_117, %add3A_129 : vector<16xi32>
    %select_n3A_131 = arith.select %and3A_128, %add3A_130, %rem3A_117 : vector<16xi1>, vector<16xi32>
    %jit3A_132 = arith.constant 8 : i32
    %eq3A_133 = arith.constant 0 : i32
    %eq3A_134 = arith.cmpi eq, %jit3A_132, %eq3A_133 : i32
    %jit3A_135 = arith.constant 1 : i32
    %select_n3A_136 = arith.select %eq3A_134, %jit3A_135, %jit3A_132 : i32
    %rem3A_137 = vector.broadcast %select_n3A_136 : i32 to vector<16xi32>
    %rem3A_138 = arith.remsi %iota3A, %rem3A_137 : vector<16xi32>
    %ne3A_139 = arith.constant 0 : i32
    %ne3A_140 = vector.broadcast %ne3A_139 : i32 to vector<16xi32>
    %ne3A_141 = arith.cmpi ne, %rem3A_138, %ne3A_140 : vector<16xi32>
    %lt3A_142 = arith.constant 0 : i32
    %lt3A_143 = vector.broadcast %lt3A_142 : i32 to vector<16xi32>
    %lt3A_144 = arith.cmpi slt, %rem3A_138, %lt3A_143 : vector<16xi32>
    %lt3A_145 = arith.constant 0 : i32
    %lt3A_146 = arith.cmpi slt, %select_n3A_136, %lt3A_145 : i32
    %ne3A_147 = vector.broadcast %lt3A_146 : i1 to vector<16xi1>
    %ne3A_148 = vector.broadcast %ne3A_147 : vector<16xi1> to vector<16xi1>
    %ne3A_149 = arith.xori %lt3A_144, %ne3A_148 : vector<16xi1>
    %and3A_150 = arith.andi %ne3A_149, %ne3A_141 : vector<16xi1>
    %add3A_151 = vector.broadcast %select_n3A_136 : i32 to vector<16xi32>
    %add3A_152 = arith.addi %rem3A_138, %add3A_151 : vector<16xi32>
    %select_n3A_153 = arith.select %and3A_150, %add3A_152, %rem3A_138 : vector<16xi1>, vector<16xi32>
    %jit3A_154 = arith.constant 8 : i32
    %eq3A_155 = arith.constant 0 : i32
    %eq3A_156 = arith.cmpi eq, %jit3A_154, %eq3A_155 : i32
    %jit3A_157 = arith.constant 1 : i32
    %select_n3A_158 = arith.select %eq3A_156, %jit3A_157, %jit3A_154 : i32
    %rem3A_159 = vector.broadcast %select_n3A_158 : i32 to vector<16xi32>
    %rem3A_160 = arith.remsi %iota3A, %rem3A_159 : vector<16xi32>
    %ne3A_161 = arith.constant 0 : i32
    %ne3A_162 = vector.broadcast %ne3A_161 : i32 to vector<16xi32>
    %ne3A_163 = arith.cmpi ne, %rem3A_160, %ne3A_162 : vector<16xi32>
    %lt3A_164 = arith.constant 0 : i32
    %lt3A_165 = vector.broadcast %lt3A_164 : i32 to vector<16xi32>
    %lt3A_166 = arith.cmpi slt, %rem3A_160, %lt3A_165 : vector<16xi32>
    %lt3A_167 = arith.constant 0 : i32
    %lt3A_168 = arith.cmpi slt, %select_n3A_158, %lt3A_167 : i32
    %ne3A_169 = vector.broadcast %lt3A_168 : i1 to vector<16xi1>
    %ne3A_170 = vector.broadcast %ne3A_169 : vector<16xi1> to vector<16xi1>
    %ne3A_171 = arith.xori %lt3A_166, %ne3A_170 : vector<16xi1>
    %and3A_172 = arith.andi %ne3A_171, %ne3A_163 : vector<16xi1>
    %add3A_173 = vector.broadcast %select_n3A_158 : i32 to vector<16xi32>
    %add3A_174 = arith.addi %rem3A_160, %add3A_173 : vector<16xi32>
    %select_n3A_175 = arith.select %and3A_172, %add3A_174, %rem3A_160 : vector<16xi1>, vector<16xi32>
    %add3A_176 = arith.constant 8 : i32
    %add3A_177 = vector.broadcast %add3A_176 : i32 to vector<16xi32>
    %add3A_178 = arith.addi %select_n3A_175, %add3A_177 : vector<16xi32>
    %lt3A_179 = arith.constant 8 : i32
    %lt3A_180 = vector.broadcast %lt3A_179 : i32 to vector<16xi32>
    %lt3A_181 = arith.cmpi slt, %iota3A, %lt3A_180 : vector<16xi32>
    %xor3A = arith.constant 8 : i32
    %xor3A_182 = vector.broadcast %xor3A : i32 to vector<16xi32>
    %xor3A_183 = arith.xori %iota3A, %xor3A_182 : vector<16xi32>
    %scan3A = arith.constant 0 : i32
    %scan3A_184 = arith.constant 0 : i32
    %scan3A_185 = arith.constant 32 : i32
    %scan3A_186 = arith.addi %scan3A_184, %scan3A_185 : i32
    %scan3A_187 = arith.constant 1 : i32
    %scan3A_188 = scf.for %scan3A_260 = %scan3A_184 to %scan3A_186 step %scan3A_187 iter_args(%scan3A_261 = %scan3A) -> (i32)  : i32 {
      %jit3A_262 = arith.constant 8 : i32
      %div3A_263 = arith.divsi %scan3A_260, %jit3A_262 : i32
      %sign3A_264 = arith.constant 0 : i32
      %sign3A_265 = arith.cmpi sgt, %scan3A_260, %sign3A_264 : i32
      %sign3A_266 = arith.extui %sign3A_265 : i1 to i32
      %sign3A_267 = arith.constant 0 : i32
      %sign3A_268 = arith.cmpi slt, %scan3A_260, %sign3A_267 : i32
      %sign3A_269 = arith.extui %sign3A_268 : i1 to i32
      %sign3A_270 = arith.subi %sign3A_266, %sign3A_269 : i32
      %sign3A_271 = arith.constant 0 : i32
      %sign3A_272 = arith.cmpi sgt, %jit3A_262, %sign3A_271 : i32
      %sign3A_273 = arith.extui %sign3A_272 : i1 to i32
      %sign3A_274 = arith.constant 0 : i32
      %sign3A_275 = arith.cmpi slt, %jit3A_262, %sign3A_274 : i32
      %sign3A_276 = arith.extui %sign3A_275 : i1 to i32
      %sign3A_277 = arith.subi %sign3A_273, %sign3A_276 : i32
      %ne3A_278 = arith.cmpi ne, %sign3A_270, %sign3A_277 : i32
      %rem3A_279 = arith.remsi %scan3A_260, %jit3A_262 : i32
      %ne3A_280 = arith.constant 0 : i32
      %ne3A_281 = arith.cmpi ne, %rem3A_279, %ne3A_280 : i32
      %and3A_282 = arith.andi %ne3A_278, %ne3A_281 : i1
      %sub3A_283 = arith.constant 1 : i32
      %sub3A_284 = arith.subi %div3A_263, %sub3A_283 : i32
      %select_n3A_285 = arith.select %and3A_282, %sub3A_284, %div3A_263 : i32
      %jit3A_286 = arith.constant 8 : i32
      %eq3A_287 = arith.constant 0 : i32
      %eq3A_288 = arith.cmpi eq, %jit3A_286, %eq3A_287 : i32
      %jit3A_289 = arith.constant 1 : i32
      %select_n3A_290 = arith.select %eq3A_288, %jit3A_289, %jit3A_286 : i32
      %rem3A_291 = arith.remsi %scan3A_260, %select_n3A_290 : i32
      %ne3A_292 = arith.constant 0 : i32
      %ne3A_293 = arith.cmpi ne, %rem3A_291, %ne3A_292 : i32
      %lt3A_294 = arith.constant 0 : i32
      %lt3A_295 = arith.cmpi slt, %rem3A_291, %lt3A_294 : i32
      %lt3A_296 = arith.constant 0 : i32
      %lt3A_297 = arith.cmpi slt, %select_n3A_290, %lt3A_296 : i32
      %ne3A_298 = arith.xori %lt3A_295, %lt3A_297 : i1
      %and3A_299 = arith.andi %ne3A_298, %ne3A_293 : i1
      %add3A_300 = arith.addi %rem3A_291, %select_n3A_290 : i32
      %select_n3A_301 = arith.select %and3A_299, %add3A_300, %rem3A_291 : i32
      %mul3A_302 = arith.constant 16 : i32
      %mul3A_303 = arith.muli %select_n3A_301, %mul3A_302 : i32
      %get3A = arith.index_cast %select_n3A_285 : i32 to index
      %get3A_304 = arith.index_cast %mul3A_303 : i32 to index
      %get3A_305 = tpu.vector_load %arg9[%get3A, %get3A_304] {strides = array<i32>} : memref<4x128xi32, #tpu.memory_space<vmem>>, vector<16xi32>,
      %get3A_306 = arith.index_cast %select_n3A_285 : i32 to index
      %get3A_307 = arith.index_cast %mul3A_303 : i32 to index
      %get3A_308 = tpu.vector_load %arg10[%get3A_306, %get3A_307] {strides = array<i32>} : memref<4x128xi32, #tpu.memory_space<vmem>>, vector<16xi32>,
      %slice3A = vector.extract_strided_slice %get3A_305 {offsets = [0], sizes = [1], strides = [1]} : vector<16xi32> to vector<1xi32>
      %squeeze3A = vector.extract %slice3A[0] : i32 from vector<1xi32>
      %shift_right_arithmetic3A = arith.constant 7 : i32
      %shift_right_arithmetic3A_309 = arith.shrsi %squeeze3A, %shift_right_arithmetic3A : i32
      %mul3A_310 = arith.constant 128 : i32
      %mul3A_311 = arith.muli %shift_right_arithmetic3A_309, %mul3A_310 : i32
      %multiple_of3A = tpu.assume_multiple %mul3A_311, 128 : i32
      %slice3A_312 = vector.extract_strided_slice %get3A_308 {offsets = [0], sizes = [1], strides = [1]} : vector<16xi32> to vector<1xi32>
      %squeeze3A_313 = vector.extract %slice3A_312[0] : i32 from vector<1xi32>
      %shift_right_arithmetic3A_314 = arith.constant 7 : i32
      %shift_right_arithmetic3A_315 = arith.shrsi %squeeze3A_313, %shift_right_arithmetic3A_314 : i32
      %mul3A_316 = arith.constant 128 : i32
      %mul3A_317 = arith.muli %shift_right_arithmetic3A_315, %mul3A_316 : i32
      %multiple_of3A_318 = tpu.assume_multiple %mul3A_317, 128 : i32
      %dma_start3A_319 = arith.constant 0 : i32
      %dma_start3A_320 = arith.constant 0 : i32
      %dma_start3A_321 = arith.constant 0 : i32
      %dma_start3A_322 = arith.constant 0 : i32
      %dma_start3A_323 = tpu.memref_slice %arg11[%dma_start3A_319, %dma_start3A_320, %dma_start3A_321, %dma_start3A_322] : memref<8x4x8x128xf32, #tpu.memory_space<vmem>> -> memref<1x4x8x128xf32, #tpu.memory_space<vmem>>
      %dma_start3A_324 = tpu.memref_squeeze %dma_start3A_323 : memref<1x4x8x128xf32, #tpu.memory_space<vmem>> -> memref<4x8x128xf32, #tpu.memory_space<vmem>>
      %dma_start3A_325 = arith.constant 0 : i32
      %dma_start3A_326 = arith.constant 0 : i32
      %dma_start3A_327 = tpu.memref_slice %arg4[%dma_start3A_325, %dma_start3A_326, %multiple_of3A] : memref<4x8x1000000xf32, #tpu.memory_space<hbm>> -> memref<4x8x128xf32, #tpu.memory_space<hbm>>
      %dma_start3A_328 = arith.constant 0 : i32
      %dma_start3A_329 = arith.constant 0 : i32
      %dma_start3A_330 = arith.constant 0 : i32
      %dma_start3A_331 = tpu.memref_slice %arg11[%dma_start3A_319, %dma_start3A_328, %dma_start3A_329, %dma_start3A_330] : memref<8x4x8x128xf32, #tpu.memory_space<vmem>> -> memref<1x4x8x128xf32, #tpu.memory_space<vmem>>
      %dma_start3A_332 = tpu.memref_squeeze %dma_start3A_331 : memref<1x4x8x128xf32, #tpu.memory_space<vmem>> -> memref<4x8x128xf32, #tpu.memory_space<vmem>>
      %dma_start3A_333 = arith.constant 0 : i32
      %dma_start3A_334 = arith.constant 0 : i32
      %dma_start3A_335 = tpu.memref_slice %arg4[%dma_start3A_333, %dma_start3A_334, %multiple_of3A] : memref<4x8x1000000xf32, #tpu.memory_space<hbm>> -> memref<4x8x128xf32, #tpu.memory_space<hbm>>
      tpu.enqueue_dma source(%dma_start3A_335 : memref<4x8x128xf32, #tpu.memory_space<hbm>>) target(%dma_start3A_332 : memref<4x8x128xf32, #tpu.memory_space<vmem>>) target_semaphore(%arg16 : memref<!tpu.dma_semaphore, #tpu.memory_space<semaphore_mem>>)
      %dma_start3A_336 = arith.constant 0 : i32
      %dma_start3A_337 = arith.constant 0 : i32
      %dma_start3A_338 = arith.constant 0 : i32
      %dma_start3A_339 = arith.constant 0 : i32
      %dma_start3A_340 = tpu.memref_slice %arg12[%dma_start3A_336, %dma_start3A_337, %dma_start3A_338, %dma_start3A_339] : memref<8x4x8x128xf32, #tpu.memory_space<vmem>> -> memref<1x4x8x128xf32, #tpu.memory_space<vmem>>
      %dma_start3A_341 = tpu.memref_squeeze %dma_start3A_340 : memref<1x4x8x128xf32, #tpu.memory_space<vmem>> -> memref<4x8x128xf32, #tpu.memory_space<vmem>>
      %dma_start3A_342 = arith.constant 0 : i32
      %dma_start3A_343 = arith.constant 0 : i32
      %dma_start3A_344 = tpu.memref_slice %arg5[%dma_start3A_342, %dma_start3A_343, %multiple_of3A_318] : memref<4x8x1000000xf32, #tpu.memory_space<hbm>> -> memref<4x8x128xf32, #tpu.memory_space<hbm>>
      %dma_start3A_345 = arith.constant 0 : i32
      %dma_start3A_346 = arith.constant 0 : i32
      %dma_start3A_347 = arith.constant 0 : i32
      %dma_start3A_348 = tpu.memref_slice %arg12[%dma_start3A_336, %dma_start3A_345, %dma_start3A_346, %dma_start3A_347] : memref<8x4x8x128xf32, #tpu.memory_space<vmem>> -> memref<1x4x8x128xf32, #tpu.memory_space<vmem>>
      %dma_start3A_349 = tpu.memref_squeeze %dma_start3A_348 : memref<1x4x8x128xf32, #tpu.memory_space<vmem>> -> memref<4x8x128xf32, #tpu.memory_space<vmem>>
      %dma_start3A_350 = arith.constant 0 : i32
      %dma_start3A_351 = arith.constant 0 : i32
      %dma_start3A_352 = tpu.memref_slice %arg5[%dma_start3A_350, %dma_start3A_351, %multiple_of3A_318] : memref<4x8x1000000xf32, #tpu.memory_space<hbm>> -> memref<4x8x128xf32, #tpu.memory_space<hbm>>
      tpu.enqueue_dma source(%dma_start3A_352 : memref<4x8x128xf32, #tpu.memory_space<hbm>>) target(%dma_start3A_349 : memref<4x8x128xf32, #tpu.memory_space<vmem>>) target_semaphore(%arg16 : memref<!tpu.dma_semaphore, #tpu.memory_space<semaphore_mem>>)
      %slice3A_353 = vector.extract_strided_slice %get3A_305 {offsets = [1], sizes = [1], strides = [1]} : vector<16xi32> to vector<1xi32>
      %squeeze3A_354 = vector.extract %slice3A_353[0] : i32 from vector<1xi32>
      %shift_right_arithmetic3A_355 = arith.constant 7 : i32
      %shift_right_arithmetic3A_356 = arith.shrsi %squeeze3A_354, %shift_right_arithmetic3A_355 : i32
      %mul3A_357 = arith.constant 128 : i32
      %mul3A_358 = arith.muli %shift_right_arithmetic3A_356, %mul3A_357 : i32
      %multiple_of3A_359 = tpu.assume_multiple %mul3A_358, 128 : i32
      %slice3A_360 = vector.extract_strided_slice %get3A_308 {offsets = [1], sizes = [1], strides = [1]} : vector<16xi32> to vector<1xi32>
      %squeeze3A_361 = vector.extract %slice3A_360[0] : i32 from vector<1xi32>
      %shift_right_arithmetic3A_362 = arith.constant 7 : i32
      %shift_right_arithmetic3A_363 = arith.shrsi %squeeze3A_361, %shift_right_arithmetic3A_362 : i32
      %mul3A_364 = arith.constant 128 : i32
      %mul3A_365 = arith.muli %shift_right_arithmetic3A_363, %mul3A_364 : i32
      %multiple_of3A_366 = tpu.assume_multiple %mul3A_365, 128 : i32
      %dma_start3A_367 = arith.constant 1 : i32
      %dma_start3A_368 = arith.constant 0 : i32
      %dma_start3A_369 = arith.constant 0 : i32
      %dma_start3A_370 = arith.constant 0 : i32
      %dma_start3A_371 = tpu.memref_slice %arg11[%dma_start3A_367, %dma_start3A_368, %dma_start3A_369, %dma_start3A_370] : memref<8x4x8x128xf32, #tpu.memory_space<vmem>> -> memref<1x4x8x128xf32, #tpu.memory_space<vmem>>
      %dma_start3A_372 = tpu.memref_squeeze %dma_start3A_371 : memref<1x4x8x128xf32, #tpu.memory_space<vmem>> -> memref<4x8x128xf32, #tpu.memory_space<vmem>>
      %dma_start3A_373 = arith.constant 0 : i32
      %dma_start3A_374 = arith.constant 0 : i32
      %dma_start3A_375 = tpu.memref_slice %arg4[%dma_start3A_373, %dma_start3A_374, %multiple_of3A_359] : memref<4x8x1000000xf32, #tpu.memory_space<hbm>> -> memref<4x8x128xf32, #tpu.memory_space<hbm>>
      %dma_start3A_376 = arith.constant 0 : i32
      %dma_start3A_377 = arith.constant 0 : i32
      %dma_start3A_378 = arith.constant 0 : i32
      %dma_start3A_379 = tpu.memref_slice %arg11[%dma_start3A_367, %dma_start3A_376, %dma_start3A_377, %dma_start3A_378] : memref<8x4x8x128xf32, #tpu.memory_space<vmem>> -> memref<1x4x8x128xf32, #tpu.memory_space<vmem>>
      %dma_start3A_380 = tpu.memref_squeeze %dma_start3A_379 : memref<1x4x8x128xf32, #tpu.memory_space<vmem>> -> memref<4x8x128xf32, #tpu.memory_space<vmem>>
      %dma_start3A_381 = arith.constant 0 : i32
      %dma_start3A_382 = arith.constant 0 : i32
      %dma_start3A_383 = tpu.memref_slice %arg4[%dma_start3A_381, %dma_start3A_382, %multiple_of3A_359] : memref<4x8x1000000xf32, #tpu.memory_space<hbm>> -> memref<4x8x128xf32, #tpu.memory_space<hbm>>
      tpu.enqueue_dma source(%dma_start3A_383 : memref<4x8x128xf32, #tpu.memory_space<hbm>>) target(%dma_start3A_380 : memref<4x8x128xf32, #tpu.memory_space<vmem>>) target_semaphore(%arg16 : memref<!tpu.dma_semaphore, #tpu.memory_space<semaphore_mem>>)
      %dma_start3A_384 = arith.constant 1 : i32
      %dma_start3A_385 = arith.constant 0 : i32
      %dma_start3A_386 = arith.constant 0 : i32
      %dma_start3A_387 = arith.constant 0 : i32
      %dma_start3A_388 = tpu.memref_slice %arg12[%dma_start3A_384, %dma_start3A_385, %dma_start3A_386, %dma_start3A_387] : memref<8x4x8x128xf32, #tpu.memory_space<vmem>> -> memref<1x4x8x128xf32, #tpu.memory_space<vmem>>
      %dma_start3A_389 = tpu.memref_squeeze %dma_start3A_388 : memref<1x4x8x128xf32, #tpu.memory_space<vmem>> -> memref<4x8x128xf32, #tpu.memory_space<vmem>>
      %dma_start3A_390 = arith.constant 0 : i32
      %dma_start3A_391 = arith.constant 0 : i32
      %dma_start3A_392 = tpu.memref_slice %arg5[%dma_start3A_390, %dma_start3A_391, %multiple_of3A_366] : memref<4x8x1000000xf32, #tpu.memory_space<hbm>> -> memref<4x8x128xf32, #tpu.memory_space<hbm>>
      %dma_start3A_393 = arith.constant 0 : i32
      %dma_start3A_394 = arith.constant 0 : i32
      %dma_start3A_395 = arith.constant 0 : i32
      %dma_start3A_396 = tpu.memref_slice %arg12[%dma_start3A_384, %dma_start3A_393, %dma_start3A_394, %dma_start3A_395] : memref<8x4x8x128xf32, #tpu.memory_space<vmem>> -> memref<1x4x8x128xf32, #tpu.memory_space<vmem>>
      %dma_start3A_397 = tpu.memref_squeeze %dma_start3A_396 : memref<1x4x8x128xf32, #tpu.memory_space<vmem>> -> memref<4x8x128xf32, #tpu.memory_space<vmem>>
      %dma_start3A_398 = arith.constant 0 : i32
      %dma_start3A_399 = arith.constant 0 : i32
      %dma_start3A_400 = tpu.memref_slice %arg5[%dma_start3A_398, %dma_start3A_399, %multiple_of3A_366] : memref<4x8x1000000xf32, #tpu.memory_space<hbm>> -> memref<4x8x128xf32, #tpu.memory_space<hbm>>
      tpu.enqueue_dma source(%dma_start3A_400 : memref<4x8x128xf32, #tpu.memory_space<hbm>>) target(%dma_start3A_397 : memref<4x8x128xf32, #tpu.memory_space<vmem>>) target_semaphore(%arg16 : memref<!tpu.dma_semaphore, #tpu.memory_space<semaphore_mem>>)
      %slice3A_401 = vector.extract_strided_slice %get3A_305 {offsets = [2], sizes = [1], strides = [1]} : vector<16xi32> to vector<1xi32>
      %squeeze3A_402 = vector.extract %slice3A_401[0] : i32 from vector<1xi32>
      %shift_right_arithmetic3A_403 = arith.constant 7 : i32
      %shift_right_arithmetic3A_404 = arith.shrsi %squeeze3A_402, %shift_right_arithmetic3A_403 : i32
      %mul3A_405 = arith.constant 128 : i32
      %mul3A_406 = arith.muli %shift_right_arithmetic3A_404, %mul3A_405 : i32
      %multiple_of3A_407 = tpu.assume_multiple %mul3A_406, 128 : i32
      %slice3A_408 = vector.extract_strided_slice %get3A_308 {offsets = [2], sizes = [1], strides = [1]} : vector<16xi32> to vector<1xi32>
      %squeeze3A_409 = vector.extract %slice3A_408[0] : i32 from vector<1xi32>
      %shift_right_arithmetic3A_410 = arith.constant 7 : i32
      %shift_right_arithmetic3A_411 = arith.shrsi %squeeze3A_409, %shift_right_arithmetic3A_410 : i32
      %mul3A_412 = arith.constant 128 : i32
      %mul3A_413 = arith.muli %shift_right_arithmetic3A_411, %mul3A_412 : i32
      %multiple_of3A_414 = tpu.assume_multiple %mul3A_413, 128 : i32
      %dma_start3A_415 = arith.constant 2 : i32
      %dma_start3A_416 = arith.constant 0 : i32
      %dma_start3A_417 = arith.constant 0 : i32
      %dma_start3A_418 = arith.constant 0 : i32
      %dma_start3A_419 = tpu.memref_slice %arg11[%dma_start3A_415, %dma_start3A_416, %dma_start3A_417, %dma_start3A_418] : memref<8x4x8x128xf32, #tpu.memory_space<vmem>> -> memref<1x4x8x128xf32, #tpu.memory_space<vmem>>
      %dma_start3A_420 = tpu.memref_squeeze %dma_start3A_419 : memref<1x4x8x128xf32, #tpu.memory_space<vmem>> -> memref<4x8x128xf32, #tpu.memory_space<vmem>>
      %dma_start3A_421 = arith.constant 0 : i32
      %dma_start3A_422 = arith.constant 0 : i32
      %dma_start3A_423 = tpu.memref_slice %arg4[%dma_start3A_421, %dma_start3A_422, %multiple_of3A_407] : memref<4x8x1000000xf32, #tpu.memory_space<hbm>> -> memref<4x8x128xf32, #tpu.memory_space<hbm>>
      %dma_start3A_424 = arith.constant 0 : i32
      %dma_start3A_425 = arith.constant 0 : i32
      %dma_start3A_426 = arith.constant 0 : i32
      %dma_start3A_427 = tpu.memref_slice %arg11[%dma_start3A_415, %dma_start3A_424, %dma_start3A_425, %dma_start3A_426] : memref<8x4x8x128xf32, #tpu.memory_space<vmem>> -> memref<1x4x8x128xf32, #tpu.memory_space<vmem>>
      %dma_start3A_428 = tpu.memref_squeeze %dma_start3A_427 : memref<1x4x8x128xf32, #tpu.memory_space<vmem>> -> memref<4x8x128xf32, #tpu.memory_space<vmem>>
      %dma_start3A_429 = arith.constant 0 : i32
      %dma_start3A_430 = arith.constant 0 : i32
      %dma_start3A_431 = tpu.memref_slice %arg4[%dma_start3A_429, %dma_start3A_430, %multiple_of3A_407] : memref<4x8x1000000xf32, #tpu.memory_space<hbm>> -> memref<4x8x128xf32, #tpu.memory_space<hbm>>
      tpu.enqueue_dma source(%dma_start3A_431 : memref<4x8x128xf32, #tpu.memory_space<hbm>>) target(%dma_start3A_428 : memref<4x8x128xf32, #tpu.memory_space<vmem>>) target_semaphore(%arg16 : memref<!tpu.dma_semaphore, #tpu.memory_space<semaphore_mem>>)
      %dma_start3A_432 = arith.constant 2 : i32
      %dma_start3A_433 = arith.constant 0 : i32
      %dma_start3A_434 = arith.constant 0 : i32
      %dma_start3A_435 = arith.constant 0 : i32
      %dma_start3A_436 = tpu.memref_slice %arg12[%dma_start3A_432, %dma_start3A_433, %dma_start3A_434, %dma_start3A_435] : memref<8x4x8x128xf32, #tpu.memory_space<vmem>> -> memref<1x4x8x128xf32, #tpu.memory_space<vmem>>
      %dma_start3A_437 = tpu.memref_squeeze %dma_start3A_436 : memref<1x4x8x128xf32, #tpu.memory_space<vmem>> -> memref<4x8x128xf32, #tpu.memory_space<vmem>>
      %dma_start3A_438 = arith.constant 0 : i32
      %dma_start3A_439 = arith.constant 0 : i32
      %dma_start3A_440 = tpu.memref_slice %arg5[%dma_start3A_438, %dma_start3A_439, %multiple_of3A_414] : memref<4x8x1000000xf32, #tpu.memory_space<hbm>> -> memref<4x8x128xf32, #tpu.memory_space<hbm>>
      %dma_start3A_441 = arith.constant 0 : i32
      %dma_start3A_442 = arith.constant 0 : i32
      %dma_start3A_443 = arith.constant 0 : i32
      %dma_start3A_444 = tpu.memref_slice %arg12[%dma_start3A_432, %dma_start3A_441, %dma_start3A_442, %dma_start3A_443] : memref<8x4x8x128xf32, #tpu.memory_space<vmem>> -> memref<1x4x8x128xf32, #tpu.memory_space<vmem>>
      %dma_start3A_445 = tpu.memref_squeeze %dma_start3A_444 : memref<1x4x8x128xf32, #tpu.memory_space<vmem>> -> memref<4x8x128xf32, #tpu.memory_space<vmem>>
      %dma_start3A_446 = arith.constant 0 : i32
      %dma_start3A_447 = arith.constant 0 : i32
      %dma_start3A_448 = tpu.memref_slice %arg5[%dma_start3A_446, %dma_start3A_447, %multiple_of3A_414] : memref<4x8x1000000xf32, #tpu.memory_space<hbm>> -> memref<4x8x128xf32, #tpu.memory_space<hbm>>
      tpu.enqueue_dma source(%dma_start3A_448 : memref<4x8x128xf32, #tpu.memory_space<hbm>>) target(%dma_start3A_445 : memref<4x8x128xf32, #tpu.memory_space<vmem>>) target_semaphore(%arg16 : memref<!tpu.dma_semaphore, #tpu.memory_space<semaphore_mem>>)
      %slice3A_449 = vector.extract_strided_slice %get3A_305 {offsets = [3], sizes = [1], strides = [1]} : vector<16xi32> to vector<1xi32>
      %squeeze3A_450 = vector.extract %slice3A_449[0] : i32 from vector<1xi32>
      %shift_right_arithmetic3A_451 = arith.constant 7 : i32
      %shift_right_arithmetic3A_452 = arith.shrsi %squeeze3A_450, %shift_right_arithmetic3A_451 : i32
      %mul3A_453 = arith.constant 128 : i32
      %mul3A_454 = arith.muli %shift_right_arithmetic3A_452, %mul3A_453 : i32
      %multiple_of3A_455 = tpu.assume_multiple %mul3A_454, 128 : i32
      %slice3A_456 = vector.extract_strided_slice %get3A_308 {offsets = [3], sizes = [1], strides = [1]} : vector<16xi32> to vector<1xi32>
      %squeeze3A_457 = vector.extract %slice3A_456[0] : i32 from vector<1xi32>
      %shift_right_arithmetic3A_458 = arith.constant 7 : i32
      %shift_right_arithmetic3A_459 = arith.shrsi %squeeze3A_457, %shift_right_arithmetic3A_458 : i32
      %mul3A_460 = arith.constant 128 : i32
      %mul3A_461 = arith.muli %shift_right_arithmetic3A_459, %mul3A_460 : i32
      %multiple_of3A_462 = tpu.assume_multiple %mul3A_461, 128 : i32
      %dma_start3A_463 = arith.constant 3 : i32
      %dma_start3A_464 = arith.constant 0 : i32
      %dma_start3A_465 = arith.constant 0 : i32
      %dma_start3A_466 = arith.constant 0 : i32
      %dma_start3A_467 = tpu.memref_slice %arg11[%dma_start3A_463, %dma_start3A_464, %dma_start3A_465, %dma_start3A_466] : memref<8x4x8x128xf32, #tpu.memory_space<vmem>> -> memref<1x4x8x128xf32, #tpu.memory_space<vmem>>
      %dma_start3A_468 = tpu.memref_squeeze %dma_start3A_467 : memref<1x4x8x128xf32, #tpu.memory_space<vmem>> -> memref<4x8x128xf32, #tpu.memory_space<vmem>>
      %dma_start3A_469 = arith.constant 0 : i32
      %dma_start3A_470 = arith.constant 0 : i32
      %dma_start3A_471 = tpu.memref_slice %arg4[%dma_start3A_469, %dma_start3A_470, %multiple_of3A_455] : memref<4x8x1000000xf32, #tpu.memory_space<hbm>> -> memref<4x8x128xf32, #tpu.memory_space<hbm>>
      %dma_start3A_472 = arith.constant 0 : i32
      %dma_start3A_473 = arith.constant 0 : i32
      %dma_start3A_474 = arith.constant 0 : i32
      %dma_start3A_475 = tpu.memref_slice %arg11[%dma_start3A_463, %dma_start3A_472, %dma_start3A_473, %dma_start3A_474] : memref<8x4x8x128xf32, #tpu.memory_space<vmem>> -> memref<1x4x8x128xf32, #tpu.memory_space<vmem>>
      %dma_start3A_476 = tpu.memref_squeeze %dma_start3A_475 : memref<1x4x8x128xf32, #tpu.memory_space<vmem>> -> memref<4x8x128xf32, #tpu.memory_space<vmem>>
      %dma_start3A_477 = arith.constant 0 : i32
      %dma_start3A_478 = arith.constant 0 : i32
      %dma_start3A_479 = tpu.memref_slice %arg4[%dma_start3A_477, %dma_start3A_478, %multiple_of3A_455] : memref<4x8x1000000xf32, #tpu.memory_space<hbm>> -> memref<4x8x128xf32, #tpu.memory_space<hbm>>
      tpu.enqueue_dma source(%dma_start3A_479 : memref<4x8x128xf32, #tpu.memory_space<hbm>>) target(%dma_start3A_476 : memref<4x8x128xf32, #tpu.memory_space<vmem>>) target_semaphore(%arg16 : memref<!tpu.dma_semaphore, #tpu.memory_space<semaphore_mem>>)
      %dma_start3A_480 = arith.constant 3 : i32
      %dma_start3A_481 = arith.constant 0 : i32
      %dma_start3A_482 = arith.constant 0 : i32
      %dma_start3A_483 = arith.constant 0 : i32
      %dma_start3A_484 = tpu.memref_slice %arg12[%dma_start3A_480, %dma_start3A_481, %dma_start3A_482, %dma_start3A_483] : memref<8x4x8x128xf32, #tpu.memory_space<vmem>> -> memref<1x4x8x128xf32, #tpu.memory_space<vmem>>
      %dma_start3A_485 = tpu.memref_squeeze %dma_start3A_484 : memref<1x4x8x128xf32, #tpu.memory_space<vmem>> -> memref<4x8x128xf32, #tpu.memory_space<vmem>>
      %dma_start3A_486 = arith.constant 0 : i32
      %dma_start3A_487 = arith.constant 0 : i32
      %dma_start3A_488 = tpu.memref_slice %arg5[%dma_start3A_486, %dma_start3A_487, %multiple_of3A_462] : memref<4x8x1000000xf32, #tpu.memory_space<hbm>> -> memref<4x8x128xf32, #tpu.memory_space<hbm>>
      %dma_start3A_489 = arith.constant 0 : i32
      %dma_start3A_490 = arith.constant 0 : i32
      %dma_start3A_491 = arith.constant 0 : i32
      %dma_start3A_492 = tpu.memref_slice %arg12[%dma_start3A_480, %dma_start3A_489, %dma_start3A_490, %dma_start3A_491] : memref<8x4x8x128xf32, #tpu.memory_space<vmem>> -> memref<1x4x8x128xf32, #tpu.memory_space<vmem>>
      %dma_start3A_493 = tpu.memref_squeeze %dma_start3A_492 : memref<1x4x8x128xf32, #tpu.memory_space<vmem>> -> memref<4x8x128xf32, #tpu.memory_space<vmem>>
      %dma_start3A_494 = arith.constant 0 : i32
      %dma_start3A_495 = arith.constant 0 : i32
      %dma_start3A_496 = tpu.memref_slice %arg5[%dma_start3A_494, %dma_start3A_495, %multiple_of3A_462] : memref<4x8x1000000xf32, #tpu.memory_space<hbm>> -> memref<4x8x128xf32, #tpu.memory_space<hbm>>
      tpu.enqueue_dma source(%dma_start3A_496 : memref<4x8x128xf32, #tpu.memory_space<hbm>>) target(%dma_start3A_493 : memref<4x8x128xf32, #tpu.memory_space<vmem>>) target_semaphore(%arg16 : memref<!tpu.dma_semaphore, #tpu.memory_space<semaphore_mem>>)
      %slice3A_497 = vector.extract_strided_slice %get3A_305 {offsets = [4], sizes = [1], strides = [1]} : vector<16xi32> to vector<1xi32>
      %squeeze3A_498 = vector.extract %slice3A_497[0] : i32 from vector<1xi32>
      %shift_right_arithmetic3A_499 = arith.constant 7 : i32
      %shift_right_arithmetic3A_500 = arith.shrsi %squeeze3A_498, %shift_right_arithmetic3A_499 : i32
      %mul3A_501 = arith.constant 128 : i32
      %mul3A_502 = arith.muli %shift_right_arithmetic3A_500, %mul3A_501 : i32
      %multiple_of3A_503 = tpu.assume_multiple %mul3A_502, 128 : i32
      %slice3A_504 = vector.extract_strided_slice %get3A_308 {offsets = [4], sizes = [1], strides = [1]} : vector<16xi32> to vector<1xi32>
      %squeeze3A_505 = vector.extract %slice3A_504[0] : i32 from vector<1xi32>
      %shift_right_arithmetic3A_506 = arith.constant 7 : i32
      %shift_right_arithmetic3A_507 = arith.shrsi %squeeze3A_505, %shift_right_arithmetic3A_506 : i32
      %mul3A_508 = arith.constant 128 : i32
      %mul3A_509 = arith.muli %shift_right_arithmetic3A_507, %mul3A_508 : i32
      %multiple_of3A_510 = tpu.assume_multiple %mul3A_509, 128 : i32
      %dma_start3A_511 = arith.constant 4 : i32
      %dma_start3A_512 = arith.constant 0 : i32
      %dma_start3A_513 = arith.constant 0 : i32
      %dma_start3A_514 = arith.constant 0 : i32
      %dma_start3A_515 = tpu.memref_slice %arg11[%dma_start3A_511, %dma_start3A_512, %dma_start3A_513, %dma_start3A_514] : memref<8x4x8x128xf32, #tpu.memory_space<vmem>> -> memref<1x4x8x128xf32, #tpu.memory_space<vmem>>
      %dma_start3A_516 = tpu.memref_squeeze %dma_start3A_515 : memref<1x4x8x128xf32, #tpu.memory_space<vmem>> -> memref<4x8x128xf32, #tpu.memory_space<vmem>>
      %dma_start3A_517 = arith.constant 0 : i32
      %dma_start3A_518 = arith.constant 0 : i32
      %dma_start3A_519 = tpu.memref_slice %arg4[%dma_start3A_517, %dma_start3A_518, %multiple_of3A_503] : memref<4x8x1000000xf32, #tpu.memory_space<hbm>> -> memref<4x8x128xf32, #tpu.memory_space<hbm>>
      %dma_start3A_520 = arith.constant 0 : i32
      %dma_start3A_521 = arith.constant 0 : i32
      %dma_start3A_522 = arith.constant 0 : i32
      %dma_start3A_523 = tpu.memref_slice %arg11[%dma_start3A_511, %dma_start3A_520, %dma_start3A_521, %dma_start3A_522] : memref<8x4x8x128xf32, #tpu.memory_space<vmem>> -> memref<1x4x8x128xf32, #tpu.memory_space<vmem>>
      %dma_start3A_524 = tpu.memref_squeeze %dma_start3A_523 : memref<1x4x8x128xf32, #tpu.memory_space<vmem>> -> memref<4x8x128xf32, #tpu.memory_space<vmem>>
      %dma_start3A_525 = arith.constant 0 : i32
      %dma_start3A_526 = arith.constant 0 : i32
      %dma_start3A_527 = tpu.memref_slice %arg4[%dma_start3A_525, %dma_start3A_526, %multiple_of3A_503] : memref<4x8x1000000xf32, #tpu.memory_space<hbm>> -> memref<4x8x128xf32, #tpu.memory_space<hbm>>
      tpu.enqueue_dma source(%dma_start3A_527 : memref<4x8x128xf32, #tpu.memory_space<hbm>>) target(%dma_start3A_524 : memref<4x8x128xf32, #tpu.memory_space<vmem>>) target_semaphore(%arg16 : memref<!tpu.dma_semaphore, #tpu.memory_space<semaphore_mem>>)
      %dma_start3A_528 = arith.constant 4 : i32
      %dma_start3A_529 = arith.constant 0 : i32
      %dma_start3A_530 = arith.constant 0 : i32
      %dma_start3A_531 = arith.constant 0 : i32
      %dma_start3A_532 = tpu.memref_slice %arg12[%dma_start3A_528, %dma_start3A_529, %dma_start3A_530, %dma_start3A_531] : memref<8x4x8x128xf32, #tpu.memory_space<vmem>> -> memref<1x4x8x128xf32, #tpu.memory_space<vmem>>
      %dma_start3A_533 = tpu.memref_squeeze %dma_start3A_532 : memref<1x4x8x128xf32, #tpu.memory_space<vmem>> -> memref<4x8x128xf32, #tpu.memory_space<vmem>>
      %dma_start3A_534 = arith.constant 0 : i32
      %dma_start3A_535 = arith.constant 0 : i32
      %dma_start3A_536 = tpu.memref_slice %arg5[%dma_start3A_534, %dma_start3A_535, %multiple_of3A_510] : memref<4x8x1000000xf32, #tpu.memory_space<hbm>> -> memref<4x8x128xf32, #tpu.memory_space<hbm>>
      %dma_start3A_537 = arith.constant 0 : i32
      %dma_start3A_538 = arith.constant 0 : i32
      %dma_start3A_539 = arith.constant 0 : i32
      %dma_start3A_540 = tpu.memref_slice %arg12[%dma_start3A_528, %dma_start3A_537, %dma_start3A_538, %dma_start3A_539] : memref<8x4x8x128xf32, #tpu.memory_space<vmem>> -> memref<1x4x8x128xf32, #tpu.memory_space<vmem>>
      %dma_start3A_541 = tpu.memref_squeeze %dma_start3A_540 : memref<1x4x8x128xf32, #tpu.memory_space<vmem>> -> memref<4x8x128xf32, #tpu.memory_space<vmem>>
      %dma_start3A_542 = arith.constant 0 : i32
      %dma_start3A_543 = arith.constant 0 : i32
      %dma_start3A_544 = tpu.memref_slice %arg5[%dma_start3A_542, %dma_start3A_543, %multiple_of3A_510] : memref<4x8x1000000xf32, #tpu.memory_space<hbm>> -> memref<4x8x128xf32, #tpu.memory_space<hbm>>
      tpu.enqueue_dma source(%dma_start3A_544 : memref<4x8x128xf32, #tpu.memory_space<hbm>>) target(%dma_start3A_541 : memref<4x8x128xf32, #tpu.memory_space<vmem>>) target_semaphore(%arg16 : memref<!tpu.dma_semaphore, #tpu.memory_space<semaphore_mem>>)
      %slice3A_545 = vector.extract_strided_slice %get3A_305 {offsets = [5], sizes = [1], strides = [1]} : vector<16xi32> to vector<1xi32>
      %squeeze3A_546 = vector.extract %slice3A_545[0] : i32 from vector<1xi32>
      %shift_right_arithmetic3A_547 = arith.constant 7 : i32
      %shift_right_arithmetic3A_548 = arith.shrsi %squeeze3A_546, %shift_right_arithmetic3A_547 : i32
      %mul3A_549 = arith.constant 128 : i32
      %mul3A_550 = arith.muli %shift_right_arithmetic3A_548, %mul3A_549 : i32
      %multiple_of3A_551 = tpu.assume_multiple %mul3A_550, 128 : i32
      %slice3A_552 = vector.extract_strided_slice %get3A_308 {offsets = [5], sizes = [1], strides = [1]} : vector<16xi32> to vector<1xi32>
      %squeeze3A_553 = vector.extract %slice3A_552[0] : i32 from vector<1xi32>
      %shift_right_arithmetic3A_554 = arith.constant 7 : i32
      %shift_right_arithmetic3A_555 = arith.shrsi %squeeze3A_553, %shift_right_arithmetic3A_554 : i32
      %mul3A_556 = arith.constant 128 : i32
      %mul3A_557 = arith.muli %shift_right_arithmetic3A_555, %mul3A_556 : i32
      %multiple_of3A_558 = tpu.assume_multiple %mul3A_557, 128 : i32
      %dma_start3A_559 = arith.constant 5 : i32
      %dma_start3A_560 = arith.constant 0 : i32
      %dma_start3A_561 = arith.constant 0 : i32
      %dma_start3A_562 = arith.constant 0 : i32
      %dma_start3A_563 = tpu.memref_slice %arg11[%dma_start3A_559, %dma_start3A_560, %dma_start3A_561, %dma_start3A_562] : memref<8x4x8x128xf32, #tpu.memory_space<vmem>> -> memref<1x4x8x128xf32, #tpu.memory_space<vmem>>
      %dma_start3A_564 = tpu.memref_squeeze %dma_start3A_563 : memref<1x4x8x128xf32, #tpu.memory_space<vmem>> -> memref<4x8x128xf32, #tpu.memory_space<vmem>>
      %dma_start3A_565 = arith.constant 0 : i32
      %dma_start3A_566 = arith.constant 0 : i32
      %dma_start3A_567 = tpu.memref_slice %arg4[%dma_start3A_565, %dma_start3A_566, %multiple_of3A_551] : memref<4x8x1000000xf32, #tpu.memory_space<hbm>> -> memref<4x8x128xf32, #tpu.memory_space<hbm>>
      %dma_start3A_568 = arith.constant 0 : i32
      %dma_start3A_569 = arith.constant 0 : i32
      %dma_start3A_570 = arith.constant 0 : i32
      %dma_start3A_571 = tpu.memref_slice %arg11[%dma_start3A_559, %dma_start3A_568, %dma_start3A_569, %dma_start3A_570] : memref<8x4x8x128xf32, #tpu.memory_space<vmem>> -> memref<1x4x8x128xf32, #tpu.memory_space<vmem>>
      %dma_start3A_572 = tpu.memref_squeeze %dma_start3A_571 : memref<1x4x8x128xf32, #tpu.memory_space<vmem>> -> memref<4x8x128xf32, #tpu.memory_space<vmem>>
      %dma_start3A_573 = arith.constant 0 : i32
      %dma_start3A_574 = arith.constant 0 : i32
      %dma_start3A_575 = tpu.memref_slice %arg4[%dma_start3A_573, %dma_start3A_574, %multiple_of3A_551] : memref<4x8x1000000xf32, #tpu.memory_space<hbm>> -> memref<4x8x128xf32, #tpu.memory_space<hbm>>
      tpu.enqueue_dma source(%dma_start3A_575 : memref<4x8x128xf32, #tpu.memory_space<hbm>>) target(%dma_start3A_572 : memref<4x8x128xf32, #tpu.memory_space<vmem>>) target_semaphore(%arg16 : memref<!tpu.dma_semaphore, #tpu.memory_space<semaphore_mem>>)
      %dma_start3A_576 = arith.constant 5 : i32
      %dma_start3A_577 = arith.constant 0 : i32
      %dma_start3A_578 = arith.constant 0 : i32
      %dma_start3A_579 = arith.constant 0 : i32
      %dma_start3A_580 = tpu.memref_slice %arg12[%dma_start3A_576, %dma_start3A_577, %dma_start3A_578, %dma_start3A_579] : memref<8x4x8x128xf32, #tpu.memory_space<vmem>> -> memref<1x4x8x128xf32, #tpu.memory_space<vmem>>
      %dma_start3A_581 = tpu.memref_squeeze %dma_start3A_580 : memref<1x4x8x128xf32, #tpu.memory_space<vmem>> -> memref<4x8x128xf32, #tpu.memory_space<vmem>>
      %dma_start3A_582 = arith.constant 0 : i32
      %dma_start3A_583 = arith.constant 0 : i32
      %dma_start3A_584 = tpu.memref_slice %arg5[%dma_start3A_582, %dma_start3A_583, %multiple_of3A_558] : memref<4x8x1000000xf32, #tpu.memory_space<hbm>> -> memref<4x8x128xf32, #tpu.memory_space<hbm>>
      %dma_start3A_585 = arith.constant 0 : i32
      %dma_start3A_586 = arith.constant 0 : i32
      %dma_start3A_587 = arith.constant 0 : i32
      %dma_start3A_588 = tpu.memref_slice %arg12[%dma_start3A_576, %dma_start3A_585, %dma_start3A_586, %dma_start3A_587] : memref<8x4x8x128xf32, #tpu.memory_space<vmem>> -> memref<1x4x8x128xf32, #tpu.memory_space<vmem>>
      %dma_start3A_589 = tpu.memref_squeeze %dma_start3A_588 : memref<1x4x8x128xf32, #tpu.memory_space<vmem>> -> memref<4x8x128xf32, #tpu.memory_space<vmem>>
      %dma_start3A_590 = arith.constant 0 : i32
      %dma_start3A_591 = arith.constant 0 : i32
      %dma_start3A_592 = tpu.memref_slice %arg5[%dma_start3A_590, %dma_start3A_591, %multiple_of3A_558] : memref<4x8x1000000xf32, #tpu.memory_space<hbm>> -> memref<4x8x128xf32, #tpu.memory_space<hbm>>
      tpu.enqueue_dma source(%dma_start3A_592 : memref<4x8x128xf32, #tpu.memory_space<hbm>>) target(%dma_start3A_589 : memref<4x8x128xf32, #tpu.memory_space<vmem>>) target_semaphore(%arg16 : memref<!tpu.dma_semaphore, #tpu.memory_space<semaphore_mem>>)
      %slice3A_593 = vector.extract_strided_slice %get3A_305 {offsets = [6], sizes = [1], strides = [1]} : vector<16xi32> to vector<1xi32>
      %squeeze3A_594 = vector.extract %slice3A_593[0] : i32 from vector<1xi32>
      %shift_right_arithmetic3A_595 = arith.constant 7 : i32
      %shift_right_arithmetic3A_596 = arith.shrsi %squeeze3A_594, %shift_right_arithmetic3A_595 : i32
      %mul3A_597 = arith.constant 128 : i32
      %mul3A_598 = arith.muli %shift_right_arithmetic3A_596, %mul3A_597 : i32
      %multiple_of3A_599 = tpu.assume_multiple %mul3A_598, 128 : i32
      %slice3A_600 = vector.extract_strided_slice %get3A_308 {offsets = [6], sizes = [1], strides = [1]} : vector<16xi32> to vector<1xi32>
      %squeeze3A_601 = vector.extract %slice3A_600[0] : i32 from vector<1xi32>
      %shift_right_arithmetic3A_602 = arith.constant 7 : i32
      %shift_right_arithmetic3A_603 = arith.shrsi %squeeze3A_601, %shift_right_arithmetic3A_602 : i32
      %mul3A_604 = arith.constant 128 : i32
      %mul3A_605 = arith.muli %shift_right_arithmetic3A_603, %mul3A_604 : i32
      %multiple_of3A_606 = tpu.assume_multiple %mul3A_605, 128 : i32
      %dma_start3A_607 = arith.constant 6 : i32
      %dma_start3A_608 = arith.constant 0 : i32
      %dma_start3A_609 = arith.constant 0 : i32
      %dma_start3A_610 = arith.constant 0 : i32
      %dma_start3A_611 = tpu.memref_slice %arg11[%dma_start3A_607, %dma_start3A_608, %dma_start3A_609, %dma_start3A_610] : memref<8x4x8x128xf32, #tpu.memory_space<vmem>> -> memref<1x4x8x128xf32, #tpu.memory_space<vmem>>
      %dma_start3A_612 = tpu.memref_squeeze %dma_start3A_611 : memref<1x4x8x128xf32, #tpu.memory_space<vmem>> -> memref<4x8x128xf32, #tpu.memory_space<vmem>>
      %dma_start3A_613 = arith.constant 0 : i32
      %dma_start3A_614 = arith.constant 0 : i32
      %dma_start3A_615 = tpu.memref_slice %arg4[%dma_start3A_613, %dma_start3A_614, %multiple_of3A_599] : memref<4x8x1000000xf32, #tpu.memory_space<hbm>> -> memref<4x8x128xf32, #tpu.memory_space<hbm>>
      %dma_start3A_616 = arith.constant 0 : i32
      %dma_start3A_617 = arith.constant 0 : i32
      %dma_start3A_618 = arith.constant 0 : i32
      %dma_start3A_619 = tpu.memref_slice %arg11[%dma_start3A_607, %dma_start3A_616, %dma_start3A_617, %dma_start3A_618] : memref<8x4x8x128xf32, #tpu.memory_space<vmem>> -> memref<1x4x8x128xf32, #tpu.memory_space<vmem>>
      %dma_start3A_620 = tpu.memref_squeeze %dma_start3A_619 : memref<1x4x8x128xf32, #tpu.memory_space<vmem>> -> memref<4x8x128xf32, #tpu.memory_space<vmem>>
      %dma_start3A_621 = arith.constant 0 : i32
      %dma_start3A_622 = arith.constant 0 : i32
      %dma_start3A_623 = tpu.memref_slice %arg4[%dma_start3A_621, %dma_start3A_622, %multiple_of3A_599] : memref<4x8x1000000xf32, #tpu.memory_space<hbm>> -> memref<4x8x128xf32, #tpu.memory_space<hbm>>
      tpu.enqueue_dma source(%dma_start3A_623 : memref<4x8x128xf32, #tpu.memory_space<hbm>>) target(%dma_start3A_620 : memref<4x8x128xf32, #tpu.memory_space<vmem>>) target_semaphore(%arg16 : memref<!tpu.dma_semaphore, #tpu.memory_space<semaphore_mem>>)
      %dma_start3A_624 = arith.constant 6 : i32
      %dma_start3A_625 = arith.constant 0 : i32
      %dma_start3A_626 = arith.constant 0 : i32
      %dma_start3A_627 = arith.constant 0 : i32
      %dma_start3A_628 = tpu.memref_slice %arg12[%dma_start3A_624, %dma_start3A_625, %dma_start3A_626, %dma_start3A_627] : memref<8x4x8x128xf32, #tpu.memory_space<vmem>> -> memref<1x4x8x128xf32, #tpu.memory_space<vmem>>
      %dma_start3A_629 = tpu.memref_squeeze %dma_start3A_628 : memref<1x4x8x128xf32, #tpu.memory_space<vmem>> -> memref<4x8x128xf32, #tpu.memory_space<vmem>>
      %dma_start3A_630 = arith.constant 0 : i32
      %dma_start3A_631 = arith.constant 0 : i32
      %dma_start3A_632 = tpu.memref_slice %arg5[%dma_start3A_630, %dma_start3A_631, %multiple_of3A_606] : memref<4x8x1000000xf32, #tpu.memory_space<hbm>> -> memref<4x8x128xf32, #tpu.memory_space<hbm>>
      %dma_start3A_633 = arith.constant 0 : i32
      %dma_start3A_634 = arith.constant 0 : i32
      %dma_start3A_635 = arith.constant 0 : i32
      %dma_start3A_636 = tpu.memref_slice %arg12[%dma_start3A_624, %dma_start3A_633, %dma_start3A_634, %dma_start3A_635] : memref<8x4x8x128xf32, #tpu.memory_space<vmem>> -> memref<1x4x8x128xf32, #tpu.memory_space<vmem>>
      %dma_start3A_637 = tpu.memref_squeeze %dma_start3A_636 : memref<1x4x8x128xf32, #tpu.memory_space<vmem>> -> memref<4x8x128xf32, #tpu.memory_space<vmem>>
      %dma_start3A_638 = arith.constant 0 : i32
      %dma_start3A_639 = arith.constant 0 : i32
      %dma_start3A_640 = tpu.memref_slice %arg5[%dma_start3A_638, %dma_start3A_639, %multiple_of3A_606] : memref<4x8x1000000xf32, #tpu.memory_space<hbm>> -> memref<4x8x128xf32, #tpu.memory_space<hbm>>
      tpu.enqueue_dma source(%dma_start3A_640 : memref<4x8x128xf32, #tpu.memory_space<hbm>>) target(%dma_start3A_637 : memref<4x8x128xf32, #tpu.memory_space<vmem>>) target_semaphore(%arg16 : memref<!tpu.dma_semaphore, #tpu.memory_space<semaphore_mem>>)
      %slice3A_641 = vector.extract_strided_slice %get3A_305 {offsets = [7], sizes = [1], strides = [1]} : vector<16xi32> to vector<1xi32>
      %squeeze3A_642 = vector.extract %slice3A_641[0] : i32 from vector<1xi32>
      %shift_right_arithmetic3A_643 = arith.constant 7 : i32
      %shift_right_arithmetic3A_644 = arith.shrsi %squeeze3A_642, %shift_right_arithmetic3A_643 : i32
      %mul3A_645 = arith.constant 128 : i32
      %mul3A_646 = arith.muli %shift_right_arithmetic3A_644, %mul3A_645 : i32
      %multiple_of3A_647 = tpu.assume_multiple %mul3A_646, 128 : i32
      %slice3A_648 = vector.extract_strided_slice %get3A_308 {offsets = [7], sizes = [1], strides = [1]} : vector<16xi32> to vector<1xi32>
      %squeeze3A_649 = vector.extract %slice3A_648[0] : i32 from vector<1xi32>
      %shift_right_arithmetic3A_650 = arith.constant 7 : i32
      %shift_right_arithmetic3A_651 = arith.shrsi %squeeze3A_649, %shift_right_arithmetic3A_650 : i32
      %mul3A_652 = arith.constant 128 : i32
      %mul3A_653 = arith.muli %shift_right_arithmetic3A_651, %mul3A_652 : i32
      %multiple_of3A_654 = tpu.assume_multiple %mul3A_653, 128 : i32
      %dma_start3A_655 = arith.constant 7 : i32
      %dma_start3A_656 = arith.constant 0 : i32
      %dma_start3A_657 = arith.constant 0 : i32
      %dma_start3A_658 = arith.constant 0 : i32
      %dma_start3A_659 = tpu.memref_slice %arg11[%dma_start3A_655, %dma_start3A_656, %dma_start3A_657, %dma_start3A_658] : memref<8x4x8x128xf32, #tpu.memory_space<vmem>> -> memref<1x4x8x128xf32, #tpu.memory_space<vmem>>
      %dma_start3A_660 = tpu.memref_squeeze %dma_start3A_659 : memref<1x4x8x128xf32, #tpu.memory_space<vmem>> -> memref<4x8x128xf32, #tpu.memory_space<vmem>>
      %dma_start3A_661 = arith.constant 0 : i32
      %dma_start3A_662 = arith.constant 0 : i32
      %dma_start3A_663 = tpu.memref_slice %arg4[%dma_start3A_661, %dma_start3A_662, %multiple_of3A_647] : memref<4x8x1000000xf32, #tpu.memory_space<hbm>> -> memref<4x8x128xf32, #tpu.memory_space<hbm>>
      %dma_start3A_664 = arith.constant 0 : i32
      %dma_start3A_665 = arith.constant 0 : i32
      %dma_start3A_666 = arith.constant 0 : i32
      %dma_start3A_667 = tpu.memref_slice %arg11[%dma_start3A_655, %dma_start3A_664, %dma_start3A_665, %dma_start3A_666] : memref<8x4x8x128xf32, #tpu.memory_space<vmem>> -> memref<1x4x8x128xf32, #tpu.memory_space<vmem>>
      %dma_start3A_668 = tpu.memref_squeeze %dma_start3A_667 : memref<1x4x8x128xf32, #tpu.memory_space<vmem>> -> memref<4x8x128xf32, #tpu.memory_space<vmem>>
      %dma_start3A_669 = arith.constant 0 : i32
      %dma_start3A_670 = arith.constant 0 : i32
      %dma_start3A_671 = tpu.memref_slice %arg4[%dma_start3A_669, %dma_start3A_670, %multiple_of3A_647] : memref<4x8x1000000xf32, #tpu.memory_space<hbm>> -> memref<4x8x128xf32, #tpu.memory_space<hbm>>
      tpu.enqueue_dma source(%dma_start3A_671 : memref<4x8x128xf32, #tpu.memory_space<hbm>>) target(%dma_start3A_668 : memref<4x8x128xf32, #tpu.memory_space<vmem>>) target_semaphore(%arg16 : memref<!tpu.dma_semaphore, #tpu.memory_space<semaphore_mem>>)
      %dma_start3A_672 = arith.constant 7 : i32
      %dma_start3A_673 = arith.constant 0 : i32
      %dma_start3A_674 = arith.constant 0 : i32
      %dma_start3A_675 = arith.constant 0 : i32
      %dma_start3A_676 = tpu.memref_slice %arg12[%dma_start3A_672, %dma_start3A_673, %dma_start3A_674, %dma_start3A_675] : memref<8x4x8x128xf32, #tpu.memory_space<vmem>> -> memref<1x4x8x128xf32, #tpu.memory_space<vmem>>
      %dma_start3A_677 = tpu.memref_squeeze %dma_start3A_676 : memref<1x4x8x128xf32, #tpu.memory_space<vmem>> -> memref<4x8x128xf32, #tpu.memory_space<vmem>>
      %dma_start3A_678 = arith.constant 0 : i32
      %dma_start3A_679 = arith.constant 0 : i32
      %dma_start3A_680 = tpu.memref_slice %arg5[%dma_start3A_678, %dma_start3A_679, %multiple_of3A_654] : memref<4x8x1000000xf32, #tpu.memory_space<hbm>> -> memref<4x8x128xf32, #tpu.memory_space<hbm>>
      %dma_start3A_681 = arith.constant 0 : i32
      %dma_start3A_682 = arith.constant 0 : i32
      %dma_start3A_683 = arith.constant 0 : i32
      %dma_start3A_684 = tpu.memref_slice %arg12[%dma_start3A_672, %dma_start3A_681, %dma_start3A_682, %dma_start3A_683] : memref<8x4x8x128xf32, #tpu.memory_space<vmem>> -> memref<1x4x8x128xf32, #tpu.memory_space<vmem>>
      %dma_start3A_685 = tpu.memref_squeeze %dma_start3A_684 : memref<1x4x8x128xf32, #tpu.memory_space<vmem>> -> memref<4x8x128xf32, #tpu.memory_space<vmem>>
      %dma_start3A_686 = arith.constant 0 : i32
      %dma_start3A_687 = arith.constant 0 : i32
      %dma_start3A_688 = tpu.memref_slice %arg5[%dma_start3A_686, %dma_start3A_687, %multiple_of3A_654] : memref<4x8x1000000xf32, #tpu.memory_space<hbm>> -> memref<4x8x128xf32, #tpu.memory_space<hbm>>
      tpu.enqueue_dma source(%dma_start3A_688 : memref<4x8x128xf32, #tpu.memory_space<hbm>>) target(%dma_start3A_685 : memref<4x8x128xf32, #tpu.memory_space<vmem>>) target_semaphore(%arg16 : memref<!tpu.dma_semaphore, #tpu.memory_space<semaphore_mem>>)
      %dma_wait3A_689 = arith.constant 0 : i32
      %dma_wait3A_690 = arith.constant 0 : i32
      %dma_wait3A_691 = arith.constant 0 : i32
      %dma_wait3A_692 = arith.constant 0 : i32
      %dma_wait3A_693 = tpu.memref_slice %arg11[%dma_wait3A_689, %dma_wait3A_690, %dma_wait3A_691, %dma_wait3A_692] : memref<8x4x8x128xf32, #tpu.memory_space<vmem>> -> memref<1x4x8x128xf32, #tpu.memory_space<vmem>>
      %dma_wait3A_694 = tpu.memref_squeeze %dma_wait3A_693 : memref<1x4x8x128xf32, #tpu.memory_space<vmem>> -> memref<4x8x128xf32, #tpu.memory_space<vmem>>
      %dma_wait3A_695 = arith.constant 0 : i32
      %dma_wait3A_696 = arith.constant 0 : i32
      %dma_wait3A_697 = tpu.memref_slice %arg4[%dma_wait3A_695, %dma_wait3A_696, %multiple_of3A] : memref<4x8x1000000xf32, #tpu.memory_space<hbm>> -> memref<4x8x128xf32, #tpu.memory_space<hbm>>
      %dma_wait3A_698 = arith.constant 0 : i32
      %dma_wait3A_699 = arith.constant 0 : i32
      %dma_wait3A_700 = arith.constant 0 : i32
      %dma_wait3A_701 = tpu.memref_slice %arg11[%dma_wait3A_689, %dma_wait3A_698, %dma_wait3A_699, %dma_wait3A_700] : memref<8x4x8x128xf32, #tpu.memory_space<vmem>> -> memref<1x4x8x128xf32, #tpu.memory_space<vmem>>
      %dma_wait3A_702 = tpu.memref_squeeze %dma_wait3A_701 : memref<1x4x8x128xf32, #tpu.memory_space<vmem>> -> memref<4x8x128xf32, #tpu.memory_space<vmem>>
      %dma_wait3A_703 = arith.constant 0 : i32
      %dma_wait3A_704 = arith.constant 0 : i32
      %dma_wait3A_705 = tpu.memref_slice %arg4[%dma_wait3A_703, %dma_wait3A_704, %multiple_of3A] : memref<4x8x1000000xf32, #tpu.memory_space<hbm>> -> memref<4x8x128xf32, #tpu.memory_space<hbm>>
      tpu.wait_dma2 semaphore(%arg16 : memref<!tpu.dma_semaphore, #tpu.memory_space<semaphore_mem>>) src(%dma_wait3A_705 : memref<4x8x128xf32, #tpu.memory_space<hbm>>) dst(%dma_wait3A_702 : memref<4x8x128xf32, #tpu.memory_space<vmem>>)
      %dma_wait3A_706 = arith.constant 0 : i32
      %dma_wait3A_707 = arith.constant 0 : i32
      %dma_wait3A_708 = arith.constant 0 : i32
      %dma_wait3A_709 = arith.constant 0 : i32
      %dma_wait3A_710 = tpu.memref_slice %arg12[%dma_wait3A_706, %dma_wait3A_707, %dma_wait3A_708, %dma_wait3A_709] : memref<8x4x8x128xf32, #tpu.memory_space<vmem>> -> memref<1x4x8x128xf32, #tpu.memory_space<vmem>>
      %dma_wait3A_711 = tpu.memref_squeeze %dma_wait3A_710 : memref<1x4x8x128xf32, #tpu.memory_space<vmem>> -> memref<4x8x128xf32, #tpu.memory_space<vmem>>
      %dma_wait3A_712 = arith.constant 0 : i32
      %dma_wait3A_713 = arith.constant 0 : i32
      %dma_wait3A_714 = tpu.memref_slice %arg5[%dma_wait3A_712, %dma_wait3A_713, %multiple_of3A_318] : memref<4x8x1000000xf32, #tpu.memory_space<hbm>> -> memref<4x8x128xf32, #tpu.memory_space<hbm>>
      %dma_wait3A_715 = arith.constant 0 : i32
      %dma_wait3A_716 = arith.constant 0 : i32
      %dma_wait3A_717 = arith.constant 0 : i32
      %dma_wait3A_718 = tpu.memref_slice %arg12[%dma_wait3A_706, %dma_wait3A_715, %dma_wait3A_716, %dma_wait3A_717] : memref<8x4x8x128xf32, #tpu.memory_space<vmem>> -> memref<1x4x8x128xf32, #tpu.memory_space<vmem>>
      %dma_wait3A_719 = tpu.memref_squeeze %dma_wait3A_718 : memref<1x4x8x128xf32, #tpu.memory_space<vmem>> -> memref<4x8x128xf32, #tpu.memory_space<vmem>>
      %dma_wait3A_720 = arith.constant 0 : i32
      %dma_wait3A_721 = arith.constant 0 : i32
      %dma_wait3A_722 = tpu.memref_slice %arg5[%dma_wait3A_720, %dma_wait3A_721, %multiple_of3A_318] : memref<4x8x1000000xf32, #tpu.memory_space<hbm>> -> memref<4x8x128xf32, #tpu.memory_space<hbm>>
      tpu.wait_dma2 semaphore(%arg16 : memref<!tpu.dma_semaphore, #tpu.memory_space<semaphore_mem>>) src(%dma_wait3A_722 : memref<4x8x128xf32, #tpu.memory_space<hbm>>) dst(%dma_wait3A_719 : memref<4x8x128xf32, #tpu.memory_space<vmem>>)
      %dma_wait3A_723 = arith.constant 1 : i32
      %dma_wait3A_724 = arith.constant 0 : i32
      %dma_wait3A_725 = arith.constant 0 : i32
      %dma_wait3A_726 = arith.constant 0 : i32
      %dma_wait3A_727 = tpu.memref_slice %arg11[%dma_wait3A_723, %dma_wait3A_724, %dma_wait3A_725, %dma_wait3A_726] : memref<8x4x8x128xf32, #tpu.memory_space<vmem>> -> memref<1x4x8x128xf32, #tpu.memory_space<vmem>>
      %dma_wait3A_728 = tpu.memref_squeeze %dma_wait3A_727 : memref<1x4x8x128xf32, #tpu.memory_space<vmem>> -> memref<4x8x128xf32, #tpu.memory_space<vmem>>
      %dma_wait3A_729 = arith.constant 0 : i32
      %dma_wait3A_730 = arith.constant 0 : i32
      %dma_wait3A_731 = tpu.memref_slice %arg4[%dma_wait3A_729, %dma_wait3A_730, %multiple_of3A_359] : memref<4x8x1000000xf32, #tpu.memory_space<hbm>> -> memref<4x8x128xf32, #tpu.memory_space<hbm>>
      %dma_wait3A_732 = arith.constant 0 : i32
      %dma_wait3A_733 = arith.constant 0 : i32
      %dma_wait3A_734 = arith.constant 0 : i32
      %dma_wait3A_735 = tpu.memref_slice %arg11[%dma_wait3A_723, %dma_wait3A_732, %dma_wait3A_733, %dma_wait3A_734] : memref<8x4x8x128xf32, #tpu.memory_space<vmem>> -> memref<1x4x8x128xf32, #tpu.memory_space<vmem>>
      %dma_wait3A_736 = tpu.memref_squeeze %dma_wait3A_735 : memref<1x4x8x128xf32, #tpu.memory_space<vmem>> -> memref<4x8x128xf32, #tpu.memory_space<vmem>>
      %dma_wait3A_737 = arith.constant 0 : i32
      %dma_wait3A_738 = arith.constant 0 : i32
      %dma_wait3A_739 = tpu.memref_slice %arg4[%dma_wait3A_737, %dma_wait3A_738, %multiple_of3A_359] : memref<4x8x1000000xf32, #tpu.memory_space<hbm>> -> memref<4x8x128xf32, #tpu.memory_space<hbm>>
      tpu.wait_dma2 semaphore(%arg16 : memref<!tpu.dma_semaphore, #tpu.memory_space<semaphore_mem>>) src(%dma_wait3A_739 : memref<4x8x128xf32, #tpu.memory_space<hbm>>) dst(%dma_wait3A_736 : memref<4x8x128xf32, #tpu.memory_space<vmem>>)
      %dma_wait3A_740 = arith.constant 1 : i32
      %dma_wait3A_741 = arith.constant 0 : i32
      %dma_wait3A_742 = arith.constant 0 : i32
      %dma_wait3A_743 = arith.constant 0 : i32
      %dma_wait3A_744 = tpu.memref_slice %arg12[%dma_wait3A_740, %dma_wait3A_741, %dma_wait3A_742, %dma_wait3A_743] : memref<8x4x8x128xf32, #tpu.memory_space<vmem>> -> memref<1x4x8x128xf32, #tpu.memory_space<vmem>>
      %dma_wait3A_745 = tpu.memref_squeeze %dma_wait3A_744 : memref<1x4x8x128xf32, #tpu.memory_space<vmem>> -> memref<4x8x128xf32, #tpu.memory_space<vmem>>
      %dma_wait3A_746 = arith.constant 0 : i32
      %dma_wait3A_747 = arith.constant 0 : i32
      %dma_wait3A_748 = tpu.memref_slice %arg5[%dma_wait3A_746, %dma_wait3A_747, %multiple_of3A_366] : memref<4x8x1000000xf32, #tpu.memory_space<hbm>> -> memref<4x8x128xf32, #tpu.memory_space<hbm>>
      %dma_wait3A_749 = arith.constant 0 : i32
      %dma_wait3A_750 = arith.constant 0 : i32
      %dma_wait3A_751 = arith.constant 0 : i32
      %dma_wait3A_752 = tpu.memref_slice %arg12[%dma_wait3A_740, %dma_wait3A_749, %dma_wait3A_750, %dma_wait3A_751] : memref<8x4x8x128xf32, #tpu.memory_space<vmem>> -> memref<1x4x8x128xf32, #tpu.memory_space<vmem>>
      %dma_wait3A_753 = tpu.memref_squeeze %dma_wait3A_752 : memref<1x4x8x128xf32, #tpu.memory_space<vmem>> -> memref<4x8x128xf32, #tpu.memory_space<vmem>>
      %dma_wait3A_754 = arith.constant 0 : i32
      %dma_wait3A_755 = arith.constant 0 : i32
      %dma_wait3A_756 = tpu.memref_slice %arg5[%dma_wait3A_754, %dma_wait3A_755, %multiple_of3A_366] : memref<4x8x1000000xf32, #tpu.memory_space<hbm>> -> memref<4x8x128xf32, #tpu.memory_space<hbm>>
      tpu.wait_dma2 semaphore(%arg16 : memref<!tpu.dma_semaphore, #tpu.memory_space<semaphore_mem>>) src(%dma_wait3A_756 : memref<4x8x128xf32, #tpu.memory_space<hbm>>) dst(%dma_wait3A_753 : memref<4x8x128xf32, #tpu.memory_space<vmem>>)
      %dma_wait3A_757 = arith.constant 2 : i32
      %dma_wait3A_758 = arith.constant 0 : i32
      %dma_wait3A_759 = arith.constant 0 : i32
      %dma_wait3A_760 = arith.constant 0 : i32
      %dma_wait3A_761 = tpu.memref_slice %arg11[%dma_wait3A_757, %dma_wait3A_758, %dma_wait3A_759, %dma_wait3A_760] : memref<8x4x8x128xf32, #tpu.memory_space<vmem>> -> memref<1x4x8x128xf32, #tpu.memory_space<vmem>>
      %dma_wait3A_762 = tpu.memref_squeeze %dma_wait3A_761 : memref<1x4x8x128xf32, #tpu.memory_space<vmem>> -> memref<4x8x128xf32, #tpu.memory_space<vmem>>
      %dma_wait3A_763 = arith.constant 0 : i32
      %dma_wait3A_764 = arith.constant 0 : i32
      %dma_wait3A_765 = tpu.memref_slice %arg4[%dma_wait3A_763, %dma_wait3A_764, %multiple_of3A_407] : memref<4x8x1000000xf32, #tpu.memory_space<hbm>> -> memref<4x8x128xf32, #tpu.memory_space<hbm>>
      %dma_wait3A_766 = arith.constant 0 : i32
      %dma_wait3A_767 = arith.constant 0 : i32
      %dma_wait3A_768 = arith.constant 0 : i32
      %dma_wait3A_769 = tpu.memref_slice %arg11[%dma_wait3A_757, %dma_wait3A_766, %dma_wait3A_767, %dma_wait3A_768] : memref<8x4x8x128xf32, #tpu.memory_space<vmem>> -> memref<1x4x8x128xf32, #tpu.memory_space<vmem>>
      %dma_wait3A_770 = tpu.memref_squeeze %dma_wait3A_769 : memref<1x4x8x128xf32, #tpu.memory_space<vmem>> -> memref<4x8x128xf32, #tpu.memory_space<vmem>>
      %dma_wait3A_771 = arith.constant 0 : i32
      %dma_wait3A_772 = arith.constant 0 : i32
      %dma_wait3A_773 = tpu.memref_slice %arg4[%dma_wait3A_771, %dma_wait3A_772, %multiple_of3A_407] : memref<4x8x1000000xf32, #tpu.memory_space<hbm>> -> memref<4x8x128xf32, #tpu.memory_space<hbm>>
      tpu.wait_dma2 semaphore(%arg16 : memref<!tpu.dma_semaphore, #tpu.memory_space<semaphore_mem>>) src(%dma_wait3A_773 : memref<4x8x128xf32, #tpu.memory_space<hbm>>) dst(%dma_wait3A_770 : memref<4x8x128xf32, #tpu.memory_space<vmem>>)
      %dma_wait3A_774 = arith.constant 2 : i32
      %dma_wait3A_775 = arith.constant 0 : i32
      %dma_wait3A_776 = arith.constant 0 : i32
      %dma_wait3A_777 = arith.constant 0 : i32
      %dma_wait3A_778 = tpu.memref_slice %arg12[%dma_wait3A_774, %dma_wait3A_775, %dma_wait3A_776, %dma_wait3A_777] : memref<8x4x8x128xf32, #tpu.memory_space<vmem>> -> memref<1x4x8x128xf32, #tpu.memory_space<vmem>>
      %dma_wait3A_779 = tpu.memref_squeeze %dma_wait3A_778 : memref<1x4x8x128xf32, #tpu.memory_space<vmem>> -> memref<4x8x128xf32, #tpu.memory_space<vmem>>
      %dma_wait3A_780 = arith.constant 0 : i32
      %dma_wait3A_781 = arith.constant 0 : i32
      %dma_wait3A_782 = tpu.memref_slice %arg5[%dma_wait3A_780, %dma_wait3A_781, %multiple_of3A_414] : memref<4x8x1000000xf32, #tpu.memory_space<hbm>> -> memref<4x8x128xf32, #tpu.memory_space<hbm>>
      %dma_wait3A_783 = arith.constant 0 : i32
      %dma_wait3A_784 = arith.constant 0 : i32
      %dma_wait3A_785 = arith.constant 0 : i32
      %dma_wait3A_786 = tpu.memref_slice %arg12[%dma_wait3A_774, %dma_wait3A_783, %dma_wait3A_784, %dma_wait3A_785] : memref<8x4x8x128xf32, #tpu.memory_space<vmem>> -> memref<1x4x8x128xf32, #tpu.memory_space<vmem>>
      %dma_wait3A_787 = tpu.memref_squeeze %dma_wait3A_786 : memref<1x4x8x128xf32, #tpu.memory_space<vmem>> -> memref<4x8x128xf32, #tpu.memory_space<vmem>>
      %dma_wait3A_788 = arith.constant 0 : i32
      %dma_wait3A_789 = arith.constant 0 : i32
      %dma_wait3A_790 = tpu.memref_slice %arg5[%dma_wait3A_788, %dma_wait3A_789, %multiple_of3A_414] : memref<4x8x1000000xf32, #tpu.memory_space<hbm>> -> memref<4x8x128xf32, #tpu.memory_space<hbm>>
      tpu.wait_dma2 semaphore(%arg16 : memref<!tpu.dma_semaphore, #tpu.memory_space<semaphore_mem>>) src(%dma_wait3A_790 : memref<4x8x128xf32, #tpu.memory_space<hbm>>) dst(%dma_wait3A_787 : memref<4x8x128xf32, #tpu.memory_space<vmem>>)
      %dma_wait3A_791 = arith.constant 3 : i32
      %dma_wait3A_792 = arith.constant 0 : i32
      %dma_wait3A_793 = arith.constant 0 : i32
      %dma_wait3A_794 = arith.constant 0 : i32
      %dma_wait3A_795 = tpu.memref_slice %arg11[%dma_wait3A_791, %dma_wait3A_792, %dma_wait3A_793, %dma_wait3A_794] : memref<8x4x8x128xf32, #tpu.memory_space<vmem>> -> memref<1x4x8x128xf32, #tpu.memory_space<vmem>>
      %dma_wait3A_796 = tpu.memref_squeeze %dma_wait3A_795 : memref<1x4x8x128xf32, #tpu.memory_space<vmem>> -> memref<4x8x128xf32, #tpu.memory_space<vmem>>
      %dma_wait3A_797 = arith.constant 0 : i32
      %dma_wait3A_798 = arith.constant 0 : i32
      %dma_wait3A_799 = tpu.memref_slice %arg4[%dma_wait3A_797, %dma_wait3A_798, %multiple_of3A_455] : memref<4x8x1000000xf32, #tpu.memory_space<hbm>> -> memref<4x8x128xf32, #tpu.memory_space<hbm>>
      %dma_wait3A_800 = arith.constant 0 : i32
      %dma_wait3A_801 = arith.constant 0 : i32
      %dma_wait3A_802 = arith.constant 0 : i32
      %dma_wait3A_803 = tpu.memref_slice %arg11[%dma_wait3A_791, %dma_wait3A_800, %dma_wait3A_801, %dma_wait3A_802] : memref<8x4x8x128xf32, #tpu.memory_space<vmem>> -> memref<1x4x8x128xf32, #tpu.memory_space<vmem>>
      %dma_wait3A_804 = tpu.memref_squeeze %dma_wait3A_803 : memref<1x4x8x128xf32, #tpu.memory_space<vmem>> -> memref<4x8x128xf32, #tpu.memory_space<vmem>>
      %dma_wait3A_805 = arith.constant 0 : i32
      %dma_wait3A_806 = arith.constant 0 : i32
      %dma_wait3A_807 = tpu.memref_slice %arg4[%dma_wait3A_805, %dma_wait3A_806, %multiple_of3A_455] : memref<4x8x1000000xf32, #tpu.memory_space<hbm>> -> memref<4x8x128xf32, #tpu.memory_space<hbm>>
      tpu.wait_dma2 semaphore(%arg16 : memref<!tpu.dma_semaphore, #tpu.memory_space<semaphore_mem>>) src(%dma_wait3A_807 : memref<4x8x128xf32, #tpu.memory_space<hbm>>) dst(%dma_wait3A_804 : memref<4x8x128xf32, #tpu.memory_space<vmem>>)
      %dma_wait3A_808 = arith.constant 3 : i32
      %dma_wait3A_809 = arith.constant 0 : i32
      %dma_wait3A_810 = arith.constant 0 : i32
      %dma_wait3A_811 = arith.constant 0 : i32
      %dma_wait3A_812 = tpu.memref_slice %arg12[%dma_wait3A_808, %dma_wait3A_809, %dma_wait3A_810, %dma_wait3A_811] : memref<8x4x8x128xf32, #tpu.memory_space<vmem>> -> memref<1x4x8x128xf32, #tpu.memory_space<vmem>>
      %dma_wait3A_813 = tpu.memref_squeeze %dma_wait3A_812 : memref<1x4x8x128xf32, #tpu.memory_space<vmem>> -> memref<4x8x128xf32, #tpu.memory_space<vmem>>
      %dma_wait3A_814 = arith.constant 0 : i32
      %dma_wait3A_815 = arith.constant 0 : i32
      %dma_wait3A_816 = tpu.memref_slice %arg5[%dma_wait3A_814, %dma_wait3A_815, %multiple_of3A_462] : memref<4x8x1000000xf32, #tpu.memory_space<hbm>> -> memref<4x8x128xf32, #tpu.memory_space<hbm>>
      %dma_wait3A_817 = arith.constant 0 : i32
      %dma_wait3A_818 = arith.constant 0 : i32
      %dma_wait3A_819 = arith.constant 0 : i32
      %dma_wait3A_820 = tpu.memref_slice %arg12[%dma_wait3A_808, %dma_wait3A_817, %dma_wait3A_818, %dma_wait3A_819] : memref<8x4x8x128xf32, #tpu.memory_space<vmem>> -> memref<1x4x8x128xf32, #tpu.memory_space<vmem>>
      %dma_wait3A_821 = tpu.memref_squeeze %dma_wait3A_820 : memref<1x4x8x128xf32, #tpu.memory_space<vmem>> -> memref<4x8x128xf32, #tpu.memory_space<vmem>>
      %dma_wait3A_822 = arith.constant 0 : i32
      %dma_wait3A_823 = arith.constant 0 : i32
      %dma_wait3A_824 = tpu.memref_slice %arg5[%dma_wait3A_822, %dma_wait3A_823, %multiple_of3A_462] : memref<4x8x1000000xf32, #tpu.memory_space<hbm>> -> memref<4x8x128xf32, #tpu.memory_space<hbm>>
      tpu.wait_dma2 semaphore(%arg16 : memref<!tpu.dma_semaphore, #tpu.memory_space<semaphore_mem>>) src(%dma_wait3A_824 : memref<4x8x128xf32, #tpu.memory_space<hbm>>) dst(%dma_wait3A_821 : memref<4x8x128xf32, #tpu.memory_space<vmem>>)
      %dma_wait3A_825 = arith.constant 4 : i32
      %dma_wait3A_826 = arith.constant 0 : i32
      %dma_wait3A_827 = arith.constant 0 : i32
      %dma_wait3A_828 = arith.constant 0 : i32
      %dma_wait3A_829 = tpu.memref_slice %arg11[%dma_wait3A_825, %dma_wait3A_826, %dma_wait3A_827, %dma_wait3A_828] : memref<8x4x8x128xf32, #tpu.memory_space<vmem>> -> memref<1x4x8x128xf32, #tpu.memory_space<vmem>>
      %dma_wait3A_830 = tpu.memref_squeeze %dma_wait3A_829 : memref<1x4x8x128xf32, #tpu.memory_space<vmem>> -> memref<4x8x128xf32, #tpu.memory_space<vmem>>
      %dma_wait3A_831 = arith.constant 0 : i32
      %dma_wait3A_832 = arith.constant 0 : i32
      %dma_wait3A_833 = tpu.memref_slice %arg4[%dma_wait3A_831, %dma_wait3A_832, %multiple_of3A_503] : memref<4x8x1000000xf32, #tpu.memory_space<hbm>> -> memref<4x8x128xf32, #tpu.memory_space<hbm>>
      %dma_wait3A_834 = arith.constant 0 : i32
      %dma_wait3A_835 = arith.constant 0 : i32
      %dma_wait3A_836 = arith.constant 0 : i32
      %dma_wait3A_837 = tpu.memref_slice %arg11[%dma_wait3A_825, %dma_wait3A_834, %dma_wait3A_835, %dma_wait3A_836] : memref<8x4x8x128xf32, #tpu.memory_space<vmem>> -> memref<1x4x8x128xf32, #tpu.memory_space<vmem>>
      %dma_wait3A_838 = tpu.memref_squeeze %dma_wait3A_837 : memref<1x4x8x128xf32, #tpu.memory_space<vmem>> -> memref<4x8x128xf32, #tpu.memory_space<vmem>>
      %dma_wait3A_839 = arith.constant 0 : i32
      %dma_wait3A_840 = arith.constant 0 : i32
      %dma_wait3A_841 = tpu.memref_slice %arg4[%dma_wait3A_839, %dma_wait3A_840, %multiple_of3A_503] : memref<4x8x1000000xf32, #tpu.memory_space<hbm>> -> memref<4x8x128xf32, #tpu.memory_space<hbm>>
      tpu.wait_dma2 semaphore(%arg16 : memref<!tpu.dma_semaphore, #tpu.memory_space<semaphore_mem>>) src(%dma_wait3A_841 : memref<4x8x128xf32, #tpu.memory_space<hbm>>) dst(%dma_wait3A_838 : memref<4x8x128xf32, #tpu.memory_space<vmem>>)
      %dma_wait3A_842 = arith.constant 4 : i32
      %dma_wait3A_843 = arith.constant 0 : i32
      %dma_wait3A_844 = arith.constant 0 : i32
      %dma_wait3A_845 = arith.constant 0 : i32
      %dma_wait3A_846 = tpu.memref_slice %arg12[%dma_wait3A_842, %dma_wait3A_843, %dma_wait3A_844, %dma_wait3A_845] : memref<8x4x8x128xf32, #tpu.memory_space<vmem>> -> memref<1x4x8x128xf32, #tpu.memory_space<vmem>>
      %dma_wait3A_847 = tpu.memref_squeeze %dma_wait3A_846 : memref<1x4x8x128xf32, #tpu.memory_space<vmem>> -> memref<4x8x128xf32, #tpu.memory_space<vmem>>
      %dma_wait3A_848 = arith.constant 0 : i32
      %dma_wait3A_849 = arith.constant 0 : i32
      %dma_wait3A_850 = tpu.memref_slice %arg5[%dma_wait3A_848, %dma_wait3A_849, %multiple_of3A_510] : memref<4x8x1000000xf32, #tpu.memory_space<hbm>> -> memref<4x8x128xf32, #tpu.memory_space<hbm>>
      %dma_wait3A_851 = arith.constant 0 : i32
      %dma_wait3A_852 = arith.constant 0 : i32
      %dma_wait3A_853 = arith.constant 0 : i32
      %dma_wait3A_854 = tpu.memref_slice %arg12[%dma_wait3A_842, %dma_wait3A_851, %dma_wait3A_852, %dma_wait3A_853] : memref<8x4x8x128xf32, #tpu.memory_space<vmem>> -> memref<1x4x8x128xf32, #tpu.memory_space<vmem>>
      %dma_wait3A_855 = tpu.memref_squeeze %dma_wait3A_854 : memref<1x4x8x128xf32, #tpu.memory_space<vmem>> -> memref<4x8x128xf32, #tpu.memory_space<vmem>>
      %dma_wait3A_856 = arith.constant 0 : i32
      %dma_wait3A_857 = arith.constant 0 : i32
      %dma_wait3A_858 = tpu.memref_slice %arg5[%dma_wait3A_856, %dma_wait3A_857, %multiple_of3A_510] : memref<4x8x1000000xf32, #tpu.memory_space<hbm>> -> memref<4x8x128xf32, #tpu.memory_space<hbm>>
      tpu.wait_dma2 semaphore(%arg16 : memref<!tpu.dma_semaphore, #tpu.memory_space<semaphore_mem>>) src(%dma_wait3A_858 : memref<4x8x128xf32, #tpu.memory_space<hbm>>) dst(%dma_wait3A_855 : memref<4x8x128xf32, #tpu.memory_space<vmem>>)
      %dma_wait3A_859 = arith.constant 5 : i32
      %dma_wait3A_860 = arith.constant 0 : i32
      %dma_wait3A_861 = arith.constant 0 : i32
      %dma_wait3A_862 = arith.constant 0 : i32
      %dma_wait3A_863 = tpu.memref_slice %arg11[%dma_wait3A_859, %dma_wait3A_860, %dma_wait3A_861, %dma_wait3A_862] : memref<8x4x8x128xf32, #tpu.memory_space<vmem>> -> memref<1x4x8x128xf32, #tpu.memory_space<vmem>>
      %dma_wait3A_864 = tpu.memref_squeeze %dma_wait3A_863 : memref<1x4x8x128xf32, #tpu.memory_space<vmem>> -> memref<4x8x128xf32, #tpu.memory_space<vmem>>
      %dma_wait3A_865 = arith.constant 0 : i32
      %dma_wait3A_866 = arith.constant 0 : i32
      %dma_wait3A_867 = tpu.memref_slice %arg4[%dma_wait3A_865, %dma_wait3A_866, %multiple_of3A_551] : memref<4x8x1000000xf32, #tpu.memory_space<hbm>> -> memref<4x8x128xf32, #tpu.memory_space<hbm>>
      %dma_wait3A_868 = arith.constant 0 : i32
      %dma_wait3A_869 = arith.constant 0 : i32
      %dma_wait3A_870 = arith.constant 0 : i32
      %dma_wait3A_871 = tpu.memref_slice %arg11[%dma_wait3A_859, %dma_wait3A_868, %dma_wait3A_869, %dma_wait3A_870] : memref<8x4x8x128xf32, #tpu.memory_space<vmem>> -> memref<1x4x8x128xf32, #tpu.memory_space<vmem>>
      %dma_wait3A_872 = tpu.memref_squeeze %dma_wait3A_871 : memref<1x4x8x128xf32, #tpu.memory_space<vmem>> -> memref<4x8x128xf32, #tpu.memory_space<vmem>>
      %dma_wait3A_873 = arith.constant 0 : i32
      %dma_wait3A_874 = arith.constant 0 : i32
      %dma_wait3A_875 = tpu.memref_slice %arg4[%dma_wait3A_873, %dma_wait3A_874, %multiple_of3A_551] : memref<4x8x1000000xf32, #tpu.memory_space<hbm>> -> memref<4x8x128xf32, #tpu.memory_space<hbm>>
      tpu.wait_dma2 semaphore(%arg16 : memref<!tpu.dma_semaphore, #tpu.memory_space<semaphore_mem>>) src(%dma_wait3A_875 : memref<4x8x128xf32, #tpu.memory_space<hbm>>) dst(%dma_wait3A_872 : memref<4x8x128xf32, #tpu.memory_space<vmem>>)
      %dma_wait3A_876 = arith.constant 5 : i32
      %dma_wait3A_877 = arith.constant 0 : i32
      %dma_wait3A_878 = arith.constant 0 : i32
      %dma_wait3A_879 = arith.constant 0 : i32
      %dma_wait3A_880 = tpu.memref_slice %arg12[%dma_wait3A_876, %dma_wait3A_877, %dma_wait3A_878, %dma_wait3A_879] : memref<8x4x8x128xf32, #tpu.memory_space<vmem>> -> memref<1x4x8x128xf32, #tpu.memory_space<vmem>>
      %dma_wait3A_881 = tpu.memref_squeeze %dma_wait3A_880 : memref<1x4x8x128xf32, #tpu.memory_space<vmem>> -> memref<4x8x128xf32, #tpu.memory_space<vmem>>
      %dma_wait3A_882 = arith.constant 0 : i32
      %dma_wait3A_883 = arith.constant 0 : i32
      %dma_wait3A_884 = tpu.memref_slice %arg5[%dma_wait3A_882, %dma_wait3A_883, %multiple_of3A_558] : memref<4x8x1000000xf32, #tpu.memory_space<hbm>> -> memref<4x8x128xf32, #tpu.memory_space<hbm>>
      %dma_wait3A_885 = arith.constant 0 : i32
      %dma_wait3A_886 = arith.constant 0 : i32
      %dma_wait3A_887 = arith.constant 0 : i32
      %dma_wait3A_888 = tpu.memref_slice %arg12[%dma_wait3A_876, %dma_wait3A_885, %dma_wait3A_886, %dma_wait3A_887] : memref<8x4x8x128xf32, #tpu.memory_space<vmem>> -> memref<1x4x8x128xf32, #tpu.memory_space<vmem>>
      %dma_wait3A_889 = tpu.memref_squeeze %dma_wait3A_888 : memref<1x4x8x128xf32, #tpu.memory_space<vmem>> -> memref<4x8x128xf32, #tpu.memory_space<vmem>>
      %dma_wait3A_890 = arith.constant 0 : i32
      %dma_wait3A_891 = arith.constant 0 : i32
      %dma_wait3A_892 = tpu.memref_slice %arg5[%dma_wait3A_890, %dma_wait3A_891, %multiple_of3A_558] : memref<4x8x1000000xf32, #tpu.memory_space<hbm>> -> memref<4x8x128xf32, #tpu.memory_space<hbm>>
      tpu.wait_dma2 semaphore(%arg16 : memref<!tpu.dma_semaphore, #tpu.memory_space<semaphore_mem>>) src(%dma_wait3A_892 : memref<4x8x128xf32, #tpu.memory_space<hbm>>) dst(%dma_wait3A_889 : memref<4x8x128xf32, #tpu.memory_space<vmem>>)
      %dma_wait3A_893 = arith.constant 6 : i32
      %dma_wait3A_894 = arith.constant 0 : i32
      %dma_wait3A_895 = arith.constant 0 : i32
      %dma_wait3A_896 = arith.constant 0 : i32
      %dma_wait3A_897 = tpu.memref_slice %arg11[%dma_wait3A_893, %dma_wait3A_894, %dma_wait3A_895, %dma_wait3A_896] : memref<8x4x8x128xf32, #tpu.memory_space<vmem>> -> memref<1x4x8x128xf32, #tpu.memory_space<vmem>>
      %dma_wait3A_898 = tpu.memref_squeeze %dma_wait3A_897 : memref<1x4x8x128xf32, #tpu.memory_space<vmem>> -> memref<4x8x128xf32, #tpu.memory_space<vmem>>
      %dma_wait3A_899 = arith.constant 0 : i32
      %dma_wait3A_900 = arith.constant 0 : i32
      %dma_wait3A_901 = tpu.memref_slice %arg4[%dma_wait3A_899, %dma_wait3A_900, %multiple_of3A_599] : memref<4x8x1000000xf32, #tpu.memory_space<hbm>> -> memref<4x8x128xf32, #tpu.memory_space<hbm>>
      %dma_wait3A_902 = arith.constant 0 : i32
      %dma_wait3A_903 = arith.constant 0 : i32
      %dma_wait3A_904 = arith.constant 0 : i32
      %dma_wait3A_905 = tpu.memref_slice %arg11[%dma_wait3A_893, %dma_wait3A_902, %dma_wait3A_903, %dma_wait3A_904] : memref<8x4x8x128xf32, #tpu.memory_space<vmem>> -> memref<1x4x8x128xf32, #tpu.memory_space<vmem>>
      %dma_wait3A_906 = tpu.memref_squeeze %dma_wait3A_905 : memref<1x4x8x128xf32, #tpu.memory_space<vmem>> -> memref<4x8x128xf32, #tpu.memory_space<vmem>>
      %dma_wait3A_907 = arith.constant 0 : i32
      %dma_wait3A_908 = arith.constant 0 : i32
      %dma_wait3A_909 = tpu.memref_slice %arg4[%dma_wait3A_907, %dma_wait3A_908, %multiple_of3A_599] : memref<4x8x1000000xf32, #tpu.memory_space<hbm>> -> memref<4x8x128xf32, #tpu.memory_space<hbm>>
      tpu.wait_dma2 semaphore(%arg16 : memref<!tpu.dma_semaphore, #tpu.memory_space<semaphore_mem>>) src(%dma_wait3A_909 : memref<4x8x128xf32, #tpu.memory_space<hbm>>) dst(%dma_wait3A_906 : memref<4x8x128xf32, #tpu.memory_space<vmem>>)
      %dma_wait3A_910 = arith.constant 6 : i32
      %dma_wait3A_911 = arith.constant 0 : i32
      %dma_wait3A_912 = arith.constant 0 : i32
      %dma_wait3A_913 = arith.constant 0 : i32
      %dma_wait3A_914 = tpu.memref_slice %arg12[%dma_wait3A_910, %dma_wait3A_911, %dma_wait3A_912, %dma_wait3A_913] : memref<8x4x8x128xf32, #tpu.memory_space<vmem>> -> memref<1x4x8x128xf32, #tpu.memory_space<vmem>>
      %dma_wait3A_915 = tpu.memref_squeeze %dma_wait3A_914 : memref<1x4x8x128xf32, #tpu.memory_space<vmem>> -> memref<4x8x128xf32, #tpu.memory_space<vmem>>
      %dma_wait3A_916 = arith.constant 0 : i32
      %dma_wait3A_917 = arith.constant 0 : i32
      %dma_wait3A_918 = tpu.memref_slice %arg5[%dma_wait3A_916, %dma_wait3A_917, %multiple_of3A_606] : memref<4x8x1000000xf32, #tpu.memory_space<hbm>> -> memref<4x8x128xf32, #tpu.memory_space<hbm>>
      %dma_wait3A_919 = arith.constant 0 : i32
      %dma_wait3A_920 = arith.constant 0 : i32
      %dma_wait3A_921 = arith.constant 0 : i32
      %dma_wait3A_922 = tpu.memref_slice %arg12[%dma_wait3A_910, %dma_wait3A_919, %dma_wait3A_920, %dma_wait3A_921] : memref<8x4x8x128xf32, #tpu.memory_space<vmem>> -> memref<1x4x8x128xf32, #tpu.memory_space<vmem>>
      %dma_wait3A_923 = tpu.memref_squeeze %dma_wait3A_922 : memref<1x4x8x128xf32, #tpu.memory_space<vmem>> -> memref<4x8x128xf32, #tpu.memory_space<vmem>>
      %dma_wait3A_924 = arith.constant 0 : i32
      %dma_wait3A_925 = arith.constant 0 : i32
      %dma_wait3A_926 = tpu.memref_slice %arg5[%dma_wait3A_924, %dma_wait3A_925, %multiple_of3A_606] : memref<4x8x1000000xf32, #tpu.memory_space<hbm>> -> memref<4x8x128xf32, #tpu.memory_space<hbm>>
      tpu.wait_dma2 semaphore(%arg16 : memref<!tpu.dma_semaphore, #tpu.memory_space<semaphore_mem>>) src(%dma_wait3A_926 : memref<4x8x128xf32, #tpu.memory_space<hbm>>) dst(%dma_wait3A_923 : memref<4x8x128xf32, #tpu.memory_space<vmem>>)
      %dma_wait3A_927 = arith.constant 7 : i32
      %dma_wait3A_928 = arith.constant 0 : i32
      %dma_wait3A_929 = arith.constant 0 : i32
      %dma_wait3A_930 = arith.constant 0 : i32
      %dma_wait3A_931 = tpu.memref_slice %arg11[%dma_wait3A_927, %dma_wait3A_928, %dma_wait3A_929, %dma_wait3A_930] : memref<8x4x8x128xf32, #tpu.memory_space<vmem>> -> memref<1x4x8x128xf32, #tpu.memory_space<vmem>>
      %dma_wait3A_932 = tpu.memref_squeeze %dma_wait3A_931 : memref<1x4x8x128xf32, #tpu.memory_space<vmem>> -> memref<4x8x128xf32, #tpu.memory_space<vmem>>
      %dma_wait3A_933 = arith.constant 0 : i32
      %dma_wait3A_934 = arith.constant 0 : i32
      %dma_wait3A_935 = tpu.memref_slice %arg4[%dma_wait3A_933, %dma_wait3A_934, %multiple_of3A_647] : memref<4x8x1000000xf32, #tpu.memory_space<hbm>> -> memref<4x8x128xf32, #tpu.memory_space<hbm>>
      %dma_wait3A_936 = arith.constant 0 : i32
      %dma_wait3A_937 = arith.constant 0 : i32
      %dma_wait3A_938 = arith.constant 0 : i32
      %dma_wait3A_939 = tpu.memref_slice %arg11[%dma_wait3A_927, %dma_wait3A_936, %dma_wait3A_937, %dma_wait3A_938] : memref<8x4x8x128xf32, #tpu.memory_space<vmem>> -> memref<1x4x8x128xf32, #tpu.memory_space<vmem>>
      %dma_wait3A_940 = tpu.memref_squeeze %dma_wait3A_939 : memref<1x4x8x128xf32, #tpu.memory_space<vmem>> -> memref<4x8x128xf32, #tpu.memory_space<vmem>>
      %dma_wait3A_941 = arith.constant 0 : i32
      %dma_wait3A_942 = arith.constant 0 : i32
      %dma_wait3A_943 = tpu.memref_slice %arg4[%dma_wait3A_941, %dma_wait3A_942, %multiple_of3A_647] : memref<4x8x1000000xf32, #tpu.memory_space<hbm>> -> memref<4x8x128xf32, #tpu.memory_space<hbm>>
      tpu.wait_dma2 semaphore(%arg16 : memref<!tpu.dma_semaphore, #tpu.memory_space<semaphore_mem>>) src(%dma_wait3A_943 : memref<4x8x128xf32, #tpu.memory_space<hbm>>) dst(%dma_wait3A_940 : memref<4x8x128xf32, #tpu.memory_space<vmem>>)
      %dma_wait3A_944 = arith.constant 7 : i32
      %dma_wait3A_945 = arith.constant 0 : i32
      %dma_wait3A_946 = arith.constant 0 : i32
      %dma_wait3A_947 = arith.constant 0 : i32
      %dma_wait3A_948 = tpu.memref_slice %arg12[%dma_wait3A_944, %dma_wait3A_945, %dma_wait3A_946, %dma_wait3A_947] : memref<8x4x8x128xf32, #tpu.memory_space<vmem>> -> memref<1x4x8x128xf32, #tpu.memory_space<vmem>>
      %dma_wait3A_949 = tpu.memref_squeeze %dma_wait3A_948 : memref<1x4x8x128xf32, #tpu.memory_space<vmem>> -> memref<4x8x128xf32, #tpu.memory_space<vmem>>
      %dma_wait3A_950 = arith.constant 0 : i32
      %dma_wait3A_951 = arith.constant 0 : i32
      %dma_wait3A_952 = tpu.memref_slice %arg5[%dma_wait3A_950, %dma_wait3A_951, %multiple_of3A_654] : memref<4x8x1000000xf32, #tpu.memory_space<hbm>> -> memref<4x8x128xf32, #tpu.memory_space<hbm>>
      %dma_wait3A_953 = arith.constant 0 : i32
      %dma_wait3A_954 = arith.constant 0 : i32
      %dma_wait3A_955 = arith.constant 0 : i32
      %dma_wait3A_956 = tpu.memref_slice %arg12[%dma_wait3A_944, %dma_wait3A_953, %dma_wait3A_954, %dma_wait3A_955] : memref<8x4x8x128xf32, #tpu.memory_space<vmem>> -> memref<1x4x8x128xf32, #tpu.memory_space<vmem>>
      %dma_wait3A_957 = tpu.memref_squeeze %dma_wait3A_956 : memref<1x4x8x128xf32, #tpu.memory_space<vmem>> -> memref<4x8x128xf32, #tpu.memory_space<vmem>>
      %dma_wait3A_958 = arith.constant 0 : i32
      %dma_wait3A_959 = arith.constant 0 : i32
      %dma_wait3A_960 = tpu.memref_slice %arg5[%dma_wait3A_958, %dma_wait3A_959, %multiple_of3A_654] : memref<4x8x1000000xf32, #tpu.memory_space<hbm>> -> memref<4x8x128xf32, #tpu.memory_space<hbm>>
      tpu.wait_dma2 semaphore(%arg16 : memref<!tpu.dma_semaphore, #tpu.memory_space<semaphore_mem>>) src(%dma_wait3A_960 : memref<4x8x128xf32, #tpu.memory_space<hbm>>) dst(%dma_wait3A_957 : memref<4x8x128xf32, #tpu.memory_space<vmem>>)
      %lt3A_961 = arith.constant 0 : i32
      %lt3A_962 = vector.broadcast %lt3A_961 : i32 to vector<16xi32>
      %lt3A_963 = arith.cmpi slt, %select_n3A_153, %lt3A_962 : vector<16xi32>
      %add3A_964 = arith.constant 16 : i32
      %add3A_965 = vector.broadcast %add3A_964 : i32 to vector<16xi32>
      %add3A_966 = arith.addi %select_n3A_153, %add3A_965 : vector<16xi32>
      %select_n3A_967 = arith.select %lt3A_963, %add3A_966, %select_n3A_153 : vector<16xi1>, vector<16xi32>
      %broadcast_in_dim3A = vector.shape_cast %select_n3A_967 : vector<16xi32> to vector<16x1xi32>
      %gather3A = vector.shape_cast %broadcast_in_dim3A : vector<16x1xi32> to vector<16xi32>
      %gather3A_968 = tpu.dynamic_gather %get3A_305[%gather3A] in [0] : vector<16xi32>, vector<16xi32> -> vector<16xi32>
      %and3A_969 = arith.constant 127 : i32
      %and3A_970 = vector.broadcast %and3A_969 : i32 to vector<16xi32>
      %and3A_971 = arith.andi %gather3A_968, %and3A_970 : vector<16xi32>
      %lt3A_972 = arith.constant 0 : i32
      %lt3A_973 = vector.broadcast %lt3A_972 : i32 to vector<16xi32>
      %lt3A_974 = arith.cmpi slt, %select_n3A_153, %lt3A_973 : vector<16xi32>
      %add3A_975 = arith.constant 16 : i32
      %add3A_976 = vector.broadcast %add3A_975 : i32 to vector<16xi32>
      %add3A_977 = arith.addi %select_n3A_153, %add3A_976 : vector<16xi32>
      %select_n3A_978 = arith.select %lt3A_974, %add3A_977, %select_n3A_153 : vector<16xi1>, vector<16xi32>
      %broadcast_in_dim3A_979 = vector.shape_cast %select_n3A_978 : vector<16xi32> to vector<16x1xi32>
      %gather3A_980 = vector.shape_cast %broadcast_in_dim3A_979 : vector<16x1xi32> to vector<16xi32>
      %gather3A_981 = tpu.dynamic_gather %get3A_308[%gather3A_980] in [0] : vector<16xi32>, vector<16xi32> -> vector<16xi32>
      %and3A_982 = arith.constant 127 : i32
      %and3A_983 = vector.broadcast %and3A_982 : i32 to vector<16xi32>
      %and3A_984 = arith.andi %gather3A_981, %and3A_983 : vector<16xi32>
      %broadcast_in_dim3A_985 = arith.constant 0.000000e+00 : f32
      %broadcast_in_dim3A_986 = vector.broadcast %broadcast_in_dim3A_985 : f32 to vector<16xf32>
      %mul3A_987 = arith.constant 16 : i32
      %mul3A_988 = vector.broadcast %mul3A_987 : i32 to vector<16xi32>
      %mul3A_989 = arith.muli %select_n3A, %mul3A_988 : vector<16xi32>
      %add3A_990 = arith.constant 0 : i32
      %add3A_991 = vector.broadcast %add3A_990 : i32 to vector<16xi32>
      %add3A_992 = arith.addi %add3A_991, %mul3A_989 : vector<16xi32>
      %jit3A_993 = arith.constant 8 : i32
      %div3A_994 = vector.broadcast %jit3A_993 : i32 to vector<16xi32>
      %div3A_995 = arith.divsi %add3A_992, %div3A_994 : vector<16xi32>
      %sign3A_996 = arith.constant 0 : i32
      %sign3A_997 = vector.broadcast %sign3A_996 : i32 to vector<16xi32>
      %sign3A_998 = arith.cmpi sgt, %add3A_992, %sign3A_997 : vector<16xi32>
      %sign3A_999 = arith.extui %sign3A_998 : vector<16xi1> to vector<16xi32>
      %sign3A_1000 = arith.constant 0 : i32
      %sign3A_1001 = vector.broadcast %sign3A_1000 : i32 to vector<16xi32>
      %sign3A_1002 = arith.cmpi slt, %add3A_992, %sign3A_1001 : vector<16xi32>
      %sign3A_1003 = arith.extui %sign3A_1002 : vector<16xi1> to vector<16xi32>
      %sign3A_1004 = arith.subi %sign3A_999, %sign3A_1003 : vector<16xi32>
      %sign3A_1005 = arith.constant 0 : i32
      %sign3A_1006 = arith.cmpi sgt, %jit3A_993, %sign3A_1005 : i32
      %sign3A_1007 = arith.extui %sign3A_1006 : i1 to i32
      %sign3A_1008 = arith.constant 0 : i32
      %sign3A_1009 = arith.cmpi slt, %jit3A_993, %sign3A_1008 : i32
      %sign3A_1010 = arith.extui %sign3A_1009 : i1 to i32
      %sign3A_1011 = arith.subi %sign3A_1007, %sign3A_1010 : i32
      %ne3A_1012 = vector.broadcast %sign3A_1011 : i32 to vector<16xi32>
      %ne3A_1013 = arith.cmpi ne, %sign3A_1004, %ne3A_1012 : vector<16xi32>
      %rem3A_1014 = vector.broadcast %jit3A_993 : i32 to vector<16xi32>
      %rem3A_1015 = arith.remsi %add3A_992, %rem3A_1014 : vector<16xi32>
      %ne3A_1016 = arith.constant 0 : i32
      %ne3A_1017 = vector.broadcast %ne3A_1016 : i32 to vector<16xi32>
      %ne3A_1018 = arith.cmpi ne, %rem3A_1015, %ne3A_1017 : vector<16xi32>
      %and3A_1019 = arith.andi %ne3A_1013, %ne3A_1018 : vector<16xi1>
      %sub3A_1020 = arith.constant 1 : i32
      %sub3A_1021 = vector.broadcast %sub3A_1020 : i32 to vector<16xi32>
      %sub3A_1022 = arith.subi %div3A_995, %sub3A_1021 : vector<16xi32>
      %select_n3A_1023 = arith.select %and3A_1019, %sub3A_1022, %div3A_995 : vector<16xi1>, vector<16xi32>
      %jit3A_1024 = arith.constant 8 : i32
      %eq3A_1025 = arith.constant 0 : i32
      %eq3A_1026 = arith.cmpi eq, %jit3A_1024, %eq3A_1025 : i32
      %jit3A_1027 = arith.constant 1 : i32
      %select_n3A_1028 = arith.select %eq3A_1026, %jit3A_1027, %jit3A_1024 : i32
      %rem3A_1029 = vector.broadcast %select_n3A_1028 : i32 to vector<16xi32>
      %rem3A_1030 = arith.remsi %add3A_992, %rem3A_1029 : vector<16xi32>
      %ne3A_1031 = arith.constant 0 : i32
      %ne3A_1032 = vector.broadcast %ne3A_1031 : i32 to vector<16xi32>
      %ne3A_1033 = arith.cmpi ne, %rem3A_1030, %ne3A_1032 : vector<16xi32>
      %lt3A_1034 = arith.constant 0 : i32
      %lt3A_1035 = vector.broadcast %lt3A_1034 : i32 to vector<16xi32>
      %lt3A_1036 = arith.cmpi slt, %rem3A_1030, %lt3A_1035 : vector<16xi32>
      %lt3A_1037 = arith.constant 0 : i32
      %lt3A_1038 = arith.cmpi slt, %select_n3A_1028, %lt3A_1037 : i32
      %ne3A_1039 = vector.broadcast %lt3A_1038 : i1 to vector<16xi1>
      %ne3A_1040 = vector.broadcast %ne3A_1039 : vector<16xi1> to vector<16xi1>
      %ne3A_1041 = arith.xori %lt3A_1036, %ne3A_1040 : vector<16xi1>
      %and3A_1042 = arith.andi %ne3A_1041, %ne3A_1033 : vector<16xi1>
      %add3A_1043 = vector.broadcast %select_n3A_1028 : i32 to vector<16xi32>
      %add3A_1044 = arith.addi %rem3A_1030, %add3A_1043 : vector<16xi32>
      %select_n3A_1045 = arith.select %and3A_1042, %add3A_1044, %rem3A_1030 : vector<16xi1>, vector<16xi32>
      %gather3A_1046 = tpu.vector_load_idx %arg11[%select_n3A_131, %select_n3A_1023, %select_n3A_1045, %and3A_971] : memref<8x4x8x128xf32, #tpu.memory_space<vmem>>[vector<16xi32>, vector<16xi32>, vector<16xi32>, vector<16xi32>], vector<16xf32>,
      %gather3A_1047 = tpu.vector_load_idx %arg12[%select_n3A_131, %select_n3A_1023, %select_n3A_1045, %and3A_984] : memref<8x4x8x128xf32, #tpu.memory_space<vmem>>[vector<16xi32>, vector<16xi32>, vector<16xi32>, vector<16xi32>], vector<16xf32>,
      %mul3A_1048 = arith.mulf %gather3A_1046, %gather3A_1047 : vector<16xf32>
      %add3A_1049 = arith.addf %broadcast_in_dim3A_986, %mul3A_1048 : vector<16xf32>
      %mul3A_1050 = arith.constant 16 : i32
      %mul3A_1051 = vector.broadcast %mul3A_1050 : i32 to vector<16xi32>
      %mul3A_1052 = arith.muli %select_n3A, %mul3A_1051 : vector<16xi32>
      %add3A_1053 = arith.constant 1 : i32
      %add3A_1054 = vector.broadcast %add3A_1053 : i32 to vector<16xi32>
      %add3A_1055 = arith.addi %add3A_1054, %mul3A_1052 : vector<16xi32>
      %jit3A_1056 = arith.constant 8 : i32
      %div3A_1057 = vector.broadcast %jit3A_1056 : i32 to vector<16xi32>
      %div3A_1058 = arith.divsi %add3A_1055, %div3A_1057 : vector<16xi32>
      %sign3A_1059 = arith.constant 0 : i32
      %sign3A_1060 = vector.broadcast %sign3A_1059 : i32 to vector<16xi32>
      %sign3A_1061 = arith.cmpi sgt, %add3A_1055, %sign3A_1060 : vector<16xi32>
      %sign3A_1062 = arith.extui %sign3A_1061 : vector<16xi1> to vector<16xi32>
      %sign3A_1063 = arith.constant 0 : i32
      %sign3A_1064 = vector.broadcast %sign3A_1063 : i32 to vector<16xi32>
      %sign3A_1065 = arith.cmpi slt, %add3A_1055, %sign3A_1064 : vector<16xi32>
      %sign3A_1066 = arith.extui %sign3A_1065 : vector<16xi1> to vector<16xi32>
      %sign3A_1067 = arith.subi %sign3A_1062, %sign3A_1066 : vector<16xi32>
      %sign3A_1068 = arith.constant 0 : i32
      %sign3A_1069 = arith.cmpi sgt, %jit3A_1056, %sign3A_1068 : i32
      %sign3A_1070 = arith.extui %sign3A_1069 : i1 to i32
      %sign3A_1071 = arith.constant 0 : i32
      %sign3A_1072 = arith.cmpi slt, %jit3A_1056, %sign3A_1071 : i32
      %sign3A_1073 = arith.extui %sign3A_1072 : i1 to i32
      %sign3A_1074 = arith.subi %sign3A_1070, %sign3A_1073 : i32
      %ne3A_1075 = vector.broadcast %sign3A_1074 : i32 to vector<16xi32>
      %ne3A_1076 = arith.cmpi ne, %sign3A_1067, %ne3A_1075 : vector<16xi32>
      %rem3A_1077 = vector.broadcast %jit3A_1056 : i32 to vector<16xi32>
      %rem3A_1078 = arith.remsi %add3A_1055, %rem3A_1077 : vector<16xi32>
      %ne3A_1079 = arith.constant 0 : i32
      %ne3A_1080 = vector.broadcast %ne3A_1079 : i32 to vector<16xi32>
      %ne3A_1081 = arith.cmpi ne, %rem3A_1078, %ne3A_1080 : vector<16xi32>
      %and3A_1082 = arith.andi %ne3A_1076, %ne3A_1081 : vector<16xi1>
      %sub3A_1083 = arith.constant 1 : i32
      %sub3A_1084 = vector.broadcast %sub3A_1083 : i32 to vector<16xi32>
      %sub3A_1085 = arith.subi %div3A_1058, %sub3A_1084 : vector<16xi32>
      %select_n3A_1086 = arith.select %and3A_1082, %sub3A_1085, %div3A_1058 : vector<16xi1>, vector<16xi32>
      %jit3A_1087 = arith.constant 8 : i32
      %eq3A_1088 = arith.constant 0 : i32
      %eq3A_1089 = arith.cmpi eq, %jit3A_1087, %eq3A_1088 : i32
      %jit3A_1090 = arith.constant 1 : i32
      %select_n3A_1091 = arith.select %eq3A_1089, %jit3A_1090, %jit3A_1087 : i32
      %rem3A_1092 = vector.broadcast %select_n3A_1091 : i32 to vector<16xi32>
      %rem3A_1093 = arith.remsi %add3A_1055, %rem3A_1092 : vector<16xi32>
      %ne3A_1094 = arith.constant 0 : i32
      %ne3A_1095 = vector.broadcast %ne3A_1094 : i32 to vector<16xi32>
      %ne3A_1096 = arith.cmpi ne, %rem3A_1093, %ne3A_1095 : vector<16xi32>
      %lt3A_1097 = arith.constant 0 : i32
      %lt3A_1098 = vector.broadcast %lt3A_1097 : i32 to vector<16xi32>
      %lt3A_1099 = arith.cmpi slt, %rem3A_1093, %lt3A_1098 : vector<16xi32>
      %lt3A_1100 = arith.constant 0 : i32
      %lt3A_1101 = arith.cmpi slt, %select_n3A_1091, %lt3A_1100 : i32
      %ne3A_1102 = vector.broadcast %lt3A_1101 : i1 to vector<16xi1>
      %ne3A_1103 = vector.broadcast %ne3A_1102 : vector<16xi1> to vector<16xi1>
      %ne3A_1104 = arith.xori %lt3A_1099, %ne3A_1103 : vector<16xi1>
      %and3A_1105 = arith.andi %ne3A_1104, %ne3A_1096 : vector<16xi1>
      %add3A_1106 = vector.broadcast %select_n3A_1091 : i32 to vector<16xi32>
      %add3A_1107 = arith.addi %rem3A_1093, %add3A_1106 : vector<16xi32>
      %select_n3A_1108 = arith.select %and3A_1105, %add3A_1107, %rem3A_1093 : vector<16xi1>, vector<16xi32>
      %gather3A_1109 = tpu.vector_load_idx %arg11[%select_n3A_131, %select_n3A_1086, %select_n3A_1108, %and3A_971] : memref<8x4x8x128xf32, #tpu.memory_space<vmem>>[vector<16xi32>, vector<16xi32>, vector<16xi32>, vector<16xi32>], vector<16xf32>,
      %gather3A_1110 = tpu.vector_load_idx %arg12[%select_n3A_131, %select_n3A_1086, %select_n3A_1108, %and3A_984] : memref<8x4x8x128xf32, #tpu.memory_space<vmem>>[vector<16xi32>, vector<16xi32>, vector<16xi32>, vector<16xi32>], vector<16xf32>,
      %mul3A_1111 = arith.mulf %gather3A_1109, %gather3A_1110 : vector<16xf32>
      %add3A_1112 = arith.addf %add3A_1049, %mul3A_1111 : vector<16xf32>
      %mul3A_1113 = arith.constant 16 : i32
      %mul3A_1114 = vector.broadcast %mul3A_1113 : i32 to vector<16xi32>
      %mul3A_1115 = arith.muli %select_n3A, %mul3A_1114 : vector<16xi32>
      %add3A_1116 = arith.constant 2 : i32
      %add3A_1117 = vector.broadcast %add3A_1116 : i32 to vector<16xi32>
      %add3A_1118 = arith.addi %add3A_1117, %mul3A_1115 : vector<16xi32>
      %jit3A_1119 = arith.constant 8 : i32
      %div3A_1120 = vector.broadcast %jit3A_1119 : i32 to vector<16xi32>
      %div3A_1121 = arith.divsi %add3A_1118, %div3A_1120 : vector<16xi32>
      %sign3A_1122 = arith.constant 0 : i32
      %sign3A_1123 = vector.broadcast %sign3A_1122 : i32 to vector<16xi32>
      %sign3A_1124 = arith.cmpi sgt, %add3A_1118, %sign3A_1123 : vector<16xi32>
      %sign3A_1125 = arith.extui %sign3A_1124 : vector<16xi1> to vector<16xi32>
      %sign3A_1126 = arith.constant 0 : i32
      %sign3A_1127 = vector.broadcast %sign3A_1126 : i32 to vector<16xi32>
      %sign3A_1128 = arith.cmpi slt, %add3A_1118, %sign3A_1127 : vector<16xi32>
      %sign3A_1129 = arith.extui %sign3A_1128 : vector<16xi1> to vector<16xi32>
      %sign3A_1130 = arith.subi %sign3A_1125, %sign3A_1129 : vector<16xi32>
      %sign3A_1131 = arith.constant 0 : i32
      %sign3A_1132 = arith.cmpi sgt, %jit3A_1119, %sign3A_1131 : i32
      %sign3A_1133 = arith.extui %sign3A_1132 : i1 to i32
      %sign3A_1134 = arith.constant 0 : i32
      %sign3A_1135 = arith.cmpi slt, %jit3A_1119, %sign3A_1134 : i32
      %sign3A_1136 = arith.extui %sign3A_1135 : i1 to i32
      %sign3A_1137 = arith.subi %sign3A_1133, %sign3A_1136 : i32
      %ne3A_1138 = vector.broadcast %sign3A_1137 : i32 to vector<16xi32>
      %ne3A_1139 = arith.cmpi ne, %sign3A_1130, %ne3A_1138 : vector<16xi32>
      %rem3A_1140 = vector.broadcast %jit3A_1119 : i32 to vector<16xi32>
      %rem3A_1141 = arith.remsi %add3A_1118, %rem3A_1140 : vector<16xi32>
      %ne3A_1142 = arith.constant 0 : i32
      %ne3A_1143 = vector.broadcast %ne3A_1142 : i32 to vector<16xi32>
      %ne3A_1144 = arith.cmpi ne, %rem3A_1141, %ne3A_1143 : vector<16xi32>
      %and3A_1145 = arith.andi %ne3A_1139, %ne3A_1144 : vector<16xi1>
      %sub3A_1146 = arith.constant 1 : i32
      %sub3A_1147 = vector.broadcast %sub3A_1146 : i32 to vector<16xi32>
      %sub3A_1148 = arith.subi %div3A_1121, %sub3A_1147 : vector<16xi32>
      %select_n3A_1149 = arith.select %and3A_1145, %sub3A_1148, %div3A_1121 : vector<16xi1>, vector<16xi32>
      %jit3A_1150 = arith.constant 8 : i32
      %eq3A_1151 = arith.constant 0 : i32
      %eq3A_1152 = arith.cmpi eq, %jit3A_1150, %eq3A_1151 : i32
      %jit3A_1153 = arith.constant 1 : i32
      %select_n3A_1154 = arith.select %eq3A_1152, %jit3A_1153, %jit3A_1150 : i32
      %rem3A_1155 = vector.broadcast %select_n3A_1154 : i32 to vector<16xi32>
      %rem3A_1156 = arith.remsi %add3A_1118, %rem3A_1155 : vector<16xi32>
      %ne3A_1157 = arith.constant 0 : i32
      %ne3A_1158 = vector.broadcast %ne3A_1157 : i32 to vector<16xi32>
      %ne3A_1159 = arith.cmpi ne, %rem3A_1156, %ne3A_1158 : vector<16xi32>
      %lt3A_1160 = arith.constant 0 : i32
      %lt3A_1161 = vector.broadcast %lt3A_1160 : i32 to vector<16xi32>
      %lt3A_1162 = arith.cmpi slt, %rem3A_1156, %lt3A_1161 : vector<16xi32>
      %lt3A_1163 = arith.constant 0 : i32
      %lt3A_1164 = arith.cmpi slt, %select_n3A_1154, %lt3A_1163 : i32
      %ne3A_1165 = vector.broadcast %lt3A_1164 : i1 to vector<16xi1>
      %ne3A_1166 = vector.broadcast %ne3A_1165 : vector<16xi1> to vector<16xi1>
      %ne3A_1167 = arith.xori %lt3A_1162, %ne3A_1166 : vector<16xi1>
      %and3A_1168 = arith.andi %ne3A_1167, %ne3A_1159 : vector<16xi1>
      %add3A_1169 = vector.broadcast %select_n3A_1154 : i32 to vector<16xi32>
      %add3A_1170 = arith.addi %rem3A_1156, %add3A_1169 : vector<16xi32>
      %select_n3A_1171 = arith.select %and3A_1168, %add3A_1170, %rem3A_1156 : vector<16xi1>, vector<16xi32>
      %gather3A_1172 = tpu.vector_load_idx %arg11[%select_n3A_131, %select_n3A_1149, %select_n3A_1171, %and3A_971] : memref<8x4x8x128xf32, #tpu.memory_space<vmem>>[vector<16xi32>, vector<16xi32>, vector<16xi32>, vector<16xi32>], vector<16xf32>,
      %gather3A_1173 = tpu.vector_load_idx %arg12[%select_n3A_131, %select_n3A_1149, %select_n3A_1171, %and3A_984] : memref<8x4x8x128xf32, #tpu.memory_space<vmem>>[vector<16xi32>, vector<16xi32>, vector<16xi32>, vector<16xi32>], vector<16xf32>,
      %mul3A_1174 = arith.mulf %gather3A_1172, %gather3A_1173 : vector<16xf32>
      %add3A_1175 = arith.addf %add3A_1112, %mul3A_1174 : vector<16xf32>
      %mul3A_1176 = arith.constant 16 : i32
      %mul3A_1177 = vector.broadcast %mul3A_1176 : i32 to vector<16xi32>
      %mul3A_1178 = arith.muli %select_n3A, %mul3A_1177 : vector<16xi32>
      %add3A_1179 = arith.constant 3 : i32
      %add3A_1180 = vector.broadcast %add3A_1179 : i32 to vector<16xi32>
      %add3A_1181 = arith.addi %add3A_1180, %mul3A_1178 : vector<16xi32>
      %jit3A_1182 = arith.constant 8 : i32
      %div3A_1183 = vector.broadcast %jit3A_1182 : i32 to vector<16xi32>
      %div3A_1184 = arith.divsi %add3A_1181, %div3A_1183 : vector<16xi32>
      %sign3A_1185 = arith.constant 0 : i32
      %sign3A_1186 = vector.broadcast %sign3A_1185 : i32 to vector<16xi32>
      %sign3A_1187 = arith.cmpi sgt, %add3A_1181, %sign3A_1186 : vector<16xi32>
      %sign3A_1188 = arith.extui %sign3A_1187 : vector<16xi1> to vector<16xi32>
      %sign3A_1189 = arith.constant 0 : i32
      %sign3A_1190 = vector.broadcast %sign3A_1189 : i32 to vector<16xi32>
      %sign3A_1191 = arith.cmpi slt, %add3A_1181, %sign3A_1190 : vector<16xi32>
      %sign3A_1192 = arith.extui %sign3A_1191 : vector<16xi1> to vector<16xi32>
      %sign3A_1193 = arith.subi %sign3A_1188, %sign3A_1192 : vector<16xi32>
      %sign3A_1194 = arith.constant 0 : i32
      %sign3A_1195 = arith.cmpi sgt, %jit3A_1182, %sign3A_1194 : i32
      %sign3A_1196 = arith.extui %sign3A_1195 : i1 to i32
      %sign3A_1197 = arith.constant 0 : i32
      %sign3A_1198 = arith.cmpi slt, %jit3A_1182, %sign3A_1197 : i32
      %sign3A_1199 = arith.extui %sign3A_1198 : i1 to i32
      %sign3A_1200 = arith.subi %sign3A_1196, %sign3A_1199 : i32
      %ne3A_1201 = vector.broadcast %sign3A_1200 : i32 to vector<16xi32>
      %ne3A_1202 = arith.cmpi ne, %sign3A_1193, %ne3A_1201 : vector<16xi32>
      %rem3A_1203 = vector.broadcast %jit3A_1182 : i32 to vector<16xi32>
      %rem3A_1204 = arith.remsi %add3A_1181, %rem3A_1203 : vector<16xi32>
      %ne3A_1205 = arith.constant 0 : i32
      %ne3A_1206 = vector.broadcast %ne3A_1205 : i32 to vector<16xi32>
      %ne3A_1207 = arith.cmpi ne, %rem3A_1204, %ne3A_1206 : vector<16xi32>
      %and3A_1208 = arith.andi %ne3A_1202, %ne3A_1207 : vector<16xi1>
      %sub3A_1209 = arith.constant 1 : i32
      %sub3A_1210 = vector.broadcast %sub3A_1209 : i32 to vector<16xi32>
      %sub3A_1211 = arith.subi %div3A_1184, %sub3A_1210 : vector<16xi32>
      %select_n3A_1212 = arith.select %and3A_1208, %sub3A_1211, %div3A_1184 : vector<16xi1>, vector<16xi32>
      %jit3A_1213 = arith.constant 8 : i32
      %eq3A_1214 = arith.constant 0 : i32
      %eq3A_1215 = arith.cmpi eq, %jit3A_1213, %eq3A_1214 : i32
      %jit3A_1216 = arith.constant 1 : i32
      %select_n3A_1217 = arith.select %eq3A_1215, %jit3A_1216, %jit3A_1213 : i32
      %rem3A_1218 = vector.broadcast %select_n3A_1217 : i32 to vector<16xi32>
      %rem3A_1219 = arith.remsi %add3A_1181, %rem3A_1218 : vector<16xi32>
      %ne3A_1220 = arith.constant 0 : i32
      %ne3A_1221 = vector.broadcast %ne3A_1220 : i32 to vector<16xi32>
      %ne3A_1222 = arith.cmpi ne, %rem3A_1219, %ne3A_1221 : vector<16xi32>
      %lt3A_1223 = arith.constant 0 : i32
      %lt3A_1224 = vector.broadcast %lt3A_1223 : i32 to vector<16xi32>
      %lt3A_1225 = arith.cmpi slt, %rem3A_1219, %lt3A_1224 : vector<16xi32>
      %lt3A_1226 = arith.constant 0 : i32
      %lt3A_1227 = arith.cmpi slt, %select_n3A_1217, %lt3A_1226 : i32
      %ne3A_1228 = vector.broadcast %lt3A_1227 : i1 to vector<16xi1>
      %ne3A_1229 = vector.broadcast %ne3A_1228 : vector<16xi1> to vector<16xi1>
      %ne3A_1230 = arith.xori %lt3A_1225, %ne3A_1229 : vector<16xi1>
      %and3A_1231 = arith.andi %ne3A_1230, %ne3A_1222 : vector<16xi1>
      %add3A_1232 = vector.broadcast %select_n3A_1217 : i32 to vector<16xi32>
      %add3A_1233 = arith.addi %rem3A_1219, %add3A_1232 : vector<16xi32>
      %select_n3A_1234 = arith.select %and3A_1231, %add3A_1233, %rem3A_1219 : vector<16xi1>, vector<16xi32>
      %gather3A_1235 = tpu.vector_load_idx %arg11[%select_n3A_131, %select_n3A_1212, %select_n3A_1234, %and3A_971] : memref<8x4x8x128xf32, #tpu.memory_space<vmem>>[vector<16xi32>, vector<16xi32>, vector<16xi32>, vector<16xi32>], vector<16xf32>,
      %gather3A_1236 = tpu.vector_load_idx %arg12[%select_n3A_131, %select_n3A_1212, %select_n3A_1234, %and3A_984] : memref<8x4x8x128xf32, #tpu.memory_space<vmem>>[vector<16xi32>, vector<16xi32>, vector<16xi32>, vector<16xi32>], vector<16xf32>,
      %mul3A_1237 = arith.mulf %gather3A_1235, %gather3A_1236 : vector<16xf32>
      %add3A_1238 = arith.addf %add3A_1175, %mul3A_1237 : vector<16xf32>
      %mul3A_1239 = arith.constant 16 : i32
      %mul3A_1240 = vector.broadcast %mul3A_1239 : i32 to vector<16xi32>
      %mul3A_1241 = arith.muli %select_n3A, %mul3A_1240 : vector<16xi32>
      %add3A_1242 = arith.constant 4 : i32
      %add3A_1243 = vector.broadcast %add3A_1242 : i32 to vector<16xi32>
      %add3A_1244 = arith.addi %add3A_1243, %mul3A_1241 : vector<16xi32>
      %jit3A_1245 = arith.constant 8 : i32
      %div3A_1246 = vector.broadcast %jit3A_1245 : i32 to vector<16xi32>
      %div3A_1247 = arith.divsi %add3A_1244, %div3A_1246 : vector<16xi32>
      %sign3A_1248 = arith.constant 0 : i32
      %sign3A_1249 = vector.broadcast %sign3A_1248 : i32 to vector<16xi32>
      %sign3A_1250 = arith.cmpi sgt, %add3A_1244, %sign3A_1249 : vector<16xi32>
      %sign3A_1251 = arith.extui %sign3A_1250 : vector<16xi1> to vector<16xi32>
      %sign3A_1252 = arith.constant 0 : i32
      %sign3A_1253 = vector.broadcast %sign3A_1252 : i32 to vector<16xi32>
      %sign3A_1254 = arith.cmpi slt, %add3A_1244, %sign3A_1253 : vector<16xi32>
      %sign3A_1255 = arith.extui %sign3A_1254 : vector<16xi1> to vector<16xi32>
      %sign3A_1256 = arith.subi %sign3A_1251, %sign3A_1255 : vector<16xi32>
      %sign3A_1257 = arith.constant 0 : i32
      %sign3A_1258 = arith.cmpi sgt, %jit3A_1245, %sign3A_1257 : i32
      %sign3A_1259 = arith.extui %sign3A_1258 : i1 to i32
      %sign3A_1260 = arith.constant 0 : i32
      %sign3A_1261 = arith.cmpi slt, %jit3A_1245, %sign3A_1260 : i32
      %sign3A_1262 = arith.extui %sign3A_1261 : i1 to i32
      %sign3A_1263 = arith.subi %sign3A_1259, %sign3A_1262 : i32
      %ne3A_1264 = vector.broadcast %sign3A_1263 : i32 to vector<16xi32>
      %ne3A_1265 = arith.cmpi ne, %sign3A_1256, %ne3A_1264 : vector<16xi32>
      %rem3A_1266 = vector.broadcast %jit3A_1245 : i32 to vector<16xi32>
      %rem3A_1267 = arith.remsi %add3A_1244, %rem3A_1266 : vector<16xi32>
      %ne3A_1268 = arith.constant 0 : i32
      %ne3A_1269 = vector.broadcast %ne3A_1268 : i32 to vector<16xi32>
      %ne3A_1270 = arith.cmpi ne, %rem3A_1267, %ne3A_1269 : vector<16xi32>
      %and3A_1271 = arith.andi %ne3A_1265, %ne3A_1270 : vector<16xi1>
      %sub3A_1272 = arith.constant 1 : i32
      %sub3A_1273 = vector.broadcast %sub3A_1272 : i32 to vector<16xi32>
      %sub3A_1274 = arith.subi %div3A_1247, %sub3A_1273 : vector<16xi32>
      %select_n3A_1275 = arith.select %and3A_1271, %sub3A_1274, %div3A_1247 : vector<16xi1>, vector<16xi32>
      %jit3A_1276 = arith.constant 8 : i32
      %eq3A_1277 = arith.constant 0 : i32
      %eq3A_1278 = arith.cmpi eq, %jit3A_1276, %eq3A_1277 : i32
      %jit3A_1279 = arith.constant 1 : i32
      %select_n3A_1280 = arith.select %eq3A_1278, %jit3A_1279, %jit3A_1276 : i32
      %rem3A_1281 = vector.broadcast %select_n3A_1280 : i32 to vector<16xi32>
      %rem3A_1282 = arith.remsi %add3A_1244, %rem3A_1281 : vector<16xi32>
      %ne3A_1283 = arith.constant 0 : i32
      %ne3A_1284 = vector.broadcast %ne3A_1283 : i32 to vector<16xi32>
      %ne3A_1285 = arith.cmpi ne, %rem3A_1282, %ne3A_1284 : vector<16xi32>
      %lt3A_1286 = arith.constant 0 : i32
      %lt3A_1287 = vector.broadcast %lt3A_1286 : i32 to vector<16xi32>
      %lt3A_1288 = arith.cmpi slt, %rem3A_1282, %lt3A_1287 : vector<16xi32>
      %lt3A_1289 = arith.constant 0 : i32
      %lt3A_1290 = arith.cmpi slt, %select_n3A_1280, %lt3A_1289 : i32
      %ne3A_1291 = vector.broadcast %lt3A_1290 : i1 to vector<16xi1>
      %ne3A_1292 = vector.broadcast %ne3A_1291 : vector<16xi1> to vector<16xi1>
      %ne3A_1293 = arith.xori %lt3A_1288, %ne3A_1292 : vector<16xi1>
      %and3A_1294 = arith.andi %ne3A_1293, %ne3A_1285 : vector<16xi1>
      %add3A_1295 = vector.broadcast %select_n3A_1280 : i32 to vector<16xi32>
      %add3A_1296 = arith.addi %rem3A_1282, %add3A_1295 : vector<16xi32>
      %select_n3A_1297 = arith.select %and3A_1294, %add3A_1296, %rem3A_1282 : vector<16xi1>, vector<16xi32>
      %gather3A_1298 = tpu.vector_load_idx %arg11[%select_n3A_131, %select_n3A_1275, %select_n3A_1297, %and3A_971] : memref<8x4x8x128xf32, #tpu.memory_space<vmem>>[vector<16xi32>, vector<16xi32>, vector<16xi32>, vector<16xi32>], vector<16xf32>,
      %gather3A_1299 = tpu.vector_load_idx %arg12[%select_n3A_131, %select_n3A_1275, %select_n3A_1297, %and3A_984] : memref<8x4x8x128xf32, #tpu.memory_space<vmem>>[vector<16xi32>, vector<16xi32>, vector<16xi32>, vector<16xi32>], vector<16xf32>,
      %mul3A_1300 = arith.mulf %gather3A_1298, %gather3A_1299 : vector<16xf32>
      %add3A_1301 = arith.addf %add3A_1238, %mul3A_1300 : vector<16xf32>
      %mul3A_1302 = arith.constant 16 : i32
      %mul3A_1303 = vector.broadcast %mul3A_1302 : i32 to vector<16xi32>
      %mul3A_1304 = arith.muli %select_n3A, %mul3A_1303 : vector<16xi32>
      %add3A_1305 = arith.constant 5 : i32
      %add3A_1306 = vector.broadcast %add3A_1305 : i32 to vector<16xi32>
      %add3A_1307 = arith.addi %add3A_1306, %mul3A_1304 : vector<16xi32>
      %jit3A_1308 = arith.constant 8 : i32
      %div3A_1309 = vector.broadcast %jit3A_1308 : i32 to vector<16xi32>
      %div3A_1310 = arith.divsi %add3A_1307, %div3A_1309 : vector<16xi32>
      %sign3A_1311 = arith.constant 0 : i32
      %sign3A_1312 = vector.broadcast %sign3A_1311 : i32 to vector<16xi32>
      %sign3A_1313 = arith.cmpi sgt, %add3A_1307, %sign3A_1312 : vector<16xi32>
      %sign3A_1314 = arith.extui %sign3A_1313 : vector<16xi1> to vector<16xi32>
      %sign3A_1315 = arith.constant 0 : i32
      %sign3A_1316 = vector.broadcast %sign3A_1315 : i32 to vector<16xi32>
      %sign3A_1317 = arith.cmpi slt, %add3A_1307, %sign3A_1316 : vector<16xi32>
      %sign3A_1318 = arith.extui %sign3A_1317 : vector<16xi1> to vector<16xi32>
      %sign3A_1319 = arith.subi %sign3A_1314, %sign3A_1318 : vector<16xi32>
      %sign3A_1320 = arith.constant 0 : i32
      %sign3A_1321 = arith.cmpi sgt, %jit3A_1308, %sign3A_1320 : i32
      %sign3A_1322 = arith.extui %sign3A_1321 : i1 to i32
      %sign3A_1323 = arith.constant 0 : i32
      %sign3A_1324 = arith.cmpi slt, %jit3A_1308, %sign3A_1323 : i32
      %sign3A_1325 = arith.extui %sign3A_1324 : i1 to i32
      %sign3A_1326 = arith.subi %sign3A_1322, %sign3A_1325 : i32
      %ne3A_1327 = vector.broadcast %sign3A_1326 : i32 to vector<16xi32>
      %ne3A_1328 = arith.cmpi ne, %sign3A_1319, %ne3A_1327 : vector<16xi32>
      %rem3A_1329 = vector.broadcast %jit3A_1308 : i32 to vector<16xi32>
      %rem3A_1330 = arith.remsi %add3A_1307, %rem3A_1329 : vector<16xi32>
      %ne3A_1331 = arith.constant 0 : i32
      %ne3A_1332 = vector.broadcast %ne3A_1331 : i32 to vector<16xi32>
      %ne3A_1333 = arith.cmpi ne, %rem3A_1330, %ne3A_1332 : vector<16xi32>
      %and3A_1334 = arith.andi %ne3A_1328, %ne3A_1333 : vector<16xi1>
      %sub3A_1335 = arith.constant 1 : i32
      %sub3A_1336 = vector.broadcast %sub3A_1335 : i32 to vector<16xi32>
      %sub3A_1337 = arith.subi %div3A_1310, %sub3A_1336 : vector<16xi32>
      %select_n3A_1338 = arith.select %and3A_1334, %sub3A_1337, %div3A_1310 : vector<16xi1>, vector<16xi32>
      %jit3A_1339 = arith.constant 8 : i32
      %eq3A_1340 = arith.constant 0 : i32
      %eq3A_1341 = arith.cmpi eq, %jit3A_1339, %eq3A_1340 : i32
      %jit3A_1342 = arith.constant 1 : i32
      %select_n3A_1343 = arith.select %eq3A_1341, %jit3A_1342, %jit3A_1339 : i32
      %rem3A_1344 = vector.broadcast %select_n3A_1343 : i32 to vector<16xi32>
      %rem3A_1345 = arith.remsi %add3A_1307, %rem3A_1344 : vector<16xi32>
      %ne3A_1346 = arith.constant 0 : i32
      %ne3A_1347 = vector.broadcast %ne3A_1346 : i32 to vector<16xi32>
      %ne3A_1348 = arith.cmpi ne, %rem3A_1345, %ne3A_1347 : vector<16xi32>
      %lt3A_1349 = arith.constant 0 : i32
      %lt3A_1350 = vector.broadcast %lt3A_1349 : i32 to vector<16xi32>
      %lt3A_1351 = arith.cmpi slt, %rem3A_1345, %lt3A_1350 : vector<16xi32>
      %lt3A_1352 = arith.constant 0 : i32
      %lt3A_1353 = arith.cmpi slt, %select_n3A_1343, %lt3A_1352 : i32
      %ne3A_1354 = vector.broadcast %lt3A_1353 : i1 to vector<16xi1>
      %ne3A_1355 = vector.broadcast %ne3A_1354 : vector<16xi1> to vector<16xi1>
      %ne3A_1356 = arith.xori %lt3A_1351, %ne3A_1355 : vector<16xi1>
      %and3A_1357 = arith.andi %ne3A_1356, %ne3A_1348 : vector<16xi1>
      %add3A_1358 = vector.broadcast %select_n3A_1343 : i32 to vector<16xi32>
      %add3A_1359 = arith.addi %rem3A_1345, %add3A_1358 : vector<16xi32>
      %select_n3A_1360 = arith.select %and3A_1357, %add3A_1359, %rem3A_1345 : vector<16xi1>, vector<16xi32>
      %gather3A_1361 = tpu.vector_load_idx %arg11[%select_n3A_131, %select_n3A_1338, %select_n3A_1360, %and3A_971] : memref<8x4x8x128xf32, #tpu.memory_space<vmem>>[vector<16xi32>, vector<16xi32>, vector<16xi32>, vector<16xi32>], vector<16xf32>,
      %gather3A_1362 = tpu.vector_load_idx %arg12[%select_n3A_131, %select_n3A_1338, %select_n3A_1360, %and3A_984] : memref<8x4x8x128xf32, #tpu.memory_space<vmem>>[vector<16xi32>, vector<16xi32>, vector<16xi32>, vector<16xi32>], vector<16xf32>,
      %mul3A_1363 = arith.mulf %gather3A_1361, %gather3A_1362 : vector<16xf32>
      %add3A_1364 = arith.addf %add3A_1301, %mul3A_1363 : vector<16xf32>
      %mul3A_1365 = arith.constant 16 : i32
      %mul3A_1366 = vector.broadcast %mul3A_1365 : i32 to vector<16xi32>
      %mul3A_1367 = arith.muli %select_n3A, %mul3A_1366 : vector<16xi32>
      %add3A_1368 = arith.constant 6 : i32
      %add3A_1369 = vector.broadcast %add3A_1368 : i32 to vector<16xi32>
      %add3A_1370 = arith.addi %add3A_1369, %mul3A_1367 : vector<16xi32>
      %jit3A_1371 = arith.constant 8 : i32
      %div3A_1372 = vector.broadcast %jit3A_1371 : i32 to vector<16xi32>
      %div3A_1373 = arith.divsi %add3A_1370, %div3A_1372 : vector<16xi32>
      %sign3A_1374 = arith.constant 0 : i32
      %sign3A_1375 = vector.broadcast %sign3A_1374 : i32 to vector<16xi32>
      %sign3A_1376 = arith.cmpi sgt, %add3A_1370, %sign3A_1375 : vector<16xi32>
      %sign3A_1377 = arith.extui %sign3A_1376 : vector<16xi1> to vector<16xi32>
      %sign3A_1378 = arith.constant 0 : i32
      %sign3A_1379 = vector.broadcast %sign3A_1378 : i32 to vector<16xi32>
      %sign3A_1380 = arith.cmpi slt, %add3A_1370, %sign3A_1379 : vector<16xi32>
      %sign3A_1381 = arith.extui %sign3A_1380 : vector<16xi1> to vector<16xi32>
      %sign3A_1382 = arith.subi %sign3A_1377, %sign3A_1381 : vector<16xi32>
      %sign3A_1383 = arith.constant 0 : i32
      %sign3A_1384 = arith.cmpi sgt, %jit3A_1371, %sign3A_1383 : i32
      %sign3A_1385 = arith.extui %sign3A_1384 : i1 to i32
      %sign3A_1386 = arith.constant 0 : i32
      %sign3A_1387 = arith.cmpi slt, %jit3A_1371, %sign3A_1386 : i32
      %sign3A_1388 = arith.extui %sign3A_1387 : i1 to i32
      %sign3A_1389 = arith.subi %sign3A_1385, %sign3A_1388 : i32
      %ne3A_1390 = vector.broadcast %sign3A_1389 : i32 to vector<16xi32>
      %ne3A_1391 = arith.cmpi ne, %sign3A_1382, %ne3A_1390 : vector<16xi32>
      %rem3A_1392 = vector.broadcast %jit3A_1371 : i32 to vector<16xi32>
      %rem3A_1393 = arith.remsi %add3A_1370, %rem3A_1392 : vector<16xi32>
      %ne3A_1394 = arith.constant 0 : i32
      %ne3A_1395 = vector.broadcast %ne3A_1394 : i32 to vector<16xi32>
      %ne3A_1396 = arith.cmpi ne, %rem3A_1393, %ne3A_1395 : vector<16xi32>
      %and3A_1397 = arith.andi %ne3A_1391, %ne3A_1396 : vector<16xi1>
      %sub3A_1398 = arith.constant 1 : i32
      %sub3A_1399 = vector.broadcast %sub3A_1398 : i32 to vector<16xi32>
      %sub3A_1400 = arith.subi %div3A_1373, %sub3A_1399 : vector<16xi32>
      %select_n3A_1401 = arith.select %and3A_1397, %sub3A_1400, %div3A_1373 : vector<16xi1>, vector<16xi32>
      %jit3A_1402 = arith.constant 8 : i32
      %eq3A_1403 = arith.constant 0 : i32
      %eq3A_1404 = arith.cmpi eq, %jit3A_1402, %eq3A_1403 : i32
      %jit3A_1405 = arith.constant 1 : i32
      %select_n3A_1406 = arith.select %eq3A_1404, %jit3A_1405, %jit3A_1402 : i32
      %rem3A_1407 = vector.broadcast %select_n3A_1406 : i32 to vector<16xi32>
      %rem3A_1408 = arith.remsi %add3A_1370, %rem3A_1407 : vector<16xi32>
      %ne3A_1409 = arith.constant 0 : i32
      %ne3A_1410 = vector.broadcast %ne3A_1409 : i32 to vector<16xi32>
      %ne3A_1411 = arith.cmpi ne, %rem3A_1408, %ne3A_1410 : vector<16xi32>
      %lt3A_1412 = arith.constant 0 : i32
      %lt3A_1413 = vector.broadcast %lt3A_1412 : i32 to vector<16xi32>
      %lt3A_1414 = arith.cmpi slt, %rem3A_1408, %lt3A_1413 : vector<16xi32>
      %lt3A_1415 = arith.constant 0 : i32
      %lt3A_1416 = arith.cmpi slt, %select_n3A_1406, %lt3A_1415 : i32
      %ne3A_1417 = vector.broadcast %lt3A_1416 : i1 to vector<16xi1>
      %ne3A_1418 = vector.broadcast %ne3A_1417 : vector<16xi1> to vector<16xi1>
      %ne3A_1419 = arith.xori %lt3A_1414, %ne3A_1418 : vector<16xi1>
      %and3A_1420 = arith.andi %ne3A_1419, %ne3A_1411 : vector<16xi1>
      %add3A_1421 = vector.broadcast %select_n3A_1406 : i32 to vector<16xi32>
      %add3A_1422 = arith.addi %rem3A_1408, %add3A_1421 : vector<16xi32>
      %select_n3A_1423 = arith.select %and3A_1420, %add3A_1422, %rem3A_1408 : vector<16xi1>, vector<16xi32>
      %gather3A_1424 = tpu.vector_load_idx %arg11[%select_n3A_131, %select_n3A_1401, %select_n3A_1423, %and3A_971] : memref<8x4x8x128xf32, #tpu.memory_space<vmem>>[vector<16xi32>, vector<16xi32>, vector<16xi32>, vector<16xi32>], vector<16xf32>,
      %gather3A_1425 = tpu.vector_load_idx %arg12[%select_n3A_131, %select_n3A_1401, %select_n3A_1423, %and3A_984] : memref<8x4x8x128xf32, #tpu.memory_space<vmem>>[vector<16xi32>, vector<16xi32>, vector<16xi32>, vector<16xi32>], vector<16xf32>,
      %mul3A_1426 = arith.mulf %gather3A_1424, %gather3A_1425 : vector<16xf32>
      %add3A_1427 = arith.addf %add3A_1364, %mul3A_1426 : vector<16xf32>
      %mul3A_1428 = arith.constant 16 : i32
      %mul3A_1429 = vector.broadcast %mul3A_1428 : i32 to vector<16xi32>
      %mul3A_1430 = arith.muli %select_n3A, %mul3A_1429 : vector<16xi32>
      %add3A_1431 = arith.constant 7 : i32
      %add3A_1432 = vector.broadcast %add3A_1431 : i32 to vector<16xi32>
      %add3A_1433 = arith.addi %add3A_1432, %mul3A_1430 : vector<16xi32>
      %jit3A_1434 = arith.constant 8 : i32
      %div3A_1435 = vector.broadcast %jit3A_1434 : i32 to vector<16xi32>
      %div3A_1436 = arith.divsi %add3A_1433, %div3A_1435 : vector<16xi32>
      %sign3A_1437 = arith.constant 0 : i32
      %sign3A_1438 = vector.broadcast %sign3A_1437 : i32 to vector<16xi32>
      %sign3A_1439 = arith.cmpi sgt, %add3A_1433, %sign3A_1438 : vector<16xi32>
      %sign3A_1440 = arith.extui %sign3A_1439 : vector<16xi1> to vector<16xi32>
      %sign3A_1441 = arith.constant 0 : i32
      %sign3A_1442 = vector.broadcast %sign3A_1441 : i32 to vector<16xi32>
      %sign3A_1443 = arith.cmpi slt, %add3A_1433, %sign3A_1442 : vector<16xi32>
      %sign3A_1444 = arith.extui %sign3A_1443 : vector<16xi1> to vector<16xi32>
      %sign3A_1445 = arith.subi %sign3A_1440, %sign3A_1444 : vector<16xi32>
      %sign3A_1446 = arith.constant 0 : i32
      %sign3A_1447 = arith.cmpi sgt, %jit3A_1434, %sign3A_1446 : i32
      %sign3A_1448 = arith.extui %sign3A_1447 : i1 to i32
      %sign3A_1449 = arith.constant 0 : i32
      %sign3A_1450 = arith.cmpi slt, %jit3A_1434, %sign3A_1449 : i32
      %sign3A_1451 = arith.extui %sign3A_1450 : i1 to i32
      %sign3A_1452 = arith.subi %sign3A_1448, %sign3A_1451 : i32
      %ne3A_1453 = vector.broadcast %sign3A_1452 : i32 to vector<16xi32>
      %ne3A_1454 = arith.cmpi ne, %sign3A_1445, %ne3A_1453 : vector<16xi32>
      %rem3A_1455 = vector.broadcast %jit3A_1434 : i32 to vector<16xi32>
      %rem3A_1456 = arith.remsi %add3A_1433, %rem3A_1455 : vector<16xi32>
      %ne3A_1457 = arith.constant 0 : i32
      %ne3A_1458 = vector.broadcast %ne3A_1457 : i32 to vector<16xi32>
      %ne3A_1459 = arith.cmpi ne, %rem3A_1456, %ne3A_1458 : vector<16xi32>
      %and3A_1460 = arith.andi %ne3A_1454, %ne3A_1459 : vector<16xi1>
      %sub3A_1461 = arith.constant 1 : i32
      %sub3A_1462 = vector.broadcast %sub3A_1461 : i32 to vector<16xi32>
      %sub3A_1463 = arith.subi %div3A_1436, %sub3A_1462 : vector<16xi32>
      %select_n3A_1464 = arith.select %and3A_1460, %sub3A_1463, %div3A_1436 : vector<16xi1>, vector<16xi32>
      %jit3A_1465 = arith.constant 8 : i32
      %eq3A_1466 = arith.constant 0 : i32
      %eq3A_1467 = arith.cmpi eq, %jit3A_1465, %eq3A_1466 : i32
      %jit3A_1468 = arith.constant 1 : i32
      %select_n3A_1469 = arith.select %eq3A_1467, %jit3A_1468, %jit3A_1465 : i32
      %rem3A_1470 = vector.broadcast %select_n3A_1469 : i32 to vector<16xi32>
      %rem3A_1471 = arith.remsi %add3A_1433, %rem3A_1470 : vector<16xi32>
      %ne3A_1472 = arith.constant 0 : i32
      %ne3A_1473 = vector.broadcast %ne3A_1472 : i32 to vector<16xi32>
      %ne3A_1474 = arith.cmpi ne, %rem3A_1471, %ne3A_1473 : vector<16xi32>
      %lt3A_1475 = arith.constant 0 : i32
      %lt3A_1476 = vector.broadcast %lt3A_1475 : i32 to vector<16xi32>
      %lt3A_1477 = arith.cmpi slt, %rem3A_1471, %lt3A_1476 : vector<16xi32>
      %lt3A_1478 = arith.constant 0 : i32
      %lt3A_1479 = arith.cmpi slt, %select_n3A_1469, %lt3A_1478 : i32
      %ne3A_1480 = vector.broadcast %lt3A_1479 : i1 to vector<16xi1>
      %ne3A_1481 = vector.broadcast %ne3A_1480 : vector<16xi1> to vector<16xi1>
      %ne3A_1482 = arith.xori %lt3A_1477, %ne3A_1481 : vector<16xi1>
      %and3A_1483 = arith.andi %ne3A_1482, %ne3A_1474 : vector<16xi1>
      %add3A_1484 = vector.broadcast %select_n3A_1469 : i32 to vector<16xi32>
      %add3A_1485 = arith.addi %rem3A_1471, %add3A_1484 : vector<16xi32>
      %select_n3A_1486 = arith.select %and3A_1483, %add3A_1485, %rem3A_1471 : vector<16xi1>, vector<16xi32>
      %gather3A_1487 = tpu.vector_load_idx %arg11[%select_n3A_131, %select_n3A_1464, %select_n3A_1486, %and3A_971] : memref<8x4x8x128xf32, #tpu.memory_space<vmem>>[vector<16xi32>, vector<16xi32>, vector<16xi32>, vector<16xi32>], vector<16xf32>,
      %gather3A_1488 = tpu.vector_load_idx %arg12[%select_n3A_131, %select_n3A_1464, %select_n3A_1486, %and3A_984] : memref<8x4x8x128xf32, #tpu.memory_space<vmem>>[vector<16xi32>, vector<16xi32>, vector<16xi32>, vector<16xi32>], vector<16xf32>,
      %mul3A_1489 = arith.mulf %gather3A_1487, %gather3A_1488 : vector<16xf32>
      %add3A_1490 = arith.addf %add3A_1427, %mul3A_1489 : vector<16xf32>
      %mul3A_1491 = arith.constant 16 : i32
      %mul3A_1492 = vector.broadcast %mul3A_1491 : i32 to vector<16xi32>
      %mul3A_1493 = arith.muli %select_n3A, %mul3A_1492 : vector<16xi32>
      %add3A_1494 = arith.constant 8 : i32
      %add3A_1495 = vector.broadcast %add3A_1494 : i32 to vector<16xi32>
      %add3A_1496 = arith.addi %add3A_1495, %mul3A_1493 : vector<16xi32>
      %jit3A_1497 = arith.constant 8 : i32
      %div3A_1498 = vector.broadcast %jit3A_1497 : i32 to vector<16xi32>
      %div3A_1499 = arith.divsi %add3A_1496, %div3A_1498 : vector<16xi32>
      %sign3A_1500 = arith.constant 0 : i32
      %sign3A_1501 = vector.broadcast %sign3A_1500 : i32 to vector<16xi32>
      %sign3A_1502 = arith.cmpi sgt, %add3A_1496, %sign3A_1501 : vector<16xi32>
      %sign3A_1503 = arith.extui %sign3A_1502 : vector<16xi1> to vector<16xi32>
      %sign3A_1504 = arith.constant 0 : i32
      %sign3A_1505 = vector.broadcast %sign3A_1504 : i32 to vector<16xi32>
      %sign3A_1506 = arith.cmpi slt, %add3A_1496, %sign3A_1505 : vector<16xi32>
      %sign3A_1507 = arith.extui %sign3A_1506 : vector<16xi1> to vector<16xi32>
      %sign3A_1508 = arith.subi %sign3A_1503, %sign3A_1507 : vector<16xi32>
      %sign3A_1509 = arith.constant 0 : i32
      %sign3A_1510 = arith.cmpi sgt, %jit3A_1497, %sign3A_1509 : i32
      %sign3A_1511 = arith.extui %sign3A_1510 : i1 to i32
      %sign3A_1512 = arith.constant 0 : i32
      %sign3A_1513 = arith.cmpi slt, %jit3A_1497, %sign3A_1512 : i32
      %sign3A_1514 = arith.extui %sign3A_1513 : i1 to i32
      %sign3A_1515 = arith.subi %sign3A_1511, %sign3A_1514 : i32
      %ne3A_1516 = vector.broadcast %sign3A_1515 : i32 to vector<16xi32>
      %ne3A_1517 = arith.cmpi ne, %sign3A_1508, %ne3A_1516 : vector<16xi32>
      %rem3A_1518 = vector.broadcast %jit3A_1497 : i32 to vector<16xi32>
      %rem3A_1519 = arith.remsi %add3A_1496, %rem3A_1518 : vector<16xi32>
      %ne3A_1520 = arith.constant 0 : i32
      %ne3A_1521 = vector.broadcast %ne3A_1520 : i32 to vector<16xi32>
      %ne3A_1522 = arith.cmpi ne, %rem3A_1519, %ne3A_1521 : vector<16xi32>
      %and3A_1523 = arith.andi %ne3A_1517, %ne3A_1522 : vector<16xi1>
      %sub3A_1524 = arith.constant 1 : i32
      %sub3A_1525 = vector.broadcast %sub3A_1524 : i32 to vector<16xi32>
      %sub3A_1526 = arith.subi %div3A_1499, %sub3A_1525 : vector<16xi32>
      %select_n3A_1527 = arith.select %and3A_1523, %sub3A_1526, %div3A_1499 : vector<16xi1>, vector<16xi32>
      %jit3A_1528 = arith.constant 8 : i32
      %eq3A_1529 = arith.constant 0 : i32
      %eq3A_1530 = arith.cmpi eq, %jit3A_1528, %eq3A_1529 : i32
      %jit3A_1531 = arith.constant 1 : i32
      %select_n3A_1532 = arith.select %eq3A_1530, %jit3A_1531, %jit3A_1528 : i32
      %rem3A_1533 = vector.broadcast %select_n3A_1532 : i32 to vector<16xi32>
      %rem3A_1534 = arith.remsi %add3A_1496, %rem3A_1533 : vector<16xi32>
      %ne3A_1535 = arith.constant 0 : i32
      %ne3A_1536 = vector.broadcast %ne3A_1535 : i32 to vector<16xi32>
      %ne3A_1537 = arith.cmpi ne, %rem3A_1534, %ne3A_1536 : vector<16xi32>
      %lt3A_1538 = arith.constant 0 : i32
      %lt3A_1539 = vector.broadcast %lt3A_1538 : i32 to vector<16xi32>
      %lt3A_1540 = arith.cmpi slt, %rem3A_1534, %lt3A_1539 : vector<16xi32>
      %lt3A_1541 = arith.constant 0 : i32
      %lt3A_1542 = arith.cmpi slt, %select_n3A_1532, %lt3A_1541 : i32
      %ne3A_1543 = vector.broadcast %lt3A_1542 : i1 to vector<16xi1>
      %ne3A_1544 = vector.broadcast %ne3A_1543 : vector<16xi1> to vector<16xi1>
      %ne3A_1545 = arith.xori %lt3A_1540, %ne3A_1544 : vector<16xi1>
      %and3A_1546 = arith.andi %ne3A_1545, %ne3A_1537 : vector<16xi1>
      %add3A_1547 = vector.broadcast %select_n3A_1532 : i32 to vector<16xi32>
      %add3A_1548 = arith.addi %rem3A_1534, %add3A_1547 : vector<16xi32>
      %select_n3A_1549 = arith.select %and3A_1546, %add3A_1548, %rem3A_1534 : vector<16xi1>, vector<16xi32>
      %gather3A_1550 = tpu.vector_load_idx %arg11[%select_n3A_131, %select_n3A_1527, %select_n3A_1549, %and3A_971] : memref<8x4x8x128xf32, #tpu.memory_space<vmem>>[vector<16xi32>, vector<16xi32>, vector<16xi32>, vector<16xi32>], vector<16xf32>,
      %gather3A_1551 = tpu.vector_load_idx %arg12[%select_n3A_131, %select_n3A_1527, %select_n3A_1549, %and3A_984] : memref<8x4x8x128xf32, #tpu.memory_space<vmem>>[vector<16xi32>, vector<16xi32>, vector<16xi32>, vector<16xi32>], vector<16xf32>,
      %mul3A_1552 = arith.mulf %gather3A_1550, %gather3A_1551 : vector<16xf32>
      %add3A_1553 = arith.addf %add3A_1490, %mul3A_1552 : vector<16xf32>
      %mul3A_1554 = arith.constant 16 : i32
      %mul3A_1555 = vector.broadcast %mul3A_1554 : i32 to vector<16xi32>
      %mul3A_1556 = arith.muli %select_n3A, %mul3A_1555 : vector<16xi32>
      %add3A_1557 = arith.constant 9 : i32
      %add3A_1558 = vector.broadcast %add3A_1557 : i32 to vector<16xi32>
      %add3A_1559 = arith.addi %add3A_1558, %mul3A_1556 : vector<16xi32>
      %jit3A_1560 = arith.constant 8 : i32
      %div3A_1561 = vector.broadcast %jit3A_1560 : i32 to vector<16xi32>
      %div3A_1562 = arith.divsi %add3A_1559, %div3A_1561 : vector<16xi32>
      %sign3A_1563 = arith.constant 0 : i32
      %sign3A_1564 = vector.broadcast %sign3A_1563 : i32 to vector<16xi32>
      %sign3A_1565 = arith.cmpi sgt, %add3A_1559, %sign3A_1564 : vector<16xi32>
      %sign3A_1566 = arith.extui %sign3A_1565 : vector<16xi1> to vector<16xi32>
      %sign3A_1567 = arith.constant 0 : i32
      %sign3A_1568 = vector.broadcast %sign3A_1567 : i32 to vector<16xi32>
      %sign3A_1569 = arith.cmpi slt, %add3A_1559, %sign3A_1568 : vector<16xi32>
      %sign3A_1570 = arith.extui %sign3A_1569 : vector<16xi1> to vector<16xi32>
      %sign3A_1571 = arith.subi %sign3A_1566, %sign3A_1570 : vector<16xi32>
      %sign3A_1572 = arith.constant 0 : i32
      %sign3A_1573 = arith.cmpi sgt, %jit3A_1560, %sign3A_1572 : i32
      %sign3A_1574 = arith.extui %sign3A_1573 : i1 to i32
      %sign3A_1575 = arith.constant 0 : i32
      %sign3A_1576 = arith.cmpi slt, %jit3A_1560, %sign3A_1575 : i32
      %sign3A_1577 = arith.extui %sign3A_1576 : i1 to i32
      %sign3A_1578 = arith.subi %sign3A_1574, %sign3A_1577 : i32
      %ne3A_1579 = vector.broadcast %sign3A_1578 : i32 to vector<16xi32>
      %ne3A_1580 = arith.cmpi ne, %sign3A_1571, %ne3A_1579 : vector<16xi32>
      %rem3A_1581 = vector.broadcast %jit3A_1560 : i32 to vector<16xi32>
      %rem3A_1582 = arith.remsi %add3A_1559, %rem3A_1581 : vector<16xi32>
      %ne3A_1583 = arith.constant 0 : i32
      %ne3A_1584 = vector.broadcast %ne3A_1583 : i32 to vector<16xi32>
      %ne3A_1585 = arith.cmpi ne, %rem3A_1582, %ne3A_1584 : vector<16xi32>
      %and3A_1586 = arith.andi %ne3A_1580, %ne3A_1585 : vector<16xi1>
      %sub3A_1587 = arith.constant 1 : i32
      %sub3A_1588 = vector.broadcast %sub3A_1587 : i32 to vector<16xi32>
      %sub3A_1589 = arith.subi %div3A_1562, %sub3A_1588 : vector<16xi32>
      %select_n3A_1590 = arith.select %and3A_1586, %sub3A_1589, %div3A_1562 : vector<16xi1>, vector<16xi32>
      %jit3A_1591 = arith.constant 8 : i32
      %eq3A_1592 = arith.constant 0 : i32
      %eq3A_1593 = arith.cmpi eq, %jit3A_1591, %eq3A_1592 : i32
      %jit3A_1594 = arith.constant 1 : i32
      %select_n3A_1595 = arith.select %eq3A_1593, %jit3A_1594, %jit3A_1591 : i32
      %rem3A_1596 = vector.broadcast %select_n3A_1595 : i32 to vector<16xi32>
      %rem3A_1597 = arith.remsi %add3A_1559, %rem3A_1596 : vector<16xi32>
      %ne3A_1598 = arith.constant 0 : i32
      %ne3A_1599 = vector.broadcast %ne3A_1598 : i32 to vector<16xi32>
      %ne3A_1600 = arith.cmpi ne, %rem3A_1597, %ne3A_1599 : vector<16xi32>
      %lt3A_1601 = arith.constant 0 : i32
      %lt3A_1602 = vector.broadcast %lt3A_1601 : i32 to vector<16xi32>
      %lt3A_1603 = arith.cmpi slt, %rem3A_1597, %lt3A_1602 : vector<16xi32>
      %lt3A_1604 = arith.constant 0 : i32
      %lt3A_1605 = arith.cmpi slt, %select_n3A_1595, %lt3A_1604 : i32
      %ne3A_1606 = vector.broadcast %lt3A_1605 : i1 to vector<16xi1>
      %ne3A_1607 = vector.broadcast %ne3A_1606 : vector<16xi1> to vector<16xi1>
      %ne3A_1608 = arith.xori %lt3A_1603, %ne3A_1607 : vector<16xi1>
      %and3A_1609 = arith.andi %ne3A_1608, %ne3A_1600 : vector<16xi1>
      %add3A_1610 = vector.broadcast %select_n3A_1595 : i32 to vector<16xi32>
      %add3A_1611 = arith.addi %rem3A_1597, %add3A_1610 : vector<16xi32>
      %select_n3A_1612 = arith.select %and3A_1609, %add3A_1611, %rem3A_1597 : vector<16xi1>, vector<16xi32>
      %gather3A_1613 = tpu.vector_load_idx %arg11[%select_n3A_131, %select_n3A_1590, %select_n3A_1612, %and3A_971] : memref<8x4x8x128xf32, #tpu.memory_space<vmem>>[vector<16xi32>, vector<16xi32>, vector<16xi32>, vector<16xi32>], vector<16xf32>,
      %gather3A_1614 = tpu.vector_load_idx %arg12[%select_n3A_131, %select_n3A_1590, %select_n3A_1612, %and3A_984] : memref<8x4x8x128xf32, #tpu.memory_space<vmem>>[vector<16xi32>, vector<16xi32>, vector<16xi32>, vector<16xi32>], vector<16xf32>,
      %mul3A_1615 = arith.mulf %gather3A_1613, %gather3A_1614 : vector<16xf32>
      %add3A_1616 = arith.addf %add3A_1553, %mul3A_1615 : vector<16xf32>
      %mul3A_1617 = arith.constant 16 : i32
      %mul3A_1618 = vector.broadcast %mul3A_1617 : i32 to vector<16xi32>
      %mul3A_1619 = arith.muli %select_n3A, %mul3A_1618 : vector<16xi32>
      %add3A_1620 = arith.constant 10 : i32
      %add3A_1621 = vector.broadcast %add3A_1620 : i32 to vector<16xi32>
      %add3A_1622 = arith.addi %add3A_1621, %mul3A_1619 : vector<16xi32>
      %jit3A_1623 = arith.constant 8 : i32
      %div3A_1624 = vector.broadcast %jit3A_1623 : i32 to vector<16xi32>
      %div3A_1625 = arith.divsi %add3A_1622, %div3A_1624 : vector<16xi32>
      %sign3A_1626 = arith.constant 0 : i32
      %sign3A_1627 = vector.broadcast %sign3A_1626 : i32 to vector<16xi32>
      %sign3A_1628 = arith.cmpi sgt, %add3A_1622, %sign3A_1627 : vector<16xi32>
      %sign3A_1629 = arith.extui %sign3A_1628 : vector<16xi1> to vector<16xi32>
      %sign3A_1630 = arith.constant 0 : i32
      %sign3A_1631 = vector.broadcast %sign3A_1630 : i32 to vector<16xi32>
      %sign3A_1632 = arith.cmpi slt, %add3A_1622, %sign3A_1631 : vector<16xi32>
      %sign3A_1633 = arith.extui %sign3A_1632 : vector<16xi1> to vector<16xi32>
      %sign3A_1634 = arith.subi %sign3A_1629, %sign3A_1633 : vector<16xi32>
      %sign3A_1635 = arith.constant 0 : i32
      %sign3A_1636 = arith.cmpi sgt, %jit3A_1623, %sign3A_1635 : i32
      %sign3A_1637 = arith.extui %sign3A_1636 : i1 to i32
      %sign3A_1638 = arith.constant 0 : i32
      %sign3A_1639 = arith.cmpi slt, %jit3A_1623, %sign3A_1638 : i32
      %sign3A_1640 = arith.extui %sign3A_1639 : i1 to i32
      %sign3A_1641 = arith.subi %sign3A_1637, %sign3A_1640 : i32
      %ne3A_1642 = vector.broadcast %sign3A_1641 : i32 to vector<16xi32>
      %ne3A_1643 = arith.cmpi ne, %sign3A_1634, %ne3A_1642 : vector<16xi32>
      %rem3A_1644 = vector.broadcast %jit3A_1623 : i32 to vector<16xi32>
      %rem3A_1645 = arith.remsi %add3A_1622, %rem3A_1644 : vector<16xi32>
      %ne3A_1646 = arith.constant 0 : i32
      %ne3A_1647 = vector.broadcast %ne3A_1646 : i32 to vector<16xi32>
      %ne3A_1648 = arith.cmpi ne, %rem3A_1645, %ne3A_1647 : vector<16xi32>
      %and3A_1649 = arith.andi %ne3A_1643, %ne3A_1648 : vector<16xi1>
      %sub3A_1650 = arith.constant 1 : i32
      %sub3A_1651 = vector.broadcast %sub3A_1650 : i32 to vector<16xi32>
      %sub3A_1652 = arith.subi %div3A_1625, %sub3A_1651 : vector<16xi32>
      %select_n3A_1653 = arith.select %and3A_1649, %sub3A_1652, %div3A_1625 : vector<16xi1>, vector<16xi32>
      %jit3A_1654 = arith.constant 8 : i32
      %eq3A_1655 = arith.constant 0 : i32
      %eq3A_1656 = arith.cmpi eq, %jit3A_1654, %eq3A_1655 : i32
      %jit3A_1657 = arith.constant 1 : i32
      %select_n3A_1658 = arith.select %eq3A_1656, %jit3A_1657, %jit3A_1654 : i32
      %rem3A_1659 = vector.broadcast %select_n3A_1658 : i32 to vector<16xi32>
      %rem3A_1660 = arith.remsi %add3A_1622, %rem3A_1659 : vector<16xi32>
      %ne3A_1661 = arith.constant 0 : i32
      %ne3A_1662 = vector.broadcast %ne3A_1661 : i32 to vector<16xi32>
      %ne3A_1663 = arith.cmpi ne, %rem3A_1660, %ne3A_1662 : vector<16xi32>
      %lt3A_1664 = arith.constant 0 : i32
      %lt3A_1665 = vector.broadcast %lt3A_1664 : i32 to vector<16xi32>
      %lt3A_1666 = arith.cmpi slt, %rem3A_1660, %lt3A_1665 : vector<16xi32>
      %lt3A_1667 = arith.constant 0 : i32
      %lt3A_1668 = arith.cmpi slt, %select_n3A_1658, %lt3A_1667 : i32
      %ne3A_1669 = vector.broadcast %lt3A_1668 : i1 to vector<16xi1>
      %ne3A_1670 = vector.broadcast %ne3A_1669 : vector<16xi1> to vector<16xi1>
      %ne3A_1671 = arith.xori %lt3A_1666, %ne3A_1670 : vector<16xi1>
      %and3A_1672 = arith.andi %ne3A_1671, %ne3A_1663 : vector<16xi1>
      %add3A_1673 = vector.broadcast %select_n3A_1658 : i32 to vector<16xi32>
      %add3A_1674 = arith.addi %rem3A_1660, %add3A_1673 : vector<16xi32>
      %select_n3A_1675 = arith.select %and3A_1672, %add3A_1674, %rem3A_1660 : vector<16xi1>, vector<16xi32>
      %gather3A_1676 = tpu.vector_load_idx %arg11[%select_n3A_131, %select_n3A_1653, %select_n3A_1675, %and3A_971] : memref<8x4x8x128xf32, #tpu.memory_space<vmem>>[vector<16xi32>, vector<16xi32>, vector<16xi32>, vector<16xi32>], vector<16xf32>,
      %gather3A_1677 = tpu.vector_load_idx %arg12[%select_n3A_131, %select_n3A_1653, %select_n3A_1675, %and3A_984] : memref<8x4x8x128xf32, #tpu.memory_space<vmem>>[vector<16xi32>, vector<16xi32>, vector<16xi32>, vector<16xi32>], vector<16xf32>,
      %mul3A_1678 = arith.mulf %gather3A_1676, %gather3A_1677 : vector<16xf32>
      %add3A_1679 = arith.addf %add3A_1616, %mul3A_1678 : vector<16xf32>
      %mul3A_1680 = arith.constant 16 : i32
      %mul3A_1681 = vector.broadcast %mul3A_1680 : i32 to vector<16xi32>
      %mul3A_1682 = arith.muli %select_n3A, %mul3A_1681 : vector<16xi32>
      %add3A_1683 = arith.constant 11 : i32
      %add3A_1684 = vector.broadcast %add3A_1683 : i32 to vector<16xi32>
      %add3A_1685 = arith.addi %add3A_1684, %mul3A_1682 : vector<16xi32>
      %jit3A_1686 = arith.constant 8 : i32
      %div3A_1687 = vector.broadcast %jit3A_1686 : i32 to vector<16xi32>
      %div3A_1688 = arith.divsi %add3A_1685, %div3A_1687 : vector<16xi32>
      %sign3A_1689 = arith.constant 0 : i32
      %sign3A_1690 = vector.broadcast %sign3A_1689 : i32 to vector<16xi32>
      %sign3A_1691 = arith.cmpi sgt, %add3A_1685, %sign3A_1690 : vector<16xi32>
      %sign3A_1692 = arith.extui %sign3A_1691 : vector<16xi1> to vector<16xi32>
      %sign3A_1693 = arith.constant 0 : i32
      %sign3A_1694 = vector.broadcast %sign3A_1693 : i32 to vector<16xi32>
      %sign3A_1695 = arith.cmpi slt, %add3A_1685, %sign3A_1694 : vector<16xi32>
      %sign3A_1696 = arith.extui %sign3A_1695 : vector<16xi1> to vector<16xi32>
      %sign3A_1697 = arith.subi %sign3A_1692, %sign3A_1696 : vector<16xi32>
      %sign3A_1698 = arith.constant 0 : i32
      %sign3A_1699 = arith.cmpi sgt, %jit3A_1686, %sign3A_1698 : i32
      %sign3A_1700 = arith.extui %sign3A_1699 : i1 to i32
      %sign3A_1701 = arith.constant 0 : i32
      %sign3A_1702 = arith.cmpi slt, %jit3A_1686, %sign3A_1701 : i32
      %sign3A_1703 = arith.extui %sign3A_1702 : i1 to i32
      %sign3A_1704 = arith.subi %sign3A_1700, %sign3A_1703 : i32
      %ne3A_1705 = vector.broadcast %sign3A_1704 : i32 to vector<16xi32>
      %ne3A_1706 = arith.cmpi ne, %sign3A_1697, %ne3A_1705 : vector<16xi32>
      %rem3A_1707 = vector.broadcast %jit3A_1686 : i32 to vector<16xi32>
      %rem3A_1708 = arith.remsi %add3A_1685, %rem3A_1707 : vector<16xi32>
      %ne3A_1709 = arith.constant 0 : i32
      %ne3A_1710 = vector.broadcast %ne3A_1709 : i32 to vector<16xi32>
      %ne3A_1711 = arith.cmpi ne, %rem3A_1708, %ne3A_1710 : vector<16xi32>
      %and3A_1712 = arith.andi %ne3A_1706, %ne3A_1711 : vector<16xi1>
      %sub3A_1713 = arith.constant 1 : i32
      %sub3A_1714 = vector.broadcast %sub3A_1713 : i32 to vector<16xi32>
      %sub3A_1715 = arith.subi %div3A_1688, %sub3A_1714 : vector<16xi32>
      %select_n3A_1716 = arith.select %and3A_1712, %sub3A_1715, %div3A_1688 : vector<16xi1>, vector<16xi32>
      %jit3A_1717 = arith.constant 8 : i32
      %eq3A_1718 = arith.constant 0 : i32
      %eq3A_1719 = arith.cmpi eq, %jit3A_1717, %eq3A_1718 : i32
      %jit3A_1720 = arith.constant 1 : i32
      %select_n3A_1721 = arith.select %eq3A_1719, %jit3A_1720, %jit3A_1717 : i32
      %rem3A_1722 = vector.broadcast %select_n3A_1721 : i32 to vector<16xi32>
      %rem3A_1723 = arith.remsi %add3A_1685, %rem3A_1722 : vector<16xi32>
      %ne3A_1724 = arith.constant 0 : i32
      %ne3A_1725 = vector.broadcast %ne3A_1724 : i32 to vector<16xi32>
      %ne3A_1726 = arith.cmpi ne, %rem3A_1723, %ne3A_1725 : vector<16xi32>
      %lt3A_1727 = arith.constant 0 : i32
      %lt3A_1728 = vector.broadcast %lt3A_1727 : i32 to vector<16xi32>
      %lt3A_1729 = arith.cmpi slt, %rem3A_1723, %lt3A_1728 : vector<16xi32>
      %lt3A_1730 = arith.constant 0 : i32
      %lt3A_1731 = arith.cmpi slt, %select_n3A_1721, %lt3A_1730 : i32
      %ne3A_1732 = vector.broadcast %lt3A_1731 : i1 to vector<16xi1>
      %ne3A_1733 = vector.broadcast %ne3A_1732 : vector<16xi1> to vector<16xi1>
      %ne3A_1734 = arith.xori %lt3A_1729, %ne3A_1733 : vector<16xi1>
      %and3A_1735 = arith.andi %ne3A_1734, %ne3A_1726 : vector<16xi1>
      %add3A_1736 = vector.broadcast %select_n3A_1721 : i32 to vector<16xi32>
      %add3A_1737 = arith.addi %rem3A_1723, %add3A_1736 : vector<16xi32>
      %select_n3A_1738 = arith.select %and3A_1735, %add3A_1737, %rem3A_1723 : vector<16xi1>, vector<16xi32>
      %gather3A_1739 = tpu.vector_load_idx %arg11[%select_n3A_131, %select_n3A_1716, %select_n3A_1738, %and3A_971] : memref<8x4x8x128xf32, #tpu.memory_space<vmem>>[vector<16xi32>, vector<16xi32>, vector<16xi32>, vector<16xi32>], vector<16xf32>,
      %gather3A_1740 = tpu.vector_load_idx %arg12[%select_n3A_131, %select_n3A_1716, %select_n3A_1738, %and3A_984] : memref<8x4x8x128xf32, #tpu.memory_space<vmem>>[vector<16xi32>, vector<16xi32>, vector<16xi32>, vector<16xi32>], vector<16xf32>,
      %mul3A_1741 = arith.mulf %gather3A_1739, %gather3A_1740 : vector<16xf32>
      %add3A_1742 = arith.addf %add3A_1679, %mul3A_1741 : vector<16xf32>
      %mul3A_1743 = arith.constant 16 : i32
      %mul3A_1744 = vector.broadcast %mul3A_1743 : i32 to vector<16xi32>
      %mul3A_1745 = arith.muli %select_n3A, %mul3A_1744 : vector<16xi32>
      %add3A_1746 = arith.constant 12 : i32
      %add3A_1747 = vector.broadcast %add3A_1746 : i32 to vector<16xi32>
      %add3A_1748 = arith.addi %add3A_1747, %mul3A_1745 : vector<16xi32>
      %jit3A_1749 = arith.constant 8 : i32
      %div3A_1750 = vector.broadcast %jit3A_1749 : i32 to vector<16xi32>
      %div3A_1751 = arith.divsi %add3A_1748, %div3A_1750 : vector<16xi32>
      %sign3A_1752 = arith.constant 0 : i32
      %sign3A_1753 = vector.broadcast %sign3A_1752 : i32 to vector<16xi32>
      %sign3A_1754 = arith.cmpi sgt, %add3A_1748, %sign3A_1753 : vector<16xi32>
      %sign3A_1755 = arith.extui %sign3A_1754 : vector<16xi1> to vector<16xi32>
      %sign3A_1756 = arith.constant 0 : i32
      %sign3A_1757 = vector.broadcast %sign3A_1756 : i32 to vector<16xi32>
      %sign3A_1758 = arith.cmpi slt, %add3A_1748, %sign3A_1757 : vector<16xi32>
      %sign3A_1759 = arith.extui %sign3A_1758 : vector<16xi1> to vector<16xi32>
      %sign3A_1760 = arith.subi %sign3A_1755, %sign3A_1759 : vector<16xi32>
      %sign3A_1761 = arith.constant 0 : i32
      %sign3A_1762 = arith.cmpi sgt, %jit3A_1749, %sign3A_1761 : i32
      %sign3A_1763 = arith.extui %sign3A_1762 : i1 to i32
      %sign3A_1764 = arith.constant 0 : i32
      %sign3A_1765 = arith.cmpi slt, %jit3A_1749, %sign3A_1764 : i32
      %sign3A_1766 = arith.extui %sign3A_1765 : i1 to i32
      %sign3A_1767 = arith.subi %sign3A_1763, %sign3A_1766 : i32
      %ne3A_1768 = vector.broadcast %sign3A_1767 : i32 to vector<16xi32>
      %ne3A_1769 = arith.cmpi ne, %sign3A_1760, %ne3A_1768 : vector<16xi32>
      %rem3A_1770 = vector.broadcast %jit3A_1749 : i32 to vector<16xi32>
      %rem3A_1771 = arith.remsi %add3A_1748, %rem3A_1770 : vector<16xi32>
      %ne3A_1772 = arith.constant 0 : i32
      %ne3A_1773 = vector.broadcast %ne3A_1772 : i32 to vector<16xi32>
      %ne3A_1774 = arith.cmpi ne, %rem3A_1771, %ne3A_1773 : vector<16xi32>
      %and3A_1775 = arith.andi %ne3A_1769, %ne3A_1774 : vector<16xi1>
      %sub3A_1776 = arith.constant 1 : i32
      %sub3A_1777 = vector.broadcast %sub3A_1776 : i32 to vector<16xi32>
      %sub3A_1778 = arith.subi %div3A_1751, %sub3A_1777 : vector<16xi32>
      %select_n3A_1779 = arith.select %and3A_1775, %sub3A_1778, %div3A_1751 : vector<16xi1>, vector<16xi32>
      %jit3A_1780 = arith.constant 8 : i32
      %eq3A_1781 = arith.constant 0 : i32
      %eq3A_1782 = arith.cmpi eq, %jit3A_1780, %eq3A_1781 : i32
      %jit3A_1783 = arith.constant 1 : i32
      %select_n3A_1784 = arith.select %eq3A_1782, %jit3A_1783, %jit3A_1780 : i32
      %rem3A_1785 = vector.broadcast %select_n3A_1784 : i32 to vector<16xi32>
      %rem3A_1786 = arith.remsi %add3A_1748, %rem3A_1785 : vector<16xi32>
      %ne3A_1787 = arith.constant 0 : i32
      %ne3A_1788 = vector.broadcast %ne3A_1787 : i32 to vector<16xi32>
      %ne3A_1789 = arith.cmpi ne, %rem3A_1786, %ne3A_1788 : vector<16xi32>
      %lt3A_1790 = arith.constant 0 : i32
      %lt3A_1791 = vector.broadcast %lt3A_1790 : i32 to vector<16xi32>
      %lt3A_1792 = arith.cmpi slt, %rem3A_1786, %lt3A_1791 : vector<16xi32>
      %lt3A_1793 = arith.constant 0 : i32
      %lt3A_1794 = arith.cmpi slt, %select_n3A_1784, %lt3A_1793 : i32
      %ne3A_1795 = vector.broadcast %lt3A_1794 : i1 to vector<16xi1>
      %ne3A_1796 = vector.broadcast %ne3A_1795 : vector<16xi1> to vector<16xi1>
      %ne3A_1797 = arith.xori %lt3A_1792, %ne3A_1796 : vector<16xi1>
      %and3A_1798 = arith.andi %ne3A_1797, %ne3A_1789 : vector<16xi1>
      %add3A_1799 = vector.broadcast %select_n3A_1784 : i32 to vector<16xi32>
      %add3A_1800 = arith.addi %rem3A_1786, %add3A_1799 : vector<16xi32>
      %select_n3A_1801 = arith.select %and3A_1798, %add3A_1800, %rem3A_1786 : vector<16xi1>, vector<16xi32>
      %gather3A_1802 = tpu.vector_load_idx %arg11[%select_n3A_131, %select_n3A_1779, %select_n3A_1801, %and3A_971] : memref<8x4x8x128xf32, #tpu.memory_space<vmem>>[vector<16xi32>, vector<16xi32>, vector<16xi32>, vector<16xi32>], vector<16xf32>,
      %gather3A_1803 = tpu.vector_load_idx %arg12[%select_n3A_131, %select_n3A_1779, %select_n3A_1801, %and3A_984] : memref<8x4x8x128xf32, #tpu.memory_space<vmem>>[vector<16xi32>, vector<16xi32>, vector<16xi32>, vector<16xi32>], vector<16xf32>,
      %mul3A_1804 = arith.mulf %gather3A_1802, %gather3A_1803 : vector<16xf32>
      %add3A_1805 = arith.addf %add3A_1742, %mul3A_1804 : vector<16xf32>
      %mul3A_1806 = arith.constant 16 : i32
      %mul3A_1807 = vector.broadcast %mul3A_1806 : i32 to vector<16xi32>
      %mul3A_1808 = arith.muli %select_n3A, %mul3A_1807 : vector<16xi32>
      %add3A_1809 = arith.constant 13 : i32
      %add3A_1810 = vector.broadcast %add3A_1809 : i32 to vector<16xi32>
      %add3A_1811 = arith.addi %add3A_1810, %mul3A_1808 : vector<16xi32>
      %jit3A_1812 = arith.constant 8 : i32
      %div3A_1813 = vector.broadcast %jit3A_1812 : i32 to vector<16xi32>
      %div3A_1814 = arith.divsi %add3A_1811, %div3A_1813 : vector<16xi32>
      %sign3A_1815 = arith.constant 0 : i32
      %sign3A_1816 = vector.broadcast %sign3A_1815 : i32 to vector<16xi32>
      %sign3A_1817 = arith.cmpi sgt, %add3A_1811, %sign3A_1816 : vector<16xi32>
      %sign3A_1818 = arith.extui %sign3A_1817 : vector<16xi1> to vector<16xi32>
      %sign3A_1819 = arith.constant 0 : i32
      %sign3A_1820 = vector.broadcast %sign3A_1819 : i32 to vector<16xi32>
      %sign3A_1821 = arith.cmpi slt, %add3A_1811, %sign3A_1820 : vector<16xi32>
      %sign3A_1822 = arith.extui %sign3A_1821 : vector<16xi1> to vector<16xi32>
      %sign3A_1823 = arith.subi %sign3A_1818, %sign3A_1822 : vector<16xi32>
      %sign3A_1824 = arith.constant 0 : i32
      %sign3A_1825 = arith.cmpi sgt, %jit3A_1812, %sign3A_1824 : i32
      %sign3A_1826 = arith.extui %sign3A_1825 : i1 to i32
      %sign3A_1827 = arith.constant 0 : i32
      %sign3A_1828 = arith.cmpi slt, %jit3A_1812, %sign3A_1827 : i32
      %sign3A_1829 = arith.extui %sign3A_1828 : i1 to i32
      %sign3A_1830 = arith.subi %sign3A_1826, %sign3A_1829 : i32
      %ne3A_1831 = vector.broadcast %sign3A_1830 : i32 to vector<16xi32>
      %ne3A_1832 = arith.cmpi ne, %sign3A_1823, %ne3A_1831 : vector<16xi32>
      %rem3A_1833 = vector.broadcast %jit3A_1812 : i32 to vector<16xi32>
      %rem3A_1834 = arith.remsi %add3A_1811, %rem3A_1833 : vector<16xi32>
      %ne3A_1835 = arith.constant 0 : i32
      %ne3A_1836 = vector.broadcast %ne3A_1835 : i32 to vector<16xi32>
      %ne3A_1837 = arith.cmpi ne, %rem3A_1834, %ne3A_1836 : vector<16xi32>
      %and3A_1838 = arith.andi %ne3A_1832, %ne3A_1837 : vector<16xi1>
      %sub3A_1839 = arith.constant 1 : i32
      %sub3A_1840 = vector.broadcast %sub3A_1839 : i32 to vector<16xi32>
      %sub3A_1841 = arith.subi %div3A_1814, %sub3A_1840 : vector<16xi32>
      %select_n3A_1842 = arith.select %and3A_1838, %sub3A_1841, %div3A_1814 : vector<16xi1>, vector<16xi32>
      %jit3A_1843 = arith.constant 8 : i32
      %eq3A_1844 = arith.constant 0 : i32
      %eq3A_1845 = arith.cmpi eq, %jit3A_1843, %eq3A_1844 : i32
      %jit3A_1846 = arith.constant 1 : i32
      %select_n3A_1847 = arith.select %eq3A_1845, %jit3A_1846, %jit3A_1843 : i32
      %rem3A_1848 = vector.broadcast %select_n3A_1847 : i32 to vector<16xi32>
      %rem3A_1849 = arith.remsi %add3A_1811, %rem3A_1848 : vector<16xi32>
      %ne3A_1850 = arith.constant 0 : i32
      %ne3A_1851 = vector.broadcast %ne3A_1850 : i32 to vector<16xi32>
      %ne3A_1852 = arith.cmpi ne, %rem3A_1849, %ne3A_1851 : vector<16xi32>
      %lt3A_1853 = arith.constant 0 : i32
      %lt3A_1854 = vector.broadcast %lt3A_1853 : i32 to vector<16xi32>
      %lt3A_1855 = arith.cmpi slt, %rem3A_1849, %lt3A_1854 : vector<16xi32>
      %lt3A_1856 = arith.constant 0 : i32
      %lt3A_1857 = arith.cmpi slt, %select_n3A_1847, %lt3A_1856 : i32
      %ne3A_1858 = vector.broadcast %lt3A_1857 : i1 to vector<16xi1>
      %ne3A_1859 = vector.broadcast %ne3A_1858 : vector<16xi1> to vector<16xi1>
      %ne3A_1860 = arith.xori %lt3A_1855, %ne3A_1859 : vector<16xi1>
      %and3A_1861 = arith.andi %ne3A_1860, %ne3A_1852 : vector<16xi1>
      %add3A_1862 = vector.broadcast %select_n3A_1847 : i32 to vector<16xi32>
      %add3A_1863 = arith.addi %rem3A_1849, %add3A_1862 : vector<16xi32>
      %select_n3A_1864 = arith.select %and3A_1861, %add3A_1863, %rem3A_1849 : vector<16xi1>, vector<16xi32>
      %gather3A_1865 = tpu.vector_load_idx %arg11[%select_n3A_131, %select_n3A_1842, %select_n3A_1864, %and3A_971] : memref<8x4x8x128xf32, #tpu.memory_space<vmem>>[vector<16xi32>, vector<16xi32>, vector<16xi32>, vector<16xi32>], vector<16xf32>,
      %gather3A_1866 = tpu.vector_load_idx %arg12[%select_n3A_131, %select_n3A_1842, %select_n3A_1864, %and3A_984] : memref<8x4x8x128xf32, #tpu.memory_space<vmem>>[vector<16xi32>, vector<16xi32>, vector<16xi32>, vector<16xi32>], vector<16xf32>,
      %mul3A_1867 = arith.mulf %gather3A_1865, %gather3A_1866 : vector<16xf32>
      %add3A_1868 = arith.addf %add3A_1805, %mul3A_1867 : vector<16xf32>
      %mul3A_1869 = arith.constant 16 : i32
      %mul3A_1870 = vector.broadcast %mul3A_1869 : i32 to vector<16xi32>
      %mul3A_1871 = arith.muli %select_n3A, %mul3A_1870 : vector<16xi32>
      %add3A_1872 = arith.constant 14 : i32
      %add3A_1873 = vector.broadcast %add3A_1872 : i32 to vector<16xi32>
      %add3A_1874 = arith.addi %add3A_1873, %mul3A_1871 : vector<16xi32>
      %jit3A_1875 = arith.constant 8 : i32
      %div3A_1876 = vector.broadcast %jit3A_1875 : i32 to vector<16xi32>
      %div3A_1877 = arith.divsi %add3A_1874, %div3A_1876 : vector<16xi32>
      %sign3A_1878 = arith.constant 0 : i32
      %sign3A_1879 = vector.broadcast %sign3A_1878 : i32 to vector<16xi32>
      %sign3A_1880 = arith.cmpi sgt, %add3A_1874, %sign3A_1879 : vector<16xi32>
      %sign3A_1881 = arith.extui %sign3A_1880 : vector<16xi1> to vector<16xi32>
      %sign3A_1882 = arith.constant 0 : i32
      %sign3A_1883 = vector.broadcast %sign3A_1882 : i32 to vector<16xi32>
      %sign3A_1884 = arith.cmpi slt, %add3A_1874, %sign3A_1883 : vector<16xi32>
      %sign3A_1885 = arith.extui %sign3A_1884 : vector<16xi1> to vector<16xi32>
      %sign3A_1886 = arith.subi %sign3A_1881, %sign3A_1885 : vector<16xi32>
      %sign3A_1887 = arith.constant 0 : i32
      %sign3A_1888 = arith.cmpi sgt, %jit3A_1875, %sign3A_1887 : i32
      %sign3A_1889 = arith.extui %sign3A_1888 : i1 to i32
      %sign3A_1890 = arith.constant 0 : i32
      %sign3A_1891 = arith.cmpi slt, %jit3A_1875, %sign3A_1890 : i32
      %sign3A_1892 = arith.extui %sign3A_1891 : i1 to i32
      %sign3A_1893 = arith.subi %sign3A_1889, %sign3A_1892 : i32
      %ne3A_1894 = vector.broadcast %sign3A_1893 : i32 to vector<16xi32>
      %ne3A_1895 = arith.cmpi ne, %sign3A_1886, %ne3A_1894 : vector<16xi32>
      %rem3A_1896 = vector.broadcast %jit3A_1875 : i32 to vector<16xi32>
      %rem3A_1897 = arith.remsi %add3A_1874, %rem3A_1896 : vector<16xi32>
      %ne3A_1898 = arith.constant 0 : i32
      %ne3A_1899 = vector.broadcast %ne3A_1898 : i32 to vector<16xi32>
      %ne3A_1900 = arith.cmpi ne, %rem3A_1897, %ne3A_1899 : vector<16xi32>
      %and3A_1901 = arith.andi %ne3A_1895, %ne3A_1900 : vector<16xi1>
      %sub3A_1902 = arith.constant 1 : i32
      %sub3A_1903 = vector.broadcast %sub3A_1902 : i32 to vector<16xi32>
      %sub3A_1904 = arith.subi %div3A_1877, %sub3A_1903 : vector<16xi32>
      %select_n3A_1905 = arith.select %and3A_1901, %sub3A_1904, %div3A_1877 : vector<16xi1>, vector<16xi32>
      %jit3A_1906 = arith.constant 8 : i32
      %eq3A_1907 = arith.constant 0 : i32
      %eq3A_1908 = arith.cmpi eq, %jit3A_1906, %eq3A_1907 : i32
      %jit3A_1909 = arith.constant 1 : i32
      %select_n3A_1910 = arith.select %eq3A_1908, %jit3A_1909, %jit3A_1906 : i32
      %rem3A_1911 = vector.broadcast %select_n3A_1910 : i32 to vector<16xi32>
      %rem3A_1912 = arith.remsi %add3A_1874, %rem3A_1911 : vector<16xi32>
      %ne3A_1913 = arith.constant 0 : i32
      %ne3A_1914 = vector.broadcast %ne3A_1913 : i32 to vector<16xi32>
      %ne3A_1915 = arith.cmpi ne, %rem3A_1912, %ne3A_1914 : vector<16xi32>
      %lt3A_1916 = arith.constant 0 : i32
      %lt3A_1917 = vector.broadcast %lt3A_1916 : i32 to vector<16xi32>
      %lt3A_1918 = arith.cmpi slt, %rem3A_1912, %lt3A_1917 : vector<16xi32>
      %lt3A_1919 = arith.constant 0 : i32
      %lt3A_1920 = arith.cmpi slt, %select_n3A_1910, %lt3A_1919 : i32
      %ne3A_1921 = vector.broadcast %lt3A_1920 : i1 to vector<16xi1>
      %ne3A_1922 = vector.broadcast %ne3A_1921 : vector<16xi1> to vector<16xi1>
      %ne3A_1923 = arith.xori %lt3A_1918, %ne3A_1922 : vector<16xi1>
      %and3A_1924 = arith.andi %ne3A_1923, %ne3A_1915 : vector<16xi1>
      %add3A_1925 = vector.broadcast %select_n3A_1910 : i32 to vector<16xi32>
      %add3A_1926 = arith.addi %rem3A_1912, %add3A_1925 : vector<16xi32>
      %select_n3A_1927 = arith.select %and3A_1924, %add3A_1926, %rem3A_1912 : vector<16xi1>, vector<16xi32>
      %gather3A_1928 = tpu.vector_load_idx %arg11[%select_n3A_131, %select_n3A_1905, %select_n3A_1927, %and3A_971] : memref<8x4x8x128xf32, #tpu.memory_space<vmem>>[vector<16xi32>, vector<16xi32>, vector<16xi32>, vector<16xi32>], vector<16xf32>,
      %gather3A_1929 = tpu.vector_load_idx %arg12[%select_n3A_131, %select_n3A_1905, %select_n3A_1927, %and3A_984] : memref<8x4x8x128xf32, #tpu.memory_space<vmem>>[vector<16xi32>, vector<16xi32>, vector<16xi32>, vector<16xi32>], vector<16xf32>,
      %mul3A_1930 = arith.mulf %gather3A_1928, %gather3A_1929 : vector<16xf32>
      %add3A_1931 = arith.addf %add3A_1868, %mul3A_1930 : vector<16xf32>
      %mul3A_1932 = arith.constant 16 : i32
      %mul3A_1933 = vector.broadcast %mul3A_1932 : i32 to vector<16xi32>
      %mul3A_1934 = arith.muli %select_n3A, %mul3A_1933 : vector<16xi32>
      %add3A_1935 = arith.constant 15 : i32
      %add3A_1936 = vector.broadcast %add3A_1935 : i32 to vector<16xi32>
      %add3A_1937 = arith.addi %add3A_1936, %mul3A_1934 : vector<16xi32>
      %jit3A_1938 = arith.constant 8 : i32
      %div3A_1939 = vector.broadcast %jit3A_1938 : i32 to vector<16xi32>
      %div3A_1940 = arith.divsi %add3A_1937, %div3A_1939 : vector<16xi32>
      %sign3A_1941 = arith.constant 0 : i32
      %sign3A_1942 = vector.broadcast %sign3A_1941 : i32 to vector<16xi32>
      %sign3A_1943 = arith.cmpi sgt, %add3A_1937, %sign3A_1942 : vector<16xi32>
      %sign3A_1944 = arith.extui %sign3A_1943 : vector<16xi1> to vector<16xi32>
      %sign3A_1945 = arith.constant 0 : i32
      %sign3A_1946 = vector.broadcast %sign3A_1945 : i32 to vector<16xi32>
      %sign3A_1947 = arith.cmpi slt, %add3A_1937, %sign3A_1946 : vector<16xi32>
      %sign3A_1948 = arith.extui %sign3A_1947 : vector<16xi1> to vector<16xi32>
      %sign3A_1949 = arith.subi %sign3A_1944, %sign3A_1948 : vector<16xi32>
      %sign3A_1950 = arith.constant 0 : i32
      %sign3A_1951 = arith.cmpi sgt, %jit3A_1938, %sign3A_1950 : i32
      %sign3A_1952 = arith.extui %sign3A_1951 : i1 to i32
      %sign3A_1953 = arith.constant 0 : i32
      %sign3A_1954 = arith.cmpi slt, %jit3A_1938, %sign3A_1953 : i32
      %sign3A_1955 = arith.extui %sign3A_1954 : i1 to i32
      %sign3A_1956 = arith.subi %sign3A_1952, %sign3A_1955 : i32
      %ne3A_1957 = vector.broadcast %sign3A_1956 : i32 to vector<16xi32>
      %ne3A_1958 = arith.cmpi ne, %sign3A_1949, %ne3A_1957 : vector<16xi32>
      %rem3A_1959 = vector.broadcast %jit3A_1938 : i32 to vector<16xi32>
      %rem3A_1960 = arith.remsi %add3A_1937, %rem3A_1959 : vector<16xi32>
      %ne3A_1961 = arith.constant 0 : i32
      %ne3A_1962 = vector.broadcast %ne3A_1961 : i32 to vector<16xi32>
      %ne3A_1963 = arith.cmpi ne, %rem3A_1960, %ne3A_1962 : vector<16xi32>
      %and3A_1964 = arith.andi %ne3A_1958, %ne3A_1963 : vector<16xi1>
      %sub3A_1965 = arith.constant 1 : i32
      %sub3A_1966 = vector.broadcast %sub3A_1965 : i32 to vector<16xi32>
      %sub3A_1967 = arith.subi %div3A_1940, %sub3A_1966 : vector<16xi32>
      %select_n3A_1968 = arith.select %and3A_1964, %sub3A_1967, %div3A_1940 : vector<16xi1>, vector<16xi32>
      %jit3A_1969 = arith.constant 8 : i32
      %eq3A_1970 = arith.constant 0 : i32
      %eq3A_1971 = arith.cmpi eq, %jit3A_1969, %eq3A_1970 : i32
      %jit3A_1972 = arith.constant 1 : i32
      %select_n3A_1973 = arith.select %eq3A_1971, %jit3A_1972, %jit3A_1969 : i32
      %rem3A_1974 = vector.broadcast %select_n3A_1973 : i32 to vector<16xi32>
      %rem3A_1975 = arith.remsi %add3A_1937, %rem3A_1974 : vector<16xi32>
      %ne3A_1976 = arith.constant 0 : i32
      %ne3A_1977 = vector.broadcast %ne3A_1976 : i32 to vector<16xi32>
      %ne3A_1978 = arith.cmpi ne, %rem3A_1975, %ne3A_1977 : vector<16xi32>
      %lt3A_1979 = arith.constant 0 : i32
      %lt3A_1980 = vector.broadcast %lt3A_1979 : i32 to vector<16xi32>
      %lt3A_1981 = arith.cmpi slt, %rem3A_1975, %lt3A_1980 : vector<16xi32>
      %lt3A_1982 = arith.constant 0 : i32
      %lt3A_1983 = arith.cmpi slt, %select_n3A_1973, %lt3A_1982 : i32
      %ne3A_1984 = vector.broadcast %lt3A_1983 : i1 to vector<16xi1>
      %ne3A_1985 = vector.broadcast %ne3A_1984 : vector<16xi1> to vector<16xi1>
      %ne3A_1986 = arith.xori %lt3A_1981, %ne3A_1985 : vector<16xi1>
      %and3A_1987 = arith.andi %ne3A_1986, %ne3A_1978 : vector<16xi1>
      %add3A_1988 = vector.broadcast %select_n3A_1973 : i32 to vector<16xi32>
      %add3A_1989 = arith.addi %rem3A_1975, %add3A_1988 : vector<16xi32>
      %select_n3A_1990 = arith.select %and3A_1987, %add3A_1989, %rem3A_1975 : vector<16xi1>, vector<16xi32>
      %gather3A_1991 = tpu.vector_load_idx %arg11[%select_n3A_131, %select_n3A_1968, %select_n3A_1990, %and3A_971] : memref<8x4x8x128xf32, #tpu.memory_space<vmem>>[vector<16xi32>, vector<16xi32>, vector<16xi32>, vector<16xi32>], vector<16xf32>,
      %gather3A_1992 = tpu.vector_load_idx %arg12[%select_n3A_131, %select_n3A_1968, %select_n3A_1990, %and3A_984] : memref<8x4x8x128xf32, #tpu.memory_space<vmem>>[vector<16xi32>, vector<16xi32>, vector<16xi32>, vector<16xi32>], vector<16xf32>,
      %mul3A_1993 = arith.mulf %gather3A_1991, %gather3A_1992 : vector<16xf32>
      %add3A_1994 = arith.addf %add3A_1931, %mul3A_1993 : vector<16xf32>
      %lt3A_1995 = arith.constant 0 : i32
      %lt3A_1996 = vector.broadcast %lt3A_1995 : i32 to vector<16xi32>
      %lt3A_1997 = arith.cmpi slt, %xor3A_183, %lt3A_1996 : vector<16xi32>
      %add3A_1998 = arith.constant 16 : i32
      %add3A_1999 = vector.broadcast %add3A_1998 : i32 to vector<16xi32>
      %add3A_2000 = arith.addi %xor3A_183, %add3A_1999 : vector<16xi32>
      %select_n3A_2001 = arith.select %lt3A_1997, %add3A_2000, %xor3A_183 : vector<16xi1>, vector<16xi32>
      %broadcast_in_dim3A_2002 = vector.shape_cast %select_n3A_2001 : vector<16xi32> to vector<16x1xi32>
      %gather3A_2003 = vector.shape_cast %broadcast_in_dim3A_2002 : vector<16x1xi32> to vector<16xi32>
      %gather3A_2004 = tpu.dynamic_gather %add3A_1994[%gather3A_2003] in [0] : vector<16xf32>, vector<16xi32> -> vector<16xf32>
      %add3A_2005 = arith.addf %add3A_1994, %gather3A_2004 : vector<16xf32>
      %mul3A_2006 = arith.constant 2 : i32
      %mul3A_2007 = arith.muli %scan3A_260, %mul3A_2006 : i32
      %mul3A_2008 = arith.constant 8 : i32
      %mul3A_2009 = arith.muli %mul3A_2007, %mul3A_2008 : i32
      %add3A_2010 = arith.constant 0 : i32
      %add3A_2011 = arith.addi %mul3A_2009, %add3A_2010 : i32
      %swap3A = arith.index_cast %add3A_2011 : i32 to index
      %swap3A_2012 = tpu.vector_load %arg15[%swap3A] masked %lt3A_181 {strides = array<i32>} : memref<528xf32, #tpu.memory_space<vmem>>, vector<16xf32>, vector<16xi1>
      tpu.vector_store %arg15[%swap3A], %add3A_2005 masked %lt3A_181 {strides = array<i32>} : memref<528xf32, #tpu.memory_space<vmem>>, vector<16xf32>, vector<16xi1>
      %slice3A_2013 = vector.extract_strided_slice %get3A_305 {offsets = [8], sizes = [1], strides = [1]} : vector<16xi32> to vector<1xi32>
      %squeeze3A_2014 = vector.extract %slice3A_2013[0] : i32 from vector<1xi32>
      %shift_right_arithmetic3A_2015 = arith.constant 7 : i32
      %shift_right_arithmetic3A_2016 = arith.shrsi %squeeze3A_2014, %shift_right_arithmetic3A_2015 : i32
      %mul3A_2017 = arith.constant 128 : i32
      %mul3A_2018 = arith.muli %shift_right_arithmetic3A_2016, %mul3A_2017 : i32
      %multiple_of3A_2019 = tpu.assume_multiple %mul3A_2018, 128 : i32
      %slice3A_2020 = vector.extract_strided_slice %get3A_308 {offsets = [8], sizes = [1], strides = [1]} : vector<16xi32> to vector<1xi32>
      %squeeze3A_2021 = vector.extract %slice3A_2020[0] : i32 from vector<1xi32>
      %shift_right_arithmetic3A_2022 = arith.constant 7 : i32
      %shift_right_arithmetic3A_2023 = arith.shrsi %squeeze3A_2021, %shift_right_arithmetic3A_2022 : i32
      %mul3A_2024 = arith.constant 128 : i32
      %mul3A_2025 = arith.muli %shift_right_arithmetic3A_2023, %mul3A_2024 : i32
      %multiple_of3A_2026 = tpu.assume_multiple %mul3A_2025, 128 : i32
      %dma_start3A_2027 = arith.constant 0 : i32
      %dma_start3A_2028 = arith.constant 0 : i32
      %dma_start3A_2029 = arith.constant 0 : i32
      %dma_start3A_2030 = arith.constant 0 : i32
      %dma_start3A_2031 = tpu.memref_slice %arg11[%dma_start3A_2027, %dma_start3A_2028, %dma_start3A_2029, %dma_start3A_2030] : memref<8x4x8x128xf32, #tpu.memory_space<vmem>> -> memref<1x4x8x128xf32, #tpu.memory_space<vmem>>
      %dma_start3A_2032 = tpu.memref_squeeze %dma_start3A_2031 : memref<1x4x8x128xf32, #tpu.memory_space<vmem>> -> memref<4x8x128xf32, #tpu.memory_space<vmem>>
      %dma_start3A_2033 = arith.constant 0 : i32
      %dma_start3A_2034 = arith.constant 0 : i32
      %dma_start3A_2035 = tpu.memref_slice %arg4[%dma_start3A_2033, %dma_start3A_2034, %multiple_of3A_2019] : memref<4x8x1000000xf32, #tpu.memory_space<hbm>> -> memref<4x8x128xf32, #tpu.memory_space<hbm>>
      %dma_start3A_2036 = arith.constant 0 : i32
      %dma_start3A_2037 = arith.constant 0 : i32
      %dma_start3A_2038 = arith.constant 0 : i32
      %dma_start3A_2039 = tpu.memref_slice %arg11[%dma_start3A_2027, %dma_start3A_2036, %dma_start3A_2037, %dma_start3A_2038] : memref<8x4x8x128xf32, #tpu.memory_space<vmem>> -> memref<1x4x8x128xf32, #tpu.memory_space<vmem>>
      %dma_start3A_2040 = tpu.memref_squeeze %dma_start3A_2039 : memref<1x4x8x128xf32, #tpu.memory_space<vmem>> -> memref<4x8x128xf32, #tpu.memory_space<vmem>>
      %dma_start3A_2041 = arith.constant 0 : i32
      %dma_start3A_2042 = arith.constant 0 : i32
      %dma_start3A_2043 = tpu.memref_slice %arg4[%dma_start3A_2041, %dma_start3A_2042, %multiple_of3A_2019] : memref<4x8x1000000xf32, #tpu.memory_space<hbm>> -> memref<4x8x128xf32, #tpu.memory_space<hbm>>
      tpu.enqueue_dma source(%dma_start3A_2043 : memref<4x8x128xf32, #tpu.memory_space<hbm>>) target(%dma_start3A_2040 : memref<4x8x128xf32, #tpu.memory_space<vmem>>) target_semaphore(%arg16 : memref<!tpu.dma_semaphore, #tpu.memory_space<semaphore_mem>>)
      %dma_start3A_2044 = arith.constant 0 : i32
      %dma_start3A_2045 = arith.constant 0 : i32
      %dma_start3A_2046 = arith.constant 0 : i32
      %dma_start3A_2047 = arith.constant 0 : i32
      %dma_start3A_2048 = tpu.memref_slice %arg12[%dma_start3A_2044, %dma_start3A_2045, %dma_start3A_2046, %dma_start3A_2047] : memref<8x4x8x128xf32, #tpu.memory_space<vmem>> -> memref<1x4x8x128xf32, #tpu.memory_space<vmem>>
      %dma_start3A_2049 = tpu.memref_squeeze %dma_start3A_2048 : memref<1x4x8x128xf32, #tpu.memory_space<vmem>> -> memref<4x8x128xf32, #tpu.memory_space<vmem>>
      %dma_start3A_2050 = arith.constant 0 : i32
      %dma_start3A_2051 = arith.constant 0 : i32
      %dma_start3A_2052 = tpu.memref_slice %arg5[%dma_start3A_2050, %dma_start3A_2051, %multiple_of3A_2026] : memref<4x8x1000000xf32, #tpu.memory_space<hbm>> -> memref<4x8x128xf32, #tpu.memory_space<hbm>>
      %dma_start3A_2053 = arith.constant 0 : i32
      %dma_start3A_2054 = arith.constant 0 : i32
      %dma_start3A_2055 = arith.constant 0 : i32
      %dma_start3A_2056 = tpu.memref_slice %arg12[%dma_start3A_2044, %dma_start3A_2053, %dma_start3A_2054, %dma_start3A_2055] : memref<8x4x8x128xf32, #tpu.memory_space<vmem>> -> memref<1x4x8x128xf32, #tpu.memory_space<vmem>>
      %dma_start3A_2057 = tpu.memref_squeeze %dma_start3A_2056 : memref<1x4x8x128xf32, #tpu.memory_space<vmem>> -> memref<4x8x128xf32, #tpu.memory_space<vmem>>
      %dma_start3A_2058 = arith.constant 0 : i32
      %dma_start3A_2059 = arith.constant 0 : i32
      %dma_start3A_2060 = tpu.memref_slice %arg5[%dma_start3A_2058, %dma_start3A_2059, %multiple_of3A_2026] : memref<4x8x1000000xf32, #tpu.memory_space<hbm>> -> memref<4x8x128xf32, #tpu.memory_space<hbm>>
      tpu.enqueue_dma source(%dma_start3A_2060 : memref<4x8x128xf32, #tpu.memory_space<hbm>>) target(%dma_start3A_2057 : memref<4x8x128xf32, #tpu.memory_space<vmem>>) target_semaphore(%arg16 : memref<!tpu.dma_semaphore, #tpu.memory_space<semaphore_mem>>)
      %slice3A_2061 = vector.extract_strided_slice %get3A_305 {offsets = [9], sizes = [1], strides = [1]} : vector<16xi32> to vector<1xi32>
      %squeeze3A_2062 = vector.extract %slice3A_2061[0] : i32 from vector<1xi32>
      %shift_right_arithmetic3A_2063 = arith.constant 7 : i32
      %shift_right_arithmetic3A_2064 = arith.shrsi %squeeze3A_2062, %shift_right_arithmetic3A_2063 : i32
      %mul3A_2065 = arith.constant 128 : i32
      %mul3A_2066 = arith.muli %shift_right_arithmetic3A_2064, %mul3A_2065 : i32
      %multiple_of3A_2067 = tpu.assume_multiple %mul3A_2066, 128 : i32
      %slice3A_2068 = vector.extract_strided_slice %get3A_308 {offsets = [9], sizes = [1], strides = [1]} : vector<16xi32> to vector<1xi32>
      %squeeze3A_2069 = vector.extract %slice3A_2068[0] : i32 from vector<1xi32>
      %shift_right_arithmetic3A_2070 = arith.constant 7 : i32
      %shift_right_arithmetic3A_2071 = arith.shrsi %squeeze3A_2069, %shift_right_arithmetic3A_2070 : i32
      %mul3A_2072 = arith.constant 128 : i32
      %mul3A_2073 = arith.muli %shift_right_arithmetic3A_2071, %mul3A_2072 : i32
      %multiple_of3A_2074 = tpu.assume_multiple %mul3A_2073, 128 : i32
      %dma_start3A_2075 = arith.constant 1 : i32
      %dma_start3A_2076 = arith.constant 0 : i32
      %dma_start3A_2077 = arith.constant 0 : i32
      %dma_start3A_2078 = arith.constant 0 : i32
      %dma_start3A_2079 = tpu.memref_slice %arg11[%dma_start3A_2075, %dma_start3A_2076, %dma_start3A_2077, %dma_start3A_2078] : memref<8x4x8x128xf32, #tpu.memory_space<vmem>> -> memref<1x4x8x128xf32, #tpu.memory_space<vmem>>
      %dma_start3A_2080 = tpu.memref_squeeze %dma_start3A_2079 : memref<1x4x8x128xf32, #tpu.memory_space<vmem>> -> memref<4x8x128xf32, #tpu.memory_space<vmem>>
      %dma_start3A_2081 = arith.constant 0 : i32
      %dma_start3A_2082 = arith.constant 0 : i32
      %dma_start3A_2083 = tpu.memref_slice %arg4[%dma_start3A_2081, %dma_start3A_2082, %multiple_of3A_2067] : memref<4x8x1000000xf32, #tpu.memory_space<hbm>> -> memref<4x8x128xf32, #tpu.memory_space<hbm>>
      %dma_start3A_2084 = arith.constant 0 : i32
      %dma_start3A_2085 = arith.constant 0 : i32
      %dma_start3A_2086 = arith.constant 0 : i32
      %dma_start3A_2087 = tpu.memref_slice %arg11[%dma_start3A_2075, %dma_start3A_2084, %dma_start3A_2085, %dma_start3A_2086] : memref<8x4x8x128xf32, #tpu.memory_space<vmem>> -> memref<1x4x8x128xf32, #tpu.memory_space<vmem>>
      %dma_start3A_2088 = tpu.memref_squeeze %dma_start3A_2087 : memref<1x4x8x128xf32, #tpu.memory_space<vmem>> -> memref<4x8x128xf32, #tpu.memory_space<vmem>>
      %dma_start3A_2089 = arith.constant 0 : i32
      %dma_start3A_2090 = arith.constant 0 : i32
      %dma_start3A_2091 = tpu.memref_slice %arg4[%dma_start3A_2089, %dma_start3A_2090, %multiple_of3A_2067] : memref<4x8x1000000xf32, #tpu.memory_space<hbm>> -> memref<4x8x128xf32, #tpu.memory_space<hbm>>
      tpu.enqueue_dma source(%dma_start3A_2091 : memref<4x8x128xf32, #tpu.memory_space<hbm>>) target(%dma_start3A_2088 : memref<4x8x128xf32, #tpu.memory_space<vmem>>) target_semaphore(%arg16 : memref<!tpu.dma_semaphore, #tpu.memory_space<semaphore_mem>>)
      %dma_start3A_2092 = arith.constant 1 : i32
      %dma_start3A_2093 = arith.constant 0 : i32
      %dma_start3A_2094 = arith.constant 0 : i32
      %dma_start3A_2095 = arith.constant 0 : i32
      %dma_start3A_2096 = tpu.memref_slice %arg12[%dma_start3A_2092, %dma_start3A_2093, %dma_start3A_2094, %dma_start3A_2095] : memref<8x4x8x128xf32, #tpu.memory_space<vmem>> -> memref<1x4x8x128xf32, #tpu.memory_space<vmem>>
      %dma_start3A_2097 = tpu.memref_squeeze %dma_start3A_2096 : memref<1x4x8x128xf32, #tpu.memory_space<vmem>> -> memref<4x8x128xf32, #tpu.memory_space<vmem>>
      %dma_start3A_2098 = arith.constant 0 : i32
      %dma_start3A_2099 = arith.constant 0 : i32
      %dma_start3A_2100 = tpu.memref_slice %arg5[%dma_start3A_2098, %dma_start3A_2099, %multiple_of3A_2074] : memref<4x8x1000000xf32, #tpu.memory_space<hbm>> -> memref<4x8x128xf32, #tpu.memory_space<hbm>>
      %dma_start3A_2101 = arith.constant 0 : i32
      %dma_start3A_2102 = arith.constant 0 : i32
      %dma_start3A_2103 = arith.constant 0 : i32
      %dma_start3A_2104 = tpu.memref_slice %arg12[%dma_start3A_2092, %dma_start3A_2101, %dma_start3A_2102, %dma_start3A_2103] : memref<8x4x8x128xf32, #tpu.memory_space<vmem>> -> memref<1x4x8x128xf32, #tpu.memory_space<vmem>>
      %dma_start3A_2105 = tpu.memref_squeeze %dma_start3A_2104 : memref<1x4x8x128xf32, #tpu.memory_space<vmem>> -> memref<4x8x128xf32, #tpu.memory_space<vmem>>
      %dma_start3A_2106 = arith.constant 0 : i32
      %dma_start3A_2107 = arith.constant 0 : i32
      %dma_start3A_2108 = tpu.memref_slice %arg5[%dma_start3A_2106, %dma_start3A_2107, %multiple_of3A_2074] : memref<4x8x1000000xf32, #tpu.memory_space<hbm>> -> memref<4x8x128xf32, #tpu.memory_space<hbm>>
      tpu.enqueue_dma source(%dma_start3A_2108 : memref<4x8x128xf32, #tpu.memory_space<hbm>>) target(%dma_start3A_2105 : memref<4x8x128xf32, #tpu.memory_space<vmem>>) target_semaphore(%arg16 : memref<!tpu.dma_semaphore, #tpu.memory_space<semaphore_mem>>)
      %slice3A_2109 = vector.extract_strided_slice %get3A_305 {offsets = [10], sizes = [1], strides = [1]} : vector<16xi32> to vector<1xi32>
      %squeeze3A_2110 = vector.extract %slice3A_2109[0] : i32 from vector<1xi32>
      %shift_right_arithmetic3A_2111 = arith.constant 7 : i32
      %shift_right_arithmetic3A_2112 = arith.shrsi %squeeze3A_2110, %shift_right_arithmetic3A_2111 : i32
      %mul3A_2113 = arith.constant 128 : i32
      %mul3A_2114 = arith.muli %shift_right_arithmetic3A_2112, %mul3A_2113 : i32
      %multiple_of3A_2115 = tpu.assume_multiple %mul3A_2114, 128 : i32
      %slice3A_2116 = vector.extract_strided_slice %get3A_308 {offsets = [10], sizes = [1], strides = [1]} : vector<16xi32> to vector<1xi32>
      %squeeze3A_2117 = vector.extract %slice3A_2116[0] : i32 from vector<1xi32>
      %shift_right_arithmetic3A_2118 = arith.constant 7 : i32
      %shift_right_arithmetic3A_2119 = arith.shrsi %squeeze3A_2117, %shift_right_arithmetic3A_2118 : i32
      %mul3A_2120 = arith.constant 128 : i32
      %mul3A_2121 = arith.muli %shift_right_arithmetic3A_2119, %mul3A_2120 : i32
      %multiple_of3A_2122 = tpu.assume_multiple %mul3A_2121, 128 : i32
      %dma_start3A_2123 = arith.constant 2 : i32
      %dma_start3A_2124 = arith.constant 0 : i32
      %dma_start3A_2125 = arith.constant 0 : i32
      %dma_start3A_2126 = arith.constant 0 : i32
      %dma_start3A_2127 = tpu.memref_slice %arg11[%dma_start3A_2123, %dma_start3A_2124, %dma_start3A_2125, %dma_start3A_2126] : memref<8x4x8x128xf32, #tpu.memory_space<vmem>> -> memref<1x4x8x128xf32, #tpu.memory_space<vmem>>
      %dma_start3A_2128 = tpu.memref_squeeze %dma_start3A_2127 : memref<1x4x8x128xf32, #tpu.memory_space<vmem>> -> memref<4x8x128xf32, #tpu.memory_space<vmem>>
      %dma_start3A_2129 = arith.constant 0 : i32
      %dma_start3A_2130 = arith.constant 0 : i32
      %dma_start3A_2131 = tpu.memref_slice %arg4[%dma_start3A_2129, %dma_start3A_2130, %multiple_of3A_2115] : memref<4x8x1000000xf32, #tpu.memory_space<hbm>> -> memref<4x8x128xf32, #tpu.memory_space<hbm>>
      %dma_start3A_2132 = arith.constant 0 : i32
      %dma_start3A_2133 = arith.constant 0 : i32
      %dma_start3A_2134 = arith.constant 0 : i32
      %dma_start3A_2135 = tpu.memref_slice %arg11[%dma_start3A_2123, %dma_start3A_2132, %dma_start3A_2133, %dma_start3A_2134] : memref<8x4x8x128xf32, #tpu.memory_space<vmem>> -> memref<1x4x8x128xf32, #tpu.memory_space<vmem>>
      %dma_start3A_2136 = tpu.memref_squeeze %dma_start3A_2135 : memref<1x4x8x128xf32, #tpu.memory_space<vmem>> -> memref<4x8x128xf32, #tpu.memory_space<vmem>>
      %dma_start3A_2137 = arith.constant 0 : i32
      %dma_start3A_2138 = arith.constant 0 : i32
      %dma_start3A_2139 = tpu.memref_slice %arg4[%dma_start3A_2137, %dma_start3A_2138, %multiple_of3A_2115] : memref<4x8x1000000xf32, #tpu.memory_space<hbm>> -> memref<4x8x128xf32, #tpu.memory_space<hbm>>
      tpu.enqueue_dma source(%dma_start3A_2139 : memref<4x8x128xf32, #tpu.memory_space<hbm>>) target(%dma_start3A_2136 : memref<4x8x128xf32, #tpu.memory_space<vmem>>) target_semaphore(%arg16 : memref<!tpu.dma_semaphore, #tpu.memory_space<semaphore_mem>>)
      %dma_start3A_2140 = arith.constant 2 : i32
      %dma_start3A_2141 = arith.constant 0 : i32
      %dma_start3A_2142 = arith.constant 0 : i32
      %dma_start3A_2143 = arith.constant 0 : i32
      %dma_start3A_2144 = tpu.memref_slice %arg12[%dma_start3A_2140, %dma_start3A_2141, %dma_start3A_2142, %dma_start3A_2143] : memref<8x4x8x128xf32, #tpu.memory_space<vmem>> -> memref<1x4x8x128xf32, #tpu.memory_space<vmem>>
      %dma_start3A_2145 = tpu.memref_squeeze %dma_start3A_2144 : memref<1x4x8x128xf32, #tpu.memory_space<vmem>> -> memref<4x8x128xf32, #tpu.memory_space<vmem>>
      %dma_start3A_2146 = arith.constant 0 : i32
      %dma_start3A_2147 = arith.constant 0 : i32
      %dma_start3A_2148 = tpu.memref_slice %arg5[%dma_start3A_2146, %dma_start3A_2147, %multiple_of3A_2122] : memref<4x8x1000000xf32, #tpu.memory_space<hbm>> -> memref<4x8x128xf32, #tpu.memory_space<hbm>>
      %dma_start3A_2149 = arith.constant 0 : i32
      %dma_start3A_2150 = arith.constant 0 : i32
      %dma_start3A_2151 = arith.constant 0 : i32
      %dma_start3A_2152 = tpu.memref_slice %arg12[%dma_start3A_2140, %dma_start3A_2149, %dma_start3A_2150, %dma_start3A_2151] : memref<8x4x8x128xf32, #tpu.memory_space<vmem>> -> memref<1x4x8x128xf32, #tpu.memory_space<vmem>>
      %dma_start3A_2153 = tpu.memref_squeeze %dma_start3A_2152 : memref<1x4x8x128xf32, #tpu.memory_space<vmem>> -> memref<4x8x128xf32, #tpu.memory_space<vmem>>
      %dma_start3A_2154 = arith.constant 0 : i32
      %dma_start3A_2155 = arith.constant 0 : i32
      %dma_start3A_2156 = tpu.memref_slice %arg5[%dma_start3A_2154, %dma_start3A_2155, %multiple_of3A_2122] : memref<4x8x1000000xf32, #tpu.memory_space<hbm>> -> memref<4x8x128xf32, #tpu.memory_space<hbm>>
      tpu.enqueue_dma source(%dma_start3A_2156 : memref<4x8x128xf32, #tpu.memory_space<hbm>>) target(%dma_start3A_2153 : memref<4x8x128xf32, #tpu.memory_space<vmem>>) target_semaphore(%arg16 : memref<!tpu.dma_semaphore, #tpu.memory_space<semaphore_mem>>)
      %slice3A_2157 = vector.extract_strided_slice %get3A_305 {offsets = [11], sizes = [1], strides = [1]} : vector<16xi32> to vector<1xi32>
      %squeeze3A_2158 = vector.extract %slice3A_2157[0] : i32 from vector<1xi32>
      %shift_right_arithmetic3A_2159 = arith.constant 7 : i32
      %shift_right_arithmetic3A_2160 = arith.shrsi %squeeze3A_2158, %shift_right_arithmetic3A_2159 : i32
      %mul3A_2161 = arith.constant 128 : i32
      %mul3A_2162 = arith.muli %shift_right_arithmetic3A_2160, %mul3A_2161 : i32
      %multiple_of3A_2163 = tpu.assume_multiple %mul3A_2162, 128 : i32
      %slice3A_2164 = vector.extract_strided_slice %get3A_308 {offsets = [11], sizes = [1], strides = [1]} : vector<16xi32> to vector<1xi32>
      %squeeze3A_2165 = vector.extract %slice3A_2164[0] : i32 from vector<1xi32>
      %shift_right_arithmetic3A_2166 = arith.constant 7 : i32
      %shift_right_arithmetic3A_2167 = arith.shrsi %squeeze3A_2165, %shift_right_arithmetic3A_2166 : i32
      %mul3A_2168 = arith.constant 128 : i32
      %mul3A_2169 = arith.muli %shift_right_arithmetic3A_2167, %mul3A_2168 : i32
      %multiple_of3A_2170 = tpu.assume_multiple %mul3A_2169, 128 : i32
      %dma_start3A_2171 = arith.constant 3 : i32
      %dma_start3A_2172 = arith.constant 0 : i32
      %dma_start3A_2173 = arith.constant 0 : i32
      %dma_start3A_2174 = arith.constant 0 : i32
      %dma_start3A_2175 = tpu.memref_slice %arg11[%dma_start3A_2171, %dma_start3A_2172, %dma_start3A_2173, %dma_start3A_2174] : memref<8x4x8x128xf32, #tpu.memory_space<vmem>> -> memref<1x4x8x128xf32, #tpu.memory_space<vmem>>
      %dma_start3A_2176 = tpu.memref_squeeze %dma_start3A_2175 : memref<1x4x8x128xf32, #tpu.memory_space<vmem>> -> memref<4x8x128xf32, #tpu.memory_space<vmem>>
      %dma_start3A_2177 = arith.constant 0 : i32
      %dma_start3A_2178 = arith.constant 0 : i32
      %dma_start3A_2179 = tpu.memref_slice %arg4[%dma_start3A_2177, %dma_start3A_2178, %multiple_of3A_2163] : memref<4x8x1000000xf32, #tpu.memory_space<hbm>> -> memref<4x8x128xf32, #tpu.memory_space<hbm>>
      %dma_start3A_2180 = arith.constant 0 : i32
      %dma_start3A_2181 = arith.constant 0 : i32
      %dma_start3A_2182 = arith.constant 0 : i32
      %dma_start3A_2183 = tpu.memref_slice %arg11[%dma_start3A_2171, %dma_start3A_2180, %dma_start3A_2181, %dma_start3A_2182] : memref<8x4x8x128xf32, #tpu.memory_space<vmem>> -> memref<1x4x8x128xf32, #tpu.memory_space<vmem>>
      %dma_start3A_2184 = tpu.memref_squeeze %dma_start3A_2183 : memref<1x4x8x128xf32, #tpu.memory_space<vmem>> -> memref<4x8x128xf32, #tpu.memory_space<vmem>>
      %dma_start3A_2185 = arith.constant 0 : i32
      %dma_start3A_2186 = arith.constant 0 : i32
      %dma_start3A_2187 = tpu.memref_slice %arg4[%dma_start3A_2185, %dma_start3A_2186, %multiple_of3A_2163] : memref<4x8x1000000xf32, #tpu.memory_space<hbm>> -> memref<4x8x128xf32, #tpu.memory_space<hbm>>
      tpu.enqueue_dma source(%dma_start3A_2187 : memref<4x8x128xf32, #tpu.memory_space<hbm>>) target(%dma_start3A_2184 : memref<4x8x128xf32, #tpu.memory_space<vmem>>) target_semaphore(%arg16 : memref<!tpu.dma_semaphore, #tpu.memory_space<semaphore_mem>>)
      %dma_start3A_2188 = arith.constant 3 : i32
      %dma_start3A_2189 = arith.constant 0 : i32
      %dma_start3A_2190 = arith.constant 0 : i32
      %dma_start3A_2191 = arith.constant 0 : i32
      %dma_start3A_2192 = tpu.memref_slice %arg12[%dma_start3A_2188, %dma_start3A_2189, %dma_start3A_2190, %dma_start3A_2191] : memref<8x4x8x128xf32, #tpu.memory_space<vmem>> -> memref<1x4x8x128xf32, #tpu.memory_space<vmem>>
      %dma_start3A_2193 = tpu.memref_squeeze %dma_start3A_2192 : memref<1x4x8x128xf32, #tpu.memory_space<vmem>> -> memref<4x8x128xf32, #tpu.memory_space<vmem>>
      %dma_start3A_2194 = arith.constant 0 : i32
      %dma_start3A_2195 = arith.constant 0 : i32
      %dma_start3A_2196 = tpu.memref_slice %arg5[%dma_start3A_2194, %dma_start3A_2195, %multiple_of3A_2170] : memref<4x8x1000000xf32, #tpu.memory_space<hbm>> -> memref<4x8x128xf32, #tpu.memory_space<hbm>>
      %dma_start3A_2197 = arith.constant 0 : i32
      %dma_start3A_2198 = arith.constant 0 : i32
      %dma_start3A_2199 = arith.constant 0 : i32
      %dma_start3A_2200 = tpu.memref_slice %arg12[%dma_start3A_2188, %dma_start3A_2197, %dma_start3A_2198, %dma_start3A_2199] : memref<8x4x8x128xf32, #tpu.memory_space<vmem>> -> memref<1x4x8x128xf32, #tpu.memory_space<vmem>>
      %dma_start3A_2201 = tpu.memref_squeeze %dma_start3A_2200 : memref<1x4x8x128xf32, #tpu.memory_space<vmem>> -> memref<4x8x128xf32, #tpu.memory_space<vmem>>
      %dma_start3A_2202 = arith.constant 0 : i32
      %dma_start3A_2203 = arith.constant 0 : i32
      %dma_start3A_2204 = tpu.memref_slice %arg5[%dma_start3A_2202, %dma_start3A_2203, %multiple_of3A_2170] : memref<4x8x1000000xf32, #tpu.memory_space<hbm>> -> memref<4x8x128xf32, #tpu.memory_space<hbm>>
      tpu.enqueue_dma source(%dma_start3A_2204 : memref<4x8x128xf32, #tpu.memory_space<hbm>>) target(%dma_start3A_2201 : memref<4x8x128xf32, #tpu.memory_space<vmem>>) target_semaphore(%arg16 : memref<!tpu.dma_semaphore, #tpu.memory_space<semaphore_mem>>)
      %slice3A_2205 = vector.extract_strided_slice %get3A_305 {offsets = [12], sizes = [1], strides = [1]} : vector<16xi32> to vector<1xi32>
      %squeeze3A_2206 = vector.extract %slice3A_2205[0] : i32 from vector<1xi32>
      %shift_right_arithmetic3A_2207 = arith.constant 7 : i32
      %shift_right_arithmetic3A_2208 = arith.shrsi %squeeze3A_2206, %shift_right_arithmetic3A_2207 : i32
      %mul3A_2209 = arith.constant 128 : i32
      %mul3A_2210 = arith.muli %shift_right_arithmetic3A_2208, %mul3A_2209 : i32
      %multiple_of3A_2211 = tpu.assume_multiple %mul3A_2210, 128 : i32
      %slice3A_2212 = vector.extract_strided_slice %get3A_308 {offsets = [12], sizes = [1], strides = [1]} : vector<16xi32> to vector<1xi32>
      %squeeze3A_2213 = vector.extract %slice3A_2212[0] : i32 from vector<1xi32>
      %shift_right_arithmetic3A_2214 = arith.constant 7 : i32
      %shift_right_arithmetic3A_2215 = arith.shrsi %squeeze3A_2213, %shift_right_arithmetic3A_2214 : i32
      %mul3A_2216 = arith.constant 128 : i32
      %mul3A_2217 = arith.muli %shift_right_arithmetic3A_2215, %mul3A_2216 : i32
      %multiple_of3A_2218 = tpu.assume_multiple %mul3A_2217, 128 : i32
      %dma_start3A_2219 = arith.constant 4 : i32
      %dma_start3A_2220 = arith.constant 0 : i32
      %dma_start3A_2221 = arith.constant 0 : i32
      %dma_start3A_2222 = arith.constant 0 : i32
      %dma_start3A_2223 = tpu.memref_slice %arg11[%dma_start3A_2219, %dma_start3A_2220, %dma_start3A_2221, %dma_start3A_2222] : memref<8x4x8x128xf32, #tpu.memory_space<vmem>> -> memref<1x4x8x128xf32, #tpu.memory_space<vmem>>
      %dma_start3A_2224 = tpu.memref_squeeze %dma_start3A_2223 : memref<1x4x8x128xf32, #tpu.memory_space<vmem>> -> memref<4x8x128xf32, #tpu.memory_space<vmem>>
      %dma_start3A_2225 = arith.constant 0 : i32
      %dma_start3A_2226 = arith.constant 0 : i32
      %dma_start3A_2227 = tpu.memref_slice %arg4[%dma_start3A_2225, %dma_start3A_2226, %multiple_of3A_2211] : memref<4x8x1000000xf32, #tpu.memory_space<hbm>> -> memref<4x8x128xf32, #tpu.memory_space<hbm>>
      %dma_start3A_2228 = arith.constant 0 : i32
      %dma_start3A_2229 = arith.constant 0 : i32
      %dma_start3A_2230 = arith.constant 0 : i32
      %dma_start3A_2231 = tpu.memref_slice %arg11[%dma_start3A_2219, %dma_start3A_2228, %dma_start3A_2229, %dma_start3A_2230] : memref<8x4x8x128xf32, #tpu.memory_space<vmem>> -> memref<1x4x8x128xf32, #tpu.memory_space<vmem>>
      %dma_start3A_2232 = tpu.memref_squeeze %dma_start3A_2231 : memref<1x4x8x128xf32, #tpu.memory_space<vmem>> -> memref<4x8x128xf32, #tpu.memory_space<vmem>>
      %dma_start3A_2233 = arith.constant 0 : i32
      %dma_start3A_2234 = arith.constant 0 : i32
      %dma_start3A_2235 = tpu.memref_slice %arg4[%dma_start3A_2233, %dma_start3A_2234, %multiple_of3A_2211] : memref<4x8x1000000xf32, #tpu.memory_space<hbm>> -> memref<4x8x128xf32, #tpu.memory_space<hbm>>
      tpu.enqueue_dma source(%dma_start3A_2235 : memref<4x8x128xf32, #tpu.memory_space<hbm>>) target(%dma_start3A_2232 : memref<4x8x128xf32, #tpu.memory_space<vmem>>) target_semaphore(%arg16 : memref<!tpu.dma_semaphore, #tpu.memory_space<semaphore_mem>>)
      %dma_start3A_2236 = arith.constant 4 : i32
      %dma_start3A_2237 = arith.constant 0 : i32
      %dma_start3A_2238 = arith.constant 0 : i32
      %dma_start3A_2239 = arith.constant 0 : i32
      %dma_start3A_2240 = tpu.memref_slice %arg12[%dma_start3A_2236, %dma_start3A_2237, %dma_start3A_2238, %dma_start3A_2239] : memref<8x4x8x128xf32, #tpu.memory_space<vmem>> -> memref<1x4x8x128xf32, #tpu.memory_space<vmem>>
      %dma_start3A_2241 = tpu.memref_squeeze %dma_start3A_2240 : memref<1x4x8x128xf32, #tpu.memory_space<vmem>> -> memref<4x8x128xf32, #tpu.memory_space<vmem>>
      %dma_start3A_2242 = arith.constant 0 : i32
      %dma_start3A_2243 = arith.constant 0 : i32
      %dma_start3A_2244 = tpu.memref_slice %arg5[%dma_start3A_2242, %dma_start3A_2243, %multiple_of3A_2218] : memref<4x8x1000000xf32, #tpu.memory_space<hbm>> -> memref<4x8x128xf32, #tpu.memory_space<hbm>>
      %dma_start3A_2245 = arith.constant 0 : i32
      %dma_start3A_2246 = arith.constant 0 : i32
      %dma_start3A_2247 = arith.constant 0 : i32
      %dma_start3A_2248 = tpu.memref_slice %arg12[%dma_start3A_2236, %dma_start3A_2245, %dma_start3A_2246, %dma_start3A_2247] : memref<8x4x8x128xf32, #tpu.memory_space<vmem>> -> memref<1x4x8x128xf32, #tpu.memory_space<vmem>>
      %dma_start3A_2249 = tpu.memref_squeeze %dma_start3A_2248 : memref<1x4x8x128xf32, #tpu.memory_space<vmem>> -> memref<4x8x128xf32, #tpu.memory_space<vmem>>
      %dma_start3A_2250 = arith.constant 0 : i32
      %dma_start3A_2251 = arith.constant 0 : i32
      %dma_start3A_2252 = tpu.memref_slice %arg5[%dma_start3A_2250, %dma_start3A_2251, %multiple_of3A_2218] : memref<4x8x1000000xf32, #tpu.memory_space<hbm>> -> memref<4x8x128xf32, #tpu.memory_space<hbm>>
      tpu.enqueue_dma source(%dma_start3A_2252 : memref<4x8x128xf32, #tpu.memory_space<hbm>>) target(%dma_start3A_2249 : memref<4x8x128xf32, #tpu.memory_space<vmem>>) target_semaphore(%arg16 : memref<!tpu.dma_semaphore, #tpu.memory_space<semaphore_mem>>)
      %slice3A_2253 = vector.extract_strided_slice %get3A_305 {offsets = [13], sizes = [1], strides = [1]} : vector<16xi32> to vector<1xi32>
      %squeeze3A_2254 = vector.extract %slice3A_2253[0] : i32 from vector<1xi32>
      %shift_right_arithmetic3A_2255 = arith.constant 7 : i32
      %shift_right_arithmetic3A_2256 = arith.shrsi %squeeze3A_2254, %shift_right_arithmetic3A_2255 : i32
      %mul3A_2257 = arith.constant 128 : i32
      %mul3A_2258 = arith.muli %shift_right_arithmetic3A_2256, %mul3A_2257 : i32
      %multiple_of3A_2259 = tpu.assume_multiple %mul3A_2258, 128 : i32
      %slice3A_2260 = vector.extract_strided_slice %get3A_308 {offsets = [13], sizes = [1], strides = [1]} : vector<16xi32> to vector<1xi32>
      %squeeze3A_2261 = vector.extract %slice3A_2260[0] : i32 from vector<1xi32>
      %shift_right_arithmetic3A_2262 = arith.constant 7 : i32
      %shift_right_arithmetic3A_2263 = arith.shrsi %squeeze3A_2261, %shift_right_arithmetic3A_2262 : i32
      %mul3A_2264 = arith.constant 128 : i32
      %mul3A_2265 = arith.muli %shift_right_arithmetic3A_2263, %mul3A_2264 : i32
      %multiple_of3A_2266 = tpu.assume_multiple %mul3A_2265, 128 : i32
      %dma_start3A_2267 = arith.constant 5 : i32
      %dma_start3A_2268 = arith.constant 0 : i32
      %dma_start3A_2269 = arith.constant 0 : i32
      %dma_start3A_2270 = arith.constant 0 : i32
      %dma_start3A_2271 = tpu.memref_slice %arg11[%dma_start3A_2267, %dma_start3A_2268, %dma_start3A_2269, %dma_start3A_2270] : memref<8x4x8x128xf32, #tpu.memory_space<vmem>> -> memref<1x4x8x128xf32, #tpu.memory_space<vmem>>
      %dma_start3A_2272 = tpu.memref_squeeze %dma_start3A_2271 : memref<1x4x8x128xf32, #tpu.memory_space<vmem>> -> memref<4x8x128xf32, #tpu.memory_space<vmem>>
      %dma_start3A_2273 = arith.constant 0 : i32
      %dma_start3A_2274 = arith.constant 0 : i32
      %dma_start3A_2275 = tpu.memref_slice %arg4[%dma_start3A_2273, %dma_start3A_2274, %multiple_of3A_2259] : memref<4x8x1000000xf32, #tpu.memory_space<hbm>> -> memref<4x8x128xf32, #tpu.memory_space<hbm>>
      %dma_start3A_2276 = arith.constant 0 : i32
      %dma_start3A_2277 = arith.constant 0 : i32
      %dma_start3A_2278 = arith.constant 0 : i32
      %dma_start3A_2279 = tpu.memref_slice %arg11[%dma_start3A_2267, %dma_start3A_2276, %dma_start3A_2277, %dma_start3A_2278] : memref<8x4x8x128xf32, #tpu.memory_space<vmem>> -> memref<1x4x8x128xf32, #tpu.memory_space<vmem>>
      %dma_start3A_2280 = tpu.memref_squeeze %dma_start3A_2279 : memref<1x4x8x128xf32, #tpu.memory_space<vmem>> -> memref<4x8x128xf32, #tpu.memory_space<vmem>>
      %dma_start3A_2281 = arith.constant 0 : i32
      %dma_start3A_2282 = arith.constant 0 : i32
      %dma_start3A_2283 = tpu.memref_slice %arg4[%dma_start3A_2281, %dma_start3A_2282, %multiple_of3A_2259] : memref<4x8x1000000xf32, #tpu.memory_space<hbm>> -> memref<4x8x128xf32, #tpu.memory_space<hbm>>
      tpu.enqueue_dma source(%dma_start3A_2283 : memref<4x8x128xf32, #tpu.memory_space<hbm>>) target(%dma_start3A_2280 : memref<4x8x128xf32, #tpu.memory_space<vmem>>) target_semaphore(%arg16 : memref<!tpu.dma_semaphore, #tpu.memory_space<semaphore_mem>>)
      %dma_start3A_2284 = arith.constant 5 : i32
      %dma_start3A_2285 = arith.constant 0 : i32
      %dma_start3A_2286 = arith.constant 0 : i32
      %dma_start3A_2287 = arith.constant 0 : i32
      %dma_start3A_2288 = tpu.memref_slice %arg12[%dma_start3A_2284, %dma_start3A_2285, %dma_start3A_2286, %dma_start3A_2287] : memref<8x4x8x128xf32, #tpu.memory_space<vmem>> -> memref<1x4x8x128xf32, #tpu.memory_space<vmem>>
      %dma_start3A_2289 = tpu.memref_squeeze %dma_start3A_2288 : memref<1x4x8x128xf32, #tpu.memory_space<vmem>> -> memref<4x8x128xf32, #tpu.memory_space<vmem>>
      %dma_start3A_2290 = arith.constant 0 : i32
      %dma_start3A_2291 = arith.constant 0 : i32
      %dma_start3A_2292 = tpu.memref_slice %arg5[%dma_start3A_2290, %dma_start3A_2291, %multiple_of3A_2266] : memref<4x8x1000000xf32, #tpu.memory_space<hbm>> -> memref<4x8x128xf32, #tpu.memory_space<hbm>>
      %dma_start3A_2293 = arith.constant 0 : i32
      %dma_start3A_2294 = arith.constant 0 : i32
      %dma_start3A_2295 = arith.constant 0 : i32
      %dma_start3A_2296 = tpu.memref_slice %arg12[%dma_start3A_2284, %dma_start3A_2293, %dma_start3A_2294, %dma_start3A_2295] : memref<8x4x8x128xf32, #tpu.memory_space<vmem>> -> memref<1x4x8x128xf32, #tpu.memory_space<vmem>>
      %dma_start3A_2297 = tpu.memref_squeeze %dma_start3A_2296 : memref<1x4x8x128xf32, #tpu.memory_space<vmem>> -> memref<4x8x128xf32, #tpu.memory_space<vmem>>
      %dma_start3A_2298 = arith.constant 0 : i32
      %dma_start3A_2299 = arith.constant 0 : i32
      %dma_start3A_2300 = tpu.memref_slice %arg5[%dma_start3A_2298, %dma_start3A_2299, %multiple_of3A_2266] : memref<4x8x1000000xf32, #tpu.memory_space<hbm>> -> memref<4x8x128xf32, #tpu.memory_space<hbm>>
      tpu.enqueue_dma source(%dma_start3A_2300 : memref<4x8x128xf32, #tpu.memory_space<hbm>>) target(%dma_start3A_2297 : memref<4x8x128xf32, #tpu.memory_space<vmem>>) target_semaphore(%arg16 : memref<!tpu.dma_semaphore, #tpu.memory_space<semaphore_mem>>)
      %slice3A_2301 = vector.extract_strided_slice %get3A_305 {offsets = [14], sizes = [1], strides = [1]} : vector<16xi32> to vector<1xi32>
      %squeeze3A_2302 = vector.extract %slice3A_2301[0] : i32 from vector<1xi32>
      %shift_right_arithmetic3A_2303 = arith.constant 7 : i32
      %shift_right_arithmetic3A_2304 = arith.shrsi %squeeze3A_2302, %shift_right_arithmetic3A_2303 : i32
      %mul3A_2305 = arith.constant 128 : i32
      %mul3A_2306 = arith.muli %shift_right_arithmetic3A_2304, %mul3A_2305 : i32
      %multiple_of3A_2307 = tpu.assume_multiple %mul3A_2306, 128 : i32
      %slice3A_2308 = vector.extract_strided_slice %get3A_308 {offsets = [14], sizes = [1], strides = [1]} : vector<16xi32> to vector<1xi32>
      %squeeze3A_2309 = vector.extract %slice3A_2308[0] : i32 from vector<1xi32>
      %shift_right_arithmetic3A_2310 = arith.constant 7 : i32
      %shift_right_arithmetic3A_2311 = arith.shrsi %squeeze3A_2309, %shift_right_arithmetic3A_2310 : i32
      %mul3A_2312 = arith.constant 128 : i32
      %mul3A_2313 = arith.muli %shift_right_arithmetic3A_2311, %mul3A_2312 : i32
      %multiple_of3A_2314 = tpu.assume_multiple %mul3A_2313, 128 : i32
      %dma_start3A_2315 = arith.constant 6 : i32
      %dma_start3A_2316 = arith.constant 0 : i32
      %dma_start3A_2317 = arith.constant 0 : i32
      %dma_start3A_2318 = arith.constant 0 : i32
      %dma_start3A_2319 = tpu.memref_slice %arg11[%dma_start3A_2315, %dma_start3A_2316, %dma_start3A_2317, %dma_start3A_2318] : memref<8x4x8x128xf32, #tpu.memory_space<vmem>> -> memref<1x4x8x128xf32, #tpu.memory_space<vmem>>
      %dma_start3A_2320 = tpu.memref_squeeze %dma_start3A_2319 : memref<1x4x8x128xf32, #tpu.memory_space<vmem>> -> memref<4x8x128xf32, #tpu.memory_space<vmem>>
      %dma_start3A_2321 = arith.constant 0 : i32
      %dma_start3A_2322 = arith.constant 0 : i32
      %dma_start3A_2323 = tpu.memref_slice %arg4[%dma_start3A_2321, %dma_start3A_2322, %multiple_of3A_2307] : memref<4x8x1000000xf32, #tpu.memory_space<hbm>> -> memref<4x8x128xf32, #tpu.memory_space<hbm>>
      %dma_start3A_2324 = arith.constant 0 : i32
      %dma_start3A_2325 = arith.constant 0 : i32
      %dma_start3A_2326 = arith.constant 0 : i32
      %dma_start3A_2327 = tpu.memref_slice %arg11[%dma_start3A_2315, %dma_start3A_2324, %dma_start3A_2325, %dma_start3A_2326] : memref<8x4x8x128xf32, #tpu.memory_space<vmem>> -> memref<1x4x8x128xf32, #tpu.memory_space<vmem>>
      %dma_start3A_2328 = tpu.memref_squeeze %dma_start3A_2327 : memref<1x4x8x128xf32, #tpu.memory_space<vmem>> -> memref<4x8x128xf32, #tpu.memory_space<vmem>>
      %dma_start3A_2329 = arith.constant 0 : i32
      %dma_start3A_2330 = arith.constant 0 : i32
      %dma_start3A_2331 = tpu.memref_slice %arg4[%dma_start3A_2329, %dma_start3A_2330, %multiple_of3A_2307] : memref<4x8x1000000xf32, #tpu.memory_space<hbm>> -> memref<4x8x128xf32, #tpu.memory_space<hbm>>
      tpu.enqueue_dma source(%dma_start3A_2331 : memref<4x8x128xf32, #tpu.memory_space<hbm>>) target(%dma_start3A_2328 : memref<4x8x128xf32, #tpu.memory_space<vmem>>) target_semaphore(%arg16 : memref<!tpu.dma_semaphore, #tpu.memory_space<semaphore_mem>>)
      %dma_start3A_2332 = arith.constant 6 : i32
      %dma_start3A_2333 = arith.constant 0 : i32
      %dma_start3A_2334 = arith.constant 0 : i32
      %dma_start3A_2335 = arith.constant 0 : i32
      %dma_start3A_2336 = tpu.memref_slice %arg12[%dma_start3A_2332, %dma_start3A_2333, %dma_start3A_2334, %dma_start3A_2335] : memref<8x4x8x128xf32, #tpu.memory_space<vmem>> -> memref<1x4x8x128xf32, #tpu.memory_space<vmem>>
      %dma_start3A_2337 = tpu.memref_squeeze %dma_start3A_2336 : memref<1x4x8x128xf32, #tpu.memory_space<vmem>> -> memref<4x8x128xf32, #tpu.memory_space<vmem>>
      %dma_start3A_2338 = arith.constant 0 : i32
      %dma_start3A_2339 = arith.constant 0 : i32
      %dma_start3A_2340 = tpu.memref_slice %arg5[%dma_start3A_2338, %dma_start3A_2339, %multiple_of3A_2314] : memref<4x8x1000000xf32, #tpu.memory_space<hbm>> -> memref<4x8x128xf32, #tpu.memory_space<hbm>>
      %dma_start3A_2341 = arith.constant 0 : i32
      %dma_start3A_2342 = arith.constant 0 : i32
      %dma_start3A_2343 = arith.constant 0 : i32
      %dma_start3A_2344 = tpu.memref_slice %arg12[%dma_start3A_2332, %dma_start3A_2341, %dma_start3A_2342, %dma_start3A_2343] : memref<8x4x8x128xf32, #tpu.memory_space<vmem>> -> memref<1x4x8x128xf32, #tpu.memory_space<vmem>>
      %dma_start3A_2345 = tpu.memref_squeeze %dma_start3A_2344 : memref<1x4x8x128xf32, #tpu.memory_space<vmem>> -> memref<4x8x128xf32, #tpu.memory_space<vmem>>
      %dma_start3A_2346 = arith.constant 0 : i32
      %dma_start3A_2347 = arith.constant 0 : i32
      %dma_start3A_2348 = tpu.memref_slice %arg5[%dma_start3A_2346, %dma_start3A_2347, %multiple_of3A_2314] : memref<4x8x1000000xf32, #tpu.memory_space<hbm>> -> memref<4x8x128xf32, #tpu.memory_space<hbm>>
      tpu.enqueue_dma source(%dma_start3A_2348 : memref<4x8x128xf32, #tpu.memory_space<hbm>>) target(%dma_start3A_2345 : memref<4x8x128xf32, #tpu.memory_space<vmem>>) target_semaphore(%arg16 : memref<!tpu.dma_semaphore, #tpu.memory_space<semaphore_mem>>)
      %slice3A_2349 = vector.extract_strided_slice %get3A_305 {offsets = [15], sizes = [1], strides = [1]} : vector<16xi32> to vector<1xi32>
      %squeeze3A_2350 = vector.extract %slice3A_2349[0] : i32 from vector<1xi32>
      %shift_right_arithmetic3A_2351 = arith.constant 7 : i32
      %shift_right_arithmetic3A_2352 = arith.shrsi %squeeze3A_2350, %shift_right_arithmetic3A_2351 : i32
      %mul3A_2353 = arith.constant 128 : i32
      %mul3A_2354 = arith.muli %shift_right_arithmetic3A_2352, %mul3A_2353 : i32
      %multiple_of3A_2355 = tpu.assume_multiple %mul3A_2354, 128 : i32
      %slice3A_2356 = vector.extract_strided_slice %get3A_308 {offsets = [15], sizes = [1], strides = [1]} : vector<16xi32> to vector<1xi32>
      %squeeze3A_2357 = vector.extract %slice3A_2356[0] : i32 from vector<1xi32>
      %shift_right_arithmetic3A_2358 = arith.constant 7 : i32
      %shift_right_arithmetic3A_2359 = arith.shrsi %squeeze3A_2357, %shift_right_arithmetic3A_2358 : i32
      %mul3A_2360 = arith.constant 128 : i32
      %mul3A_2361 = arith.muli %shift_right_arithmetic3A_2359, %mul3A_2360 : i32
      %multiple_of3A_2362 = tpu.assume_multiple %mul3A_2361, 128 : i32
      %dma_start3A_2363 = arith.constant 7 : i32
      %dma_start3A_2364 = arith.constant 0 : i32
      %dma_start3A_2365 = arith.constant 0 : i32
      %dma_start3A_2366 = arith.constant 0 : i32
      %dma_start3A_2367 = tpu.memref_slice %arg11[%dma_start3A_2363, %dma_start3A_2364, %dma_start3A_2365, %dma_start3A_2366] : memref<8x4x8x128xf32, #tpu.memory_space<vmem>> -> memref<1x4x8x128xf32, #tpu.memory_space<vmem>>
      %dma_start3A_2368 = tpu.memref_squeeze %dma_start3A_2367 : memref<1x4x8x128xf32, #tpu.memory_space<vmem>> -> memref<4x8x128xf32, #tpu.memory_space<vmem>>
      %dma_start3A_2369 = arith.constant 0 : i32
      %dma_start3A_2370 = arith.constant 0 : i32
      %dma_start3A_2371 = tpu.memref_slice %arg4[%dma_start3A_2369, %dma_start3A_2370, %multiple_of3A_2355] : memref<4x8x1000000xf32, #tpu.memory_space<hbm>> -> memref<4x8x128xf32, #tpu.memory_space<hbm>>
      %dma_start3A_2372 = arith.constant 0 : i32
      %dma_start3A_2373 = arith.constant 0 : i32
      %dma_start3A_2374 = arith.constant 0 : i32
      %dma_start3A_2375 = tpu.memref_slice %arg11[%dma_start3A_2363, %dma_start3A_2372, %dma_start3A_2373, %dma_start3A_2374] : memref<8x4x8x128xf32, #tpu.memory_space<vmem>> -> memref<1x4x8x128xf32, #tpu.memory_space<vmem>>
      %dma_start3A_2376 = tpu.memref_squeeze %dma_start3A_2375 : memref<1x4x8x128xf32, #tpu.memory_space<vmem>> -> memref<4x8x128xf32, #tpu.memory_space<vmem>>
      %dma_start3A_2377 = arith.constant 0 : i32
      %dma_start3A_2378 = arith.constant 0 : i32
      %dma_start3A_2379 = tpu.memref_slice %arg4[%dma_start3A_2377, %dma_start3A_2378, %multiple_of3A_2355] : memref<4x8x1000000xf32, #tpu.memory_space<hbm>> -> memref<4x8x128xf32, #tpu.memory_space<hbm>>
      tpu.enqueue_dma source(%dma_start3A_2379 : memref<4x8x128xf32, #tpu.memory_space<hbm>>) target(%dma_start3A_2376 : memref<4x8x128xf32, #tpu.memory_space<vmem>>) target_semaphore(%arg16 : memref<!tpu.dma_semaphore, #tpu.memory_space<semaphore_mem>>)
      %dma_start3A_2380 = arith.constant 7 : i32
      %dma_start3A_2381 = arith.constant 0 : i32
      %dma_start3A_2382 = arith.constant 0 : i32
      %dma_start3A_2383 = arith.constant 0 : i32
      %dma_start3A_2384 = tpu.memref_slice %arg12[%dma_start3A_2380, %dma_start3A_2381, %dma_start3A_2382, %dma_start3A_2383] : memref<8x4x8x128xf32, #tpu.memory_space<vmem>> -> memref<1x4x8x128xf32, #tpu.memory_space<vmem>>
      %dma_start3A_2385 = tpu.memref_squeeze %dma_start3A_2384 : memref<1x4x8x128xf32, #tpu.memory_space<vmem>> -> memref<4x8x128xf32, #tpu.memory_space<vmem>>
      %dma_start3A_2386 = arith.constant 0 : i32
      %dma_start3A_2387 = arith.constant 0 : i32
      %dma_start3A_2388 = tpu.memref_slice %arg5[%dma_start3A_2386, %dma_start3A_2387, %multiple_of3A_2362] : memref<4x8x1000000xf32, #tpu.memory_space<hbm>> -> memref<4x8x128xf32, #tpu.memory_space<hbm>>
      %dma_start3A_2389 = arith.constant 0 : i32
      %dma_start3A_2390 = arith.constant 0 : i32
      %dma_start3A_2391 = arith.constant 0 : i32
      %dma_start3A_2392 = tpu.memref_slice %arg12[%dma_start3A_2380, %dma_start3A_2389, %dma_start3A_2390, %dma_start3A_2391] : memref<8x4x8x128xf32, #tpu.memory_space<vmem>> -> memref<1x4x8x128xf32, #tpu.memory_space<vmem>>
      %dma_start3A_2393 = tpu.memref_squeeze %dma_start3A_2392 : memref<1x4x8x128xf32, #tpu.memory_space<vmem>> -> memref<4x8x128xf32, #tpu.memory_space<vmem>>
      %dma_start3A_2394 = arith.constant 0 : i32
      %dma_start3A_2395 = arith.constant 0 : i32
      %dma_start3A_2396 = tpu.memref_slice %arg5[%dma_start3A_2394, %dma_start3A_2395, %multiple_of3A_2362] : memref<4x8x1000000xf32, #tpu.memory_space<hbm>> -> memref<4x8x128xf32, #tpu.memory_space<hbm>>
      tpu.enqueue_dma source(%dma_start3A_2396 : memref<4x8x128xf32, #tpu.memory_space<hbm>>) target(%dma_start3A_2393 : memref<4x8x128xf32, #tpu.memory_space<vmem>>) target_semaphore(%arg16 : memref<!tpu.dma_semaphore, #tpu.memory_space<semaphore_mem>>)
      %dma_wait3A_2397 = arith.constant 0 : i32
      %dma_wait3A_2398 = arith.constant 0 : i32
      %dma_wait3A_2399 = arith.constant 0 : i32
      %dma_wait3A_2400 = arith.constant 0 : i32
      %dma_wait3A_2401 = tpu.memref_slice %arg11[%dma_wait3A_2397, %dma_wait3A_2398, %dma_wait3A_2399, %dma_wait3A_2400] : memref<8x4x8x128xf32, #tpu.memory_space<vmem>> -> memref<1x4x8x128xf32, #tpu.memory_space<vmem>>
      %dma_wait3A_2402 = tpu.memref_squeeze %dma_wait3A_2401 : memref<1x4x8x128xf32, #tpu.memory_space<vmem>> -> memref<4x8x128xf32, #tpu.memory_space<vmem>>
      %dma_wait3A_2403 = arith.constant 0 : i32
      %dma_wait3A_2404 = arith.constant 0 : i32
      %dma_wait3A_2405 = tpu.memref_slice %arg4[%dma_wait3A_2403, %dma_wait3A_2404, %multiple_of3A_2019] : memref<4x8x1000000xf32, #tpu.memory_space<hbm>> -> memref<4x8x128xf32, #tpu.memory_space<hbm>>
      %dma_wait3A_2406 = arith.constant 0 : i32
      %dma_wait3A_2407 = arith.constant 0 : i32
      %dma_wait3A_2408 = arith.constant 0 : i32
      %dma_wait3A_2409 = tpu.memref_slice %arg11[%dma_wait3A_2397, %dma_wait3A_2406, %dma_wait3A_2407, %dma_wait3A_2408] : memref<8x4x8x128xf32, #tpu.memory_space<vmem>> -> memref<1x4x8x128xf32, #tpu.memory_space<vmem>>
      %dma_wait3A_2410 = tpu.memref_squeeze %dma_wait3A_2409 : memref<1x4x8x128xf32, #tpu.memory_space<vmem>> -> memref<4x8x128xf32, #tpu.memory_space<vmem>>
      %dma_wait3A_2411 = arith.constant 0 : i32
      %dma_wait3A_2412 = arith.constant 0 : i32
      %dma_wait3A_2413 = tpu.memref_slice %arg4[%dma_wait3A_2411, %dma_wait3A_2412, %multiple_of3A_2019] : memref<4x8x1000000xf32, #tpu.memory_space<hbm>> -> memref<4x8x128xf32, #tpu.memory_space<hbm>>
      tpu.wait_dma2 semaphore(%arg16 : memref<!tpu.dma_semaphore, #tpu.memory_space<semaphore_mem>>) src(%dma_wait3A_2413 : memref<4x8x128xf32, #tpu.memory_space<hbm>>) dst(%dma_wait3A_2410 : memref<4x8x128xf32, #tpu.memory_space<vmem>>)
      %dma_wait3A_2414 = arith.constant 0 : i32
      %dma_wait3A_2415 = arith.constant 0 : i32
      %dma_wait3A_2416 = arith.constant 0 : i32
      %dma_wait3A_2417 = arith.constant 0 : i32
      %dma_wait3A_2418 = tpu.memref_slice %arg12[%dma_wait3A_2414, %dma_wait3A_2415, %dma_wait3A_2416, %dma_wait3A_2417] : memref<8x4x8x128xf32, #tpu.memory_space<vmem>> -> memref<1x4x8x128xf32, #tpu.memory_space<vmem>>
      %dma_wait3A_2419 = tpu.memref_squeeze %dma_wait3A_2418 : memref<1x4x8x128xf32, #tpu.memory_space<vmem>> -> memref<4x8x128xf32, #tpu.memory_space<vmem>>
      %dma_wait3A_2420 = arith.constant 0 : i32
      %dma_wait3A_2421 = arith.constant 0 : i32
      %dma_wait3A_2422 = tpu.memref_slice %arg5[%dma_wait3A_2420, %dma_wait3A_2421, %multiple_of3A_2026] : memref<4x8x1000000xf32, #tpu.memory_space<hbm>> -> memref<4x8x128xf32, #tpu.memory_space<hbm>>
      %dma_wait3A_2423 = arith.constant 0 : i32
      %dma_wait3A_2424 = arith.constant 0 : i32
      %dma_wait3A_2425 = arith.constant 0 : i32
      %dma_wait3A_2426 = tpu.memref_slice %arg12[%dma_wait3A_2414, %dma_wait3A_2423, %dma_wait3A_2424, %dma_wait3A_2425] : memref<8x4x8x128xf32, #tpu.memory_space<vmem>> -> memref<1x4x8x128xf32, #tpu.memory_space<vmem>>
      %dma_wait3A_2427 = tpu.memref_squeeze %dma_wait3A_2426 : memref<1x4x8x128xf32, #tpu.memory_space<vmem>> -> memref<4x8x128xf32, #tpu.memory_space<vmem>>
      %dma_wait3A_2428 = arith.constant 0 : i32
      %dma_wait3A_2429 = arith.constant 0 : i32
      %dma_wait3A_2430 = tpu.memref_slice %arg5[%dma_wait3A_2428, %dma_wait3A_2429, %multiple_of3A_2026] : memref<4x8x1000000xf32, #tpu.memory_space<hbm>> -> memref<4x8x128xf32, #tpu.memory_space<hbm>>
      tpu.wait_dma2 semaphore(%arg16 : memref<!tpu.dma_semaphore, #tpu.memory_space<semaphore_mem>>) src(%dma_wait3A_2430 : memref<4x8x128xf32, #tpu.memory_space<hbm>>) dst(%dma_wait3A_2427 : memref<4x8x128xf32, #tpu.memory_space<vmem>>)
      %dma_wait3A_2431 = arith.constant 1 : i32
      %dma_wait3A_2432 = arith.constant 0 : i32
      %dma_wait3A_2433 = arith.constant 0 : i32
      %dma_wait3A_2434 = arith.constant 0 : i32
      %dma_wait3A_2435 = tpu.memref_slice %arg11[%dma_wait3A_2431, %dma_wait3A_2432, %dma_wait3A_2433, %dma_wait3A_2434] : memref<8x4x8x128xf32, #tpu.memory_space<vmem>> -> memref<1x4x8x128xf32, #tpu.memory_space<vmem>>
      %dma_wait3A_2436 = tpu.memref_squeeze %dma_wait3A_2435 : memref<1x4x8x128xf32, #tpu.memory_space<vmem>> -> memref<4x8x128xf32, #tpu.memory_space<vmem>>
      %dma_wait3A_2437 = arith.constant 0 : i32
      %dma_wait3A_2438 = arith.constant 0 : i32
      %dma_wait3A_2439 = tpu.memref_slice %arg4[%dma_wait3A_2437, %dma_wait3A_2438, %multiple_of3A_2067] : memref<4x8x1000000xf32, #tpu.memory_space<hbm>> -> memref<4x8x128xf32, #tpu.memory_space<hbm>>
      %dma_wait3A_2440 = arith.constant 0 : i32
      %dma_wait3A_2441 = arith.constant 0 : i32
      %dma_wait3A_2442 = arith.constant 0 : i32
      %dma_wait3A_2443 = tpu.memref_slice %arg11[%dma_wait3A_2431, %dma_wait3A_2440, %dma_wait3A_2441, %dma_wait3A_2442] : memref<8x4x8x128xf32, #tpu.memory_space<vmem>> -> memref<1x4x8x128xf32, #tpu.memory_space<vmem>>
      %dma_wait3A_2444 = tpu.memref_squeeze %dma_wait3A_2443 : memref<1x4x8x128xf32, #tpu.memory_space<vmem>> -> memref<4x8x128xf32, #tpu.memory_space<vmem>>
      %dma_wait3A_2445 = arith.constant 0 : i32
      %dma_wait3A_2446 = arith.constant 0 : i32
      %dma_wait3A_2447 = tpu.memref_slice %arg4[%dma_wait3A_2445, %dma_wait3A_2446, %multiple_of3A_2067] : memref<4x8x1000000xf32, #tpu.memory_space<hbm>> -> memref<4x8x128xf32, #tpu.memory_space<hbm>>
      tpu.wait_dma2 semaphore(%arg16 : memref<!tpu.dma_semaphore, #tpu.memory_space<semaphore_mem>>) src(%dma_wait3A_2447 : memref<4x8x128xf32, #tpu.memory_space<hbm>>) dst(%dma_wait3A_2444 : memref<4x8x128xf32, #tpu.memory_space<vmem>>)
      %dma_wait3A_2448 = arith.constant 1 : i32
      %dma_wait3A_2449 = arith.constant 0 : i32
      %dma_wait3A_2450 = arith.constant 0 : i32
      %dma_wait3A_2451 = arith.constant 0 : i32
      %dma_wait3A_2452 = tpu.memref_slice %arg12[%dma_wait3A_2448, %dma_wait3A_2449, %dma_wait3A_2450, %dma_wait3A_2451] : memref<8x4x8x128xf32, #tpu.memory_space<vmem>> -> memref<1x4x8x128xf32, #tpu.memory_space<vmem>>
      %dma_wait3A_2453 = tpu.memref_squeeze %dma_wait3A_2452 : memref<1x4x8x128xf32, #tpu.memory_space<vmem>> -> memref<4x8x128xf32, #tpu.memory_space<vmem>>
      %dma_wait3A_2454 = arith.constant 0 : i32
      %dma_wait3A_2455 = arith.constant 0 : i32
      %dma_wait3A_2456 = tpu.memref_slice %arg5[%dma_wait3A_2454, %dma_wait3A_2455, %multiple_of3A_2074] : memref<4x8x1000000xf32, #tpu.memory_space<hbm>> -> memref<4x8x128xf32, #tpu.memory_space<hbm>>
      %dma_wait3A_2457 = arith.constant 0 : i32
      %dma_wait3A_2458 = arith.constant 0 : i32
      %dma_wait3A_2459 = arith.constant 0 : i32
      %dma_wait3A_2460 = tpu.memref_slice %arg12[%dma_wait3A_2448, %dma_wait3A_2457, %dma_wait3A_2458, %dma_wait3A_2459] : memref<8x4x8x128xf32, #tpu.memory_space<vmem>> -> memref<1x4x8x128xf32, #tpu.memory_space<vmem>>
      %dma_wait3A_2461 = tpu.memref_squeeze %dma_wait3A_2460 : memref<1x4x8x128xf32, #tpu.memory_space<vmem>> -> memref<4x8x128xf32, #tpu.memory_space<vmem>>
      %dma_wait3A_2462 = arith.constant 0 : i32
      %dma_wait3A_2463 = arith.constant 0 : i32
      %dma_wait3A_2464 = tpu.memref_slice %arg5[%dma_wait3A_2462, %dma_wait3A_2463, %multiple_of3A_2074] : memref<4x8x1000000xf32, #tpu.memory_space<hbm>> -> memref<4x8x128xf32, #tpu.memory_space<hbm>>
      tpu.wait_dma2 semaphore(%arg16 : memref<!tpu.dma_semaphore, #tpu.memory_space<semaphore_mem>>) src(%dma_wait3A_2464 : memref<4x8x128xf32, #tpu.memory_space<hbm>>) dst(%dma_wait3A_2461 : memref<4x8x128xf32, #tpu.memory_space<vmem>>)
      %dma_wait3A_2465 = arith.constant 2 : i32
      %dma_wait3A_2466 = arith.constant 0 : i32
      %dma_wait3A_2467 = arith.constant 0 : i32
      %dma_wait3A_2468 = arith.constant 0 : i32
      %dma_wait3A_2469 = tpu.memref_slice %arg11[%dma_wait3A_2465, %dma_wait3A_2466, %dma_wait3A_2467, %dma_wait3A_2468] : memref<8x4x8x128xf32, #tpu.memory_space<vmem>> -> memref<1x4x8x128xf32, #tpu.memory_space<vmem>>
      %dma_wait3A_2470 = tpu.memref_squeeze %dma_wait3A_2469 : memref<1x4x8x128xf32, #tpu.memory_space<vmem>> -> memref<4x8x128xf32, #tpu.memory_space<vmem>>
      %dma_wait3A_2471 = arith.constant 0 : i32
      %dma_wait3A_2472 = arith.constant 0 : i32
      %dma_wait3A_2473 = tpu.memref_slice %arg4[%dma_wait3A_2471, %dma_wait3A_2472, %multiple_of3A_2115] : memref<4x8x1000000xf32, #tpu.memory_space<hbm>> -> memref<4x8x128xf32, #tpu.memory_space<hbm>>
      %dma_wait3A_2474 = arith.constant 0 : i32
      %dma_wait3A_2475 = arith.constant 0 : i32
      %dma_wait3A_2476 = arith.constant 0 : i32
      %dma_wait3A_2477 = tpu.memref_slice %arg11[%dma_wait3A_2465, %dma_wait3A_2474, %dma_wait3A_2475, %dma_wait3A_2476] : memref<8x4x8x128xf32, #tpu.memory_space<vmem>> -> memref<1x4x8x128xf32, #tpu.memory_space<vmem>>
      %dma_wait3A_2478 = tpu.memref_squeeze %dma_wait3A_2477 : memref<1x4x8x128xf32, #tpu.memory_space<vmem>> -> memref<4x8x128xf32, #tpu.memory_space<vmem>>
      %dma_wait3A_2479 = arith.constant 0 : i32
      %dma_wait3A_2480 = arith.constant 0 : i32
      %dma_wait3A_2481 = tpu.memref_slice %arg4[%dma_wait3A_2479, %dma_wait3A_2480, %multiple_of3A_2115] : memref<4x8x1000000xf32, #tpu.memory_space<hbm>> -> memref<4x8x128xf32, #tpu.memory_space<hbm>>
      tpu.wait_dma2 semaphore(%arg16 : memref<!tpu.dma_semaphore, #tpu.memory_space<semaphore_mem>>) src(%dma_wait3A_2481 : memref<4x8x128xf32, #tpu.memory_space<hbm>>) dst(%dma_wait3A_2478 : memref<4x8x128xf32, #tpu.memory_space<vmem>>)
      %dma_wait3A_2482 = arith.constant 2 : i32
      %dma_wait3A_2483 = arith.constant 0 : i32
      %dma_wait3A_2484 = arith.constant 0 : i32
      %dma_wait3A_2485 = arith.constant 0 : i32
      %dma_wait3A_2486 = tpu.memref_slice %arg12[%dma_wait3A_2482, %dma_wait3A_2483, %dma_wait3A_2484, %dma_wait3A_2485] : memref<8x4x8x128xf32, #tpu.memory_space<vmem>> -> memref<1x4x8x128xf32, #tpu.memory_space<vmem>>
      %dma_wait3A_2487 = tpu.memref_squeeze %dma_wait3A_2486 : memref<1x4x8x128xf32, #tpu.memory_space<vmem>> -> memref<4x8x128xf32, #tpu.memory_space<vmem>>
      %dma_wait3A_2488 = arith.constant 0 : i32
      %dma_wait3A_2489 = arith.constant 0 : i32
      %dma_wait3A_2490 = tpu.memref_slice %arg5[%dma_wait3A_2488, %dma_wait3A_2489, %multiple_of3A_2122] : memref<4x8x1000000xf32, #tpu.memory_space<hbm>> -> memref<4x8x128xf32, #tpu.memory_space<hbm>>
      %dma_wait3A_2491 = arith.constant 0 : i32
      %dma_wait3A_2492 = arith.constant 0 : i32
      %dma_wait3A_2493 = arith.constant 0 : i32
      %dma_wait3A_2494 = tpu.memref_slice %arg12[%dma_wait3A_2482, %dma_wait3A_2491, %dma_wait3A_2492, %dma_wait3A_2493] : memref<8x4x8x128xf32, #tpu.memory_space<vmem>> -> memref<1x4x8x128xf32, #tpu.memory_space<vmem>>
      %dma_wait3A_2495 = tpu.memref_squeeze %dma_wait3A_2494 : memref<1x4x8x128xf32, #tpu.memory_space<vmem>> -> memref<4x8x128xf32, #tpu.memory_space<vmem>>
      %dma_wait3A_2496 = arith.constant 0 : i32
      %dma_wait3A_2497 = arith.constant 0 : i32
      %dma_wait3A_2498 = tpu.memref_slice %arg5[%dma_wait3A_2496, %dma_wait3A_2497, %multiple_of3A_2122] : memref<4x8x1000000xf32, #tpu.memory_space<hbm>> -> memref<4x8x128xf32, #tpu.memory_space<hbm>>
      tpu.wait_dma2 semaphore(%arg16 : memref<!tpu.dma_semaphore, #tpu.memory_space<semaphore_mem>>) src(%dma_wait3A_2498 : memref<4x8x128xf32, #tpu.memory_space<hbm>>) dst(%dma_wait3A_2495 : memref<4x8x128xf32, #tpu.memory_space<vmem>>)
      %dma_wait3A_2499 = arith.constant 3 : i32
      %dma_wait3A_2500 = arith.constant 0 : i32
      %dma_wait3A_2501 = arith.constant 0 : i32
      %dma_wait3A_2502 = arith.constant 0 : i32
      %dma_wait3A_2503 = tpu.memref_slice %arg11[%dma_wait3A_2499, %dma_wait3A_2500, %dma_wait3A_2501, %dma_wait3A_2502] : memref<8x4x8x128xf32, #tpu.memory_space<vmem>> -> memref<1x4x8x128xf32, #tpu.memory_space<vmem>>
      %dma_wait3A_2504 = tpu.memref_squeeze %dma_wait3A_2503 : memref<1x4x8x128xf32, #tpu.memory_space<vmem>> -> memref<4x8x128xf32, #tpu.memory_space<vmem>>
      %dma_wait3A_2505 = arith.constant 0 : i32
      %dma_wait3A_2506 = arith.constant 0 : i32
      %dma_wait3A_2507 = tpu.memref_slice %arg4[%dma_wait3A_2505, %dma_wait3A_2506, %multiple_of3A_2163] : memref<4x8x1000000xf32, #tpu.memory_space<hbm>> -> memref<4x8x128xf32, #tpu.memory_space<hbm>>
      %dma_wait3A_2508 = arith.constant 0 : i32
      %dma_wait3A_2509 = arith.constant 0 : i32
      %dma_wait3A_2510 = arith.constant 0 : i32
      %dma_wait3A_2511 = tpu.memref_slice %arg11[%dma_wait3A_2499, %dma_wait3A_2508, %dma_wait3A_2509, %dma_wait3A_2510] : memref<8x4x8x128xf32, #tpu.memory_space<vmem>> -> memref<1x4x8x128xf32, #tpu.memory_space<vmem>>
      %dma_wait3A_2512 = tpu.memref_squeeze %dma_wait3A_2511 : memref<1x4x8x128xf32, #tpu.memory_space<vmem>> -> memref<4x8x128xf32, #tpu.memory_space<vmem>>
      %dma_wait3A_2513 = arith.constant 0 : i32
      %dma_wait3A_2514 = arith.constant 0 : i32
      %dma_wait3A_2515 = tpu.memref_slice %arg4[%dma_wait3A_2513, %dma_wait3A_2514, %multiple_of3A_2163] : memref<4x8x1000000xf32, #tpu.memory_space<hbm>> -> memref<4x8x128xf32, #tpu.memory_space<hbm>>
      tpu.wait_dma2 semaphore(%arg16 : memref<!tpu.dma_semaphore, #tpu.memory_space<semaphore_mem>>) src(%dma_wait3A_2515 : memref<4x8x128xf32, #tpu.memory_space<hbm>>) dst(%dma_wait3A_2512 : memref<4x8x128xf32, #tpu.memory_space<vmem>>)
      %dma_wait3A_2516 = arith.constant 3 : i32
      %dma_wait3A_2517 = arith.constant 0 : i32
      %dma_wait3A_2518 = arith.constant 0 : i32
      %dma_wait3A_2519 = arith.constant 0 : i32
      %dma_wait3A_2520 = tpu.memref_slice %arg12[%dma_wait3A_2516, %dma_wait3A_2517, %dma_wait3A_2518, %dma_wait3A_2519] : memref<8x4x8x128xf32, #tpu.memory_space<vmem>> -> memref<1x4x8x128xf32, #tpu.memory_space<vmem>>
      %dma_wait3A_2521 = tpu.memref_squeeze %dma_wait3A_2520 : memref<1x4x8x128xf32, #tpu.memory_space<vmem>> -> memref<4x8x128xf32, #tpu.memory_space<vmem>>
      %dma_wait3A_2522 = arith.constant 0 : i32
      %dma_wait3A_2523 = arith.constant 0 : i32
      %dma_wait3A_2524 = tpu.memref_slice %arg5[%dma_wait3A_2522, %dma_wait3A_2523, %multiple_of3A_2170] : memref<4x8x1000000xf32, #tpu.memory_space<hbm>> -> memref<4x8x128xf32, #tpu.memory_space<hbm>>
      %dma_wait3A_2525 = arith.constant 0 : i32
      %dma_wait3A_2526 = arith.constant 0 : i32
      %dma_wait3A_2527 = arith.constant 0 : i32
      %dma_wait3A_2528 = tpu.memref_slice %arg12[%dma_wait3A_2516, %dma_wait3A_2525, %dma_wait3A_2526, %dma_wait3A_2527] : memref<8x4x8x128xf32, #tpu.memory_space<vmem>> -> memref<1x4x8x128xf32, #tpu.memory_space<vmem>>
      %dma_wait3A_2529 = tpu.memref_squeeze %dma_wait3A_2528 : memref<1x4x8x128xf32, #tpu.memory_space<vmem>> -> memref<4x8x128xf32, #tpu.memory_space<vmem>>
      %dma_wait3A_2530 = arith.constant 0 : i32
      %dma_wait3A_2531 = arith.constant 0 : i32
      %dma_wait3A_2532 = tpu.memref_slice %arg5[%dma_wait3A_2530, %dma_wait3A_2531, %multiple_of3A_2170] : memref<4x8x1000000xf32, #tpu.memory_space<hbm>> -> memref<4x8x128xf32, #tpu.memory_space<hbm>>
      tpu.wait_dma2 semaphore(%arg16 : memref<!tpu.dma_semaphore, #tpu.memory_space<semaphore_mem>>) src(%dma_wait3A_2532 : memref<4x8x128xf32, #tpu.memory_space<hbm>>) dst(%dma_wait3A_2529 : memref<4x8x128xf32, #tpu.memory_space<vmem>>)
      %dma_wait3A_2533 = arith.constant 4 : i32
      %dma_wait3A_2534 = arith.constant 0 : i32
      %dma_wait3A_2535 = arith.constant 0 : i32
      %dma_wait3A_2536 = arith.constant 0 : i32
      %dma_wait3A_2537 = tpu.memref_slice %arg11[%dma_wait3A_2533, %dma_wait3A_2534, %dma_wait3A_2535, %dma_wait3A_2536] : memref<8x4x8x128xf32, #tpu.memory_space<vmem>> -> memref<1x4x8x128xf32, #tpu.memory_space<vmem>>
      %dma_wait3A_2538 = tpu.memref_squeeze %dma_wait3A_2537 : memref<1x4x8x128xf32, #tpu.memory_space<vmem>> -> memref<4x8x128xf32, #tpu.memory_space<vmem>>
      %dma_wait3A_2539 = arith.constant 0 : i32
      %dma_wait3A_2540 = arith.constant 0 : i32
      %dma_wait3A_2541 = tpu.memref_slice %arg4[%dma_wait3A_2539, %dma_wait3A_2540, %multiple_of3A_2211] : memref<4x8x1000000xf32, #tpu.memory_space<hbm>> -> memref<4x8x128xf32, #tpu.memory_space<hbm>>
      %dma_wait3A_2542 = arith.constant 0 : i32
      %dma_wait3A_2543 = arith.constant 0 : i32
      %dma_wait3A_2544 = arith.constant 0 : i32
      %dma_wait3A_2545 = tpu.memref_slice %arg11[%dma_wait3A_2533, %dma_wait3A_2542, %dma_wait3A_2543, %dma_wait3A_2544] : memref<8x4x8x128xf32, #tpu.memory_space<vmem>> -> memref<1x4x8x128xf32, #tpu.memory_space<vmem>>
      %dma_wait3A_2546 = tpu.memref_squeeze %dma_wait3A_2545 : memref<1x4x8x128xf32, #tpu.memory_space<vmem>> -> memref<4x8x128xf32, #tpu.memory_space<vmem>>
      %dma_wait3A_2547 = arith.constant 0 : i32
      %dma_wait3A_2548 = arith.constant 0 : i32
      %dma_wait3A_2549 = tpu.memref_slice %arg4[%dma_wait3A_2547, %dma_wait3A_2548, %multiple_of3A_2211] : memref<4x8x1000000xf32, #tpu.memory_space<hbm>> -> memref<4x8x128xf32, #tpu.memory_space<hbm>>
      tpu.wait_dma2 semaphore(%arg16 : memref<!tpu.dma_semaphore, #tpu.memory_space<semaphore_mem>>) src(%dma_wait3A_2549 : memref<4x8x128xf32, #tpu.memory_space<hbm>>) dst(%dma_wait3A_2546 : memref<4x8x128xf32, #tpu.memory_space<vmem>>)
      %dma_wait3A_2550 = arith.constant 4 : i32
      %dma_wait3A_2551 = arith.constant 0 : i32
      %dma_wait3A_2552 = arith.constant 0 : i32
      %dma_wait3A_2553 = arith.constant 0 : i32
      %dma_wait3A_2554 = tpu.memref_slice %arg12[%dma_wait3A_2550, %dma_wait3A_2551, %dma_wait3A_2552, %dma_wait3A_2553] : memref<8x4x8x128xf32, #tpu.memory_space<vmem>> -> memref<1x4x8x128xf32, #tpu.memory_space<vmem>>
      %dma_wait3A_2555 = tpu.memref_squeeze %dma_wait3A_2554 : memref<1x4x8x128xf32, #tpu.memory_space<vmem>> -> memref<4x8x128xf32, #tpu.memory_space<vmem>>
      %dma_wait3A_2556 = arith.constant 0 : i32
      %dma_wait3A_2557 = arith.constant 0 : i32
      %dma_wait3A_2558 = tpu.memref_slice %arg5[%dma_wait3A_2556, %dma_wait3A_2557, %multiple_of3A_2218] : memref<4x8x1000000xf32, #tpu.memory_space<hbm>> -> memref<4x8x128xf32, #tpu.memory_space<hbm>>
      %dma_wait3A_2559 = arith.constant 0 : i32
      %dma_wait3A_2560 = arith.constant 0 : i32
      %dma_wait3A_2561 = arith.constant 0 : i32
      %dma_wait3A_2562 = tpu.memref_slice %arg12[%dma_wait3A_2550, %dma_wait3A_2559, %dma_wait3A_2560, %dma_wait3A_2561] : memref<8x4x8x128xf32, #tpu.memory_space<vmem>> -> memref<1x4x8x128xf32, #tpu.memory_space<vmem>>
      %dma_wait3A_2563 = tpu.memref_squeeze %dma_wait3A_2562 : memref<1x4x8x128xf32, #tpu.memory_space<vmem>> -> memref<4x8x128xf32, #tpu.memory_space<vmem>>
      %dma_wait3A_2564 = arith.constant 0 : i32
      %dma_wait3A_2565 = arith.constant 0 : i32
      %dma_wait3A_2566 = tpu.memref_slice %arg5[%dma_wait3A_2564, %dma_wait3A_2565, %multiple_of3A_2218] : memref<4x8x1000000xf32, #tpu.memory_space<hbm>> -> memref<4x8x128xf32, #tpu.memory_space<hbm>>
      tpu.wait_dma2 semaphore(%arg16 : memref<!tpu.dma_semaphore, #tpu.memory_space<semaphore_mem>>) src(%dma_wait3A_2566 : memref<4x8x128xf32, #tpu.memory_space<hbm>>) dst(%dma_wait3A_2563 : memref<4x8x128xf32, #tpu.memory_space<vmem>>)
      %dma_wait3A_2567 = arith.constant 5 : i32
      %dma_wait3A_2568 = arith.constant 0 : i32
      %dma_wait3A_2569 = arith.constant 0 : i32
      %dma_wait3A_2570 = arith.constant 0 : i32
      %dma_wait3A_2571 = tpu.memref_slice %arg11[%dma_wait3A_2567, %dma_wait3A_2568, %dma_wait3A_2569, %dma_wait3A_2570] : memref<8x4x8x128xf32, #tpu.memory_space<vmem>> -> memref<1x4x8x128xf32, #tpu.memory_space<vmem>>
      %dma_wait3A_2572 = tpu.memref_squeeze %dma_wait3A_2571 : memref<1x4x8x128xf32, #tpu.memory_space<vmem>> -> memref<4x8x128xf32, #tpu.memory_space<vmem>>
      %dma_wait3A_2573 = arith.constant 0 : i32
      %dma_wait3A_2574 = arith.constant 0 : i32
      %dma_wait3A_2575 = tpu.memref_slice %arg4[%dma_wait3A_2573, %dma_wait3A_2574, %multiple_of3A_2259] : memref<4x8x1000000xf32, #tpu.memory_space<hbm>> -> memref<4x8x128xf32, #tpu.memory_space<hbm>>
      %dma_wait3A_2576 = arith.constant 0 : i32
      %dma_wait3A_2577 = arith.constant 0 : i32
      %dma_wait3A_2578 = arith.constant 0 : i32
      %dma_wait3A_2579 = tpu.memref_slice %arg11[%dma_wait3A_2567, %dma_wait3A_2576, %dma_wait3A_2577, %dma_wait3A_2578] : memref<8x4x8x128xf32, #tpu.memory_space<vmem>> -> memref<1x4x8x128xf32, #tpu.memory_space<vmem>>
      %dma_wait3A_2580 = tpu.memref_squeeze %dma_wait3A_2579 : memref<1x4x8x128xf32, #tpu.memory_space<vmem>> -> memref<4x8x128xf32, #tpu.memory_space<vmem>>
      %dma_wait3A_2581 = arith.constant 0 : i32
      %dma_wait3A_2582 = arith.constant 0 : i32
      %dma_wait3A_2583 = tpu.memref_slice %arg4[%dma_wait3A_2581, %dma_wait3A_2582, %multiple_of3A_2259] : memref<4x8x1000000xf32, #tpu.memory_space<hbm>> -> memref<4x8x128xf32, #tpu.memory_space<hbm>>
      tpu.wait_dma2 semaphore(%arg16 : memref<!tpu.dma_semaphore, #tpu.memory_space<semaphore_mem>>) src(%dma_wait3A_2583 : memref<4x8x128xf32, #tpu.memory_space<hbm>>) dst(%dma_wait3A_2580 : memref<4x8x128xf32, #tpu.memory_space<vmem>>)
      %dma_wait3A_2584 = arith.constant 5 : i32
      %dma_wait3A_2585 = arith.constant 0 : i32
      %dma_wait3A_2586 = arith.constant 0 : i32
      %dma_wait3A_2587 = arith.constant 0 : i32
      %dma_wait3A_2588 = tpu.memref_slice %arg12[%dma_wait3A_2584, %dma_wait3A_2585, %dma_wait3A_2586, %dma_wait3A_2587] : memref<8x4x8x128xf32, #tpu.memory_space<vmem>> -> memref<1x4x8x128xf32, #tpu.memory_space<vmem>>
      %dma_wait3A_2589 = tpu.memref_squeeze %dma_wait3A_2588 : memref<1x4x8x128xf32, #tpu.memory_space<vmem>> -> memref<4x8x128xf32, #tpu.memory_space<vmem>>
      %dma_wait3A_2590 = arith.constant 0 : i32
      %dma_wait3A_2591 = arith.constant 0 : i32
      %dma_wait3A_2592 = tpu.memref_slice %arg5[%dma_wait3A_2590, %dma_wait3A_2591, %multiple_of3A_2266] : memref<4x8x1000000xf32, #tpu.memory_space<hbm>> -> memref<4x8x128xf32, #tpu.memory_space<hbm>>
      %dma_wait3A_2593 = arith.constant 0 : i32
      %dma_wait3A_2594 = arith.constant 0 : i32
      %dma_wait3A_2595 = arith.constant 0 : i32
      %dma_wait3A_2596 = tpu.memref_slice %arg12[%dma_wait3A_2584, %dma_wait3A_2593, %dma_wait3A_2594, %dma_wait3A_2595] : memref<8x4x8x128xf32, #tpu.memory_space<vmem>> -> memref<1x4x8x128xf32, #tpu.memory_space<vmem>>
      %dma_wait3A_2597 = tpu.memref_squeeze %dma_wait3A_2596 : memref<1x4x8x128xf32, #tpu.memory_space<vmem>> -> memref<4x8x128xf32, #tpu.memory_space<vmem>>
      %dma_wait3A_2598 = arith.constant 0 : i32
      %dma_wait3A_2599 = arith.constant 0 : i32
      %dma_wait3A_2600 = tpu.memref_slice %arg5[%dma_wait3A_2598, %dma_wait3A_2599, %multiple_of3A_2266] : memref<4x8x1000000xf32, #tpu.memory_space<hbm>> -> memref<4x8x128xf32, #tpu.memory_space<hbm>>
      tpu.wait_dma2 semaphore(%arg16 : memref<!tpu.dma_semaphore, #tpu.memory_space<semaphore_mem>>) src(%dma_wait3A_2600 : memref<4x8x128xf32, #tpu.memory_space<hbm>>) dst(%dma_wait3A_2597 : memref<4x8x128xf32, #tpu.memory_space<vmem>>)
      %dma_wait3A_2601 = arith.constant 6 : i32
      %dma_wait3A_2602 = arith.constant 0 : i32
      %dma_wait3A_2603 = arith.constant 0 : i32
      %dma_wait3A_2604 = arith.constant 0 : i32
      %dma_wait3A_2605 = tpu.memref_slice %arg11[%dma_wait3A_2601, %dma_wait3A_2602, %dma_wait3A_2603, %dma_wait3A_2604] : memref<8x4x8x128xf32, #tpu.memory_space<vmem>> -> memref<1x4x8x128xf32, #tpu.memory_space<vmem>>
      %dma_wait3A_2606 = tpu.memref_squeeze %dma_wait3A_2605 : memref<1x4x8x128xf32, #tpu.memory_space<vmem>> -> memref<4x8x128xf32, #tpu.memory_space<vmem>>
      %dma_wait3A_2607 = arith.constant 0 : i32
      %dma_wait3A_2608 = arith.constant 0 : i32
      %dma_wait3A_2609 = tpu.memref_slice %arg4[%dma_wait3A_2607, %dma_wait3A_2608, %multiple_of3A_2307] : memref<4x8x1000000xf32, #tpu.memory_space<hbm>> -> memref<4x8x128xf32, #tpu.memory_space<hbm>>
      %dma_wait3A_2610 = arith.constant 0 : i32
      %dma_wait3A_2611 = arith.constant 0 : i32
      %dma_wait3A_2612 = arith.constant 0 : i32
      %dma_wait3A_2613 = tpu.memref_slice %arg11[%dma_wait3A_2601, %dma_wait3A_2610, %dma_wait3A_2611, %dma_wait3A_2612] : memref<8x4x8x128xf32, #tpu.memory_space<vmem>> -> memref<1x4x8x128xf32, #tpu.memory_space<vmem>>
      %dma_wait3A_2614 = tpu.memref_squeeze %dma_wait3A_2613 : memref<1x4x8x128xf32, #tpu.memory_space<vmem>> -> memref<4x8x128xf32, #tpu.memory_space<vmem>>
      %dma_wait3A_2615 = arith.constant 0 : i32
      %dma_wait3A_2616 = arith.constant 0 : i32
      %dma_wait3A_2617 = tpu.memref_slice %arg4[%dma_wait3A_2615, %dma_wait3A_2616, %multiple_of3A_2307] : memref<4x8x1000000xf32, #tpu.memory_space<hbm>> -> memref<4x8x128xf32, #tpu.memory_space<hbm>>
      tpu.wait_dma2 semaphore(%arg16 : memref<!tpu.dma_semaphore, #tpu.memory_space<semaphore_mem>>) src(%dma_wait3A_2617 : memref<4x8x128xf32, #tpu.memory_space<hbm>>) dst(%dma_wait3A_2614 : memref<4x8x128xf32, #tpu.memory_space<vmem>>)
      %dma_wait3A_2618 = arith.constant 6 : i32
      %dma_wait3A_2619 = arith.constant 0 : i32
      %dma_wait3A_2620 = arith.constant 0 : i32
      %dma_wait3A_2621 = arith.constant 0 : i32
      %dma_wait3A_2622 = tpu.memref_slice %arg12[%dma_wait3A_2618, %dma_wait3A_2619, %dma_wait3A_2620, %dma_wait3A_2621] : memref<8x4x8x128xf32, #tpu.memory_space<vmem>> -> memref<1x4x8x128xf32, #tpu.memory_space<vmem>>
      %dma_wait3A_2623 = tpu.memref_squeeze %dma_wait3A_2622 : memref<1x4x8x128xf32, #tpu.memory_space<vmem>> -> memref<4x8x128xf32, #tpu.memory_space<vmem>>
      %dma_wait3A_2624 = arith.constant 0 : i32
      %dma_wait3A_2625 = arith.constant 0 : i32
      %dma_wait3A_2626 = tpu.memref_slice %arg5[%dma_wait3A_2624, %dma_wait3A_2625, %multiple_of3A_2314] : memref<4x8x1000000xf32, #tpu.memory_space<hbm>> -> memref<4x8x128xf32, #tpu.memory_space<hbm>>
      %dma_wait3A_2627 = arith.constant 0 : i32
      %dma_wait3A_2628 = arith.constant 0 : i32
      %dma_wait3A_2629 = arith.constant 0 : i32
      %dma_wait3A_2630 = tpu.memref_slice %arg12[%dma_wait3A_2618, %dma_wait3A_2627, %dma_wait3A_2628, %dma_wait3A_2629] : memref<8x4x8x128xf32, #tpu.memory_space<vmem>> -> memref<1x4x8x128xf32, #tpu.memory_space<vmem>>
      %dma_wait3A_2631 = tpu.memref_squeeze %dma_wait3A_2630 : memref<1x4x8x128xf32, #tpu.memory_space<vmem>> -> memref<4x8x128xf32, #tpu.memory_space<vmem>>
      %dma_wait3A_2632 = arith.constant 0 : i32
      %dma_wait3A_2633 = arith.constant 0 : i32
      %dma_wait3A_2634 = tpu.memref_slice %arg5[%dma_wait3A_2632, %dma_wait3A_2633, %multiple_of3A_2314] : memref<4x8x1000000xf32, #tpu.memory_space<hbm>> -> memref<4x8x128xf32, #tpu.memory_space<hbm>>
      tpu.wait_dma2 semaphore(%arg16 : memref<!tpu.dma_semaphore, #tpu.memory_space<semaphore_mem>>) src(%dma_wait3A_2634 : memref<4x8x128xf32, #tpu.memory_space<hbm>>) dst(%dma_wait3A_2631 : memref<4x8x128xf32, #tpu.memory_space<vmem>>)
      %dma_wait3A_2635 = arith.constant 7 : i32
      %dma_wait3A_2636 = arith.constant 0 : i32
      %dma_wait3A_2637 = arith.constant 0 : i32
      %dma_wait3A_2638 = arith.constant 0 : i32
      %dma_wait3A_2639 = tpu.memref_slice %arg11[%dma_wait3A_2635, %dma_wait3A_2636, %dma_wait3A_2637, %dma_wait3A_2638] : memref<8x4x8x128xf32, #tpu.memory_space<vmem>> -> memref<1x4x8x128xf32, #tpu.memory_space<vmem>>
      %dma_wait3A_2640 = tpu.memref_squeeze %dma_wait3A_2639 : memref<1x4x8x128xf32, #tpu.memory_space<vmem>> -> memref<4x8x128xf32, #tpu.memory_space<vmem>>
      %dma_wait3A_2641 = arith.constant 0 : i32
      %dma_wait3A_2642 = arith.constant 0 : i32
      %dma_wait3A_2643 = tpu.memref_slice %arg4[%dma_wait3A_2641, %dma_wait3A_2642, %multiple_of3A_2355] : memref<4x8x1000000xf32, #tpu.memory_space<hbm>> -> memref<4x8x128xf32, #tpu.memory_space<hbm>>
      %dma_wait3A_2644 = arith.constant 0 : i32
      %dma_wait3A_2645 = arith.constant 0 : i32
      %dma_wait3A_2646 = arith.constant 0 : i32
      %dma_wait3A_2647 = tpu.memref_slice %arg11[%dma_wait3A_2635, %dma_wait3A_2644, %dma_wait3A_2645, %dma_wait3A_2646] : memref<8x4x8x128xf32, #tpu.memory_space<vmem>> -> memref<1x4x8x128xf32, #tpu.memory_space<vmem>>
      %dma_wait3A_2648 = tpu.memref_squeeze %dma_wait3A_2647 : memref<1x4x8x128xf32, #tpu.memory_space<vmem>> -> memref<4x8x128xf32, #tpu.memory_space<vmem>>
      %dma_wait3A_2649 = arith.constant 0 : i32
      %dma_wait3A_2650 = arith.constant 0 : i32
      %dma_wait3A_2651 = tpu.memref_slice %arg4[%dma_wait3A_2649, %dma_wait3A_2650, %multiple_of3A_2355] : memref<4x8x1000000xf32, #tpu.memory_space<hbm>> -> memref<4x8x128xf32, #tpu.memory_space<hbm>>
      tpu.wait_dma2 semaphore(%arg16 : memref<!tpu.dma_semaphore, #tpu.memory_space<semaphore_mem>>) src(%dma_wait3A_2651 : memref<4x8x128xf32, #tpu.memory_space<hbm>>) dst(%dma_wait3A_2648 : memref<4x8x128xf32, #tpu.memory_space<vmem>>)
      %dma_wait3A_2652 = arith.constant 7 : i32
      %dma_wait3A_2653 = arith.constant 0 : i32
      %dma_wait3A_2654 = arith.constant 0 : i32
      %dma_wait3A_2655 = arith.constant 0 : i32
      %dma_wait3A_2656 = tpu.memref_slice %arg12[%dma_wait3A_2652, %dma_wait3A_2653, %dma_wait3A_2654, %dma_wait3A_2655] : memref<8x4x8x128xf32, #tpu.memory_space<vmem>> -> memref<1x4x8x128xf32, #tpu.memory_space<vmem>>
      %dma_wait3A_2657 = tpu.memref_squeeze %dma_wait3A_2656 : memref<1x4x8x128xf32, #tpu.memory_space<vmem>> -> memref<4x8x128xf32, #tpu.memory_space<vmem>>
      %dma_wait3A_2658 = arith.constant 0 : i32
      %dma_wait3A_2659 = arith.constant 0 : i32
      %dma_wait3A_2660 = tpu.memref_slice %arg5[%dma_wait3A_2658, %dma_wait3A_2659, %multiple_of3A_2362] : memref<4x8x1000000xf32, #tpu.memory_space<hbm>> -> memref<4x8x128xf32, #tpu.memory_space<hbm>>
      %dma_wait3A_2661 = arith.constant 0 : i32
      %dma_wait3A_2662 = arith.constant 0 : i32
      %dma_wait3A_2663 = arith.constant 0 : i32
      %dma_wait3A_2664 = tpu.memref_slice %arg12[%dma_wait3A_2652, %dma_wait3A_2661, %dma_wait3A_2662, %dma_wait3A_2663] : memref<8x4x8x128xf32, #tpu.memory_space<vmem>> -> memref<1x4x8x128xf32, #tpu.memory_space<vmem>>
      %dma_wait3A_2665 = tpu.memref_squeeze %dma_wait3A_2664 : memref<1x4x8x128xf32, #tpu.memory_space<vmem>> -> memref<4x8x128xf32, #tpu.memory_space<vmem>>
      %dma_wait3A_2666 = arith.constant 0 : i32
      %dma_wait3A_2667 = arith.constant 0 : i32
      %dma_wait3A_2668 = tpu.memref_slice %arg5[%dma_wait3A_2666, %dma_wait3A_2667, %multiple_of3A_2362] : memref<4x8x1000000xf32, #tpu.memory_space<hbm>> -> memref<4x8x128xf32, #tpu.memory_space<hbm>>
      tpu.wait_dma2 semaphore(%arg16 : memref<!tpu.dma_semaphore, #tpu.memory_space<semaphore_mem>>) src(%dma_wait3A_2668 : memref<4x8x128xf32, #tpu.memory_space<hbm>>) dst(%dma_wait3A_2665 : memref<4x8x128xf32, #tpu.memory_space<vmem>>)
      %lt3A_2669 = arith.constant 0 : i32
      %lt3A_2670 = vector.broadcast %lt3A_2669 : i32 to vector<16xi32>
      %lt3A_2671 = arith.cmpi slt, %add3A_178, %lt3A_2670 : vector<16xi32>
      %add3A_2672 = arith.constant 16 : i32
      %add3A_2673 = vector.broadcast %add3A_2672 : i32 to vector<16xi32>
      %add3A_2674 = arith.addi %add3A_178, %add3A_2673 : vector<16xi32>
      %select_n3A_2675 = arith.select %lt3A_2671, %add3A_2674, %add3A_178 : vector<16xi1>, vector<16xi32>
      %broadcast_in_dim3A_2676 = vector.shape_cast %select_n3A_2675 : vector<16xi32> to vector<16x1xi32>
      %gather3A_2677 = vector.shape_cast %broadcast_in_dim3A_2676 : vector<16x1xi32> to vector<16xi32>
      %gather3A_2678 = tpu.dynamic_gather %get3A_305[%gather3A_2677] in [0] : vector<16xi32>, vector<16xi32> -> vector<16xi32>
      %and3A_2679 = arith.constant 127 : i32
      %and3A_2680 = vector.broadcast %and3A_2679 : i32 to vector<16xi32>
      %and3A_2681 = arith.andi %gather3A_2678, %and3A_2680 : vector<16xi32>
      %lt3A_2682 = arith.constant 0 : i32
      %lt3A_2683 = vector.broadcast %lt3A_2682 : i32 to vector<16xi32>
      %lt3A_2684 = arith.cmpi slt, %add3A_178, %lt3A_2683 : vector<16xi32>
      %add3A_2685 = arith.constant 16 : i32
      %add3A_2686 = vector.broadcast %add3A_2685 : i32 to vector<16xi32>
      %add3A_2687 = arith.addi %add3A_178, %add3A_2686 : vector<16xi32>
      %select_n3A_2688 = arith.select %lt3A_2684, %add3A_2687, %add3A_178 : vector<16xi1>, vector<16xi32>
      %broadcast_in_dim3A_2689 = vector.shape_cast %select_n3A_2688 : vector<16xi32> to vector<16x1xi32>
      %gather3A_2690 = vector.shape_cast %broadcast_in_dim3A_2689 : vector<16x1xi32> to vector<16xi32>
      %gather3A_2691 = tpu.dynamic_gather %get3A_308[%gather3A_2690] in [0] : vector<16xi32>, vector<16xi32> -> vector<16xi32>
      %and3A_2692 = arith.constant 127 : i32
      %and3A_2693 = vector.broadcast %and3A_2692 : i32 to vector<16xi32>
      %and3A_2694 = arith.andi %gather3A_2691, %and3A_2693 : vector<16xi32>
      %broadcast_in_dim3A_2695 = arith.constant 0.000000e+00 : f32
      %broadcast_in_dim3A_2696 = vector.broadcast %broadcast_in_dim3A_2695 : f32 to vector<16xf32>
      %mul3A_2697 = arith.constant 16 : i32
      %mul3A_2698 = vector.broadcast %mul3A_2697 : i32 to vector<16xi32>
      %mul3A_2699 = arith.muli %select_n3A, %mul3A_2698 : vector<16xi32>
      %add3A_2700 = arith.constant 0 : i32
      %add3A_2701 = vector.broadcast %add3A_2700 : i32 to vector<16xi32>
      %add3A_2702 = arith.addi %add3A_2701, %mul3A_2699 : vector<16xi32>
      %jit3A_2703 = arith.constant 8 : i32
      %div3A_2704 = vector.broadcast %jit3A_2703 : i32 to vector<16xi32>
      %div3A_2705 = arith.divsi %add3A_2702, %div3A_2704 : vector<16xi32>
      %sign3A_2706 = arith.constant 0 : i32
      %sign3A_2707 = vector.broadcast %sign3A_2706 : i32 to vector<16xi32>
      %sign3A_2708 = arith.cmpi sgt, %add3A_2702, %sign3A_2707 : vector<16xi32>
      %sign3A_2709 = arith.extui %sign3A_2708 : vector<16xi1> to vector<16xi32>
      %sign3A_2710 = arith.constant 0 : i32
      %sign3A_2711 = vector.broadcast %sign3A_2710 : i32 to vector<16xi32>
      %sign3A_2712 = arith.cmpi slt, %add3A_2702, %sign3A_2711 : vector<16xi32>
      %sign3A_2713 = arith.extui %sign3A_2712 : vector<16xi1> to vector<16xi32>
      %sign3A_2714 = arith.subi %sign3A_2709, %sign3A_2713 : vector<16xi32>
      %sign3A_2715 = arith.constant 0 : i32
      %sign3A_2716 = arith.cmpi sgt, %jit3A_2703, %sign3A_2715 : i32
      %sign3A_2717 = arith.extui %sign3A_2716 : i1 to i32
      %sign3A_2718 = arith.constant 0 : i32
      %sign3A_2719 = arith.cmpi slt, %jit3A_2703, %sign3A_2718 : i32
      %sign3A_2720 = arith.extui %sign3A_2719 : i1 to i32
      %sign3A_2721 = arith.subi %sign3A_2717, %sign3A_2720 : i32
      %ne3A_2722 = vector.broadcast %sign3A_2721 : i32 to vector<16xi32>
      %ne3A_2723 = arith.cmpi ne, %sign3A_2714, %ne3A_2722 : vector<16xi32>
      %rem3A_2724 = vector.broadcast %jit3A_2703 : i32 to vector<16xi32>
      %rem3A_2725 = arith.remsi %add3A_2702, %rem3A_2724 : vector<16xi32>
      %ne3A_2726 = arith.constant 0 : i32
      %ne3A_2727 = vector.broadcast %ne3A_2726 : i32 to vector<16xi32>
      %ne3A_2728 = arith.cmpi ne, %rem3A_2725, %ne3A_2727 : vector<16xi32>
      %and3A_2729 = arith.andi %ne3A_2723, %ne3A_2728 : vector<16xi1>
      %sub3A_2730 = arith.constant 1 : i32
      %sub3A_2731 = vector.broadcast %sub3A_2730 : i32 to vector<16xi32>
      %sub3A_2732 = arith.subi %div3A_2705, %sub3A_2731 : vector<16xi32>
      %select_n3A_2733 = arith.select %and3A_2729, %sub3A_2732, %div3A_2705 : vector<16xi1>, vector<16xi32>
      %jit3A_2734 = arith.constant 8 : i32
      %eq3A_2735 = arith.constant 0 : i32
      %eq3A_2736 = arith.cmpi eq, %jit3A_2734, %eq3A_2735 : i32
      %jit3A_2737 = arith.constant 1 : i32
      %select_n3A_2738 = arith.select %eq3A_2736, %jit3A_2737, %jit3A_2734 : i32
      %rem3A_2739 = vector.broadcast %select_n3A_2738 : i32 to vector<16xi32>
      %rem3A_2740 = arith.remsi %add3A_2702, %rem3A_2739 : vector<16xi32>
      %ne3A_2741 = arith.constant 0 : i32
      %ne3A_2742 = vector.broadcast %ne3A_2741 : i32 to vector<16xi32>
      %ne3A_2743 = arith.cmpi ne, %rem3A_2740, %ne3A_2742 : vector<16xi32>
      %lt3A_2744 = arith.constant 0 : i32
      %lt3A_2745 = vector.broadcast %lt3A_2744 : i32 to vector<16xi32>
      %lt3A_2746 = arith.cmpi slt, %rem3A_2740, %lt3A_2745 : vector<16xi32>
      %lt3A_2747 = arith.constant 0 : i32
      %lt3A_2748 = arith.cmpi slt, %select_n3A_2738, %lt3A_2747 : i32
      %ne3A_2749 = vector.broadcast %lt3A_2748 : i1 to vector<16xi1>
      %ne3A_2750 = vector.broadcast %ne3A_2749 : vector<16xi1> to vector<16xi1>
      %ne3A_2751 = arith.xori %lt3A_2746, %ne3A_2750 : vector<16xi1>
      %and3A_2752 = arith.andi %ne3A_2751, %ne3A_2743 : vector<16xi1>
      %add3A_2753 = vector.broadcast %select_n3A_2738 : i32 to vector<16xi32>
      %add3A_2754 = arith.addi %rem3A_2740, %add3A_2753 : vector<16xi32>
      %select_n3A_2755 = arith.select %and3A_2752, %add3A_2754, %rem3A_2740 : vector<16xi1>, vector<16xi32>
      %gather3A_2756 = tpu.vector_load_idx %arg11[%select_n3A_131, %select_n3A_2733, %select_n3A_2755, %and3A_2681] : memref<8x4x8x128xf32, #tpu.memory_space<vmem>>[vector<16xi32>, vector<16xi32>, vector<16xi32>, vector<16xi32>], vector<16xf32>,
      %gather3A_2757 = tpu.vector_load_idx %arg12[%select_n3A_131, %select_n3A_2733, %select_n3A_2755, %and3A_2694] : memref<8x4x8x128xf32, #tpu.memory_space<vmem>>[vector<16xi32>, vector<16xi32>, vector<16xi32>, vector<16xi32>], vector<16xf32>,
      %mul3A_2758 = arith.mulf %gather3A_2756, %gather3A_2757 : vector<16xf32>
      %add3A_2759 = arith.addf %broadcast_in_dim3A_2696, %mul3A_2758 : vector<16xf32>
      %mul3A_2760 = arith.constant 16 : i32
      %mul3A_2761 = vector.broadcast %mul3A_2760 : i32 to vector<16xi32>
      %mul3A_2762 = arith.muli %select_n3A, %mul3A_2761 : vector<16xi32>
      %add3A_2763 = arith.constant 1 : i32
      %add3A_2764 = vector.broadcast %add3A_2763 : i32 to vector<16xi32>
      %add3A_2765 = arith.addi %add3A_2764, %mul3A_2762 : vector<16xi32>
      %jit3A_2766 = arith.constant 8 : i32
      %div3A_2767 = vector.broadcast %jit3A_2766 : i32 to vector<16xi32>
      %div3A_2768 = arith.divsi %add3A_2765, %div3A_2767 : vector<16xi32>
      %sign3A_2769 = arith.constant 0 : i32
      %sign3A_2770 = vector.broadcast %sign3A_2769 : i32 to vector<16xi32>
      %sign3A_2771 = arith.cmpi sgt, %add3A_2765, %sign3A_2770 : vector<16xi32>
      %sign3A_2772 = arith.extui %sign3A_2771 : vector<16xi1> to vector<16xi32>
      %sign3A_2773 = arith.constant 0 : i32
      %sign3A_2774 = vector.broadcast %sign3A_2773 : i32 to vector<16xi32>
      %sign3A_2775 = arith.cmpi slt, %add3A_2765, %sign3A_2774 : vector<16xi32>
      %sign3A_2776 = arith.extui %sign3A_2775 : vector<16xi1> to vector<16xi32>
      %sign3A_2777 = arith.subi %sign3A_2772, %sign3A_2776 : vector<16xi32>
      %sign3A_2778 = arith.constant 0 : i32
      %sign3A_2779 = arith.cmpi sgt, %jit3A_2766, %sign3A_2778 : i32
      %sign3A_2780 = arith.extui %sign3A_2779 : i1 to i32
      %sign3A_2781 = arith.constant 0 : i32
      %sign3A_2782 = arith.cmpi slt, %jit3A_2766, %sign3A_2781 : i32
      %sign3A_2783 = arith.extui %sign3A_2782 : i1 to i32
      %sign3A_2784 = arith.subi %sign3A_2780, %sign3A_2783 : i32
      %ne3A_2785 = vector.broadcast %sign3A_2784 : i32 to vector<16xi32>
      %ne3A_2786 = arith.cmpi ne, %sign3A_2777, %ne3A_2785 : vector<16xi32>
      %rem3A_2787 = vector.broadcast %jit3A_2766 : i32 to vector<16xi32>
      %rem3A_2788 = arith.remsi %add3A_2765, %rem3A_2787 : vector<16xi32>
      %ne3A_2789 = arith.constant 0 : i32
      %ne3A_2790 = vector.broadcast %ne3A_2789 : i32 to vector<16xi32>
      %ne3A_2791 = arith.cmpi ne, %rem3A_2788, %ne3A_2790 : vector<16xi32>
      %and3A_2792 = arith.andi %ne3A_2786, %ne3A_2791 : vector<16xi1>
      %sub3A_2793 = arith.constant 1 : i32
      %sub3A_2794 = vector.broadcast %sub3A_2793 : i32 to vector<16xi32>
      %sub3A_2795 = arith.subi %div3A_2768, %sub3A_2794 : vector<16xi32>
      %select_n3A_2796 = arith.select %and3A_2792, %sub3A_2795, %div3A_2768 : vector<16xi1>, vector<16xi32>
      %jit3A_2797 = arith.constant 8 : i32
      %eq3A_2798 = arith.constant 0 : i32
      %eq3A_2799 = arith.cmpi eq, %jit3A_2797, %eq3A_2798 : i32
      %jit3A_2800 = arith.constant 1 : i32
      %select_n3A_2801 = arith.select %eq3A_2799, %jit3A_2800, %jit3A_2797 : i32
      %rem3A_2802 = vector.broadcast %select_n3A_2801 : i32 to vector<16xi32>
      %rem3A_2803 = arith.remsi %add3A_2765, %rem3A_2802 : vector<16xi32>
      %ne3A_2804 = arith.constant 0 : i32
      %ne3A_2805 = vector.broadcast %ne3A_2804 : i32 to vector<16xi32>
      %ne3A_2806 = arith.cmpi ne, %rem3A_2803, %ne3A_2805 : vector<16xi32>
      %lt3A_2807 = arith.constant 0 : i32
      %lt3A_2808 = vector.broadcast %lt3A_2807 : i32 to vector<16xi32>
      %lt3A_2809 = arith.cmpi slt, %rem3A_2803, %lt3A_2808 : vector<16xi32>
      %lt3A_2810 = arith.constant 0 : i32
      %lt3A_2811 = arith.cmpi slt, %select_n3A_2801, %lt3A_2810 : i32
      %ne3A_2812 = vector.broadcast %lt3A_2811 : i1 to vector<16xi1>
      %ne3A_2813 = vector.broadcast %ne3A_2812 : vector<16xi1> to vector<16xi1>
      %ne3A_2814 = arith.xori %lt3A_2809, %ne3A_2813 : vector<16xi1>
      %and3A_2815 = arith.andi %ne3A_2814, %ne3A_2806 : vector<16xi1>
      %add3A_2816 = vector.broadcast %select_n3A_2801 : i32 to vector<16xi32>
      %add3A_2817 = arith.addi %rem3A_2803, %add3A_2816 : vector<16xi32>
      %select_n3A_2818 = arith.select %and3A_2815, %add3A_2817, %rem3A_2803 : vector<16xi1>, vector<16xi32>
      %gather3A_2819 = tpu.vector_load_idx %arg11[%select_n3A_131, %select_n3A_2796, %select_n3A_2818, %and3A_2681] : memref<8x4x8x128xf32, #tpu.memory_space<vmem>>[vector<16xi32>, vector<16xi32>, vector<16xi32>, vector<16xi32>], vector<16xf32>,
      %gather3A_2820 = tpu.vector_load_idx %arg12[%select_n3A_131, %select_n3A_2796, %select_n3A_2818, %and3A_2694] : memref<8x4x8x128xf32, #tpu.memory_space<vmem>>[vector<16xi32>, vector<16xi32>, vector<16xi32>, vector<16xi32>], vector<16xf32>,
      %mul3A_2821 = arith.mulf %gather3A_2819, %gather3A_2820 : vector<16xf32>
      %add3A_2822 = arith.addf %add3A_2759, %mul3A_2821 : vector<16xf32>
      %mul3A_2823 = arith.constant 16 : i32
      %mul3A_2824 = vector.broadcast %mul3A_2823 : i32 to vector<16xi32>
      %mul3A_2825 = arith.muli %select_n3A, %mul3A_2824 : vector<16xi32>
      %add3A_2826 = arith.constant 2 : i32
      %add3A_2827 = vector.broadcast %add3A_2826 : i32 to vector<16xi32>
      %add3A_2828 = arith.addi %add3A_2827, %mul3A_2825 : vector<16xi32>
      %jit3A_2829 = arith.constant 8 : i32
      %div3A_2830 = vector.broadcast %jit3A_2829 : i32 to vector<16xi32>
      %div3A_2831 = arith.divsi %add3A_2828, %div3A_2830 : vector<16xi32>
      %sign3A_2832 = arith.constant 0 : i32
      %sign3A_2833 = vector.broadcast %sign3A_2832 : i32 to vector<16xi32>
      %sign3A_2834 = arith.cmpi sgt, %add3A_2828, %sign3A_2833 : vector<16xi32>
      %sign3A_2835 = arith.extui %sign3A_2834 : vector<16xi1> to vector<16xi32>
      %sign3A_2836 = arith.constant 0 : i32
      %sign3A_2837 = vector.broadcast %sign3A_2836 : i32 to vector<16xi32>
      %sign3A_2838 = arith.cmpi slt, %add3A_2828, %sign3A_2837 : vector<16xi32>
      %sign3A_2839 = arith.extui %sign3A_2838 : vector<16xi1> to vector<16xi32>
      %sign3A_2840 = arith.subi %sign3A_2835, %sign3A_2839 : vector<16xi32>
      %sign3A_2841 = arith.constant 0 : i32
      %sign3A_2842 = arith.cmpi sgt, %jit3A_2829, %sign3A_2841 : i32
      %sign3A_2843 = arith.extui %sign3A_2842 : i1 to i32
      %sign3A_2844 = arith.constant 0 : i32
      %sign3A_2845 = arith.cmpi slt, %jit3A_2829, %sign3A_2844 : i32
      %sign3A_2846 = arith.extui %sign3A_2845 : i1 to i32
      %sign3A_2847 = arith.subi %sign3A_2843, %sign3A_2846 : i32
      %ne3A_2848 = vector.broadcast %sign3A_2847 : i32 to vector<16xi32>
      %ne3A_2849 = arith.cmpi ne, %sign3A_2840, %ne3A_2848 : vector<16xi32>
      %rem3A_2850 = vector.broadcast %jit3A_2829 : i32 to vector<16xi32>
      %rem3A_2851 = arith.remsi %add3A_2828, %rem3A_2850 : vector<16xi32>
      %ne3A_2852 = arith.constant 0 : i32
      %ne3A_2853 = vector.broadcast %ne3A_2852 : i32 to vector<16xi32>
      %ne3A_2854 = arith.cmpi ne, %rem3A_2851, %ne3A_2853 : vector<16xi32>
      %and3A_2855 = arith.andi %ne3A_2849, %ne3A_2854 : vector<16xi1>
      %sub3A_2856 = arith.constant 1 : i32
      %sub3A_2857 = vector.broadcast %sub3A_2856 : i32 to vector<16xi32>
      %sub3A_2858 = arith.subi %div3A_2831, %sub3A_2857 : vector<16xi32>
      %select_n3A_2859 = arith.select %and3A_2855, %sub3A_2858, %div3A_2831 : vector<16xi1>, vector<16xi32>
      %jit3A_2860 = arith.constant 8 : i32
      %eq3A_2861 = arith.constant 0 : i32
      %eq3A_2862 = arith.cmpi eq, %jit3A_2860, %eq3A_2861 : i32
      %jit3A_2863 = arith.constant 1 : i32
      %select_n3A_2864 = arith.select %eq3A_2862, %jit3A_2863, %jit3A_2860 : i32
      %rem3A_2865 = vector.broadcast %select_n3A_2864 : i32 to vector<16xi32>
      %rem3A_2866 = arith.remsi %add3A_2828, %rem3A_2865 : vector<16xi32>
      %ne3A_2867 = arith.constant 0 : i32
      %ne3A_2868 = vector.broadcast %ne3A_2867 : i32 to vector<16xi32>
      %ne3A_2869 = arith.cmpi ne, %rem3A_2866, %ne3A_2868 : vector<16xi32>
      %lt3A_2870 = arith.constant 0 : i32
      %lt3A_2871 = vector.broadcast %lt3A_2870 : i32 to vector<16xi32>
      %lt3A_2872 = arith.cmpi slt, %rem3A_2866, %lt3A_2871 : vector<16xi32>
      %lt3A_2873 = arith.constant 0 : i32
      %lt3A_2874 = arith.cmpi slt, %select_n3A_2864, %lt3A_2873 : i32
      %ne3A_2875 = vector.broadcast %lt3A_2874 : i1 to vector<16xi1>
      %ne3A_2876 = vector.broadcast %ne3A_2875 : vector<16xi1> to vector<16xi1>
      %ne3A_2877 = arith.xori %lt3A_2872, %ne3A_2876 : vector<16xi1>
      %and3A_2878 = arith.andi %ne3A_2877, %ne3A_2869 : vector<16xi1>
      %add3A_2879 = vector.broadcast %select_n3A_2864 : i32 to vector<16xi32>
      %add3A_2880 = arith.addi %rem3A_2866, %add3A_2879 : vector<16xi32>
      %select_n3A_2881 = arith.select %and3A_2878, %add3A_2880, %rem3A_2866 : vector<16xi1>, vector<16xi32>
      %gather3A_2882 = tpu.vector_load_idx %arg11[%select_n3A_131, %select_n3A_2859, %select_n3A_2881, %and3A_2681] : memref<8x4x8x128xf32, #tpu.memory_space<vmem>>[vector<16xi32>, vector<16xi32>, vector<16xi32>, vector<16xi32>], vector<16xf32>,
      %gather3A_2883 = tpu.vector_load_idx %arg12[%select_n3A_131, %select_n3A_2859, %select_n3A_2881, %and3A_2694] : memref<8x4x8x128xf32, #tpu.memory_space<vmem>>[vector<16xi32>, vector<16xi32>, vector<16xi32>, vector<16xi32>], vector<16xf32>,
      %mul3A_2884 = arith.mulf %gather3A_2882, %gather3A_2883 : vector<16xf32>
      %add3A_2885 = arith.addf %add3A_2822, %mul3A_2884 : vector<16xf32>
      %mul3A_2886 = arith.constant 16 : i32
      %mul3A_2887 = vector.broadcast %mul3A_2886 : i32 to vector<16xi32>
      %mul3A_2888 = arith.muli %select_n3A, %mul3A_2887 : vector<16xi32>
      %add3A_2889 = arith.constant 3 : i32
      %add3A_2890 = vector.broadcast %add3A_2889 : i32 to vector<16xi32>
      %add3A_2891 = arith.addi %add3A_2890, %mul3A_2888 : vector<16xi32>
      %jit3A_2892 = arith.constant 8 : i32
      %div3A_2893 = vector.broadcast %jit3A_2892 : i32 to vector<16xi32>
      %div3A_2894 = arith.divsi %add3A_2891, %div3A_2893 : vector<16xi32>
      %sign3A_2895 = arith.constant 0 : i32
      %sign3A_2896 = vector.broadcast %sign3A_2895 : i32 to vector<16xi32>
      %sign3A_2897 = arith.cmpi sgt, %add3A_2891, %sign3A_2896 : vector<16xi32>
      %sign3A_2898 = arith.extui %sign3A_2897 : vector<16xi1> to vector<16xi32>
      %sign3A_2899 = arith.constant 0 : i32
      %sign3A_2900 = vector.broadcast %sign3A_2899 : i32 to vector<16xi32>
      %sign3A_2901 = arith.cmpi slt, %add3A_2891, %sign3A_2900 : vector<16xi32>
      %sign3A_2902 = arith.extui %sign3A_2901 : vector<16xi1> to vector<16xi32>
      %sign3A_2903 = arith.subi %sign3A_2898, %sign3A_2902 : vector<16xi32>
      %sign3A_2904 = arith.constant 0 : i32
      %sign3A_2905 = arith.cmpi sgt, %jit3A_2892, %sign3A_2904 : i32
      %sign3A_2906 = arith.extui %sign3A_2905 : i1 to i32
      %sign3A_2907 = arith.constant 0 : i32
      %sign3A_2908 = arith.cmpi slt, %jit3A_2892, %sign3A_2907 : i32
      %sign3A_2909 = arith.extui %sign3A_2908 : i1 to i32
      %sign3A_2910 = arith.subi %sign3A_2906, %sign3A_2909 : i32
      %ne3A_2911 = vector.broadcast %sign3A_2910 : i32 to vector<16xi32>
      %ne3A_2912 = arith.cmpi ne, %sign3A_2903, %ne3A_2911 : vector<16xi32>
      %rem3A_2913 = vector.broadcast %jit3A_2892 : i32 to vector<16xi32>
      %rem3A_2914 = arith.remsi %add3A_2891, %rem3A_2913 : vector<16xi32>
      %ne3A_2915 = arith.constant 0 : i32
      %ne3A_2916 = vector.broadcast %ne3A_2915 : i32 to vector<16xi32>
      %ne3A_2917 = arith.cmpi ne, %rem3A_2914, %ne3A_2916 : vector<16xi32>
      %and3A_2918 = arith.andi %ne3A_2912, %ne3A_2917 : vector<16xi1>
      %sub3A_2919 = arith.constant 1 : i32
      %sub3A_2920 = vector.broadcast %sub3A_2919 : i32 to vector<16xi32>
      %sub3A_2921 = arith.subi %div3A_2894, %sub3A_2920 : vector<16xi32>
      %select_n3A_2922 = arith.select %and3A_2918, %sub3A_2921, %div3A_2894 : vector<16xi1>, vector<16xi32>
      %jit3A_2923 = arith.constant 8 : i32
      %eq3A_2924 = arith.constant 0 : i32
      %eq3A_2925 = arith.cmpi eq, %jit3A_2923, %eq3A_2924 : i32
      %jit3A_2926 = arith.constant 1 : i32
      %select_n3A_2927 = arith.select %eq3A_2925, %jit3A_2926, %jit3A_2923 : i32
      %rem3A_2928 = vector.broadcast %select_n3A_2927 : i32 to vector<16xi32>
      %rem3A_2929 = arith.remsi %add3A_2891, %rem3A_2928 : vector<16xi32>
      %ne3A_2930 = arith.constant 0 : i32
      %ne3A_2931 = vector.broadcast %ne3A_2930 : i32 to vector<16xi32>
      %ne3A_2932 = arith.cmpi ne, %rem3A_2929, %ne3A_2931 : vector<16xi32>
      %lt3A_2933 = arith.constant 0 : i32
      %lt3A_2934 = vector.broadcast %lt3A_2933 : i32 to vector<16xi32>
      %lt3A_2935 = arith.cmpi slt, %rem3A_2929, %lt3A_2934 : vector<16xi32>
      %lt3A_2936 = arith.constant 0 : i32
      %lt3A_2937 = arith.cmpi slt, %select_n3A_2927, %lt3A_2936 : i32
      %ne3A_2938 = vector.broadcast %lt3A_2937 : i1 to vector<16xi1>
      %ne3A_2939 = vector.broadcast %ne3A_2938 : vector<16xi1> to vector<16xi1>
      %ne3A_2940 = arith.xori %lt3A_2935, %ne3A_2939 : vector<16xi1>
      %and3A_2941 = arith.andi %ne3A_2940, %ne3A_2932 : vector<16xi1>
      %add3A_2942 = vector.broadcast %select_n3A_2927 : i32 to vector<16xi32>
      %add3A_2943 = arith.addi %rem3A_2929, %add3A_2942 : vector<16xi32>
      %select_n3A_2944 = arith.select %and3A_2941, %add3A_2943, %rem3A_2929 : vector<16xi1>, vector<16xi32>
      %gather3A_2945 = tpu.vector_load_idx %arg11[%select_n3A_131, %select_n3A_2922, %select_n3A_2944, %and3A_2681] : memref<8x4x8x128xf32, #tpu.memory_space<vmem>>[vector<16xi32>, vector<16xi32>, vector<16xi32>, vector<16xi32>], vector<16xf32>,
      %gather3A_2946 = tpu.vector_load_idx %arg12[%select_n3A_131, %select_n3A_2922, %select_n3A_2944, %and3A_2694] : memref<8x4x8x128xf32, #tpu.memory_space<vmem>>[vector<16xi32>, vector<16xi32>, vector<16xi32>, vector<16xi32>], vector<16xf32>,
      %mul3A_2947 = arith.mulf %gather3A_2945, %gather3A_2946 : vector<16xf32>
      %add3A_2948 = arith.addf %add3A_2885, %mul3A_2947 : vector<16xf32>
      %mul3A_2949 = arith.constant 16 : i32
      %mul3A_2950 = vector.broadcast %mul3A_2949 : i32 to vector<16xi32>
      %mul3A_2951 = arith.muli %select_n3A, %mul3A_2950 : vector<16xi32>
      %add3A_2952 = arith.constant 4 : i32
      %add3A_2953 = vector.broadcast %add3A_2952 : i32 to vector<16xi32>
      %add3A_2954 = arith.addi %add3A_2953, %mul3A_2951 : vector<16xi32>
      %jit3A_2955 = arith.constant 8 : i32
      %div3A_2956 = vector.broadcast %jit3A_2955 : i32 to vector<16xi32>
      %div3A_2957 = arith.divsi %add3A_2954, %div3A_2956 : vector<16xi32>
      %sign3A_2958 = arith.constant 0 : i32
      %sign3A_2959 = vector.broadcast %sign3A_2958 : i32 to vector<16xi32>
      %sign3A_2960 = arith.cmpi sgt, %add3A_2954, %sign3A_2959 : vector<16xi32>
      %sign3A_2961 = arith.extui %sign3A_2960 : vector<16xi1> to vector<16xi32>
      %sign3A_2962 = arith.constant 0 : i32
      %sign3A_2963 = vector.broadcast %sign3A_2962 : i32 to vector<16xi32>
      %sign3A_2964 = arith.cmpi slt, %add3A_2954, %sign3A_2963 : vector<16xi32>
      %sign3A_2965 = arith.extui %sign3A_2964 : vector<16xi1> to vector<16xi32>
      %sign3A_2966 = arith.subi %sign3A_2961, %sign3A_2965 : vector<16xi32>
      %sign3A_2967 = arith.constant 0 : i32
      %sign3A_2968 = arith.cmpi sgt, %jit3A_2955, %sign3A_2967 : i32
      %sign3A_2969 = arith.extui %sign3A_2968 : i1 to i32
      %sign3A_2970 = arith.constant 0 : i32
      %sign3A_2971 = arith.cmpi slt, %jit3A_2955, %sign3A_2970 : i32
      %sign3A_2972 = arith.extui %sign3A_2971 : i1 to i32
      %sign3A_2973 = arith.subi %sign3A_2969, %sign3A_2972 : i32
      %ne3A_2974 = vector.broadcast %sign3A_2973 : i32 to vector<16xi32>
      %ne3A_2975 = arith.cmpi ne, %sign3A_2966, %ne3A_2974 : vector<16xi32>
      %rem3A_2976 = vector.broadcast %jit3A_2955 : i32 to vector<16xi32>
      %rem3A_2977 = arith.remsi %add3A_2954, %rem3A_2976 : vector<16xi32>
      %ne3A_2978 = arith.constant 0 : i32
      %ne3A_2979 = vector.broadcast %ne3A_2978 : i32 to vector<16xi32>
      %ne3A_2980 = arith.cmpi ne, %rem3A_2977, %ne3A_2979 : vector<16xi32>
      %and3A_2981 = arith.andi %ne3A_2975, %ne3A_2980 : vector<16xi1>
      %sub3A_2982 = arith.constant 1 : i32
      %sub3A_2983 = vector.broadcast %sub3A_2982 : i32 to vector<16xi32>
      %sub3A_2984 = arith.subi %div3A_2957, %sub3A_2983 : vector<16xi32>
      %select_n3A_2985 = arith.select %and3A_2981, %sub3A_2984, %div3A_2957 : vector<16xi1>, vector<16xi32>
      %jit3A_2986 = arith.constant 8 : i32
      %eq3A_2987 = arith.constant 0 : i32
      %eq3A_2988 = arith.cmpi eq, %jit3A_2986, %eq3A_2987 : i32
      %jit3A_2989 = arith.constant 1 : i32
      %select_n3A_2990 = arith.select %eq3A_2988, %jit3A_2989, %jit3A_2986 : i32
      %rem3A_2991 = vector.broadcast %select_n3A_2990 : i32 to vector<16xi32>
      %rem3A_2992 = arith.remsi %add3A_2954, %rem3A_2991 : vector<16xi32>
      %ne3A_2993 = arith.constant 0 : i32
      %ne3A_2994 = vector.broadcast %ne3A_2993 : i32 to vector<16xi32>
      %ne3A_2995 = arith.cmpi ne, %rem3A_2992, %ne3A_2994 : vector<16xi32>
      %lt3A_2996 = arith.constant 0 : i32
      %lt3A_2997 = vector.broadcast %lt3A_2996 : i32 to vector<16xi32>
      %lt3A_2998 = arith.cmpi slt, %rem3A_2992, %lt3A_2997 : vector<16xi32>
      %lt3A_2999 = arith.constant 0 : i32
      %lt3A_3000 = arith.cmpi slt, %select_n3A_2990, %lt3A_2999 : i32
      %ne3A_3001 = vector.broadcast %lt3A_3000 : i1 to vector<16xi1>
      %ne3A_3002 = vector.broadcast %ne3A_3001 : vector<16xi1> to vector<16xi1>
      %ne3A_3003 = arith.xori %lt3A_2998, %ne3A_3002 : vector<16xi1>
      %and3A_3004 = arith.andi %ne3A_3003, %ne3A_2995 : vector<16xi1>
      %add3A_3005 = vector.broadcast %select_n3A_2990 : i32 to vector<16xi32>
      %add3A_3006 = arith.addi %rem3A_2992, %add3A_3005 : vector<16xi32>
      %select_n3A_3007 = arith.select %and3A_3004, %add3A_3006, %rem3A_2992 : vector<16xi1>, vector<16xi32>
      %gather3A_3008 = tpu.vector_load_idx %arg11[%select_n3A_131, %select_n3A_2985, %select_n3A_3007, %and3A_2681] : memref<8x4x8x128xf32, #tpu.memory_space<vmem>>[vector<16xi32>, vector<16xi32>, vector<16xi32>, vector<16xi32>], vector<16xf32>,
      %gather3A_3009 = tpu.vector_load_idx %arg12[%select_n3A_131, %select_n3A_2985, %select_n3A_3007, %and3A_2694] : memref<8x4x8x128xf32, #tpu.memory_space<vmem>>[vector<16xi32>, vector<16xi32>, vector<16xi32>, vector<16xi32>], vector<16xf32>,
      %mul3A_3010 = arith.mulf %gather3A_3008, %gather3A_3009 : vector<16xf32>
      %add3A_3011 = arith.addf %add3A_2948, %mul3A_3010 : vector<16xf32>
      %mul3A_3012 = arith.constant 16 : i32
      %mul3A_3013 = vector.broadcast %mul3A_3012 : i32 to vector<16xi32>
      %mul3A_3014 = arith.muli %select_n3A, %mul3A_3013 : vector<16xi32>
      %add3A_3015 = arith.constant 5 : i32
      %add3A_3016 = vector.broadcast %add3A_3015 : i32 to vector<16xi32>
      %add3A_3017 = arith.addi %add3A_3016, %mul3A_3014 : vector<16xi32>
      %jit3A_3018 = arith.constant 8 : i32
      %div3A_3019 = vector.broadcast %jit3A_3018 : i32 to vector<16xi32>
      %div3A_3020 = arith.divsi %add3A_3017, %div3A_3019 : vector<16xi32>
      %sign3A_3021 = arith.constant 0 : i32
      %sign3A_3022 = vector.broadcast %sign3A_3021 : i32 to vector<16xi32>
      %sign3A_3023 = arith.cmpi sgt, %add3A_3017, %sign3A_3022 : vector<16xi32>
      %sign3A_3024 = arith.extui %sign3A_3023 : vector<16xi1> to vector<16xi32>
      %sign3A_3025 = arith.constant 0 : i32
      %sign3A_3026 = vector.broadcast %sign3A_3025 : i32 to vector<16xi32>
      %sign3A_3027 = arith.cmpi slt, %add3A_3017, %sign3A_3026 : vector<16xi32>
      %sign3A_3028 = arith.extui %sign3A_3027 : vector<16xi1> to vector<16xi32>
      %sign3A_3029 = arith.subi %sign3A_3024, %sign3A_3028 : vector<16xi32>
      %sign3A_3030 = arith.constant 0 : i32
      %sign3A_3031 = arith.cmpi sgt, %jit3A_3018, %sign3A_3030 : i32
      %sign3A_3032 = arith.extui %sign3A_3031 : i1 to i32
      %sign3A_3033 = arith.constant 0 : i32
      %sign3A_3034 = arith.cmpi slt, %jit3A_3018, %sign3A_3033 : i32
      %sign3A_3035 = arith.extui %sign3A_3034 : i1 to i32
      %sign3A_3036 = arith.subi %sign3A_3032, %sign3A_3035 : i32
      %ne3A_3037 = vector.broadcast %sign3A_3036 : i32 to vector<16xi32>
      %ne3A_3038 = arith.cmpi ne, %sign3A_3029, %ne3A_3037 : vector<16xi32>
      %rem3A_3039 = vector.broadcast %jit3A_3018 : i32 to vector<16xi32>
      %rem3A_3040 = arith.remsi %add3A_3017, %rem3A_3039 : vector<16xi32>
      %ne3A_3041 = arith.constant 0 : i32
      %ne3A_3042 = vector.broadcast %ne3A_3041 : i32 to vector<16xi32>
      %ne3A_3043 = arith.cmpi ne, %rem3A_3040, %ne3A_3042 : vector<16xi32>
      %and3A_3044 = arith.andi %ne3A_3038, %ne3A_3043 : vector<16xi1>
      %sub3A_3045 = arith.constant 1 : i32
      %sub3A_3046 = vector.broadcast %sub3A_3045 : i32 to vector<16xi32>
      %sub3A_3047 = arith.subi %div3A_3020, %sub3A_3046 : vector<16xi32>
      %select_n3A_3048 = arith.select %and3A_3044, %sub3A_3047, %div3A_3020 : vector<16xi1>, vector<16xi32>
      %jit3A_3049 = arith.constant 8 : i32
      %eq3A_3050 = arith.constant 0 : i32
      %eq3A_3051 = arith.cmpi eq, %jit3A_3049, %eq3A_3050 : i32
      %jit3A_3052 = arith.constant 1 : i32
      %select_n3A_3053 = arith.select %eq3A_3051, %jit3A_3052, %jit3A_3049 : i32
      %rem3A_3054 = vector.broadcast %select_n3A_3053 : i32 to vector<16xi32>
      %rem3A_3055 = arith.remsi %add3A_3017, %rem3A_3054 : vector<16xi32>
      %ne3A_3056 = arith.constant 0 : i32
      %ne3A_3057 = vector.broadcast %ne3A_3056 : i32 to vector<16xi32>
      %ne3A_3058 = arith.cmpi ne, %rem3A_3055, %ne3A_3057 : vector<16xi32>
      %lt3A_3059 = arith.constant 0 : i32
      %lt3A_3060 = vector.broadcast %lt3A_3059 : i32 to vector<16xi32>
      %lt3A_3061 = arith.cmpi slt, %rem3A_3055, %lt3A_3060 : vector<16xi32>
      %lt3A_3062 = arith.constant 0 : i32
      %lt3A_3063 = arith.cmpi slt, %select_n3A_3053, %lt3A_3062 : i32
      %ne3A_3064 = vector.broadcast %lt3A_3063 : i1 to vector<16xi1>
      %ne3A_3065 = vector.broadcast %ne3A_3064 : vector<16xi1> to vector<16xi1>
      %ne3A_3066 = arith.xori %lt3A_3061, %ne3A_3065 : vector<16xi1>
      %and3A_3067 = arith.andi %ne3A_3066, %ne3A_3058 : vector<16xi1>
      %add3A_3068 = vector.broadcast %select_n3A_3053 : i32 to vector<16xi32>
      %add3A_3069 = arith.addi %rem3A_3055, %add3A_3068 : vector<16xi32>
      %select_n3A_3070 = arith.select %and3A_3067, %add3A_3069, %rem3A_3055 : vector<16xi1>, vector<16xi32>
      %gather3A_3071 = tpu.vector_load_idx %arg11[%select_n3A_131, %select_n3A_3048, %select_n3A_3070, %and3A_2681] : memref<8x4x8x128xf32, #tpu.memory_space<vmem>>[vector<16xi32>, vector<16xi32>, vector<16xi32>, vector<16xi32>], vector<16xf32>,
      %gather3A_3072 = tpu.vector_load_idx %arg12[%select_n3A_131, %select_n3A_3048, %select_n3A_3070, %and3A_2694] : memref<8x4x8x128xf32, #tpu.memory_space<vmem>>[vector<16xi32>, vector<16xi32>, vector<16xi32>, vector<16xi32>], vector<16xf32>,
      %mul3A_3073 = arith.mulf %gather3A_3071, %gather3A_3072 : vector<16xf32>
      %add3A_3074 = arith.addf %add3A_3011, %mul3A_3073 : vector<16xf32>
      %mul3A_3075 = arith.constant 16 : i32
      %mul3A_3076 = vector.broadcast %mul3A_3075 : i32 to vector<16xi32>
      %mul3A_3077 = arith.muli %select_n3A, %mul3A_3076 : vector<16xi32>
      %add3A_3078 = arith.constant 6 : i32
      %add3A_3079 = vector.broadcast %add3A_3078 : i32 to vector<16xi32>
      %add3A_3080 = arith.addi %add3A_3079, %mul3A_3077 : vector<16xi32>
      %jit3A_3081 = arith.constant 8 : i32
      %div3A_3082 = vector.broadcast %jit3A_3081 : i32 to vector<16xi32>
      %div3A_3083 = arith.divsi %add3A_3080, %div3A_3082 : vector<16xi32>
      %sign3A_3084 = arith.constant 0 : i32
      %sign3A_3085 = vector.broadcast %sign3A_3084 : i32 to vector<16xi32>
      %sign3A_3086 = arith.cmpi sgt, %add3A_3080, %sign3A_3085 : vector<16xi32>
      %sign3A_3087 = arith.extui %sign3A_3086 : vector<16xi1> to vector<16xi32>
      %sign3A_3088 = arith.constant 0 : i32
      %sign3A_3089 = vector.broadcast %sign3A_3088 : i32 to vector<16xi32>
      %sign3A_3090 = arith.cmpi slt, %add3A_3080, %sign3A_3089 : vector<16xi32>
      %sign3A_3091 = arith.extui %sign3A_3090 : vector<16xi1> to vector<16xi32>
      %sign3A_3092 = arith.subi %sign3A_3087, %sign3A_3091 : vector<16xi32>
      %sign3A_3093 = arith.constant 0 : i32
      %sign3A_3094 = arith.cmpi sgt, %jit3A_3081, %sign3A_3093 : i32
      %sign3A_3095 = arith.extui %sign3A_3094 : i1 to i32
      %sign3A_3096 = arith.constant 0 : i32
      %sign3A_3097 = arith.cmpi slt, %jit3A_3081, %sign3A_3096 : i32
      %sign3A_3098 = arith.extui %sign3A_3097 : i1 to i32
      %sign3A_3099 = arith.subi %sign3A_3095, %sign3A_3098 : i32
      %ne3A_3100 = vector.broadcast %sign3A_3099 : i32 to vector<16xi32>
      %ne3A_3101 = arith.cmpi ne, %sign3A_3092, %ne3A_3100 : vector<16xi32>
      %rem3A_3102 = vector.broadcast %jit3A_3081 : i32 to vector<16xi32>
      %rem3A_3103 = arith.remsi %add3A_3080, %rem3A_3102 : vector<16xi32>
      %ne3A_3104 = arith.constant 0 : i32
      %ne3A_3105 = vector.broadcast %ne3A_3104 : i32 to vector<16xi32>
      %ne3A_3106 = arith.cmpi ne, %rem3A_3103, %ne3A_3105 : vector<16xi32>
      %and3A_3107 = arith.andi %ne3A_3101, %ne3A_3106 : vector<16xi1>
      %sub3A_3108 = arith.constant 1 : i32
      %sub3A_3109 = vector.broadcast %sub3A_3108 : i32 to vector<16xi32>
      %sub3A_3110 = arith.subi %div3A_3083, %sub3A_3109 : vector<16xi32>
      %select_n3A_3111 = arith.select %and3A_3107, %sub3A_3110, %div3A_3083 : vector<16xi1>, vector<16xi32>
      %jit3A_3112 = arith.constant 8 : i32
      %eq3A_3113 = arith.constant 0 : i32
      %eq3A_3114 = arith.cmpi eq, %jit3A_3112, %eq3A_3113 : i32
      %jit3A_3115 = arith.constant 1 : i32
      %select_n3A_3116 = arith.select %eq3A_3114, %jit3A_3115, %jit3A_3112 : i32
      %rem3A_3117 = vector.broadcast %select_n3A_3116 : i32 to vector<16xi32>
      %rem3A_3118 = arith.remsi %add3A_3080, %rem3A_3117 : vector<16xi32>
      %ne3A_3119 = arith.constant 0 : i32
      %ne3A_3120 = vector.broadcast %ne3A_3119 : i32 to vector<16xi32>
      %ne3A_3121 = arith.cmpi ne, %rem3A_3118, %ne3A_3120 : vector<16xi32>
      %lt3A_3122 = arith.constant 0 : i32
      %lt3A_3123 = vector.broadcast %lt3A_3122 : i32 to vector<16xi32>
      %lt3A_3124 = arith.cmpi slt, %rem3A_3118, %lt3A_3123 : vector<16xi32>
      %lt3A_3125 = arith.constant 0 : i32
      %lt3A_3126 = arith.cmpi slt, %select_n3A_3116, %lt3A_3125 : i32
      %ne3A_3127 = vector.broadcast %lt3A_3126 : i1 to vector<16xi1>
      %ne3A_3128 = vector.broadcast %ne3A_3127 : vector<16xi1> to vector<16xi1>
      %ne3A_3129 = arith.xori %lt3A_3124, %ne3A_3128 : vector<16xi1>
      %and3A_3130 = arith.andi %ne3A_3129, %ne3A_3121 : vector<16xi1>
      %add3A_3131 = vector.broadcast %select_n3A_3116 : i32 to vector<16xi32>
      %add3A_3132 = arith.addi %rem3A_3118, %add3A_3131 : vector<16xi32>
      %select_n3A_3133 = arith.select %and3A_3130, %add3A_3132, %rem3A_3118 : vector<16xi1>, vector<16xi32>
      %gather3A_3134 = tpu.vector_load_idx %arg11[%select_n3A_131, %select_n3A_3111, %select_n3A_3133, %and3A_2681] : memref<8x4x8x128xf32, #tpu.memory_space<vmem>>[vector<16xi32>, vector<16xi32>, vector<16xi32>, vector<16xi32>], vector<16xf32>,
      %gather3A_3135 = tpu.vector_load_idx %arg12[%select_n3A_131, %select_n3A_3111, %select_n3A_3133, %and3A_2694] : memref<8x4x8x128xf32, #tpu.memory_space<vmem>>[vector<16xi32>, vector<16xi32>, vector<16xi32>, vector<16xi32>], vector<16xf32>,
      %mul3A_3136 = arith.mulf %gather3A_3134, %gather3A_3135 : vector<16xf32>
      %add3A_3137 = arith.addf %add3A_3074, %mul3A_3136 : vector<16xf32>
      %mul3A_3138 = arith.constant 16 : i32
      %mul3A_3139 = vector.broadcast %mul3A_3138 : i32 to vector<16xi32>
      %mul3A_3140 = arith.muli %select_n3A, %mul3A_3139 : vector<16xi32>
      %add3A_3141 = arith.constant 7 : i32
      %add3A_3142 = vector.broadcast %add3A_3141 : i32 to vector<16xi32>
      %add3A_3143 = arith.addi %add3A_3142, %mul3A_3140 : vector<16xi32>
      %jit3A_3144 = arith.constant 8 : i32
      %div3A_3145 = vector.broadcast %jit3A_3144 : i32 to vector<16xi32>
      %div3A_3146 = arith.divsi %add3A_3143, %div3A_3145 : vector<16xi32>
      %sign3A_3147 = arith.constant 0 : i32
      %sign3A_3148 = vector.broadcast %sign3A_3147 : i32 to vector<16xi32>
      %sign3A_3149 = arith.cmpi sgt, %add3A_3143, %sign3A_3148 : vector<16xi32>
      %sign3A_3150 = arith.extui %sign3A_3149 : vector<16xi1> to vector<16xi32>
      %sign3A_3151 = arith.constant 0 : i32
      %sign3A_3152 = vector.broadcast %sign3A_3151 : i32 to vector<16xi32>
      %sign3A_3153 = arith.cmpi slt, %add3A_3143, %sign3A_3152 : vector<16xi32>
      %sign3A_3154 = arith.extui %sign3A_3153 : vector<16xi1> to vector<16xi32>
      %sign3A_3155 = arith.subi %sign3A_3150, %sign3A_3154 : vector<16xi32>
      %sign3A_3156 = arith.constant 0 : i32
      %sign3A_3157 = arith.cmpi sgt, %jit3A_3144, %sign3A_3156 : i32
      %sign3A_3158 = arith.extui %sign3A_3157 : i1 to i32
      %sign3A_3159 = arith.constant 0 : i32
      %sign3A_3160 = arith.cmpi slt, %jit3A_3144, %sign3A_3159 : i32
      %sign3A_3161 = arith.extui %sign3A_3160 : i1 to i32
      %sign3A_3162 = arith.subi %sign3A_3158, %sign3A_3161 : i32
      %ne3A_3163 = vector.broadcast %sign3A_3162 : i32 to vector<16xi32>
      %ne3A_3164 = arith.cmpi ne, %sign3A_3155, %ne3A_3163 : vector<16xi32>
      %rem3A_3165 = vector.broadcast %jit3A_3144 : i32 to vector<16xi32>
      %rem3A_3166 = arith.remsi %add3A_3143, %rem3A_3165 : vector<16xi32>
      %ne3A_3167 = arith.constant 0 : i32
      %ne3A_3168 = vector.broadcast %ne3A_3167 : i32 to vector<16xi32>
      %ne3A_3169 = arith.cmpi ne, %rem3A_3166, %ne3A_3168 : vector<16xi32>
      %and3A_3170 = arith.andi %ne3A_3164, %ne3A_3169 : vector<16xi1>
      %sub3A_3171 = arith.constant 1 : i32
      %sub3A_3172 = vector.broadcast %sub3A_3171 : i32 to vector<16xi32>
      %sub3A_3173 = arith.subi %div3A_3146, %sub3A_3172 : vector<16xi32>
      %select_n3A_3174 = arith.select %and3A_3170, %sub3A_3173, %div3A_3146 : vector<16xi1>, vector<16xi32>
      %jit3A_3175 = arith.constant 8 : i32
      %eq3A_3176 = arith.constant 0 : i32
      %eq3A_3177 = arith.cmpi eq, %jit3A_3175, %eq3A_3176 : i32
      %jit3A_3178 = arith.constant 1 : i32
      %select_n3A_3179 = arith.select %eq3A_3177, %jit3A_3178, %jit3A_3175 : i32
      %rem3A_3180 = vector.broadcast %select_n3A_3179 : i32 to vector<16xi32>
      %rem3A_3181 = arith.remsi %add3A_3143, %rem3A_3180 : vector<16xi32>
      %ne3A_3182 = arith.constant 0 : i32
      %ne3A_3183 = vector.broadcast %ne3A_3182 : i32 to vector<16xi32>
      %ne3A_3184 = arith.cmpi ne, %rem3A_3181, %ne3A_3183 : vector<16xi32>
      %lt3A_3185 = arith.constant 0 : i32
      %lt3A_3186 = vector.broadcast %lt3A_3185 : i32 to vector<16xi32>
      %lt3A_3187 = arith.cmpi slt, %rem3A_3181, %lt3A_3186 : vector<16xi32>
      %lt3A_3188 = arith.constant 0 : i32
      %lt3A_3189 = arith.cmpi slt, %select_n3A_3179, %lt3A_3188 : i32
      %ne3A_3190 = vector.broadcast %lt3A_3189 : i1 to vector<16xi1>
      %ne3A_3191 = vector.broadcast %ne3A_3190 : vector<16xi1> to vector<16xi1>
      %ne3A_3192 = arith.xori %lt3A_3187, %ne3A_3191 : vector<16xi1>
      %and3A_3193 = arith.andi %ne3A_3192, %ne3A_3184 : vector<16xi1>
      %add3A_3194 = vector.broadcast %select_n3A_3179 : i32 to vector<16xi32>
      %add3A_3195 = arith.addi %rem3A_3181, %add3A_3194 : vector<16xi32>
      %select_n3A_3196 = arith.select %and3A_3193, %add3A_3195, %rem3A_3181 : vector<16xi1>, vector<16xi32>
      %gather3A_3197 = tpu.vector_load_idx %arg11[%select_n3A_131, %select_n3A_3174, %select_n3A_3196, %and3A_2681] : memref<8x4x8x128xf32, #tpu.memory_space<vmem>>[vector<16xi32>, vector<16xi32>, vector<16xi32>, vector<16xi32>], vector<16xf32>,
      %gather3A_3198 = tpu.vector_load_idx %arg12[%select_n3A_131, %select_n3A_3174, %select_n3A_3196, %and3A_2694] : memref<8x4x8x128xf32, #tpu.memory_space<vmem>>[vector<16xi32>, vector<16xi32>, vector<16xi32>, vector<16xi32>], vector<16xf32>,
      %mul3A_3199 = arith.mulf %gather3A_3197, %gather3A_3198 : vector<16xf32>
      %add3A_3200 = arith.addf %add3A_3137, %mul3A_3199 : vector<16xf32>
      %mul3A_3201 = arith.constant 16 : i32
      %mul3A_3202 = vector.broadcast %mul3A_3201 : i32 to vector<16xi32>
      %mul3A_3203 = arith.muli %select_n3A, %mul3A_3202 : vector<16xi32>
      %add3A_3204 = arith.constant 8 : i32
      %add3A_3205 = vector.broadcast %add3A_3204 : i32 to vector<16xi32>
      %add3A_3206 = arith.addi %add3A_3205, %mul3A_3203 : vector<16xi32>
      %jit3A_3207 = arith.constant 8 : i32
      %div3A_3208 = vector.broadcast %jit3A_3207 : i32 to vector<16xi32>
      %div3A_3209 = arith.divsi %add3A_3206, %div3A_3208 : vector<16xi32>
      %sign3A_3210 = arith.constant 0 : i32
      %sign3A_3211 = vector.broadcast %sign3A_3210 : i32 to vector<16xi32>
      %sign3A_3212 = arith.cmpi sgt, %add3A_3206, %sign3A_3211 : vector<16xi32>
      %sign3A_3213 = arith.extui %sign3A_3212 : vector<16xi1> to vector<16xi32>
      %sign3A_3214 = arith.constant 0 : i32
      %sign3A_3215 = vector.broadcast %sign3A_3214 : i32 to vector<16xi32>
      %sign3A_3216 = arith.cmpi slt, %add3A_3206, %sign3A_3215 : vector<16xi32>
      %sign3A_3217 = arith.extui %sign3A_3216 : vector<16xi1> to vector<16xi32>
      %sign3A_3218 = arith.subi %sign3A_3213, %sign3A_3217 : vector<16xi32>
      %sign3A_3219 = arith.constant 0 : i32
      %sign3A_3220 = arith.cmpi sgt, %jit3A_3207, %sign3A_3219 : i32
      %sign3A_3221 = arith.extui %sign3A_3220 : i1 to i32
      %sign3A_3222 = arith.constant 0 : i32
      %sign3A_3223 = arith.cmpi slt, %jit3A_3207, %sign3A_3222 : i32
      %sign3A_3224 = arith.extui %sign3A_3223 : i1 to i32
      %sign3A_3225 = arith.subi %sign3A_3221, %sign3A_3224 : i32
      %ne3A_3226 = vector.broadcast %sign3A_3225 : i32 to vector<16xi32>
      %ne3A_3227 = arith.cmpi ne, %sign3A_3218, %ne3A_3226 : vector<16xi32>
      %rem3A_3228 = vector.broadcast %jit3A_3207 : i32 to vector<16xi32>
      %rem3A_3229 = arith.remsi %add3A_3206, %rem3A_3228 : vector<16xi32>
      %ne3A_3230 = arith.constant 0 : i32
      %ne3A_3231 = vector.broadcast %ne3A_3230 : i32 to vector<16xi32>
      %ne3A_3232 = arith.cmpi ne, %rem3A_3229, %ne3A_3231 : vector<16xi32>
      %and3A_3233 = arith.andi %ne3A_3227, %ne3A_3232 : vector<16xi1>
      %sub3A_3234 = arith.constant 1 : i32
      %sub3A_3235 = vector.broadcast %sub3A_3234 : i32 to vector<16xi32>
      %sub3A_3236 = arith.subi %div3A_3209, %sub3A_3235 : vector<16xi32>
      %select_n3A_3237 = arith.select %and3A_3233, %sub3A_3236, %div3A_3209 : vector<16xi1>, vector<16xi32>
      %jit3A_3238 = arith.constant 8 : i32
      %eq3A_3239 = arith.constant 0 : i32
      %eq3A_3240 = arith.cmpi eq, %jit3A_3238, %eq3A_3239 : i32
      %jit3A_3241 = arith.constant 1 : i32
      %select_n3A_3242 = arith.select %eq3A_3240, %jit3A_3241, %jit3A_3238 : i32
      %rem3A_3243 = vector.broadcast %select_n3A_3242 : i32 to vector<16xi32>
      %rem3A_3244 = arith.remsi %add3A_3206, %rem3A_3243 : vector<16xi32>
      %ne3A_3245 = arith.constant 0 : i32
      %ne3A_3246 = vector.broadcast %ne3A_3245 : i32 to vector<16xi32>
      %ne3A_3247 = arith.cmpi ne, %rem3A_3244, %ne3A_3246 : vector<16xi32>
      %lt3A_3248 = arith.constant 0 : i32
      %lt3A_3249 = vector.broadcast %lt3A_3248 : i32 to vector<16xi32>
      %lt3A_3250 = arith.cmpi slt, %rem3A_3244, %lt3A_3249 : vector<16xi32>
      %lt3A_3251 = arith.constant 0 : i32
      %lt3A_3252 = arith.cmpi slt, %select_n3A_3242, %lt3A_3251 : i32
      %ne3A_3253 = vector.broadcast %lt3A_3252 : i1 to vector<16xi1>
      %ne3A_3254 = vector.broadcast %ne3A_3253 : vector<16xi1> to vector<16xi1>
      %ne3A_3255 = arith.xori %lt3A_3250, %ne3A_3254 : vector<16xi1>
      %and3A_3256 = arith.andi %ne3A_3255, %ne3A_3247 : vector<16xi1>
      %add3A_3257 = vector.broadcast %select_n3A_3242 : i32 to vector<16xi32>
      %add3A_3258 = arith.addi %rem3A_3244, %add3A_3257 : vector<16xi32>
      %select_n3A_3259 = arith.select %and3A_3256, %add3A_3258, %rem3A_3244 : vector<16xi1>, vector<16xi32>
      %gather3A_3260 = tpu.vector_load_idx %arg11[%select_n3A_131, %select_n3A_3237, %select_n3A_3259, %and3A_2681] : memref<8x4x8x128xf32, #tpu.memory_space<vmem>>[vector<16xi32>, vector<16xi32>, vector<16xi32>, vector<16xi32>], vector<16xf32>,
      %gather3A_3261 = tpu.vector_load_idx %arg12[%select_n3A_131, %select_n3A_3237, %select_n3A_3259, %and3A_2694] : memref<8x4x8x128xf32, #tpu.memory_space<vmem>>[vector<16xi32>, vector<16xi32>, vector<16xi32>, vector<16xi32>], vector<16xf32>,
      %mul3A_3262 = arith.mulf %gather3A_3260, %gather3A_3261 : vector<16xf32>
      %add3A_3263 = arith.addf %add3A_3200, %mul3A_3262 : vector<16xf32>
      %mul3A_3264 = arith.constant 16 : i32
      %mul3A_3265 = vector.broadcast %mul3A_3264 : i32 to vector<16xi32>
      %mul3A_3266 = arith.muli %select_n3A, %mul3A_3265 : vector<16xi32>
      %add3A_3267 = arith.constant 9 : i32
      %add3A_3268 = vector.broadcast %add3A_3267 : i32 to vector<16xi32>
      %add3A_3269 = arith.addi %add3A_3268, %mul3A_3266 : vector<16xi32>
      %jit3A_3270 = arith.constant 8 : i32
      %div3A_3271 = vector.broadcast %jit3A_3270 : i32 to vector<16xi32>
      %div3A_3272 = arith.divsi %add3A_3269, %div3A_3271 : vector<16xi32>
      %sign3A_3273 = arith.constant 0 : i32
      %sign3A_3274 = vector.broadcast %sign3A_3273 : i32 to vector<16xi32>
      %sign3A_3275 = arith.cmpi sgt, %add3A_3269, %sign3A_3274 : vector<16xi32>
      %sign3A_3276 = arith.extui %sign3A_3275 : vector<16xi1> to vector<16xi32>
      %sign3A_3277 = arith.constant 0 : i32
      %sign3A_3278 = vector.broadcast %sign3A_3277 : i32 to vector<16xi32>
      %sign3A_3279 = arith.cmpi slt, %add3A_3269, %sign3A_3278 : vector<16xi32>
      %sign3A_3280 = arith.extui %sign3A_3279 : vector<16xi1> to vector<16xi32>
      %sign3A_3281 = arith.subi %sign3A_3276, %sign3A_3280 : vector<16xi32>
      %sign3A_3282 = arith.constant 0 : i32
      %sign3A_3283 = arith.cmpi sgt, %jit3A_3270, %sign3A_3282 : i32
      %sign3A_3284 = arith.extui %sign3A_3283 : i1 to i32
      %sign3A_3285 = arith.constant 0 : i32
      %sign3A_3286 = arith.cmpi slt, %jit3A_3270, %sign3A_3285 : i32
      %sign3A_3287 = arith.extui %sign3A_3286 : i1 to i32
      %sign3A_3288 = arith.subi %sign3A_3284, %sign3A_3287 : i32
      %ne3A_3289 = vector.broadcast %sign3A_3288 : i32 to vector<16xi32>
      %ne3A_3290 = arith.cmpi ne, %sign3A_3281, %ne3A_3289 : vector<16xi32>
      %rem3A_3291 = vector.broadcast %jit3A_3270 : i32 to vector<16xi32>
      %rem3A_3292 = arith.remsi %add3A_3269, %rem3A_3291 : vector<16xi32>
      %ne3A_3293 = arith.constant 0 : i32
      %ne3A_3294 = vector.broadcast %ne3A_3293 : i32 to vector<16xi32>
      %ne3A_3295 = arith.cmpi ne, %rem3A_3292, %ne3A_3294 : vector<16xi32>
      %and3A_3296 = arith.andi %ne3A_3290, %ne3A_3295 : vector<16xi1>
      %sub3A_3297 = arith.constant 1 : i32
      %sub3A_3298 = vector.broadcast %sub3A_3297 : i32 to vector<16xi32>
      %sub3A_3299 = arith.subi %div3A_3272, %sub3A_3298 : vector<16xi32>
      %select_n3A_3300 = arith.select %and3A_3296, %sub3A_3299, %div3A_3272 : vector<16xi1>, vector<16xi32>
      %jit3A_3301 = arith.constant 8 : i32
      %eq3A_3302 = arith.constant 0 : i32
      %eq3A_3303 = arith.cmpi eq, %jit3A_3301, %eq3A_3302 : i32
      %jit3A_3304 = arith.constant 1 : i32
      %select_n3A_3305 = arith.select %eq3A_3303, %jit3A_3304, %jit3A_3301 : i32
      %rem3A_3306 = vector.broadcast %select_n3A_3305 : i32 to vector<16xi32>
      %rem3A_3307 = arith.remsi %add3A_3269, %rem3A_3306 : vector<16xi32>
      %ne3A_3308 = arith.constant 0 : i32
      %ne3A_3309 = vector.broadcast %ne3A_3308 : i32 to vector<16xi32>
      %ne3A_3310 = arith.cmpi ne, %rem3A_3307, %ne3A_3309 : vector<16xi32>
      %lt3A_3311 = arith.constant 0 : i32
      %lt3A_3312 = vector.broadcast %lt3A_3311 : i32 to vector<16xi32>
      %lt3A_3313 = arith.cmpi slt, %rem3A_3307, %lt3A_3312 : vector<16xi32>
      %lt3A_3314 = arith.constant 0 : i32
      %lt3A_3315 = arith.cmpi slt, %select_n3A_3305, %lt3A_3314 : i32
      %ne3A_3316 = vector.broadcast %lt3A_3315 : i1 to vector<16xi1>
      %ne3A_3317 = vector.broadcast %ne3A_3316 : vector<16xi1> to vector<16xi1>
      %ne3A_3318 = arith.xori %lt3A_3313, %ne3A_3317 : vector<16xi1>
      %and3A_3319 = arith.andi %ne3A_3318, %ne3A_3310 : vector<16xi1>
      %add3A_3320 = vector.broadcast %select_n3A_3305 : i32 to vector<16xi32>
      %add3A_3321 = arith.addi %rem3A_3307, %add3A_3320 : vector<16xi32>
      %select_n3A_3322 = arith.select %and3A_3319, %add3A_3321, %rem3A_3307 : vector<16xi1>, vector<16xi32>
      %gather3A_3323 = tpu.vector_load_idx %arg11[%select_n3A_131, %select_n3A_3300, %select_n3A_3322, %and3A_2681] : memref<8x4x8x128xf32, #tpu.memory_space<vmem>>[vector<16xi32>, vector<16xi32>, vector<16xi32>, vector<16xi32>], vector<16xf32>,
      %gather3A_3324 = tpu.vector_load_idx %arg12[%select_n3A_131, %select_n3A_3300, %select_n3A_3322, %and3A_2694] : memref<8x4x8x128xf32, #tpu.memory_space<vmem>>[vector<16xi32>, vector<16xi32>, vector<16xi32>, vector<16xi32>], vector<16xf32>,
      %mul3A_3325 = arith.mulf %gather3A_3323, %gather3A_3324 : vector<16xf32>
      %add3A_3326 = arith.addf %add3A_3263, %mul3A_3325 : vector<16xf32>
      %mul3A_3327 = arith.constant 16 : i32
      %mul3A_3328 = vector.broadcast %mul3A_3327 : i32 to vector<16xi32>
      %mul3A_3329 = arith.muli %select_n3A, %mul3A_3328 : vector<16xi32>
      %add3A_3330 = arith.constant 10 : i32
      %add3A_3331 = vector.broadcast %add3A_3330 : i32 to vector<16xi32>
      %add3A_3332 = arith.addi %add3A_3331, %mul3A_3329 : vector<16xi32>
      %jit3A_3333 = arith.constant 8 : i32
      %div3A_3334 = vector.broadcast %jit3A_3333 : i32 to vector<16xi32>
      %div3A_3335 = arith.divsi %add3A_3332, %div3A_3334 : vector<16xi32>
      %sign3A_3336 = arith.constant 0 : i32
      %sign3A_3337 = vector.broadcast %sign3A_3336 : i32 to vector<16xi32>
      %sign3A_3338 = arith.cmpi sgt, %add3A_3332, %sign3A_3337 : vector<16xi32>
      %sign3A_3339 = arith.extui %sign3A_3338 : vector<16xi1> to vector<16xi32>
      %sign3A_3340 = arith.constant 0 : i32
      %sign3A_3341 = vector.broadcast %sign3A_3340 : i32 to vector<16xi32>
      %sign3A_3342 = arith.cmpi slt, %add3A_3332, %sign3A_3341 : vector<16xi32>
      %sign3A_3343 = arith.extui %sign3A_3342 : vector<16xi1> to vector<16xi32>
      %sign3A_3344 = arith.subi %sign3A_3339, %sign3A_3343 : vector<16xi32>
      %sign3A_3345 = arith.constant 0 : i32
      %sign3A_3346 = arith.cmpi sgt, %jit3A_3333, %sign3A_3345 : i32
      %sign3A_3347 = arith.extui %sign3A_3346 : i1 to i32
      %sign3A_3348 = arith.constant 0 : i32
      %sign3A_3349 = arith.cmpi slt, %jit3A_3333, %sign3A_3348 : i32
      %sign3A_3350 = arith.extui %sign3A_3349 : i1 to i32
      %sign3A_3351 = arith.subi %sign3A_3347, %sign3A_3350 : i32
      %ne3A_3352 = vector.broadcast %sign3A_3351 : i32 to vector<16xi32>
      %ne3A_3353 = arith.cmpi ne, %sign3A_3344, %ne3A_3352 : vector<16xi32>
      %rem3A_3354 = vector.broadcast %jit3A_3333 : i32 to vector<16xi32>
      %rem3A_3355 = arith.remsi %add3A_3332, %rem3A_3354 : vector<16xi32>
      %ne3A_3356 = arith.constant 0 : i32
      %ne3A_3357 = vector.broadcast %ne3A_3356 : i32 to vector<16xi32>
      %ne3A_3358 = arith.cmpi ne, %rem3A_3355, %ne3A_3357 : vector<16xi32>
      %and3A_3359 = arith.andi %ne3A_3353, %ne3A_3358 : vector<16xi1>
      %sub3A_3360 = arith.constant 1 : i32
      %sub3A_3361 = vector.broadcast %sub3A_3360 : i32 to vector<16xi32>
      %sub3A_3362 = arith.subi %div3A_3335, %sub3A_3361 : vector<16xi32>
      %select_n3A_3363 = arith.select %and3A_3359, %sub3A_3362, %div3A_3335 : vector<16xi1>, vector<16xi32>
      %jit3A_3364 = arith.constant 8 : i32
      %eq3A_3365 = arith.constant 0 : i32
      %eq3A_3366 = arith.cmpi eq, %jit3A_3364, %eq3A_3365 : i32
      %jit3A_3367 = arith.constant 1 : i32
      %select_n3A_3368 = arith.select %eq3A_3366, %jit3A_3367, %jit3A_3364 : i32
      %rem3A_3369 = vector.broadcast %select_n3A_3368 : i32 to vector<16xi32>
      %rem3A_3370 = arith.remsi %add3A_3332, %rem3A_3369 : vector<16xi32>
      %ne3A_3371 = arith.constant 0 : i32
      %ne3A_3372 = vector.broadcast %ne3A_3371 : i32 to vector<16xi32>
      %ne3A_3373 = arith.cmpi ne, %rem3A_3370, %ne3A_3372 : vector<16xi32>
      %lt3A_3374 = arith.constant 0 : i32
      %lt3A_3375 = vector.broadcast %lt3A_3374 : i32 to vector<16xi32>
      %lt3A_3376 = arith.cmpi slt, %rem3A_3370, %lt3A_3375 : vector<16xi32>
      %lt3A_3377 = arith.constant 0 : i32
      %lt3A_3378 = arith.cmpi slt, %select_n3A_3368, %lt3A_3377 : i32
      %ne3A_3379 = vector.broadcast %lt3A_3378 : i1 to vector<16xi1>
      %ne3A_3380 = vector.broadcast %ne3A_3379 : vector<16xi1> to vector<16xi1>
      %ne3A_3381 = arith.xori %lt3A_3376, %ne3A_3380 : vector<16xi1>
      %and3A_3382 = arith.andi %ne3A_3381, %ne3A_3373 : vector<16xi1>
      %add3A_3383 = vector.broadcast %select_n3A_3368 : i32 to vector<16xi32>
      %add3A_3384 = arith.addi %rem3A_3370, %add3A_3383 : vector<16xi32>
      %select_n3A_3385 = arith.select %and3A_3382, %add3A_3384, %rem3A_3370 : vector<16xi1>, vector<16xi32>
      %gather3A_3386 = tpu.vector_load_idx %arg11[%select_n3A_131, %select_n3A_3363, %select_n3A_3385, %and3A_2681] : memref<8x4x8x128xf32, #tpu.memory_space<vmem>>[vector<16xi32>, vector<16xi32>, vector<16xi32>, vector<16xi32>], vector<16xf32>,
      %gather3A_3387 = tpu.vector_load_idx %arg12[%select_n3A_131, %select_n3A_3363, %select_n3A_3385, %and3A_2694] : memref<8x4x8x128xf32, #tpu.memory_space<vmem>>[vector<16xi32>, vector<16xi32>, vector<16xi32>, vector<16xi32>], vector<16xf32>,
      %mul3A_3388 = arith.mulf %gather3A_3386, %gather3A_3387 : vector<16xf32>
      %add3A_3389 = arith.addf %add3A_3326, %mul3A_3388 : vector<16xf32>
      %mul3A_3390 = arith.constant 16 : i32
      %mul3A_3391 = vector.broadcast %mul3A_3390 : i32 to vector<16xi32>
      %mul3A_3392 = arith.muli %select_n3A, %mul3A_3391 : vector<16xi32>
      %add3A_3393 = arith.constant 11 : i32
      %add3A_3394 = vector.broadcast %add3A_3393 : i32 to vector<16xi32>
      %add3A_3395 = arith.addi %add3A_3394, %mul3A_3392 : vector<16xi32>
      %jit3A_3396 = arith.constant 8 : i32
      %div3A_3397 = vector.broadcast %jit3A_3396 : i32 to vector<16xi32>
      %div3A_3398 = arith.divsi %add3A_3395, %div3A_3397 : vector<16xi32>
      %sign3A_3399 = arith.constant 0 : i32
      %sign3A_3400 = vector.broadcast %sign3A_3399 : i32 to vector<16xi32>
      %sign3A_3401 = arith.cmpi sgt, %add3A_3395, %sign3A_3400 : vector<16xi32>
      %sign3A_3402 = arith.extui %sign3A_3401 : vector<16xi1> to vector<16xi32>
      %sign3A_3403 = arith.constant 0 : i32
      %sign3A_3404 = vector.broadcast %sign3A_3403 : i32 to vector<16xi32>
      %sign3A_3405 = arith.cmpi slt, %add3A_3395, %sign3A_3404 : vector<16xi32>
      %sign3A_3406 = arith.extui %sign3A_3405 : vector<16xi1> to vector<16xi32>
      %sign3A_3407 = arith.subi %sign3A_3402, %sign3A_3406 : vector<16xi32>
      %sign3A_3408 = arith.constant 0 : i32
      %sign3A_3409 = arith.cmpi sgt, %jit3A_3396, %sign3A_3408 : i32
      %sign3A_3410 = arith.extui %sign3A_3409 : i1 to i32
      %sign3A_3411 = arith.constant 0 : i32
      %sign3A_3412 = arith.cmpi slt, %jit3A_3396, %sign3A_3411 : i32
      %sign3A_3413 = arith.extui %sign3A_3412 : i1 to i32
      %sign3A_3414 = arith.subi %sign3A_3410, %sign3A_3413 : i32
      %ne3A_3415 = vector.broadcast %sign3A_3414 : i32 to vector<16xi32>
      %ne3A_3416 = arith.cmpi ne, %sign3A_3407, %ne3A_3415 : vector<16xi32>
      %rem3A_3417 = vector.broadcast %jit3A_3396 : i32 to vector<16xi32>
      %rem3A_3418 = arith.remsi %add3A_3395, %rem3A_3417 : vector<16xi32>
      %ne3A_3419 = arith.constant 0 : i32
      %ne3A_3420 = vector.broadcast %ne3A_3419 : i32 to vector<16xi32>
      %ne3A_3421 = arith.cmpi ne, %rem3A_3418, %ne3A_3420 : vector<16xi32>
      %and3A_3422 = arith.andi %ne3A_3416, %ne3A_3421 : vector<16xi1>
      %sub3A_3423 = arith.constant 1 : i32
      %sub3A_3424 = vector.broadcast %sub3A_3423 : i32 to vector<16xi32>
      %sub3A_3425 = arith.subi %div3A_3398, %sub3A_3424 : vector<16xi32>
      %select_n3A_3426 = arith.select %and3A_3422, %sub3A_3425, %div3A_3398 : vector<16xi1>, vector<16xi32>
      %jit3A_3427 = arith.constant 8 : i32
      %eq3A_3428 = arith.constant 0 : i32
      %eq3A_3429 = arith.cmpi eq, %jit3A_3427, %eq3A_3428 : i32
      %jit3A_3430 = arith.constant 1 : i32
      %select_n3A_3431 = arith.select %eq3A_3429, %jit3A_3430, %jit3A_3427 : i32
      %rem3A_3432 = vector.broadcast %select_n3A_3431 : i32 to vector<16xi32>
      %rem3A_3433 = arith.remsi %add3A_3395, %rem3A_3432 : vector<16xi32>
      %ne3A_3434 = arith.constant 0 : i32
      %ne3A_3435 = vector.broadcast %ne3A_3434 : i32 to vector<16xi32>
      %ne3A_3436 = arith.cmpi ne, %rem3A_3433, %ne3A_3435 : vector<16xi32>
      %lt3A_3437 = arith.constant 0 : i32
      %lt3A_3438 = vector.broadcast %lt3A_3437 : i32 to vector<16xi32>
      %lt3A_3439 = arith.cmpi slt, %rem3A_3433, %lt3A_3438 : vector<16xi32>
      %lt3A_3440 = arith.constant 0 : i32
      %lt3A_3441 = arith.cmpi slt, %select_n3A_3431, %lt3A_3440 : i32
      %ne3A_3442 = vector.broadcast %lt3A_3441 : i1 to vector<16xi1>
      %ne3A_3443 = vector.broadcast %ne3A_3442 : vector<16xi1> to vector<16xi1>
      %ne3A_3444 = arith.xori %lt3A_3439, %ne3A_3443 : vector<16xi1>
      %and3A_3445 = arith.andi %ne3A_3444, %ne3A_3436 : vector<16xi1>
      %add3A_3446 = vector.broadcast %select_n3A_3431 : i32 to vector<16xi32>
      %add3A_3447 = arith.addi %rem3A_3433, %add3A_3446 : vector<16xi32>
      %select_n3A_3448 = arith.select %and3A_3445, %add3A_3447, %rem3A_3433 : vector<16xi1>, vector<16xi32>
      %gather3A_3449 = tpu.vector_load_idx %arg11[%select_n3A_131, %select_n3A_3426, %select_n3A_3448, %and3A_2681] : memref<8x4x8x128xf32, #tpu.memory_space<vmem>>[vector<16xi32>, vector<16xi32>, vector<16xi32>, vector<16xi32>], vector<16xf32>,
      %gather3A_3450 = tpu.vector_load_idx %arg12[%select_n3A_131, %select_n3A_3426, %select_n3A_3448, %and3A_2694] : memref<8x4x8x128xf32, #tpu.memory_space<vmem>>[vector<16xi32>, vector<16xi32>, vector<16xi32>, vector<16xi32>], vector<16xf32>,
      %mul3A_3451 = arith.mulf %gather3A_3449, %gather3A_3450 : vector<16xf32>
      %add3A_3452 = arith.addf %add3A_3389, %mul3A_3451 : vector<16xf32>
      %mul3A_3453 = arith.constant 16 : i32
      %mul3A_3454 = vector.broadcast %mul3A_3453 : i32 to vector<16xi32>
      %mul3A_3455 = arith.muli %select_n3A, %mul3A_3454 : vector<16xi32>
      %add3A_3456 = arith.constant 12 : i32
      %add3A_3457 = vector.broadcast %add3A_3456 : i32 to vector<16xi32>
      %add3A_3458 = arith.addi %add3A_3457, %mul3A_3455 : vector<16xi32>
      %jit3A_3459 = arith.constant 8 : i32
      %div3A_3460 = vector.broadcast %jit3A_3459 : i32 to vector<16xi32>
      %div3A_3461 = arith.divsi %add3A_3458, %div3A_3460 : vector<16xi32>
      %sign3A_3462 = arith.constant 0 : i32
      %sign3A_3463 = vector.broadcast %sign3A_3462 : i32 to vector<16xi32>
      %sign3A_3464 = arith.cmpi sgt, %add3A_3458, %sign3A_3463 : vector<16xi32>
      %sign3A_3465 = arith.extui %sign3A_3464 : vector<16xi1> to vector<16xi32>
      %sign3A_3466 = arith.constant 0 : i32
      %sign3A_3467 = vector.broadcast %sign3A_3466 : i32 to vector<16xi32>
      %sign3A_3468 = arith.cmpi slt, %add3A_3458, %sign3A_3467 : vector<16xi32>
      %sign3A_3469 = arith.extui %sign3A_3468 : vector<16xi1> to vector<16xi32>
      %sign3A_3470 = arith.subi %sign3A_3465, %sign3A_3469 : vector<16xi32>
      %sign3A_3471 = arith.constant 0 : i32
      %sign3A_3472 = arith.cmpi sgt, %jit3A_3459, %sign3A_3471 : i32
      %sign3A_3473 = arith.extui %sign3A_3472 : i1 to i32
      %sign3A_3474 = arith.constant 0 : i32
      %sign3A_3475 = arith.cmpi slt, %jit3A_3459, %sign3A_3474 : i32
      %sign3A_3476 = arith.extui %sign3A_3475 : i1 to i32
      %sign3A_3477 = arith.subi %sign3A_3473, %sign3A_3476 : i32
      %ne3A_3478 = vector.broadcast %sign3A_3477 : i32 to vector<16xi32>
      %ne3A_3479 = arith.cmpi ne, %sign3A_3470, %ne3A_3478 : vector<16xi32>
      %rem3A_3480 = vector.broadcast %jit3A_3459 : i32 to vector<16xi32>
      %rem3A_3481 = arith.remsi %add3A_3458, %rem3A_3480 : vector<16xi32>
      %ne3A_3482 = arith.constant 0 : i32
      %ne3A_3483 = vector.broadcast %ne3A_3482 : i32 to vector<16xi32>
      %ne3A_3484 = arith.cmpi ne, %rem3A_3481, %ne3A_3483 : vector<16xi32>
      %and3A_3485 = arith.andi %ne3A_3479, %ne3A_3484 : vector<16xi1>
      %sub3A_3486 = arith.constant 1 : i32
      %sub3A_3487 = vector.broadcast %sub3A_3486 : i32 to vector<16xi32>
      %sub3A_3488 = arith.subi %div3A_3461, %sub3A_3487 : vector<16xi32>
      %select_n3A_3489 = arith.select %and3A_3485, %sub3A_3488, %div3A_3461 : vector<16xi1>, vector<16xi32>
      %jit3A_3490 = arith.constant 8 : i32
      %eq3A_3491 = arith.constant 0 : i32
      %eq3A_3492 = arith.cmpi eq, %jit3A_3490, %eq3A_3491 : i32
      %jit3A_3493 = arith.constant 1 : i32
      %select_n3A_3494 = arith.select %eq3A_3492, %jit3A_3493, %jit3A_3490 : i32
      %rem3A_3495 = vector.broadcast %select_n3A_3494 : i32 to vector<16xi32>
      %rem3A_3496 = arith.remsi %add3A_3458, %rem3A_3495 : vector<16xi32>
      %ne3A_3497 = arith.constant 0 : i32
      %ne3A_3498 = vector.broadcast %ne3A_3497 : i32 to vector<16xi32>
      %ne3A_3499 = arith.cmpi ne, %rem3A_3496, %ne3A_3498 : vector<16xi32>
      %lt3A_3500 = arith.constant 0 : i32
      %lt3A_3501 = vector.broadcast %lt3A_3500 : i32 to vector<16xi32>
      %lt3A_3502 = arith.cmpi slt, %rem3A_3496, %lt3A_3501 : vector<16xi32>
      %lt3A_3503 = arith.constant 0 : i32
      %lt3A_3504 = arith.cmpi slt, %select_n3A_3494, %lt3A_3503 : i32
      %ne3A_3505 = vector.broadcast %lt3A_3504 : i1 to vector<16xi1>
      %ne3A_3506 = vector.broadcast %ne3A_3505 : vector<16xi1> to vector<16xi1>
      %ne3A_3507 = arith.xori %lt3A_3502, %ne3A_3506 : vector<16xi1>
      %and3A_3508 = arith.andi %ne3A_3507, %ne3A_3499 : vector<16xi1>
      %add3A_3509 = vector.broadcast %select_n3A_3494 : i32 to vector<16xi32>
      %add3A_3510 = arith.addi %rem3A_3496, %add3A_3509 : vector<16xi32>
      %select_n3A_3511 = arith.select %and3A_3508, %add3A_3510, %rem3A_3496 : vector<16xi1>, vector<16xi32>
      %gather3A_3512 = tpu.vector_load_idx %arg11[%select_n3A_131, %select_n3A_3489, %select_n3A_3511, %and3A_2681] : memref<8x4x8x128xf32, #tpu.memory_space<vmem>>[vector<16xi32>, vector<16xi32>, vector<16xi32>, vector<16xi32>], vector<16xf32>,
      %gather3A_3513 = tpu.vector_load_idx %arg12[%select_n3A_131, %select_n3A_3489, %select_n3A_3511, %and3A_2694] : memref<8x4x8x128xf32, #tpu.memory_space<vmem>>[vector<16xi32>, vector<16xi32>, vector<16xi32>, vector<16xi32>], vector<16xf32>,
      %mul3A_3514 = arith.mulf %gather3A_3512, %gather3A_3513 : vector<16xf32>
      %add3A_3515 = arith.addf %add3A_3452, %mul3A_3514 : vector<16xf32>
      %mul3A_3516 = arith.constant 16 : i32
      %mul3A_3517 = vector.broadcast %mul3A_3516 : i32 to vector<16xi32>
      %mul3A_3518 = arith.muli %select_n3A, %mul3A_3517 : vector<16xi32>
      %add3A_3519 = arith.constant 13 : i32
      %add3A_3520 = vector.broadcast %add3A_3519 : i32 to vector<16xi32>
      %add3A_3521 = arith.addi %add3A_3520, %mul3A_3518 : vector<16xi32>
      %jit3A_3522 = arith.constant 8 : i32
      %div3A_3523 = vector.broadcast %jit3A_3522 : i32 to vector<16xi32>
      %div3A_3524 = arith.divsi %add3A_3521, %div3A_3523 : vector<16xi32>
      %sign3A_3525 = arith.constant 0 : i32
      %sign3A_3526 = vector.broadcast %sign3A_3525 : i32 to vector<16xi32>
      %sign3A_3527 = arith.cmpi sgt, %add3A_3521, %sign3A_3526 : vector<16xi32>
      %sign3A_3528 = arith.extui %sign3A_3527 : vector<16xi1> to vector<16xi32>
      %sign3A_3529 = arith.constant 0 : i32
      %sign3A_3530 = vector.broadcast %sign3A_3529 : i32 to vector<16xi32>
      %sign3A_3531 = arith.cmpi slt, %add3A_3521, %sign3A_3530 : vector<16xi32>
      %sign3A_3532 = arith.extui %sign3A_3531 : vector<16xi1> to vector<16xi32>
      %sign3A_3533 = arith.subi %sign3A_3528, %sign3A_3532 : vector<16xi32>
      %sign3A_3534 = arith.constant 0 : i32
      %sign3A_3535 = arith.cmpi sgt, %jit3A_3522, %sign3A_3534 : i32
      %sign3A_3536 = arith.extui %sign3A_3535 : i1 to i32
      %sign3A_3537 = arith.constant 0 : i32
      %sign3A_3538 = arith.cmpi slt, %jit3A_3522, %sign3A_3537 : i32
      %sign3A_3539 = arith.extui %sign3A_3538 : i1 to i32
      %sign3A_3540 = arith.subi %sign3A_3536, %sign3A_3539 : i32
      %ne3A_3541 = vector.broadcast %sign3A_3540 : i32 to vector<16xi32>
      %ne3A_3542 = arith.cmpi ne, %sign3A_3533, %ne3A_3541 : vector<16xi32>
      %rem3A_3543 = vector.broadcast %jit3A_3522 : i32 to vector<16xi32>
      %rem3A_3544 = arith.remsi %add3A_3521, %rem3A_3543 : vector<16xi32>
      %ne3A_3545 = arith.constant 0 : i32
      %ne3A_3546 = vector.broadcast %ne3A_3545 : i32 to vector<16xi32>
      %ne3A_3547 = arith.cmpi ne, %rem3A_3544, %ne3A_3546 : vector<16xi32>
      %and3A_3548 = arith.andi %ne3A_3542, %ne3A_3547 : vector<16xi1>
      %sub3A_3549 = arith.constant 1 : i32
      %sub3A_3550 = vector.broadcast %sub3A_3549 : i32 to vector<16xi32>
      %sub3A_3551 = arith.subi %div3A_3524, %sub3A_3550 : vector<16xi32>
      %select_n3A_3552 = arith.select %and3A_3548, %sub3A_3551, %div3A_3524 : vector<16xi1>, vector<16xi32>
      %jit3A_3553 = arith.constant 8 : i32
      %eq3A_3554 = arith.constant 0 : i32
      %eq3A_3555 = arith.cmpi eq, %jit3A_3553, %eq3A_3554 : i32
      %jit3A_3556 = arith.constant 1 : i32
      %select_n3A_3557 = arith.select %eq3A_3555, %jit3A_3556, %jit3A_3553 : i32
      %rem3A_3558 = vector.broadcast %select_n3A_3557 : i32 to vector<16xi32>
      %rem3A_3559 = arith.remsi %add3A_3521, %rem3A_3558 : vector<16xi32>
      %ne3A_3560 = arith.constant 0 : i32
      %ne3A_3561 = vector.broadcast %ne3A_3560 : i32 to vector<16xi32>
      %ne3A_3562 = arith.cmpi ne, %rem3A_3559, %ne3A_3561 : vector<16xi32>
      %lt3A_3563 = arith.constant 0 : i32
      %lt3A_3564 = vector.broadcast %lt3A_3563 : i32 to vector<16xi32>
      %lt3A_3565 = arith.cmpi slt, %rem3A_3559, %lt3A_3564 : vector<16xi32>
      %lt3A_3566 = arith.constant 0 : i32
      %lt3A_3567 = arith.cmpi slt, %select_n3A_3557, %lt3A_3566 : i32
      %ne3A_3568 = vector.broadcast %lt3A_3567 : i1 to vector<16xi1>
      %ne3A_3569 = vector.broadcast %ne3A_3568 : vector<16xi1> to vector<16xi1>
      %ne3A_3570 = arith.xori %lt3A_3565, %ne3A_3569 : vector<16xi1>
      %and3A_3571 = arith.andi %ne3A_3570, %ne3A_3562 : vector<16xi1>
      %add3A_3572 = vector.broadcast %select_n3A_3557 : i32 to vector<16xi32>
      %add3A_3573 = arith.addi %rem3A_3559, %add3A_3572 : vector<16xi32>
      %select_n3A_3574 = arith.select %and3A_3571, %add3A_3573, %rem3A_3559 : vector<16xi1>, vector<16xi32>
      %gather3A_3575 = tpu.vector_load_idx %arg11[%select_n3A_131, %select_n3A_3552, %select_n3A_3574, %and3A_2681] : memref<8x4x8x128xf32, #tpu.memory_space<vmem>>[vector<16xi32>, vector<16xi32>, vector<16xi32>, vector<16xi32>], vector<16xf32>,
      %gather3A_3576 = tpu.vector_load_idx %arg12[%select_n3A_131, %select_n3A_3552, %select_n3A_3574, %and3A_2694] : memref<8x4x8x128xf32, #tpu.memory_space<vmem>>[vector<16xi32>, vector<16xi32>, vector<16xi32>, vector<16xi32>], vector<16xf32>,
      %mul3A_3577 = arith.mulf %gather3A_3575, %gather3A_3576 : vector<16xf32>
      %add3A_3578 = arith.addf %add3A_3515, %mul3A_3577 : vector<16xf32>
      %mul3A_3579 = arith.constant 16 : i32
      %mul3A_3580 = vector.broadcast %mul3A_3579 : i32 to vector<16xi32>
      %mul3A_3581 = arith.muli %select_n3A, %mul3A_3580 : vector<16xi32>
      %add3A_3582 = arith.constant 14 : i32
      %add3A_3583 = vector.broadcast %add3A_3582 : i32 to vector<16xi32>
      %add3A_3584 = arith.addi %add3A_3583, %mul3A_3581 : vector<16xi32>
      %jit3A_3585 = arith.constant 8 : i32
      %div3A_3586 = vector.broadcast %jit3A_3585 : i32 to vector<16xi32>
      %div3A_3587 = arith.divsi %add3A_3584, %div3A_3586 : vector<16xi32>
      %sign3A_3588 = arith.constant 0 : i32
      %sign3A_3589 = vector.broadcast %sign3A_3588 : i32 to vector<16xi32>
      %sign3A_3590 = arith.cmpi sgt, %add3A_3584, %sign3A_3589 : vector<16xi32>
      %sign3A_3591 = arith.extui %sign3A_3590 : vector<16xi1> to vector<16xi32>
      %sign3A_3592 = arith.constant 0 : i32
      %sign3A_3593 = vector.broadcast %sign3A_3592 : i32 to vector<16xi32>
      %sign3A_3594 = arith.cmpi slt, %add3A_3584, %sign3A_3593 : vector<16xi32>
      %sign3A_3595 = arith.extui %sign3A_3594 : vector<16xi1> to vector<16xi32>
      %sign3A_3596 = arith.subi %sign3A_3591, %sign3A_3595 : vector<16xi32>
      %sign3A_3597 = arith.constant 0 : i32
      %sign3A_3598 = arith.cmpi sgt, %jit3A_3585, %sign3A_3597 : i32
      %sign3A_3599 = arith.extui %sign3A_3598 : i1 to i32
      %sign3A_3600 = arith.constant 0 : i32
      %sign3A_3601 = arith.cmpi slt, %jit3A_3585, %sign3A_3600 : i32
      %sign3A_3602 = arith.extui %sign3A_3601 : i1 to i32
      %sign3A_3603 = arith.subi %sign3A_3599, %sign3A_3602 : i32
      %ne3A_3604 = vector.broadcast %sign3A_3603 : i32 to vector<16xi32>
      %ne3A_3605 = arith.cmpi ne, %sign3A_3596, %ne3A_3604 : vector<16xi32>
      %rem3A_3606 = vector.broadcast %jit3A_3585 : i32 to vector<16xi32>
      %rem3A_3607 = arith.remsi %add3A_3584, %rem3A_3606 : vector<16xi32>
      %ne3A_3608 = arith.constant 0 : i32
      %ne3A_3609 = vector.broadcast %ne3A_3608 : i32 to vector<16xi32>
      %ne3A_3610 = arith.cmpi ne, %rem3A_3607, %ne3A_3609 : vector<16xi32>
      %and3A_3611 = arith.andi %ne3A_3605, %ne3A_3610 : vector<16xi1>
      %sub3A_3612 = arith.constant 1 : i32
      %sub3A_3613 = vector.broadcast %sub3A_3612 : i32 to vector<16xi32>
      %sub3A_3614 = arith.subi %div3A_3587, %sub3A_3613 : vector<16xi32>
      %select_n3A_3615 = arith.select %and3A_3611, %sub3A_3614, %div3A_3587 : vector<16xi1>, vector<16xi32>
      %jit3A_3616 = arith.constant 8 : i32
      %eq3A_3617 = arith.constant 0 : i32
      %eq3A_3618 = arith.cmpi eq, %jit3A_3616, %eq3A_3617 : i32
      %jit3A_3619 = arith.constant 1 : i32
      %select_n3A_3620 = arith.select %eq3A_3618, %jit3A_3619, %jit3A_3616 : i32
      %rem3A_3621 = vector.broadcast %select_n3A_3620 : i32 to vector<16xi32>
      %rem3A_3622 = arith.remsi %add3A_3584, %rem3A_3621 : vector<16xi32>
      %ne3A_3623 = arith.constant 0 : i32
      %ne3A_3624 = vector.broadcast %ne3A_3623 : i32 to vector<16xi32>
      %ne3A_3625 = arith.cmpi ne, %rem3A_3622, %ne3A_3624 : vector<16xi32>
      %lt3A_3626 = arith.constant 0 : i32
      %lt3A_3627 = vector.broadcast %lt3A_3626 : i32 to vector<16xi32>
      %lt3A_3628 = arith.cmpi slt, %rem3A_3622, %lt3A_3627 : vector<16xi32>
      %lt3A_3629 = arith.constant 0 : i32
      %lt3A_3630 = arith.cmpi slt, %select_n3A_3620, %lt3A_3629 : i32
      %ne3A_3631 = vector.broadcast %lt3A_3630 : i1 to vector<16xi1>
      %ne3A_3632 = vector.broadcast %ne3A_3631 : vector<16xi1> to vector<16xi1>
      %ne3A_3633 = arith.xori %lt3A_3628, %ne3A_3632 : vector<16xi1>
      %and3A_3634 = arith.andi %ne3A_3633, %ne3A_3625 : vector<16xi1>
      %add3A_3635 = vector.broadcast %select_n3A_3620 : i32 to vector<16xi32>
      %add3A_3636 = arith.addi %rem3A_3622, %add3A_3635 : vector<16xi32>
      %select_n3A_3637 = arith.select %and3A_3634, %add3A_3636, %rem3A_3622 : vector<16xi1>, vector<16xi32>
      %gather3A_3638 = tpu.vector_load_idx %arg11[%select_n3A_131, %select_n3A_3615, %select_n3A_3637, %and3A_2681] : memref<8x4x8x128xf32, #tpu.memory_space<vmem>>[vector<16xi32>, vector<16xi32>, vector<16xi32>, vector<16xi32>], vector<16xf32>,
      %gather3A_3639 = tpu.vector_load_idx %arg12[%select_n3A_131, %select_n3A_3615, %select_n3A_3637, %and3A_2694] : memref<8x4x8x128xf32, #tpu.memory_space<vmem>>[vector<16xi32>, vector<16xi32>, vector<16xi32>, vector<16xi32>], vector<16xf32>,
      %mul3A_3640 = arith.mulf %gather3A_3638, %gather3A_3639 : vector<16xf32>
      %add3A_3641 = arith.addf %add3A_3578, %mul3A_3640 : vector<16xf32>
      %mul3A_3642 = arith.constant 16 : i32
      %mul3A_3643 = vector.broadcast %mul3A_3642 : i32 to vector<16xi32>
      %mul3A_3644 = arith.muli %select_n3A, %mul3A_3643 : vector<16xi32>
      %add3A_3645 = arith.constant 15 : i32
      %add3A_3646 = vector.broadcast %add3A_3645 : i32 to vector<16xi32>
      %add3A_3647 = arith.addi %add3A_3646, %mul3A_3644 : vector<16xi32>
      %jit3A_3648 = arith.constant 8 : i32
      %div3A_3649 = vector.broadcast %jit3A_3648 : i32 to vector<16xi32>
      %div3A_3650 = arith.divsi %add3A_3647, %div3A_3649 : vector<16xi32>
      %sign3A_3651 = arith.constant 0 : i32
      %sign3A_3652 = vector.broadcast %sign3A_3651 : i32 to vector<16xi32>
      %sign3A_3653 = arith.cmpi sgt, %add3A_3647, %sign3A_3652 : vector<16xi32>
      %sign3A_3654 = arith.extui %sign3A_3653 : vector<16xi1> to vector<16xi32>
      %sign3A_3655 = arith.constant 0 : i32
      %sign3A_3656 = vector.broadcast %sign3A_3655 : i32 to vector<16xi32>
      %sign3A_3657 = arith.cmpi slt, %add3A_3647, %sign3A_3656 : vector<16xi32>
      %sign3A_3658 = arith.extui %sign3A_3657 : vector<16xi1> to vector<16xi32>
      %sign3A_3659 = arith.subi %sign3A_3654, %sign3A_3658 : vector<16xi32>
      %sign3A_3660 = arith.constant 0 : i32
      %sign3A_3661 = arith.cmpi sgt, %jit3A_3648, %sign3A_3660 : i32
      %sign3A_3662 = arith.extui %sign3A_3661 : i1 to i32
      %sign3A_3663 = arith.constant 0 : i32
      %sign3A_3664 = arith.cmpi slt, %jit3A_3648, %sign3A_3663 : i32
      %sign3A_3665 = arith.extui %sign3A_3664 : i1 to i32
      %sign3A_3666 = arith.subi %sign3A_3662, %sign3A_3665 : i32
      %ne3A_3667 = vector.broadcast %sign3A_3666 : i32 to vector<16xi32>
      %ne3A_3668 = arith.cmpi ne, %sign3A_3659, %ne3A_3667 : vector<16xi32>
      %rem3A_3669 = vector.broadcast %jit3A_3648 : i32 to vector<16xi32>
      %rem3A_3670 = arith.remsi %add3A_3647, %rem3A_3669 : vector<16xi32>
      %ne3A_3671 = arith.constant 0 : i32
      %ne3A_3672 = vector.broadcast %ne3A_3671 : i32 to vector<16xi32>
      %ne3A_3673 = arith.cmpi ne, %rem3A_3670, %ne3A_3672 : vector<16xi32>
      %and3A_3674 = arith.andi %ne3A_3668, %ne3A_3673 : vector<16xi1>
      %sub3A_3675 = arith.constant 1 : i32
      %sub3A_3676 = vector.broadcast %sub3A_3675 : i32 to vector<16xi32>
      %sub3A_3677 = arith.subi %div3A_3650, %sub3A_3676 : vector<16xi32>
      %select_n3A_3678 = arith.select %and3A_3674, %sub3A_3677, %div3A_3650 : vector<16xi1>, vector<16xi32>
      %jit3A_3679 = arith.constant 8 : i32
      %eq3A_3680 = arith.constant 0 : i32
      %eq3A_3681 = arith.cmpi eq, %jit3A_3679, %eq3A_3680 : i32
      %jit3A_3682 = arith.constant 1 : i32
      %select_n3A_3683 = arith.select %eq3A_3681, %jit3A_3682, %jit3A_3679 : i32
      %rem3A_3684 = vector.broadcast %select_n3A_3683 : i32 to vector<16xi32>
      %rem3A_3685 = arith.remsi %add3A_3647, %rem3A_3684 : vector<16xi32>
      %ne3A_3686 = arith.constant 0 : i32
      %ne3A_3687 = vector.broadcast %ne3A_3686 : i32 to vector<16xi32>
      %ne3A_3688 = arith.cmpi ne, %rem3A_3685, %ne3A_3687 : vector<16xi32>
      %lt3A_3689 = arith.constant 0 : i32
      %lt3A_3690 = vector.broadcast %lt3A_3689 : i32 to vector<16xi32>
      %lt3A_3691 = arith.cmpi slt, %rem3A_3685, %lt3A_3690 : vector<16xi32>
      %lt3A_3692 = arith.constant 0 : i32
      %lt3A_3693 = arith.cmpi slt, %select_n3A_3683, %lt3A_3692 : i32
      %ne3A_3694 = vector.broadcast %lt3A_3693 : i1 to vector<16xi1>
      %ne3A_3695 = vector.broadcast %ne3A_3694 : vector<16xi1> to vector<16xi1>
      %ne3A_3696 = arith.xori %lt3A_3691, %ne3A_3695 : vector<16xi1>
      %and3A_3697 = arith.andi %ne3A_3696, %ne3A_3688 : vector<16xi1>
      %add3A_3698 = vector.broadcast %select_n3A_3683 : i32 to vector<16xi32>
      %add3A_3699 = arith.addi %rem3A_3685, %add3A_3698 : vector<16xi32>
      %select_n3A_3700 = arith.select %and3A_3697, %add3A_3699, %rem3A_3685 : vector<16xi1>, vector<16xi32>
      %gather3A_3701 = tpu.vector_load_idx %arg11[%select_n3A_131, %select_n3A_3678, %select_n3A_3700, %and3A_2681] : memref<8x4x8x128xf32, #tpu.memory_space<vmem>>[vector<16xi32>, vector<16xi32>, vector<16xi32>, vector<16xi32>], vector<16xf32>,
      %gather3A_3702 = tpu.vector_load_idx %arg12[%select_n3A_131, %select_n3A_3678, %select_n3A_3700, %and3A_2694] : memref<8x4x8x128xf32, #tpu.memory_space<vmem>>[vector<16xi32>, vector<16xi32>, vector<16xi32>, vector<16xi32>], vector<16xf32>,
      %mul3A_3703 = arith.mulf %gather3A_3701, %gather3A_3702 : vector<16xf32>
      %add3A_3704 = arith.addf %add3A_3641, %mul3A_3703 : vector<16xf32>
      %lt3A_3705 = arith.constant 0 : i32
      %lt3A_3706 = vector.broadcast %lt3A_3705 : i32 to vector<16xi32>
      %lt3A_3707 = arith.cmpi slt, %xor3A_183, %lt3A_3706 : vector<16xi32>
      %add3A_3708 = arith.constant 16 : i32
      %add3A_3709 = vector.broadcast %add3A_3708 : i32 to vector<16xi32>
      %add3A_3710 = arith.addi %xor3A_183, %add3A_3709 : vector<16xi32>
      %select_n3A_3711 = arith.select %lt3A_3707, %add3A_3710, %xor3A_183 : vector<16xi1>, vector<16xi32>
      %broadcast_in_dim3A_3712 = vector.shape_cast %select_n3A_3711 : vector<16xi32> to vector<16x1xi32>
      %gather3A_3713 = vector.shape_cast %broadcast_in_dim3A_3712 : vector<16x1xi32> to vector<16xi32>
      %gather3A_3714 = tpu.dynamic_gather %add3A_3704[%gather3A_3713] in [0] : vector<16xf32>, vector<16xi32> -> vector<16xf32>
      %add3A_3715 = arith.addf %add3A_3704, %gather3A_3714 : vector<16xf32>
      %mul3A_3716 = arith.constant 2 : i32
      %mul3A_3717 = arith.muli %scan3A_260, %mul3A_3716 : i32
      %mul3A_3718 = arith.constant 8 : i32
      %mul3A_3719 = arith.muli %mul3A_3717, %mul3A_3718 : i32
      %add3A_3720 = arith.constant 8 : i32
      %add3A_3721 = arith.addi %mul3A_3719, %add3A_3720 : i32
      %swap3A_3722 = arith.index_cast %add3A_3721 : i32 to index
      %swap3A_3723 = tpu.vector_load %arg15[%swap3A_3722] masked %lt3A_181 {strides = array<i32>} : memref<528xf32, #tpu.memory_space<vmem>>, vector<16xf32>, vector<16xi1>
      tpu.vector_store %arg15[%swap3A_3722], %add3A_3715 masked %lt3A_181 {strides = array<i32>} : memref<528xf32, #tpu.memory_space<vmem>>, vector<16xf32>, vector<16xi1>
      %scan3A_3724 = arith.constant 0 : i32
      scf.yield %scan3A_3724 : i32
    }
    %scan3A_189 = arith.constant 32 : i32
    %dma_wait3A = arith.constant 0 : i32
    %dma_wait3A_190 = arith.constant 0 : i32
    %dma_wait3A_191 = tpu.memref_slice %arg13[%dma_wait3A_190] : memref<512xf32, #tpu.memory_space<vmem>> -> memref<128xf32, #tpu.memory_space<vmem>>
    %dma_wait3A_192 = arith.constant 0 : i32
    %dma_wait3A_193 = tpu.memref_slice %arg9[%dma_wait3A, %dma_wait3A_192] : memref<4x128xi32, #tpu.memory_space<vmem>> -> memref<1x128xi32, #tpu.memory_space<vmem>>
    %dma_wait3A_194 = tpu.memref_squeeze %dma_wait3A_193 : memref<1x128xi32, #tpu.memory_space<vmem>> -> memref<128xi32, #tpu.memory_space<vmem>>
    %dma_wait3A_195 = arith.constant 0 : i32
    %dma_wait3A_196 = tpu.memref_slice %arg6[%dma_wait3A_195] : memref<1000000xf32, #tpu.memory_space<hbm>> -> memref<1000000xf32, #tpu.memory_space<hbm>>
    tpu.wait_indirect_dma semaphore(%arg17 : memref<!tpu.dma_semaphore, #tpu.memory_space<semaphore_mem>>) src(%dma_wait3A_196 : memref<1000000xf32, #tpu.memory_space<hbm>>) dst(%dma_wait3A_191 : memref<128xf32, #tpu.memory_space<vmem>>)
    %dma_wait3A_197 = arith.constant 0 : i32
    %dma_wait3A_198 = arith.constant 0 : i32
    %dma_wait3A_199 = tpu.memref_slice %arg14[%dma_wait3A_198] : memref<512xf32, #tpu.memory_space<vmem>> -> memref<128xf32, #tpu.memory_space<vmem>>
    %dma_wait3A_200 = arith.constant 0 : i32
    %dma_wait3A_201 = tpu.memref_slice %arg10[%dma_wait3A_197, %dma_wait3A_200] : memref<4x128xi32, #tpu.memory_space<vmem>> -> memref<1x128xi32, #tpu.memory_space<vmem>>
    %dma_wait3A_202 = tpu.memref_squeeze %dma_wait3A_201 : memref<1x128xi32, #tpu.memory_space<vmem>> -> memref<128xi32, #tpu.memory_space<vmem>>
    %dma_wait3A_203 = arith.constant 0 : i32
    %dma_wait3A_204 = tpu.memref_slice %arg7[%dma_wait3A_203] : memref<1000000xf32, #tpu.memory_space<hbm>> -> memref<1000000xf32, #tpu.memory_space<hbm>>
    tpu.wait_indirect_dma semaphore(%arg17 : memref<!tpu.dma_semaphore, #tpu.memory_space<semaphore_mem>>) src(%dma_wait3A_204 : memref<1000000xf32, #tpu.memory_space<hbm>>) dst(%dma_wait3A_199 : memref<128xf32, #tpu.memory_space<vmem>>)
    %dma_wait3A_205 = arith.constant 1 : i32
    %dma_wait3A_206 = arith.constant 128 : i32
    %dma_wait3A_207 = tpu.memref_slice %arg13[%dma_wait3A_206] : memref<512xf32, #tpu.memory_space<vmem>> -> memref<128xf32, #tpu.memory_space<vmem>>
    %dma_wait3A_208 = arith.constant 0 : i32
    %dma_wait3A_209 = tpu.memref_slice %arg9[%dma_wait3A_205, %dma_wait3A_208] : memref<4x128xi32, #tpu.memory_space<vmem>> -> memref<1x128xi32, #tpu.memory_space<vmem>>
    %dma_wait3A_210 = tpu.memref_squeeze %dma_wait3A_209 : memref<1x128xi32, #tpu.memory_space<vmem>> -> memref<128xi32, #tpu.memory_space<vmem>>
    %dma_wait3A_211 = arith.constant 0 : i32
    %dma_wait3A_212 = tpu.memref_slice %arg6[%dma_wait3A_211] : memref<1000000xf32, #tpu.memory_space<hbm>> -> memref<1000000xf32, #tpu.memory_space<hbm>>
    tpu.wait_indirect_dma semaphore(%arg17 : memref<!tpu.dma_semaphore, #tpu.memory_space<semaphore_mem>>) src(%dma_wait3A_212 : memref<1000000xf32, #tpu.memory_space<hbm>>) dst(%dma_wait3A_207 : memref<128xf32, #tpu.memory_space<vmem>>)
    %dma_wait3A_213 = arith.constant 1 : i32
    %dma_wait3A_214 = arith.constant 128 : i32
    %dma_wait3A_215 = tpu.memref_slice %arg14[%dma_wait3A_214] : memref<512xf32, #tpu.memory_space<vmem>> -> memref<128xf32, #tpu.memory_space<vmem>>
    %dma_wait3A_216 = arith.constant 0 : i32
    %dma_wait3A_217 = tpu.memref_slice %arg10[%dma_wait3A_213, %dma_wait3A_216] : memref<4x128xi32, #tpu.memory_space<vmem>> -> memref<1x128xi32, #tpu.memory_space<vmem>>
    %dma_wait3A_218 = tpu.memref_squeeze %dma_wait3A_217 : memref<1x128xi32, #tpu.memory_space<vmem>> -> memref<128xi32, #tpu.memory_space<vmem>>
    %dma_wait3A_219 = arith.constant 0 : i32
    %dma_wait3A_220 = tpu.memref_slice %arg7[%dma_wait3A_219] : memref<1000000xf32, #tpu.memory_space<hbm>> -> memref<1000000xf32, #tpu.memory_space<hbm>>
    tpu.wait_indirect_dma semaphore(%arg17 : memref<!tpu.dma_semaphore, #tpu.memory_space<semaphore_mem>>) src(%dma_wait3A_220 : memref<1000000xf32, #tpu.memory_space<hbm>>) dst(%dma_wait3A_215 : memref<128xf32, #tpu.memory_space<vmem>>)
    %dma_wait3A_221 = arith.constant 2 : i32
    %dma_wait3A_222 = arith.constant 256 : i32
    %dma_wait3A_223 = tpu.memref_slice %arg13[%dma_wait3A_222] : memref<512xf32, #tpu.memory_space<vmem>> -> memref<128xf32, #tpu.memory_space<vmem>>
    %dma_wait3A_224 = arith.constant 0 : i32
    %dma_wait3A_225 = tpu.memref_slice %arg9[%dma_wait3A_221, %dma_wait3A_224] : memref<4x128xi32, #tpu.memory_space<vmem>> -> memref<1x128xi32, #tpu.memory_space<vmem>>
    %dma_wait3A_226 = tpu.memref_squeeze %dma_wait3A_225 : memref<1x128xi32, #tpu.memory_space<vmem>> -> memref<128xi32, #tpu.memory_space<vmem>>
    %dma_wait3A_227 = arith.constant 0 : i32
    %dma_wait3A_228 = tpu.memref_slice %arg6[%dma_wait3A_227] : memref<1000000xf32, #tpu.memory_space<hbm>> -> memref<1000000xf32, #tpu.memory_space<hbm>>
    tpu.wait_indirect_dma semaphore(%arg17 : memref<!tpu.dma_semaphore, #tpu.memory_space<semaphore_mem>>) src(%dma_wait3A_228 : memref<1000000xf32, #tpu.memory_space<hbm>>) dst(%dma_wait3A_223 : memref<128xf32, #tpu.memory_space<vmem>>)
    %dma_wait3A_229 = arith.constant 2 : i32
    %dma_wait3A_230 = arith.constant 256 : i32
    %dma_wait3A_231 = tpu.memref_slice %arg14[%dma_wait3A_230] : memref<512xf32, #tpu.memory_space<vmem>> -> memref<128xf32, #tpu.memory_space<vmem>>
    %dma_wait3A_232 = arith.constant 0 : i32
    %dma_wait3A_233 = tpu.memref_slice %arg10[%dma_wait3A_229, %dma_wait3A_232] : memref<4x128xi32, #tpu.memory_space<vmem>> -> memref<1x128xi32, #tpu.memory_space<vmem>>
    %dma_wait3A_234 = tpu.memref_squeeze %dma_wait3A_233 : memref<1x128xi32, #tpu.memory_space<vmem>> -> memref<128xi32, #tpu.memory_space<vmem>>
    %dma_wait3A_235 = arith.constant 0 : i32
    %dma_wait3A_236 = tpu.memref_slice %arg7[%dma_wait3A_235] : memref<1000000xf32, #tpu.memory_space<hbm>> -> memref<1000000xf32, #tpu.memory_space<hbm>>
    tpu.wait_indirect_dma semaphore(%arg17 : memref<!tpu.dma_semaphore, #tpu.memory_space<semaphore_mem>>) src(%dma_wait3A_236 : memref<1000000xf32, #tpu.memory_space<hbm>>) dst(%dma_wait3A_231 : memref<128xf32, #tpu.memory_space<vmem>>)
    %dma_wait3A_237 = arith.constant 3 : i32
    %dma_wait3A_238 = arith.constant 384 : i32
    %dma_wait3A_239 = tpu.memref_slice %arg13[%dma_wait3A_238] : memref<512xf32, #tpu.memory_space<vmem>> -> memref<128xf32, #tpu.memory_space<vmem>>
    %dma_wait3A_240 = arith.constant 0 : i32
    %dma_wait3A_241 = tpu.memref_slice %arg9[%dma_wait3A_237, %dma_wait3A_240] : memref<4x128xi32, #tpu.memory_space<vmem>> -> memref<1x128xi32, #tpu.memory_space<vmem>>
    %dma_wait3A_242 = tpu.memref_squeeze %dma_wait3A_241 : memref<1x128xi32, #tpu.memory_space<vmem>> -> memref<128xi32, #tpu.memory_space<vmem>>
    %dma_wait3A_243 = arith.constant 0 : i32
    %dma_wait3A_244 = tpu.memref_slice %arg6[%dma_wait3A_243] : memref<1000000xf32, #tpu.memory_space<hbm>> -> memref<1000000xf32, #tpu.memory_space<hbm>>
    tpu.wait_indirect_dma semaphore(%arg17 : memref<!tpu.dma_semaphore, #tpu.memory_space<semaphore_mem>>) src(%dma_wait3A_244 : memref<1000000xf32, #tpu.memory_space<hbm>>) dst(%dma_wait3A_239 : memref<128xf32, #tpu.memory_space<vmem>>)
    %dma_wait3A_245 = arith.constant 3 : i32
    %dma_wait3A_246 = arith.constant 384 : i32
    %dma_wait3A_247 = tpu.memref_slice %arg14[%dma_wait3A_246] : memref<512xf32, #tpu.memory_space<vmem>> -> memref<128xf32, #tpu.memory_space<vmem>>
    %dma_wait3A_248 = arith.constant 0 : i32
    %dma_wait3A_249 = tpu.memref_slice %arg10[%dma_wait3A_245, %dma_wait3A_248] : memref<4x128xi32, #tpu.memory_space<vmem>> -> memref<1x128xi32, #tpu.memory_space<vmem>>
    %dma_wait3A_250 = tpu.memref_squeeze %dma_wait3A_249 : memref<1x128xi32, #tpu.memory_space<vmem>> -> memref<128xi32, #tpu.memory_space<vmem>>
    %dma_wait3A_251 = arith.constant 0 : i32
    %dma_wait3A_252 = tpu.memref_slice %arg7[%dma_wait3A_251] : memref<1000000xf32, #tpu.memory_space<hbm>> -> memref<1000000xf32, #tpu.memory_space<hbm>>
    tpu.wait_indirect_dma semaphore(%arg17 : memref<!tpu.dma_semaphore, #tpu.memory_space<semaphore_mem>>) src(%dma_wait3A_252 : memref<1000000xf32, #tpu.memory_space<hbm>>) dst(%dma_wait3A_247 : memref<128xf32, #tpu.memory_space<vmem>>)
    %scan3A_253 = arith.constant 0 : i32
    %scan3A_254 = arith.constant 0 : i32
    %scan3A_255 = arith.constant 32 : i32
    %scan3A_256 = arith.addi %scan3A_254, %scan3A_255 : i32
    %scan3A_257 = arith.constant 1 : i32
    %scan3A_258 = scf.for %scan3A_260 = %scan3A_254 to %scan3A_256 step %scan3A_257 iter_args(%scan3A_261 = %scan3A_253) -> (i32)  : i32 {
      %mul3A_262 = arith.constant 16 : i32
      %mul3A_263 = arith.muli %scan3A_260, %mul3A_262 : i32
      %get3A = arith.index_cast %mul3A_263 : i32 to index
      %get3A_264 = tpu.vector_load %arg15[%get3A] {strides = array<i32>} : memref<528xf32, #tpu.memory_space<vmem>>, vector<16xf32>,
      %get3A_265 = arith.index_cast %mul3A_263 : i32 to index
      %get3A_266 = tpu.vector_load %arg13[%get3A_265] {strides = array<i32>} : memref<512xf32, #tpu.memory_space<vmem>>, vector<16xf32>,
      %add3A_267 = arith.addf %get3A_264, %get3A_266 : vector<16xf32>
      %get3A_268 = arith.index_cast %mul3A_263 : i32 to index
      %get3A_269 = tpu.vector_load %arg14[%get3A_268] {strides = array<i32>} : memref<512xf32, #tpu.memory_space<vmem>>, vector<16xf32>,
      %add3A_270 = arith.addf %add3A_267, %get3A_269 : vector<16xf32>
      %swap3A = arith.index_cast %mul3A_263 : i32 to index
      %swap3A_271 = tpu.vector_load %arg15[%swap3A] {strides = array<i32>} : memref<528xf32, #tpu.memory_space<vmem>>, vector<16xf32>,
      tpu.vector_store %arg15[%swap3A], %add3A_270 {strides = array<i32>} : memref<528xf32, #tpu.memory_space<vmem>>, vector<16xf32>,
      %scan3A_272 = arith.constant 0 : i32
      scf.yield %scan3A_272 : i32
    }
    %scan3A_259 = arith.constant 32 : i32
    "tpu.region"() ({
      %run_scoped3A_260 = tpu.sem_alloc : memref<!tpu.dma_semaphore, #tpu.memory_space<semaphore_mem>>
      %dma_start3A_261 = arith.constant 0 : i32
      %dma_start3A_262 = tpu.memref_slice %arg15[%dma_start3A_261] : memref<528xf32, #tpu.memory_space<vmem>> -> memref<512xf32, #tpu.memory_space<vmem>>
      %dma_start3A_263 = tpu.memref_slice %arg8[%mul3A_2] : memref<16384xf32, #tpu.memory_space<hbm>> -> memref<512xf32, #tpu.memory_space<hbm>>
      %dma_start3A_264 = tpu.memref_slice %arg8[%mul3A_2] : memref<16384xf32, #tpu.memory_space<hbm>> -> memref<512xf32, #tpu.memory_space<hbm>>
      %dma_start3A_265 = arith.constant 0 : i32
      %dma_start3A_266 = tpu.memref_slice %arg15[%dma_start3A_265] : memref<528xf32, #tpu.memory_space<vmem>> -> memref<512xf32, #tpu.memory_space<vmem>>
      tpu.enqueue_dma source(%dma_start3A_266 : memref<512xf32, #tpu.memory_space<vmem>>) target(%dma_start3A_264 : memref<512xf32, #tpu.memory_space<hbm>>) target_semaphore(%run_scoped3A_260 : memref<!tpu.dma_semaphore, #tpu.memory_space<semaphore_mem>>)
      %dma_wait3A_267 = arith.constant 0 : i32
      %dma_wait3A_268 = tpu.memref_slice %arg15[%dma_wait3A_267] : memref<528xf32, #tpu.memory_space<vmem>> -> memref<512xf32, #tpu.memory_space<vmem>>
      %dma_wait3A_269 = tpu.memref_slice %arg8[%mul3A_2] : memref<16384xf32, #tpu.memory_space<hbm>> -> memref<512xf32, #tpu.memory_space<hbm>>
      %dma_wait3A_270 = tpu.memref_slice %arg8[%mul3A_2] : memref<16384xf32, #tpu.memory_space<hbm>> -> memref<512xf32, #tpu.memory_space<hbm>>
      %dma_wait3A_271 = arith.constant 0 : i32
      %dma_wait3A_272 = tpu.memref_slice %arg15[%dma_wait3A_271] : memref<528xf32, #tpu.memory_space<vmem>> -> memref<512xf32, #tpu.memory_space<vmem>>
      tpu.wait_dma2 semaphore(%run_scoped3A_260 : memref<!tpu.dma_semaphore, #tpu.memory_space<semaphore_mem>>) src(%dma_wait3A_272 : memref<512xf32, #tpu.memory_space<vmem>>) dst(%dma_wait3A_270 : memref<512xf32, #tpu.memory_space<hbm>>)
      tpu.yield
    }) : () -> ()
    return
  }
}

</mosaic_0001>

<sc_bundles>
// kernel: kernel.3.cloned.1.call-start
scs
__scs_entry_jumppad:
0x0: {  	(pc) =	sbr.rel $0x88, $3  }
0x1: {  	(tag) =	ssettag $0x0;
	lr =	simm.s32 $0x1  }
0x2: {  	[smem:$0x3F9B] =	sst lr;
	_ =	strace $0xD0000000  }
0x3: {  	_ = 	snop  }
0x4: {  	_ = 	snop  }
0x5: {  	_ = 	snop  }
0x6: {  	_ = 	snop  }
0x7: {  	_ = 	snop  }
__scs_overlays_trampoline_lowered:
0x8: {  	[smem:$0x3FAA] =	sst s0  }
0x9: {  	[smem:$0x3FAB] =	sst s1  }
0xa: {  	[smem:$0x3FAC] =	sst s2  }
0xb: {  	[smem:$0x3FAD] =	sst s3  }
0xc: {  	[smem:$0x3FAE] =	sst s4  }
0xd: {  	[smem:$0x3FAF] =	sst s5  }
0xe: {  	[smem:$0x3FB0] =	sst s6  }
0xf: {  	[smem:$0x3FB1] =	sst s7  }
0x10: {  	[smem:$0x3FB2] =	sst s8  }
0x11: {  	[smem:$0x3FB3] =	sst s9;
	s0 =	simm.s32 @!p0 $0x0  }
0x12: {  	s1 =	sld [smem:$0x3F99];
	s0 =	simm.s32 @p0 $0x1  }
0x13: {  	[smem:$0x3FB4] =	sst s0;
	s0 =	simm.s32 @!p1 $0x0  }
0x14: {  	s2 =	sld [smem:$0x3F98];
	s0 =	simm.s32 @p1 $0x1  }
0x15: {  	[smem:$0x3FB5] =	sst s0;
	s0 =	simm.s32 @!p2 $0x0  }
0x16: {  	s3 =	sld [smem:$0x3FDB];
	s0 =	simm.s32 @p2 $0x1  }
0x17: {  	s4 =	simm.s32 $0x1BF5;
	[smem:$0x3FB7] =	sst s0  }
0x18: {  	s0 =	sld [smem:$0x3F9A];
	_ =	swait.ge [sflag:s4], $0x0  }
0x19: {  	s7 =	sld [smem:$0x3F9B]  }
0x1a: {  	s8 =	sadd.s32 $0xFFFFE003, lr  }
0x1b: {  	s9 =	sadd.s32 $0xFFFFFEF7, lr;
	s5 =	simm.s32 $0xFFFFFFFF;
	p2 =	slt.u32 s8, $0xFFFFF086  }
0x1c: {  	p1 =	slt.u32 s9, $0xF7A;
	s5 =	simm.s32 @!p2 $0x0  }
0x1d: {  	s5 =	simm.s32 @p1 $0x1;
	p0 =	seq.s32 s7, s2  }
0x1e: {  	s7 =	smul.u32 @!p0 $0xF7A, s2;
	p2 =	seq.s32 @!p0 s5, $0x0  }
0x1f: {  	s9 =	smul.u32 $0xF7A, s1;
	s8 =	simm.s32 @!p0 $0x1BF5;
	p2 =	por !p2, p0  }
0x20: {  	[sflag:s8] =	ssyncset.s32 @!p0 $0xFFFFF086;
	s6 =	sadd.s32 @!p0 s3, s7;
	s7 =	simm.s32 @!p0 $0x108  }
0x21: {  	s3 =	sadd.s32 s3, s9;
	s6 =	sadd.s32 @!p0 $0x88, s6;
	s7 =	simm.s32 @p2 $0x1082  }
0x22: {  	[simem:s7], [sflag:s8] =	dma.local @!p0 [hbm:s6], $0xF7A  }
0x23: {  	s9 =	sor.u32 $0xD0000000, s2;
	s6 =	simm.s32 $0x108;
	_ =	swait.ge @!p0 [sflag:s8], $0x0  }
0x24: {  	s3 =	sadd.s32 $0x88, s3;
	s6 =	simm.s32 @!p1 $0x1082;
	[sflag:s4] =	ssyncset.s32 $0xFFFFF086  }
0x25: {  	[simem:s6], [sflag:s4] =	dma.local [hbm:s3], $0xF7A  }
0x26: {  	[smem:$0x3F9B] =	sst s1;
	(tag) =	ssettag s2;
	_ =	strace s9  }
0x27: {  	s1 =	sld [smem:$0x3FAB]  }
0x28: {  	s2 =	sld [smem:$0x3FAC]  }
0x29: {  	s4 =	sld [smem:$0x3FAE]  }
0x2a: {  	p0 =	seq.s32 s5, $0x0;
	s5 =	sld [smem:$0x3FAF]  }
0x2b: {  	s6 =	sld [smem:$0x3FB0]  }
0x2c: {  	s7 =	sld [smem:$0x3FB1]  }
0x2d: {  	s3 =	simm.s32 $0x108;
	s8 =	sld [smem:$0x3FB2]  }
0x2e: {  	s3 =	simm.s32 @!p0 $0x1082;
	s9 =	sld [smem:$0x3FB3]  }
0x2f: {  	lr =	sadd.s32 s0, s3;
	s0 =	sld [smem:$0x3FAA]  }
0x30: {  	s3 =	sld [smem:$0x3FAD]  }
0x31: {  	[smem:$0x3FB6] =	sst s10  }
0x32: {  	s10 =	sld [smem:$0x3FB4];
	_ =	sdelay $0x3  }
0x33: {  	p0 =	seq.s32 s10, $0x1;
	s10 =	sld [smem:$0x3FB6];
	_ =	sdelay $0x3  }
0x34: {  	[smem:$0x3FB6] =	sst s10  }
0x35: {  	s10 =	sld [smem:$0x3FB5];
	_ =	sdelay $0x3  }
0x36: {  	p1 =	seq.s32 s10, $0x1;
	s10 =	sld [smem:$0x3FB6];
	_ =	sdelay $0x3  }
0x37: {  	[smem:$0x3FB6] =	sst s10  }
0x38: {  	s10 =	sld [smem:$0x3FB7]  }
0x39: {  	_ = 	snop;
	(pc) =	sbr.ind lr, $3  }
0x3a: {  	_ = 	snop  }
0x3b: {  	_ = 	snop  }
0x3c: {  	p2 =	seq.s32 s10, $0x1;
	s10 =	sld [smem:$0x3FB6]  }
0x3d: {  	_ =	shalt  }
0x3e: {  	_ =	shalt  }
0x3f: {  	_ =	shalt  }
0x40: {  	_ =	shalt  }
0x41: {  	_ =	shalt  }
0x42: {  	_ =	shalt  }
0x43: {  	_ =	shalt  }
0x44: {  	_ =	shalt  }
0x45: {  	_ =	shalt  }
0x46: {  	_ =	shalt  }
0x47: {  	_ =	shalt  }
0x48: {  	_ =	shalt  }
0x49: {  	_ =	shalt  }
0x4a: {  	_ =	shalt  }
0x4b: {  	_ =	shalt  }
0x4c: {  	_ =	shalt  }
0x4d: {  	_ =	shalt  }
0x4e: {  	_ =	shalt  }
0x4f: {  	_ =	shalt  }
0x50: {  	_ =	shalt  }
0x51: {  	_ =	shalt  }
0x52: {  	_ =	shalt  }
0x53: {  	_ =	shalt  }
0x54: {  	_ =	shalt  }
0x55: {  	_ =	shalt  }
0x56: {  	_ =	shalt  }
0x57: {  	_ =	shalt  }
0x58: {  	_ =	shalt  }
0x59: {  	_ =	shalt  }
0x5a: {  	_ =	shalt  }
0x5b: {  	_ =	shalt  }
0x5c: {  	_ =	shalt  }
0x5d: {  	_ =	shalt  }
0x5e: {  	_ =	shalt  }
0x5f: {  	_ =	shalt  }
0x60: {  	_ =	shalt  }
0x61: {  	_ =	shalt  }
0x62: {  	_ =	shalt  }
0x63: {  	_ =	shalt  }
0x64: {  	_ =	shalt  }
0x65: {  	_ =	shalt  }
0x66: {  	_ =	shalt  }
0x67: {  	_ =	shalt  }
0x68: {  	_ =	shalt  }
0x69: {  	_ =	shalt  }
0x6a: {  	_ =	shalt  }
0x6b: {  	_ =	shalt  }
0x6c: {  	_ =	shalt  }
0x6d: {  	_ =	shalt  }
0x6e: {  	_ =	shalt  }
0x6f: {  	_ =	shalt  }
0x70: {  	_ =	shalt  }
0x71: {  	_ =	shalt  }
0x72: {  	_ =	shalt  }
0x73: {  	_ =	shalt  }
0x74: {  	_ =	shalt  }
0x75: {  	_ =	shalt  }
0x76: {  	_ =	shalt  }
0x77: {  	_ =	shalt  }
0x78: {  	_ =	shalt  }
0x79: {  	_ =	shalt  }
0x7a: {  	_ =	shalt  }
0x7b: {  	_ =	shalt  }
0x7c: {  	_ =	shalt  }
0x7d: {  	_ =	shalt  }
0x7e: {  	_ =	shalt  }
0x7f: {  	_ =	shalt  }
0x80: {  	_ =	shalt  }
0x81: {  	_ =	shalt  }
0x82: {  	_ =	shalt  }
0x83: {  	_ =	shalt  }
0x84: {  	_ =	shalt  }
0x85: {  	_ =	shalt  }
0x86: {  	_ =	shalt  }
0x87: {  	_ =	shalt  }
.Lfunc_end0:
.L_simem_size_0:
called_computation_lowered:
.L_overlay_start_0:
0x88: {  	s2 =	sld [smem:$0x3FD9]  }
0x89: {  	s3 =	sld [smem:$0x3FFE];
	_ =	sdelay $0x1  }
0x8a: {  	s1 =	srdreg.scid  }
0x8b: {  	s0 =	sand.u32 $0x1, s1  }
0x8c: {  	s17 =	sshll.u32 s0, $0xA;
	s2 =	sadd.s32 s3, s2  }
0x8d: {  	s2 =	sadd.s32 s2, s17  }
0x8e: {  	[smem:$0x3FC2] =	sst s2  }
0x8f: {  	_ = 	snop  }
0x90: {  	s2 =	sld [smem:$0x3FC9]  }
0x91: {  	s18 =	sld [smem:$0x3FC8]  }
0x92: {  	s4 =	sld [smem:$0x3FC7]  }
0x93: {  	s5 =	sld [smem:$0x3FC6]  }
0x94: {  	s6 =	sld [smem:$0x3FD0];
	(tm) =	ssettm $0x1  }
0x95: {  	s7 =	sld [smem:$0x3FFB];
	_ =	sdelay $0x3  }
0x96: {  	_ =	strace s7  }
0x97: {  	s7 =	sld [smem:$0x3FFC];
	_ =	sdelay $0x3  }
0x98: {  	_ =	strace s7  }
0x99: {  	s7 =	sld [smem:$0x3FFD];
	_ =	sdelay $0x3  }
0x9a: {  	_ =	strace s7  }
0x9b: {  	_ =	strace $0x8FFFFFFF  }
0x9c: {  	s19 =	sld [smem:$0x3FDB];
	_ =	sdelay $0x1  }
0x9d: {  	s8 =	simm.s32 $_scs_section_size  }
0x9e: {  	s9 =	simm.s32 $_size__tile_overlayer_lowered;
	s10 =	simm.s32 $_tile_overlayer_lowered  }
0x9f: {  	s22 =	simm.s32 $0x1BFF;
	s21 =	sshll.u32 s10, $0x1;
	s7 =	sadd.s32 s8, s19  }
0xa0: {  	s11 =	simm.s32 $0x0;
	s20 =	sshll.u32 s9, $0x1;
	s9 =	sadd.s32 s21, s7  }
0xa1: {  	[timem:s11], [sflag:s22] =	dma.local [hbm:s9], s20  }
0xa2: {  	_ =	swait.ge [sflag:s22], s20  }
0xa3: {  	s8 =	ssub.s32 $0x0, s20;
	[sflag:s22] =	ssyncset.done $0x0  }
0xa4: {  	[sflag:s22] =	ssyncadd.s32 s8;
	_ =	sdelay $0x1  }
0xa5: {  	s23 =	simm.s32 $0x1B8B  }
0xa6: {  	_ =	swait.ge [sflag:s23], $0x1  }
0xa7: {  	[sflag:s23] =	ssyncset.done $0x0  }
0xa8: {  	s25 =	simm.s32 $0x1B8E;
	s24 =	sld [smem:$0x3FFE];
	[sflag:s23] =	ssyncadd.s32 $0xFFFFFFFF  }
0xa9: {  	s26 =	simm.s32 $execute0_lowered;
	[smem:$0x3FD2] =	sst s25  }
0xaa: {  	s9 =	sshll.u32 s26, $0x1;
	_ =	strace $0x80000046;
	[dreg:$0x1] =	wrdreg $0xFFFFFFFF  }
0xab: {  	s28 =	simm.s32 $_size_execute0_lowered;
	s7 =	sadd.s32 s7, s9;
	[dreg:$0x0] =	wrdreg $0x0  }
0xac: {  	s9 =	sshll.u32 s28, $0x1;
	[dreg:$0x2] =	wrdreg s7  }
0xad: {  	[dreg:$0x3] =	wrdreg s9  }
0xae: {  	[dreg:$0x4] =	wrdreg $0xC0  }
0xaf: {  	_ =	task [dreg:s11], $0x5FFFF  }
0xb0: {  	[dreg:$0x1] =	wrdreg $0xFFFFFFFF  }
0xb1: {  	[dreg:$0x0] =	wrdreg $0x60  }
0xb2: {  	[dreg:$0x2] =	wrdreg s2  }
0xb3: {  	[dreg:$0x3] =	wrdreg s18  }
0xb4: {  	[dreg:$0x4] =	wrdreg s4  }
0xb5: {  	[dreg:$0x5] =	wrdreg s5  }
0xb6: {  	[dreg:$0x6] =	wrdreg s24  }
0xb7: {  	[dreg:$0x7] =	wrdreg s6  }
0xb8: {  	[dreg:$0x8] =	wrdreg $0x9  }
0xb9: {  	_ =	task.clear_ibuf [dreg:s11], $0x9FFFF;
	_ =	strace $0x90000046  }
0xba: {  	s29 =	simm.s32 $0x9;
	_ =	strace $0x80000048  }
0xbb: {  	_ =	swait.ge [sflag:s29], $0x1  }
0xbc: {  	[sflag:s29] =	ssyncadd.s32 $0xFFFFFFFF  }
0xbd: {  	_ =	strace $0x90000048  }
0xbe: {  	_ =	sfence  }
0xbf: {  	s30 =	sld [smem:$0x0];
	_ =	sdelay $0x2  }
0xc0: {  	s31 =	sshll.u32 s1, $0xD;
	s1 =	sshrl.u32 s1, $0x2  }
0xc1: {  	s3 =	sand.u32 $0x4000, s31;
	s1 =	sadd.s32 s1, s30  }
0xc2: {  	s0 =	sor.u32 s3, s0;
	s1 =	sshll.u32 s1, $0x11  }
0xc3: {  	s0 =	sor.u32 s1, s0  }
0xc4: {  	s0 =	sadd.s32 $0x8F2B, s0  }
0xc5: {  	[sflag:s0] =	ssyncadd.remote.s32 $0x1  }
0xc6: {  	_ =	sfence.sel $0xFFFF  }
0xc7: {  	[dreg:$0x0] =	wrdreg $0xFFFFFFFF;
	(pc) =	sbr.abs _section_cstart, $3  }
0xc8: {  	[dreg:$0x1] =	wrdreg $0xFFFFFFFF  }
0xc9: {  	_ =	task.clear_ibuf [dreg:s11], $0x2FFFF;
	_ =	strace $0x9FFFFFFF  }
0xca: {  	(tm) =	ssettm $0x7FFFFFFF  }
0xcb: {  	_ =	shalt  }
tec
execute0_lowered:
.L_overlay_start_1:
0x0: {  	(tag) =	ssettag $0x1  }
0x1: {  	v0 =	vimm.s32 $0x7800;
	vm14 =	vcmask $0x300;
	vm13 =	vcmask $0x704  }
0x2: {  	vm12 =	vcmask $0xB08;
	vm11 =	vcmask $0xF0C;
	vm10 =	vcmask $0x1310  }
0x3: {  	vm9 =	vcmask $0x1714;
	vm8 =	vcmask $0x1B18;
	vm7 =	vcmask $0x1F1C  }
0x4: {  	vm6 =	vcmask $0x2320;
	vm5 =	vcmask $0x2724;
	vm4 =	vcmask $0x2B28  }
0x5: {  	vm3 =	vcmask $0x2F2C;
	v1 =	vimm.s32 $0x7880;
	vm2 =	vcmask $0x3330  }
0x6: {  	vm0 =	vcmask $0x3734;
	v18 =	vlaneseq.u32;
	vm1 =	vcmask $0x3B38  }
0x7: {  	v2 =	vimm.s32 $0x7900;
	v3 =	vimm.s32 $0x7980;
	v4 =	vimm.s32 $0x7A00  }
0x8: {  	v5 =	vimm.s32 $0x7A80;
	v6 =	vimm.s32 $0x7B00;
	v7 =	vimm.s32 $0x7B80  }
0x9: {  	v8 =	vimm.s32 $0x7C00;
	v9 =	vimm.s32 $0x7C80;
	v10 =	vimm.s32 $0x7D00  }
0xa: {  	v11 =	vimm.s32 $0x7D80;
	v12 =	vimm.s32 $0x7E00;
	v13 =	vimm.s32 $0x7E80  }
0xb: {  	v14 =	vimm.s32 $0x7F00;
	v15 =	vimm.s32 $0x7F80;
	v17 =	vimm.s32 $0xFEDCBA98  }
0xc: {  	v19 =	vimm.s32 $0x76543210;
	v0 =	vsel vm14, $0x0, v0;
	v1 =	vsel vm14, $0x80, v1  }
0xd: {  	v2 =	vsel vm14, $0x100, v2;
	v3 =	vsel vm14, $0x180, v3;
	v4 =	vsel vm14, $0x200, v4  }
0xe: {  	v5 =	vsel vm14, $0x280, v5;
	v6 =	vsel vm14, $0x300, v6;
	v7 =	vsel vm14, $0x380, v7  }
0xf: {  	v8 =	vsel vm14, $0x400, v8;
	v9 =	vsel vm14, $0x480, v9;
	v10 =	vsel vm14, $0x500, v10  }
0x10: {  	v11 =	vsel vm14, $0x580, v11;
	v12 =	vsel vm14, $0x600, v12;
	v13 =	vsel vm14, $0x680, v13  }
0x11: {  	v14 =	vsel vm14, $0x700, v14;
	v15 =	vsel vm14, $0x780, v15;
	v17 =	vunpack.c.l.s4.s8 v17  }
0x12: {  	v19 =	vunpack.c.l.s4.s8 v19;
	v0 =	vsel vm13, $0x1000, v0;
	v1 =	vsel vm13, $0x1080, v1  }
0x13: {  	v2 =	vsel vm13, $0x1100, v2;
	v3 =	vsel vm13, $0x1180, v3;
	v4 =	vsel vm13, $0x1200, v4  }
0x14: {  	v5 =	vsel vm13, $0x1280, v5;
	v6 =	vsel vm13, $0x1300, v6;
	v7 =	vsel vm13, $0x1380, v7  }
0x15: {  	v8 =	vsel vm13, $0x1400, v8;
	v9 =	vsel vm13, $0x1480, v9;
	v10 =	vsel vm13, $0x1500, v10  }
0x16: {  	v11 =	vsel vm13, $0x1580, v11;
	v12 =	vsel vm13, $0x1600, v12;
	v13 =	vsel vm13, $0x1680, v13  }
0x17: {  	v14 =	vsel vm13, $0x1700, v14;
	v15 =	vsel vm13, $0x1780, v15;
	v0 =	vsel vm12, $0x2000, v0  }
0x18: {  	v1 =	vsel vm12, $0x2080, v1;
	v2 =	vsel vm12, $0x2100, v2;
	v3 =	vsel vm12, $0x2180, v3  }
0x19: {  	v4 =	vsel vm12, $0x2200, v4;
	v5 =	vsel vm12, $0x2280, v5;
	v6 =	vsel vm12, $0x2300, v6  }
0x1a: {  	v7 =	vsel vm12, $0x2380, v7;
	v8 =	vsel vm12, $0x2400, v8;
	v9 =	vsel vm12, $0x2480, v9  }
0x1b: {  	v10 =	vsel vm12, $0x2500, v10;
	v11 =	vsel vm12, $0x2580, v11;
	v12 =	vsel vm12, $0x2600, v12  }
0x1c: {  	v13 =	vsel vm12, $0x2680, v13;
	v14 =	vsel vm12, $0x2700, v14;
	v15 =	vsel vm12, $0x2780, v15  }
0x1d: {  	v17 =	vunpack.c.0.s8.s32 v17;
	v19 =	vunpack.c.0.s8.s32 v19;
	v0 =	vsel vm11, $0x3000, v0  }
0x1e: {  	v1 =	vsel vm11, $0x3080, v1;
	v2 =	vsel vm11, $0x3100, v2;
	v3 =	vsel vm11, $0x3180, v3  }
0x1f: {  	v4 =	vsel vm11, $0x3200, v4;
	v5 =	vsel vm11, $0x3280, v5;
	v6 =	vsel vm11, $0x3300, v6  }
0x20: {  	v7 =	vsel vm11, $0x3380, v7;
	v8 =	vsel vm11, $0x3400, v8;
	v9 =	vsel vm11, $0x3480, v9  }
0x21: {  	v10 =	vsel vm11, $0x3500, v10;
	v11 =	vsel vm11, $0x3580, v11;
	v12 =	vsel vm11, $0x3600, v12  }
0x22: {  	v13 =	vsel vm11, $0x3680, v13;
	v14 =	vsel vm11, $0x3700, v14;
	v15 =	vsel vm11, $0x3780, v15  }
0x23: {  	v0 =	vsel vm10, $0x4000, v0;
	v1 =	vsel vm10, $0x4080, v1;
	v2 =	vsel vm10, $0x4100, v2  }
0x24: {  	v3 =	vsel vm10, $0x4180, v3;
	v4 =	vsel vm10, $0x4200, v4;
	v5 =	vsel vm10, $0x4280, v5  }
0x25: {  	v6 =	vsel vm10, $0x4300, v6;
	v7 =	vsel vm10, $0x4380, v7;
	v8 =	vsel vm10, $0x4400, v8  }
0x26: {  	v9 =	vsel vm10, $0x4480, v9;
	v10 =	vsel vm10, $0x4500, v10;
	v11 =	vsel vm10, $0x4580, v11  }
0x27: {  	v12 =	vsel vm10, $0x4600, v12;
	v13 =	vsel vm10, $0x4680, v13;
	v14 =	vsel vm10, $0x4700, v14  }
0x28: {  	v15 =	vsel vm10, $0x4780, v15;
	v17 =	vand.u32 $0xF, v17;
	v0 =	vsel vm9, $0x5000, v0  }
0x29: {  	v1 =	vsel vm9, $0x5080, v1;
	v2 =	vsel vm9, $0x5100, v2;
	v3 =	vsel vm9, $0x5180, v3  }
0x2a: {  	v4 =	vsel vm9, $0x5200, v4;
	v5 =	vsel vm9, $0x5280, v5;
	v6 =	vsel vm9, $0x5300, v6  }
0x2b: {  	v7 =	vsel vm9, $0x5380, v7;
	v8 =	vsel vm9, $0x5400, v8;
	v9 =	vsel vm9, $0x5480, v9  }
0x2c: {  	v10 =	vsel vm9, $0x5500, v10;
	v11 =	vsel vm9, $0x5580, v11;
	v12 =	vsel vm9, $0x5600, v12  }
0x2d: {  	v13 =	vsel vm9, $0x5680, v13;
	v14 =	vsel vm9, $0x5700, v14;
	v15 =	vsel vm9, $0x5780, v15  }
0x2e: {  	v17 =	vcombine.low v17, v19;
	v0 =	vsel vm8, $0x6000, v0;
	v1 =	vsel vm8, $0x6080, v1  }
0x2f: {  	v2 =	vsel vm8, $0x6100, v2;
	v3 =	vsel vm8, $0x6180, v3;
	v4 =	vsel vm8, $0x6200, v4  }
0x30: {  	v5 =	vsel vm8, $0x6280, v5;
	v6 =	vsel vm8, $0x6300, v6;
	v7 =	vsel vm8, $0x6380, v7  }
0x31: {  	v8 =	vsel vm8, $0x6400, v8;
	v9 =	vsel vm8, $0x6480, v9;
	v10 =	vsel vm8, $0x6500, v10  }
0x32: {  	v11 =	vsel vm8, $0x6580, v11;
	v12 =	vsel vm8, $0x6600, v12;
	v13 =	vsel vm8, $0x6680, v13  }
0x33: {  	v14 =	vsel vm8, $0x6700, v14;
	v15 =	vsel vm8, $0x6780, v15;
	v0 =	vsel vm7, $0x7000, v0  }
0x34: {  	v1 =	vsel vm7, $0x7080, v1;
	v2 =	vsel vm7, $0x7100, v2;
	v3 =	vsel vm7, $0x7180, v3  }
0x35: {  	v4 =	vsel vm7, $0x7200, v4;
	v5 =	vsel vm7, $0x7280, v5;
	v6 =	vsel vm7, $0x7300, v6  }
0x36: {  	v7 =	vsel vm7, $0x7380, v7;
	v8 =	vsel vm7, $0x7400, v8;
	v9 =	vsel vm7, $0x7480, v9  }
0x37: {  	v10 =	vsel vm7, $0x7500, v10;
	v11 =	vsel vm7, $0x7580, v11;
	v12 =	vsel vm7, $0x7600, v12  }
0x38: {  	v13 =	vsel vm7, $0x7680, v13;
	v14 =	vsel vm7, $0x7700, v14;
	v15 =	vsel vm7, $0x7780, v15  }
0x39: {  	v0 =	vsel vm6, $0x800, v0;
	v1 =	vsel vm6, $0x880, v1;
	v2 =	vsel vm6, $0x900, v2  }
0x3a: {  	v3 =	vsel vm6, $0x980, v3;
	v4 =	vsel vm6, $0xA00, v4;
	v5 =	vsel vm6, $0xA80, v5  }
0x3b: {  	v6 =	vsel vm6, $0xB00, v6;
	v7 =	vsel vm6, $0xB80, v7;
	v8 =	vsel vm6, $0xC00, v8  }
0x3c: {  	v9 =	vsel vm6, $0xC80, v9;
	v10 =	vsel vm6, $0xD00, v10;
	v11 =	vsel vm6, $0xD80, v11  }
0x3d: {  	v12 =	vsel vm6, $0xE00, v12;
	v13 =	vsel vm6, $0xE80, v13;
	v14 =	vsel vm6, $0xF00, v14  }
0x3e: {  	v15 =	vsel vm6, $0xF80, v15;
	v0 =	vsel vm5, $0x1800, v0;
	v1 =	vsel vm5, $0x1880, v1  }
0x3f: {  	v2 =	vsel vm5, $0x1900, v2;
	v3 =	vsel vm5, $0x1980, v3;
	v4 =	vsel vm5, $0x1A00, v4  }
0x40: {  	v5 =	vsel vm5, $0x1A80, v5;
	v6 =	vsel vm5, $0x1B00, v6;
	v7 =	vsel vm5, $0x1B80, v7  }
0x41: {  	v8 =	vsel vm5, $0x1C00, v8;
	v9 =	vsel vm5, $0x1C80, v9;
	v10 =	vsel vm5, $0x1D00, v10  }
0x42: {  	v11 =	vsel vm5, $0x1D80, v11;
	v12 =	vsel vm5, $0x1E00, v12;
	v13 =	vsel vm5, $0x1E80, v13  }
0x43: {  	v14 =	vsel vm5, $0x1F00, v14;
	v15 =	vsel vm5, $0x1F80, v15;
	v0 =	vsel vm4, $0x2800, v0  }
0x44: {  	v1 =	vsel vm4, $0x2880, v1;
	v2 =	vsel vm4, $0x2900, v2;
	v3 =	vsel vm4, $0x2980, v3  }
0x45: {  	v4 =	vsel vm4, $0x2A00, v4;
	v5 =	vsel vm4, $0x2A80, v5;
	v6 =	vsel vm4, $0x2B00, v6  }
0x46: {  	s2 =	rddreg [dreg:$0x0];
	v7 =	vsel vm4, $0x2B80, v7;
	v8 =	vsel vm4, $0x2C00, v8;
	v9 =	vsel vm4, $0x2C80, v9  }
0x47: {  	s3 =	rddreg [dreg:$0x1];
	v10 =	vsel vm4, $0x2D00, v10;
	v11 =	vsel vm4, $0x2D80, v11;
	v12 =	vsel vm4, $0x2E00, v12  }
0x48: {  	s0 =	rddreg [dreg:$0x2];
	v13 =	vsel vm4, $0x2E80, v13;
	v16 =	vsel vm4, $0x2F00, v14;
	v14 =	vand.u32 $0x7, v18  }
0x49: {  	s1 =	rddreg [dreg:$0x3];
	v15 =	vsel vm4, $0x2F80, v15;
	v18 =	vor.u32 $0x8, v18;
	v0 =	vsel vm3, $0x3800, v0  }
0x4a: {  	s8 =	rddreg [dreg:$0x4];
	v1 =	vsel vm3, $0x3880, v1;
	v2 =	vsel vm3, $0x3900, v2;
	v3 =	vsel vm3, $0x3980, v3  }
0x4b: {  	s4 =	rddreg [dreg:$0x5];
	v4 =	vsel vm3, $0x3A00, v4;
	v5 =	vsel vm3, $0x3A80, v5;
	v6 =	vsel vm3, $0x3B00, v6  }
0x4c: {  	s13 =	simm.s32 $0x0;
	s5 =	srdreg.scid;
	s7 =	stileid.u32;
	v7 =	vsel vm3, $0x3B80, v7;
	v8 =	vsel vm3, $0x3C00, v8;
	v9 =	vsel vm3, $0x3C80, v9  }
0x4d: {  	s29 =	simm.s32 $0x1400;
	s9 =	simm.s32 $0x9400;
	s10 =	simm.s32 $0xA400;
	v10 =	vsel vm3, $0x3D00, v10;
	v11 =	vsel vm3, $0x3D80, v11;
	v12 =	vsel vm3, $0x3E00, v12  }
0x4e: {  	s11 =	simm.s32 $0x3400;
	s12 =	simm.s32 $0x4400;
	s30 =	simm.s32 $0xC400;
	v13 =	vsel vm3, $0x3E80, v13;
	v16 =	vsel vm3, $0x3F00, v16;
	v15 =	vsel vm3, $0x3F80, v15  }
0x4f: {  	s14 =	simm.s32 $0xD400;
	s17 =	simm.s32 $0xE400;
	s28 =	simm.s32 $0xF400;
	v0 =	vsel vm2, $0x4800, v0;
	v1 =	vsel vm2, $0x4880, v1;
	v2 =	vsel vm2, $0x4900, v2  }
0x50: {  	[smem:$0x7FF] =	sst s13;
	s5 =	sand.u32 $0x1, s5;
	s7 =	sshll.u32 s7, $0x7;
	v3 =	vsel vm2, $0x4980, v3;
	v4 =	vsel vm2, $0x4A00, v4;
	v5 =	vsel vm2, $0x4A80, v5  }
0x51: {  	s8 =	sadd.s32 $0x1EA00, s8;
	s6 =	ssub.s32 $0x2, s5;
	s5 =	sshll.u32 s5, $0x6;
	v6 =	vsel vm2, $0x4B00, v6;
	v7 =	vsel vm2, $0x4B80, v7;
	v8 =	vsel vm2, $0x4C00, v8  }
0x52: {  	_ =	strace $0x80000047;
	s18 =	sshrl.u32 s6, $0x1;
	s5 =	sor.u32 s5, s7;
	v9 =	vsel vm2, $0x4C80, v9;
	v10 =	vsel vm2, $0x4D00, v10;
	v11 =	vsel vm2, $0x4D80, v11  }
0x53: {  	[dreg:$0x8] =	wrdreg s8;
	s6 =	ssub.s32 s6, s18;
	s7 =	sadd.s32 s2, s5;
	v12 =	vsel vm2, $0x4E00, v12;
	v13 =	vsel vm2, $0x4E80, v13;
	v16 =	vsel vm2, $0x4F00, v16  }
0x54: {  	s19 =	sor.u32 $0x10, s5;
	s20 =	sadd.s32 s3, s5;
	[dreg:$0x9] =	wrdreg s7;
	v20 =	vsel vm2, $0x4F80, v15;
	v0 =	vsel vm0, $0x5800, v0;
	v1 =	vsel vm0, $0x5880, v1  }
0x55: {  	s22 =	sor.u32 $0x20, s5;
	s26 =	sadd.s32 s4, s5;
	[dreg:$0xa] =	wrdreg s20;
	v2 =	vsel vm0, $0x5900, v2;
	v3 =	vsel vm0, $0x5980, v3;
	v4 =	vsel vm0, $0x5A00, v4  }
0x56: {  	s24 =	sor.u32 $0x30, s5;
	s21 =	sadd.s32 s2, s19;
	[dreg:$0x11] =	wrdreg s26;
	v5 =	vsel vm0, $0x5A80, v5;
	v6 =	vsel vm0, $0x5B00, v6;
	v7 =	vsel vm0, $0x5B80, v7  }
0x57: {  	s5 =	simm.s32 $0x3;
	s7 =	sadd.s32 s3, s19;
	[dreg:$0xb] =	wrdreg s21;
	v8 =	vsel vm0, $0x5C00, v8;
	v9 =	vsel vm0, $0x5C80, v9;
	v10 =	vsel vm0, $0x5D00, v10  }
0x58: {  	s18 =	simm.s32 $0x5400;
	s23 =	sadd.s32 s2, s22;
	[dreg:$0xc] =	wrdreg s7;
	v11 =	vsel vm0, $0x5D80, v11;
	v12 =	vsel vm0, $0x5E00, v12;
	v13 =	vsel vm0, $0x5E80, v13  }
0x59: {  	s8 =	sadd.s32 s3, s22;
	s2 =	sadd.s32 s2, s24;
	[dreg:$0xd] =	wrdreg s23;
	v16 =	vsel vm0, $0x5F00, v16;
	v0 =	vsel vm1, $0x6800, v0;
	v1 =	vsel vm1, $0x6880, v1  }
0x5a: {  	s25 =	sadd.s32 s3, s24;
	s31 =	smax.u32 s6, $0x1;
	[dreg:$0xe] =	wrdreg s8;
	v2 =	vsel vm1, $0x6900, v2;
	v3 =	vsel vm1, $0x6980, v3;
	v4 =	vsel vm1, $0x6A00, v4  }
0x5b: {  	s20 =	simm.s32 $0x7A1400;
	s22 =	simm.s32 $0x2400;
	[dreg:$0xf] =	wrdreg s2;
	v5 =	vsel vm1, $0x6A80, v5;
	v6 =	vsel vm1, $0x6B00, v6;
	v7 =	vsel vm1, $0x6B80, v7  }
0x5c: {  	s19 =	simm.s32 $0x6400;
	s24 =	simm.s32 $0x7400;
	[dreg:$0x10] =	wrdreg s25;
	v8 =	vsel vm1, $0x6C00, v8;
	v9 =	vsel vm1, $0x6C80, v9;
	v10 =	vsel vm1, $0x6D00, v10  }
0x5d: {  	s26 =	simm.s32 $0x1;
	s3 =	simm.s32 $0x0;
	[dreg:$0x12] =	wrdreg s31;
	v11 =	vsel vm1, $0x6D80, v11;
	v15 =	vsel vm1, $0x6F00, v16;
	v16 =	vsel vm0, $0x5F80, v20  }
0x5e: {  	s21 =	simm.s32 $0x400;
	s23 =	simm.s32 $0x8400;
	s25 =	simm.s32 $0xB400;
	v12 =	vsel vm1, $0x6E00, v12;
	v13 =	vsel vm1, $0x6E80, v13;
	v16 =	vsel vm1, $0x6F80, v16  }
.LBB2_1:
0x5f: {  	[dreg:$0x13] =	wrdreg s3  }
0x60: {  	s2 =	rddreg [dreg:$0x9]  }
0x61: {  	[tilespmem:s13], [sflag:$0x3] =	stream.linear.gather [hbm4b:s2+s13], $0x80, $0x38;
	[tilespmem:$0x10A80] =	vst v63  }
0x62: {  	_ =	swait.ge [sflag:s5], $0x80  }
0x63: {  	[sflag:s5] =	ssyncset.done $0x0  }
0x64: {  	s4 =	simm.s32 $0x200;
	s8 =	rddreg [dreg:$0xa];
	[sflag:s5] =	ssyncadd.s32 $0xFFFFFF80  }
0x65: {  	[tilespmem:s4], [sflag:$0x3] =	stream.linear.gather [hbm4b:s8+s13], $0x80, $0x38;
	[tilespmem:$0x10A80] =	vst v63  }
0x66: {  	_ =	swait.ge [sflag:s5], $0x80  }
0x67: {  	[sflag:s5] =	ssyncset.done $0x0  }
0x68: {  	[sflag:s5] =	ssyncadd.s32 $0xFFFFFF80  }
0x69: {  	s6 =	simm.s32 $0x80;
	s15 =	simm.s32 $0x10400;
	s2 =	rddreg [dreg:$0x4]  }
0x6a: {  	[tilespmem:s15], [sflag:$0x2] =	stream.indirect.gather [hbm4b:s2+s6], $0x1, s13, s6, $0xb8;
	[tilespmem:$0x10A80] =	vst v63  }
0x6b: {  	s7 =	simm.s32 $0x10600;
	s3 =	rddreg [dreg:$0x8]  }
0x6c: {  	[tilespmem:s7], [sflag:$0x2] =	stream.indirect.gather [hbm4b:s3+s6], $0x1, s4, s6, $0xb8;
	[tilespmem:$0x10A80] =	vst v63  }
0x6d: {  	s16 =	rddreg [dreg:$0xb]  }
0x6e: {  	[tilespmem:s6], [sflag:$0x3] =	stream.linear.gather [hbm4b:s16+s13], $0x80, $0x38;
	[tilespmem:$0x10A80] =	vst v63  }
0x6f: {  	_ =	swait.ge [sflag:s5], $0x80  }
0x70: {  	[sflag:s5] =	ssyncset.done $0x0  }
0x71: {  	s8 =	simm.s32 $0x280;
	s7 =	rddreg [dreg:$0xc];
	[sflag:s5] =	ssyncadd.s32 $0xFFFFFF80  }
0x72: {  	[tilespmem:s8], [sflag:$0x3] =	stream.linear.gather [hbm4b:s7+s13], $0x80, $0x38;
	[tilespmem:$0x10A80] =	vst v63  }
0x73: {  	_ =	swait.ge [sflag:s5], $0x80  }
0x74: {  	[sflag:s5] =	ssyncset.done $0x0  }
0x75: {  	s15 =	simm.s32 $0x10480;
	[sflag:s5] =	ssyncadd.s32 $0xFFFFFF80  }
0x76: {  	[tilespmem:s15], [sflag:$0x2] =	stream.indirect.gather [hbm4b:s2+s6], $0x1, s6, s6, $0xb8;
	[tilespmem:$0x10A80] =	vst v63  }
0x77: {  	s16 =	simm.s32 $0x10680  }
0x78: {  	[tilespmem:s16], [sflag:$0x2] =	stream.indirect.gather [hbm4b:s3+s6], $0x1, s8, s6, $0xb8;
	[tilespmem:$0x10A80] =	vst v63  }
0x79: {  	s7 =	simm.s32 $0x100;
	s8 =	rddreg [dreg:$0xd]  }
0x7a: {  	[tilespmem:s7], [sflag:$0x3] =	stream.linear.gather [hbm4b:s8+s13], $0x80, $0x38;
	[tilespmem:$0x10A80] =	vst v63  }
0x7b: {  	_ =	swait.ge [sflag:s5], $0x80  }
0x7c: {  	[sflag:s5] =	ssyncset.done $0x0  }
0x7d: {  	s8 =	simm.s32 $0x300;
	s15 =	rddreg [dreg:$0xe];
	[sflag:s5] =	ssyncadd.s32 $0xFFFFFF80  }
0x7e: {  	[tilespmem:s8], [sflag:$0x3] =	stream.linear.gather [hbm4b:s15+s13], $0x80, $0x38;
	[tilespmem:$0x10A80] =	vst v63  }
0x7f: {  	_ =	swait.ge [sflag:s5], $0x80  }
0x80: {  	[sflag:s5] =	ssyncset.done $0x0  }
0x81: {  	s16 =	simm.s32 $0x10500;
	[sflag:s5] =	ssyncadd.s32 $0xFFFFFF80  }
0x82: {  	[tilespmem:s16], [sflag:$0x2] =	stream.indirect.gather [hbm4b:s2+s6], $0x1, s7, s6, $0xb8;
	[tilespmem:$0x10A80] =	vst v63  }
0x83: {  	s7 =	simm.s32 $0x10700  }
0x84: {  	[tilespmem:s7], [sflag:$0x2] =	stream.indirect.gather [hbm4b:s3+s6], $0x1, s8, s6, $0xb8;
	[tilespmem:$0x10A80] =	vst v63  }
0x85: {  	s15 =	rddreg [dreg:$0xf];
	s7 =	simm.s32 $0x180  }
0x86: {  	[tilespmem:s7], [sflag:$0x3] =	stream.linear.gather [hbm4b:s15+s13], $0x80, $0x38;
	[tilespmem:$0x10A80] =	vst v63  }
0x87: {  	_ =	swait.ge [sflag:s5], $0x80  }
0x88: {  	[sflag:s5] =	ssyncset.done $0x0  }
0x89: {  	s8 =	simm.s32 $0x380;
	s16 =	rddreg [dreg:$0x10];
	[sflag:s5] =	ssyncadd.s32 $0xFFFFFF80  }
0x8a: {  	[tilespmem:s8], [sflag:$0x3] =	stream.linear.gather [hbm4b:s16+s13], $0x80, $0x38;
	[tilespmem:$0x10A80] =	vst v63  }
0x8b: {  	_ =	swait.ge [sflag:s5], $0x80  }
0x8c: {  	[sflag:s5] =	ssyncset.done $0x0  }
0x8d: {  	s15 =	simm.s32 $0x10580;
	[sflag:s5] =	ssyncadd.s32 $0xFFFFFF80  }
0x8e: {  	[tilespmem:s15], [sflag:$0x2] =	stream.indirect.gather [hbm4b:s2+s6], $0x1, s7, s6, $0xb8;
	[tilespmem:$0x10A80] =	vst v63  }
0x8f: {  	s16 =	simm.s32 $0x10780;
	s15 =	simm.s32 $0x0  }
0x90: {  	[tilespmem:s16], [sflag:$0x2] =	stream.indirect.gather [hbm4b:s3+s6], $0x1, s8, s6, $0xb8;
	[tilespmem:$0x10A80] =	vst v63  }
0x91: {  	v20 =	vld [tilespmem:s15+$0x0];
	_ =	sdelay $0x1  }
0x92: {  	v19 =	vld [tilespmem:s15+$0x200];
	_ =	sdelay $0x2  }
0x93: {  	(v2sf) =	vpush v20, $0x0  }
0x94: {  	(v2sf) =	vpush v20, $0x1  }
0x95: {  	(v2sf) =	vpush v19, $0x0;
	_ =	sdelay $0x2  }
0x96: {  	(v2sf) =	vpush v19, $0x1;
	_ =	sdelay $0x1  }
0x97: {  	(v2sf) =	vpush v20, $0x2;
	_ =	sdelay $0x1  }
0x98: {  	(v2sf) =	vpush v19, $0x2;
	_ =	sdelay $0x1  }
0x99: {  	(v2sf) =	vpush v20, $0x3;
	_ =	sdelay $0x1  }
0x9a: {  	(v2sf) =	vpush v19, $0x3;
	_ =	sdelay $0x1  }
0x9b: {  	(v2sf) =	vpush v20, $0x4;
	s4 =	spop (v2sf)  }
0x9c: {  	s2 =	sand.u32 $0xFFFFF80, s4;
	s5 =	spop (v2sf)  }
0x9d: {  	(v2sf) =	vpush v19, $0x4;
	s2 =	sadd.s32 s0, s2;
	s6 =	spop (v2sf)  }
0x9e: {  	[tilespmem:s21], [sflag:$0x1] =	stream.strided.gather [hbm4b:s2+s21], $0x1000, s20, s21, $0x38;
	[tilespmem:$0x10A80] =	vst v63  }
0x9f: {  	(v2sf) =	vpush v20, $0x5;
	s7 =	sand.u32 $0xFFFFF80, s6  }
0xa0: {  	s3 =	sand.u32 $0xFFFFF80, s5;
	s8 =	spop (v2sf);
	s2 =	sadd.s32 s1, s7  }
0xa1: {  	(v2sf) =	vpush v19, $0x5;
	[tilespmem:s23], [sflag:$0x1] =	stream.strided.gather [hbm4b:s2+s21], $0x1000, s20, s21, $0x38;
	[tilespmem:$0x10A80] =	vst v63  }
0xa2: {  	s3 =	sadd.s32 s0, s3;
	s13 =	sand.u32 $0xFFFFF80, s8;
	s16 =	spop (v2sf)  }
0xa3: {  	(v2sf) =	vpush v20, $0x6;
	[tilespmem:s29], [sflag:$0x1] =	stream.strided.gather [hbm4b:s3+s21], $0x1000, s20, s21, $0x38;
	[tilespmem:$0x10A80] =	vst v63  }
0xa4: {  	s5 =	sand.u32 $0xFFFFF80, s16;
	s6 =	spop (v2sf);
	s2 =	sadd.s32 s1, s13  }
0xa5: {  	(v2sf) =	vpush v19, $0x6;
	[tilespmem:s9], [sflag:$0x1] =	stream.strided.gather [hbm4b:s2+s21], $0x1000, s20, s21, $0x38;
	[tilespmem:$0x10A80] =	vst v63  }
0xa6: {  	s7 =	sand.u32 $0xFFFFF80, s6;
	s8 =	spop (v2sf);
	s3 =	sadd.s32 s0, s5  }
0xa7: {  	(v2sf) =	vpush v20, $0x7;
	[tilespmem:s22], [sflag:$0x1] =	stream.strided.gather [hbm4b:s3+s21], $0x1000, s20, s21, $0x38;
	[tilespmem:$0x10A80] =	vst v63  }
0xa8: {  	s13 =	sand.u32 $0xFFFFF80, s8;
	s16 =	spop (v2sf);
	s2 =	sadd.s32 s1, s7  }
0xa9: {  	(v2sf) =	vpush v19, $0x7;
	[tilespmem:s10], [sflag:$0x1] =	stream.strided.gather [hbm4b:s2+s21], $0x1000, s20, s21, $0x38;
	[tilespmem:$0x10A80] =	vst v63  }
0xaa: {  	s5 =	sand.u32 $0xFFFFF80, s16;
	s6 =	spop (v2sf);
	s3 =	sadd.s32 s0, s13  }
0xab: {  	(v2sf) =	vpush v20, $0x8;
	[tilespmem:s11], [sflag:$0x1] =	stream.strided.gather [hbm4b:s3+s21], $0x1000, s20, s21, $0x38;
	[tilespmem:$0x10A80] =	vst v63  }
0xac: {  	s7 =	sand.u32 $0xFFFFF80, s6;
	s2 =	sadd.s32 s1, s5;
	s8 =	spop (v2sf)  }
0xad: {  	(v2sf) =	vpush v19, $0x8;
	[tilespmem:s25], [sflag:$0x1] =	stream.strided.gather [hbm4b:s2+s21], $0x1000, s20, s21, $0x38;
	[tilespmem:$0x10A80] =	vst v63  }
0xae: {  	s3 =	sadd.s32 s0, s7;
	s13 =	sand.u32 $0xFFFFF80, s8;
	s16 =	spop (v2sf)  }
0xaf: {  	[tilespmem:s12], [sflag:$0x1] =	stream.strided.gather [hbm4b:s3+s21], $0x1000, s20, s21, $0x38;
	[tilespmem:$0x10A80] =	vst v63  }
0xb0: {  	(v2sf) =	vpush v20, $0x9;
	s5 =	sand.u32 $0xFFFFF80, s16;
	s6 =	spop (v2sf);
	s2 =	sadd.s32 s1, s13  }
0xb1: {  	(v2sf) =	vpush v19, $0x9;
	[tilespmem:s30], [sflag:$0x1] =	stream.strided.gather [hbm4b:s2+s21], $0x1000, s20, s21, $0x38;
	[tilespmem:$0x10A80] =	vst v63  }
0xb2: {  	(v2sf) =	vpush v20, $0xA;
	s7 =	sand.u32 $0xFFFFF80, s6;
	s8 =	spop (v2sf);
	s3 =	sadd.s32 s0, s5  }
0xb3: {  	(v2sf) =	vpush v19, $0xA;
	[tilespmem:s18], [sflag:$0x1] =	stream.strided.gather [hbm4b:s3+s21], $0x1000, s20, s21, $0x38;
	[tilespmem:$0x10A80] =	vst v63  }
0xb4: {  	s13 =	spop (v2sf);
	(v2sf) =	vpush v20, $0xB;
	s4 =	sand.u32 $0xFFFFF80, s8;
	s2 =	sadd.s32 s1, s7  }
0xb5: {  	(v2sf) =	vpush v19, $0xB;
	[tilespmem:s14], [sflag:$0x1] =	stream.strided.gather [hbm4b:s2+s21], $0x1000, s20, s21, $0x38;
	[tilespmem:$0x10A80] =	vst v63  }
0xb6: {  	s16 =	sadd.s32 s0, s4;
	(v2sf) =	vpush v20, $0xC;
	s18 =	spop (v2sf);
	s14 =	sand.u32 $0xFFFFF80, s13  }
0xb7: {  	(v2sf) =	vpush v19, $0xC;
	[tilespmem:s19], [sflag:$0x1] =	stream.strided.gather [hbm4b:s16+s21], $0x1000, s20, s21, $0x38;
	[tilespmem:$0x10A80] =	vst v63  }
0xb8: {  	(v2sf) =	vpush v20, $0xD;
	s4 =	sand.u32 $0xFFFFF80, s18;
	s5 =	spop (v2sf);
	s2 =	sadd.s32 s1, s14  }
0xb9: {  	(v2sf) =	vpush v19, $0xD;
	[tilespmem:s17], [sflag:$0x1] =	stream.strided.gather [hbm4b:s2+s21], $0x1000, s20, s21, $0x38;
	[tilespmem:$0x10A80] =	vst v63  }
0xba: {  	s6 =	sadd.s32 s0, s4;
	s7 =	sand.u32 $0xFFFFF80, s5;
	s18 =	spop (v2sf);
	(v2sf) =	vpush v20, $0xE  }
0xbb: {  	(v2sf) =	vpush v19, $0xE;
	[tilespmem:s24], [sflag:$0x1] =	stream.strided.gather [hbm4b:s6+s21], $0x1000, s20, s21, $0x38;
	[tilespmem:$0x10A80] =	vst v63  }
0xbc: {  	s8 =	sadd.s32 s1, s7;
	(v2sf) =	vpush v20, $0xF;
	s24 =	spop (v2sf)  }
0xbd: {  	(v2sf) =	vpush v19, $0xF;
	[tilespmem:s28], [sflag:$0x1] =	stream.strided.gather [hbm4b:s8+s21], $0x1000, s20, s21, $0x38;
	[tilespmem:$0x10A80] =	vst v63  }
0xbe: {  	_ =	swait.ge [sflag:s26], $0x1000  }
0xbf: {  	s29 =	spop (v2sf)  }
0xc0: {  	[sflag:s26] =	ssyncset.done $0x0;
	s28 =	spop (v2sf)  }
0xc1: {  	[sflag:s26] =	ssyncadd.s32 $0xFFFFF000;
	s19 =	spop (v2sf)  }
0xc2: {  	_ =	swait.ge [sflag:s26], $0x1000  }
0xc3: {  	s17 =	spop (v2sf)  }
0xc4: {  	[sflag:s26] =	ssyncset.done $0x0;
	s16 =	spop (v2sf)  }
0xc5: {  	[sflag:s26] =	ssyncadd.s32 $0xFFFFF000;
	s14 =	spop (v2sf)  }
0xc6: {  	_ =	swait.ge [sflag:s26], $0x1000  }
0xc7: {  	s13 =	spop (v2sf)  }
0xc8: {  	[sflag:s26] =	ssyncset.done $0x0;
	s8 =	spop (v2sf)  }
0xc9: {  	[sflag:s26] =	ssyncadd.s32 $0xFFFFF000;
	s7 =	spop (v2sf)  }
0xca: {  	_ =	swait.ge [sflag:s26], $0x1000  }
0xcb: {  	s6 =	spop (v2sf)  }
0xcc: {  	[sflag:s26] =	ssyncset.done $0x0;
	s5 =	spop (v2sf)  }
0xcd: {  	[sflag:s26] =	ssyncadd.s32 $0xFFFFF000;
	s3 =	spop (v2sf)  }
0xce: {  	_ =	swait.ge [sflag:s26], $0x1000  }
0xcf: {  	s2 =	spop (v2sf);
	[sflag:s26] =	ssyncset.done $0x0  }
0xd0: {  	s4 =	spop (v2sf);
	[sflag:s26] =	ssyncadd.s32 $0xFFFFF000  }
0xd1: {  	_ =	swait.ge [sflag:s26], $0x1000  }
0xd2: {  	[sflag:s26] =	ssyncset.done $0x0  }
0xd3: {  	[sflag:s26] =	ssyncadd.s32 $0xFFFFF000  }
0xd4: {  	_ =	swait.ge [sflag:s26], $0x1000  }
0xd5: {  	[sflag:s26] =	ssyncset.done $0x0  }
0xd6: {  	[sflag:s26] =	ssyncadd.s32 $0xFFFFF000  }
0xd7: {  	_ =	swait.ge [sflag:s26], $0x1000  }
0xd8: {  	[sflag:s26] =	ssyncset.done $0x0  }
0xd9: {  	[sflag:s26] =	ssyncadd.s32 $0xFFFFF000  }
0xda: {  	_ =	swait.ge [sflag:s26], $0x1000  }
0xdb: {  	[sflag:s26] =	ssyncset.done $0x0  }
0xdc: {  	[sflag:s26] =	ssyncadd.s32 $0xFFFFF000  }
0xdd: {  	_ =	swait.ge [sflag:s26], $0x1000  }
0xde: {  	[sflag:s26] =	ssyncset.done $0x0  }
0xdf: {  	[sflag:s26] =	ssyncadd.s32 $0xFFFFF000  }
0xe0: {  	_ =	swait.ge [sflag:s26], $0x1000  }
0xe1: {  	[sflag:s26] =	ssyncset.done $0x0  }
0xe2: {  	[sflag:s26] =	ssyncadd.s32 $0xFFFFF000  }
0xe3: {  	_ =	swait.ge [sflag:s26], $0x1000  }
0xe4: {  	[sflag:s26] =	ssyncset.done $0x0  }
0xe5: {  	[sflag:s26] =	ssyncadd.s32 $0xFFFFF000  }
0xe6: {  	_ =	swait.ge [sflag:s26], $0x1000  }
0xe7: {  	[sflag:s26] =	ssyncset.done $0x0  }
0xe8: {  	[sflag:s26] =	ssyncadd.s32 $0xFFFFF000  }
0xe9: {  	_ =	swait.ge [sflag:s26], $0x1000  }
0xea: {  	v21 =	vperm.xlane v20, v14;
	[sflag:s26] =	ssyncset.done $0x0  }
0xeb: {  	v22 =	vperm.xlane v19, v14;
	[sflag:s26] =	ssyncadd.s32 $0xFFFFF000  }
0xec: {  	v21 =	vand.u32 $0x7F, v21;
	_ =	swait.ge [sflag:s26], $0x1000  }
0xed: {  	v22 =	vand.u32 $0x7F, v22;
	v23 =	vor.u32 v0, v21;
	[sflag:s26] =	ssyncset.done $0x0  }
0xee: {  	v24 =	vor.u32 v0, v22;
	[sflag:s26] =	ssyncadd.s32 $0xFFFFF000  }
0xef: {  	v25 =	vor.u32 v1, v22;
	_ =	swait.ge [sflag:s26], $0x1000  }
0xf0: {  	v26 =	vor.u32 v1, v21;
	[sflag:s26] =	ssyncset.done $0x0  }
0xf1: {  	v27 =	vor.u32 v2, v22;
	[sflag:s26] =	ssyncadd.s32 $0xFFFFF000  }
0xf2: {  	v28 =	vor.u32 v2, v21;
	v23 =	vld.idx.msk [tilespmem:v23+s21+$0x0], $0xffff  }
0xf3: {  	v29 =	vor.u32 v3, v22;
	v24 =	vld.idx.msk [tilespmem:v24+s23+$0x0], $0xffff  }
0xf4: {  	v30 =	vor.u32 v3, v21;
	v25 =	vld.idx.msk [tilespmem:v25+s23+$0x0], $0xffff  }
0xf5: {  	v31 =	vor.u32 v4, v22;
	v26 =	vld.idx.msk [tilespmem:v26+s21+$0x0], $0xffff  }
0xf6: {  	v32 =	vor.u32 v4, v21;
	v27 =	vld.idx.msk [tilespmem:v27+s23+$0x0], $0xffff  }
0xf7: {  	v33 =	vor.u32 v5, v22;
	v28 =	vld.idx.msk [tilespmem:v28+s21+$0x0], $0xffff  }
0xf8: {  	v34 =	vor.u32 v5, v21;
	v29 =	vld.idx.msk [tilespmem:v29+s23+$0x0], $0xffff;
	v23 =	vmul.f32 v24, v23  }
0xf9: {  	v51 =	vor.u32 v6, v22;
	v24 =	vld.idx.msk [tilespmem:v30+s21+$0x0], $0xffff  }
0xfa: {  	v35 =	vor.u32 v6, v21;
	v31 =	vld.idx.msk [tilespmem:v31+s23+$0x0], $0xffff;
	v25 =	vmul.f32 v25, v26;
	v23 =	vadd.f32 $0.0e+00, v23  }
0xfb: {  	v52 =	vor.u32 v7, v22;
	v26 =	vld.idx.msk [tilespmem:v32+s21+$0x0], $0xffff  }
0xfc: {  	v36 =	vor.u32 v7, v21;
	v33 =	vld.idx.msk [tilespmem:v33+s23+$0x0], $0xffff;
	v23 =	vadd.f32 v25, v23;
	v25 =	vmul.f32 v27, v28  }
0xfd: {  	v53 =	vor.u32 v8, v22;
	v27 =	vld.idx.msk [tilespmem:v34+s21+$0x0], $0xffff  }
0xfe: {  	v54 =	vor.u32 v8, v21;
	v30 =	vld.idx.msk [tilespmem:v51+s23+$0x0], $0xffff;
	v24 =	vmul.f32 v29, v24;
	v23 =	vadd.f32 v25, v23  }
0xff: {  	v55 =	vor.u32 v9, v22;
	v25 =	vld.idx.msk [tilespmem:v35+s21+$0x0], $0xffff  }
0x100: {  	v56 =	vor.u32 v9, v21;
	v32 =	vld.idx.msk [tilespmem:v52+s23+$0x0], $0xffff;
	v23 =	vadd.f32 v24, v23;
	v24 =	vmul.f32 v31, v26  }
0x101: {  	v57 =	vor.u32 v10, v22;
	v26 =	vld.idx.msk [tilespmem:v36+s21+$0x0], $0xffff  }
0x102: {  	v58 =	vor.u32 v10, v21;
	v28 =	vld.idx.msk [tilespmem:v53+s23+$0x0], $0xffff;
	v23 =	vadd.f32 v24, v23;
	v24 =	vmul.f32 v33, v27  }
0x103: {  	v59 =	vor.u32 v11, v22;
	v27 =	vld.idx.msk [tilespmem:v54+s21+$0x0], $0xffff  }
0x104: {  	v60 =	vor.u32 v11, v21;
	v29 =	vld.idx.msk [tilespmem:v55+s23+$0x0], $0xffff;
	v23 =	vadd.f32 v24, v23;
	v24 =	vmul.f32 v30, v25  }
0x105: {  	v61 =	vor.u32 v12, v22;
	v25 =	vld.idx.msk [tilespmem:v56+s21+$0x0], $0xffff  }
0x106: {  	v62 =	vor.u32 v12, v21;
	v31 =	vld.idx.msk [tilespmem:v57+s23+$0x0], $0xffff;
	v23 =	vadd.f32 v24, v23;
	v24 =	vmul.f32 v32, v26  }
0x107: {  	v63 =	vor.u32 v13, v22;
	v26 =	vld.idx.msk [tilespmem:v58+s21+$0x0], $0xffff  }
0x108: {  	v40 =	vor.u32 v13, v21;
	v33 =	vld.idx.msk [tilespmem:v59+s23+$0x0], $0xffff;
	v23 =	vadd.f32 v24, v23;
	v24 =	vmul.f32 v28, v27  }
0x109: {  	v41 =	vor.u32 v15, v22;
	v27 =	vld.idx.msk [tilespmem:v60+s21+$0x0], $0xffff  }
0x10a: {  	v42 =	vor.u32 v15, v21;
	v30 =	vld.idx.msk [tilespmem:v61+s23+$0x0], $0xffff;
	v23 =	vadd.f32 v24, v23;
	v24 =	vmul.f32 v29, v25  }
0x10b: {  	v22 =	vor.u32 v16, v22;
	v25 =	vld.idx.msk [tilespmem:v62+s21+$0x0], $0xffff  }
0x10c: {  	v21 =	vor.u32 v16, v21;
	v43 =	vld.idx.msk [tilespmem:v63+s23+$0x0], $0xffff;
	v23 =	vadd.f32 v24, v23;
	v24 =	vmul.f32 v31, v26  }
0x10d: {  	v26 =	vld.idx.msk [tilespmem:v40+s21+$0x0], $0xffff  }
0x10e: {  	v28 =	vld.idx.msk [tilespmem:v41+s23+$0x0], $0xffff;
	v23 =	vadd.f32 v24, v23;
	v24 =	vmul.f32 v33, v27  }
0x10f: {  	v27 =	vld.idx.msk [tilespmem:v42+s21+$0x0], $0xffff  }
0x110: {  	v22 =	vld.idx.msk [tilespmem:v22+s23+$0x0], $0xffff;
	v23 =	vadd.f32 v24, v23;
	v24 =	vmul.f32 v30, v25  }
0x111: {  	v21 =	vld.idx.msk [tilespmem:v21+s21+$0x0], $0xffff  }
0x112: {  	v23 =	vadd.f32 v24, v23;
	v24 =	vmul.f32 v43, v26;
	_ =	sdelay $0x1  }
0x113: {  	v23 =	vadd.f32 v24, v23;
	v24 =	vmul.f32 v28, v27;
	_ =	sdelay $0x1  }
0x114: {  	v21 =	vmul.f32 v22, v21;
	v23 =	vadd.f32 v24, v23;
	_ =	sdelay $0x1  }
0x115: {  	v21 =	vadd.f32 v21, v23;
	_ =	sdelay $0x1  }
0x116: {  	v22 =	vperm.xlane v21, v17;
	_ =	sdelay $0x1  }
0x117: {  	v21 =	vadd.f32 v21, v22  }
0x118: {  	s18 =	sand.u32 $0xFFFFF80, s18  }
0x119: {  	s18 =	sadd.s32 s0, s18;
	[tilespmem:s15+$0x10800] =	vst.msk $0xff, v21  }
0x11a: {  	[tilespmem:s21], [sflag:$0x1] =	stream.strided.gather [hbm4b:s18+s21], $0x1000, s20, s21, $0x38;
	[tilespmem:$0x10A80] =	vst v63  }
0x11b: {  	s18 =	sand.u32 $0xFFFFF80, s24  }
0x11c: {  	s18 =	sadd.s32 s1, s18  }
0x11d: {  	[tilespmem:s23], [sflag:$0x1] =	stream.strided.gather [hbm4b:s18+s21], $0x1000, s20, s21, $0x38;
	[tilespmem:$0x10A80] =	vst v63  }
0x11e: {  	s18 =	sand.u32 $0xFFFFF80, s29  }
0x11f: {  	s29 =	simm.s32 $0x1400;
	s18 =	sadd.s32 s0, s18  }
0x120: {  	[tilespmem:s29], [sflag:$0x1] =	stream.strided.gather [hbm4b:s18+s21], $0x1000, s20, s21, $0x38;
	[tilespmem:$0x10A80] =	vst v63  }
0x121: {  	s18 =	sand.u32 $0xFFFFF80, s28  }
0x122: {  	s18 =	sadd.s32 s1, s18  }
0x123: {  	[tilespmem:s9], [sflag:$0x1] =	stream.strided.gather [hbm4b:s18+s21], $0x1000, s20, s21, $0x38;
	[tilespmem:$0x10A80] =	vst v63  }
0x124: {  	s9 =	sand.u32 $0xFFFFF80, s19  }
0x125: {  	s17 =	sand.u32 $0xFFFFF80, s17;
	s18 =	sadd.s32 s0, s9  }
0x126: {  	[tilespmem:s22], [sflag:$0x1] =	stream.strided.gather [hbm4b:s18+s21], $0x1000, s20, s21, $0x38;
	[tilespmem:$0x10A80] =	vst v63  }
0x127: {  	s17 =	sadd.s32 s1, s17;
	s16 =	sand.u32 $0xFFFFF80, s16  }
0x128: {  	[tilespmem:s10], [sflag:$0x1] =	stream.strided.gather [hbm4b:s17+s21], $0x1000, s20, s21, $0x38;
	[tilespmem:$0x10A80] =	vst v63  }
0x129: {  	s16 =	sadd.s32 s0, s16;
	s14 =	sand.u32 $0xFFFFF80, s14  }
0x12a: {  	[tilespmem:s11], [sflag:$0x1] =	stream.strided.gather [hbm4b:s16+s21], $0x1000, s20, s21, $0x38;
	[tilespmem:$0x10A80] =	vst v63  }
0x12b: {  	s14 =	sadd.s32 s1, s14;
	s13 =	sand.u32 $0xFFFFF80, s13  }
0x12c: {  	[tilespmem:s25], [sflag:$0x1] =	stream.strided.gather [hbm4b:s14+s21], $0x1000, s20, s21, $0x38;
	[tilespmem:$0x10A80] =	vst v63  }
0x12d: {  	s13 =	sadd.s32 s0, s13;
	s8 =	sand.u32 $0xFFFFF80, s8  }
0x12e: {  	[tilespmem:s12], [sflag:$0x1] =	stream.strided.gather [hbm4b:s13+s21], $0x1000, s20, s21, $0x38;
	[tilespmem:$0x10A80] =	vst v63  }
0x12f: {  	s8 =	sadd.s32 s1, s8;
	s7 =	sand.u32 $0xFFFFF80, s7  }
0x130: {  	[tilespmem:s30], [sflag:$0x1] =	stream.strided.gather [hbm4b:s8+s21], $0x1000, s20, s21, $0x38;
	[tilespmem:$0x10A80] =	vst v63  }
0x131: {  	s7 =	sadd.s32 s0, s7;
	s6 =	sand.u32 $0xFFFFF80, s6;
	s18 =	simm.s32 $0x5400  }
0x132: {  	[tilespmem:s18], [sflag:$0x1] =	stream.strided.gather [hbm4b:s7+s21], $0x1000, s20, s21, $0x38;
	[tilespmem:$0x10A80] =	vst v63  }
0x133: {  	s6 =	sadd.s32 s1, s6;
	s5 =	sand.u32 $0xFFFFF80, s5;
	s14 =	simm.s32 $0xD400  }
0x134: {  	[tilespmem:s14], [sflag:$0x1] =	stream.strided.gather [hbm4b:s6+s21], $0x1000, s20, s21, $0x38;
	[tilespmem:$0x10A80] =	vst v63  }
0x135: {  	s5 =	sadd.s32 s0, s5;
	s3 =	sand.u32 $0xFFFFF80, s3;
	s19 =	simm.s32 $0x6400  }
0x136: {  	[tilespmem:s19], [sflag:$0x1] =	stream.strided.gather [hbm4b:s5+s21], $0x1000, s20, s21, $0x38;
	[tilespmem:$0x10A80] =	vst v63  }
0x137: {  	s3 =	sadd.s32 s1, s3;
	s2 =	sand.u32 $0xFFFFF80, s2;
	s17 =	simm.s32 $0xE400  }
0x138: {  	[tilespmem:s17], [sflag:$0x1] =	stream.strided.gather [hbm4b:s3+s21], $0x1000, s20, s21, $0x38;
	[tilespmem:$0x10A80] =	vst v63  }
0x139: {  	s2 =	sadd.s32 s0, s2;
	s24 =	simm.s32 $0x7400;
	s22 =	sand.u32 $0xFFFFF80, s4  }
0x13a: {  	[tilespmem:s24], [sflag:$0x1] =	stream.strided.gather [hbm4b:s2+s21], $0x1000, s20, s21, $0x38;
	[tilespmem:$0x10A80] =	vst v63  }
0x13b: {  	s28 =	simm.s32 $0xF400;
	s25 =	sadd.s32 s1, s22  }
0x13c: {  	[tilespmem:s28], [sflag:$0x1] =	stream.strided.gather [hbm4b:s25+s21], $0x1000, s20, s21, $0x38;
	[tilespmem:$0x10A80] =	vst v63  }
0x13d: {  	_ =	swait.ge [sflag:s26], $0x1000  }
0x13e: {  	[sflag:s26] =	ssyncset.done $0x0  }
0x13f: {  	[sflag:s26] =	ssyncadd.s32 $0xFFFFF000  }
0x140: {  	_ =	swait.ge [sflag:s26], $0x1000  }
0x141: {  	[sflag:s26] =	ssyncset.done $0x0  }
0x142: {  	[sflag:s26] =	ssyncadd.s32 $0xFFFFF000  }
0x143: {  	_ =	swait.ge [sflag:s26], $0x1000  }
0x144: {  	[sflag:s26] =	ssyncset.done $0x0  }
0x145: {  	[sflag:s26] =	ssyncadd.s32 $0xFFFFF000  }
0x146: {  	_ =	swait.ge [sflag:s26], $0x1000  }
0x147: {  	[sflag:s26] =	ssyncset.done $0x0  }
0x148: {  	[sflag:s26] =	ssyncadd.s32 $0xFFFFF000  }
0x149: {  	_ =	swait.ge [sflag:s26], $0x1000  }
0x14a: {  	[sflag:s26] =	ssyncset.done $0x0  }
0x14b: {  	[sflag:s26] =	ssyncadd.s32 $0xFFFFF000  }
0x14c: {  	_ =	swait.ge [sflag:s26], $0x1000  }
0x14d: {  	[sflag:s26] =	ssyncset.done $0x0  }
0x14e: {  	[sflag:s26] =	ssyncadd.s32 $0xFFFFF000  }
0x14f: {  	_ =	swait.ge [sflag:s26], $0x1000  }
0x150: {  	[sflag:s26] =	ssyncset.done $0x0  }
0x151: {  	[sflag:s26] =	ssyncadd.s32 $0xFFFFF000  }
0x152: {  	_ =	swait.ge [sflag:s26], $0x1000  }
0x153: {  	[sflag:s26] =	ssyncset.done $0x0  }
0x154: {  	[sflag:s26] =	ssyncadd.s32 $0xFFFFF000  }
0x155: {  	_ =	swait.ge [sflag:s26], $0x1000  }
0x156: {  	[sflag:s26] =	ssyncset.done $0x0  }
0x157: {  	[sflag:s26] =	ssyncadd.s32 $0xFFFFF000  }
0x158: {  	_ =	swait.ge [sflag:s26], $0x1000  }
0x159: {  	[sflag:s26] =	ssyncset.done $0x0  }
0x15a: {  	[sflag:s26] =	ssyncadd.s32 $0xFFFFF000  }
0x15b: {  	_ =	swait.ge [sflag:s26], $0x1000  }
0x15c: {  	[sflag:s26] =	ssyncset.done $0x0  }
0x15d: {  	[sflag:s26] =	ssyncadd.s32 $0xFFFFF000  }
0x15e: {  	_ =	swait.ge [sflag:s26], $0x1000  }
0x15f: {  	[sflag:s26] =	ssyncset.done $0x0  }
0x160: {  	[sflag:s26] =	ssyncadd.s32 $0xFFFFF000  }
0x161: {  	_ =	swait.ge [sflag:s26], $0x1000  }
0x162: {  	[sflag:s26] =	ssyncset.done $0x0  }
0x163: {  	[sflag:s26] =	ssyncadd.s32 $0xFFFFF000  }
0x164: {  	_ =	swait.ge [sflag:s26], $0x1000  }
0x165: {  	v20 =	vperm.xlane v20, v18;
	[sflag:s26] =	ssyncset.done $0x0  }
0x166: {  	v19 =	vperm.xlane v19, v18;
	[sflag:s26] =	ssyncadd.s32 $0xFFFFF000  }
0x167: {  	v20 =	vand.u32 $0x7F, v20;
	_ =	swait.ge [sflag:s26], $0x1000  }
0x168: {  	v19 =	vand.u32 $0x7F, v19;
	v21 =	vor.u32 v0, v20;
	[sflag:s26] =	ssyncset.done $0x0  }
0x169: {  	v22 =	vor.u32 v0, v19;
	[sflag:s26] =	ssyncadd.s32 $0xFFFFF000  }
0x16a: {  	v23 =	vor.u32 v1, v20;
	_ =	swait.ge [sflag:s26], $0x1000  }
0x16b: {  	v24 =	vor.u32 v1, v19;
	[sflag:s26] =	ssyncset.done $0x0  }
0x16c: {  	v25 =	vor.u32 v2, v20;
	[sflag:s26] =	ssyncadd.s32 $0xFFFFF000  }
0x16d: {  	v26 =	vor.u32 v2, v19;
	v21 =	vld.idx.msk [tilespmem:v21+s21+$0x0], $0xffff  }
0x16e: {  	v27 =	vor.u32 v3, v20;
	v22 =	vld.idx.msk [tilespmem:v22+s23+$0x0], $0xffff  }
0x16f: {  	v45 =	vor.u32 v4, v20;
	v23 =	vld.idx.msk [tilespmem:v23+s21+$0x0], $0xffff  }
0x170: {  	v44 =	vor.u32 v3, v19;
	v24 =	vld.idx.msk [tilespmem:v24+s23+$0x0], $0xffff  }
0x171: {  	v47 =	vor.u32 v5, v20;
	v25 =	vld.idx.msk [tilespmem:v25+s21+$0x0], $0xffff  }
0x172: {  	v49 =	vor.u32 v6, v20;
	v46 =	vor.u32 v4, v19;
	v26 =	vld.idx.msk [tilespmem:v26+s23+$0x0], $0xffff  }
0x173: {  	v48 =	vor.u32 v5, v19;
	v50 =	vor.u32 v6, v19;
	v63 =	vor.u32 v15, v19;
	v27 =	vld.idx.msk [tilespmem:v27+s21+$0x0], $0xffff  }
0x174: {  	v51 =	vor.u32 v7, v20;
	v52 =	vor.u32 v7, v19;
	v29 =	vld.idx.msk [tilespmem:v45+s21+$0x0], $0xffff;
	v21 =	vmul.f32 v22, v21  }
0x175: {  	v53 =	vor.u32 v8, v19;
	v54 =	vor.u32 v9, v19;
	v56 =	vor.u32 v10, v19;
	v22 =	vld.idx.msk [tilespmem:v44+s23+$0x0], $0xffff  }
0x176: {  	v58 =	vor.u32 v11, v19;
	v31 =	vld.idx.msk [tilespmem:v47+s21+$0x0], $0xffff;
	v23 =	vmul.f32 v24, v23;
	v21 =	vadd.f32 $0.0e+00, v21  }
0x177: {  	v60 =	vor.u32 v12, v19;
	v62 =	vor.u32 v13, v19;
	v19 =	vor.u32 v16, v19;
	v24 =	vld.idx.msk [tilespmem:v46+s23+$0x0], $0xffff  }
0x178: {  	v28 =	vld.idx.msk [tilespmem:v49+s21+$0x0], $0xffff;
	v21 =	vadd.f32 v23, v21;
	v23 =	vmul.f32 v26, v25  }
0x179: {  	v25 =	vld.idx.msk [tilespmem:v48+s23+$0x0], $0xffff;
	v26 =	vor.u32 v8, v20  }
0x17a: {  	v30 =	vld.idx.msk [tilespmem:v51+s21+$0x0], $0xffff;
	v22 =	vmul.f32 v22, v27;
	v21 =	vadd.f32 v23, v21  }
0x17b: {  	v27 =	vor.u32 v9, v20;
	v23 =	vld.idx.msk [tilespmem:v50+s23+$0x0], $0xffff  }
0x17c: {  	v19 =	vld.idx.msk [tilespmem:v19+s23+$0x0], $0xffff;
	v21 =	vadd.f32 v22, v21;
	v22 =	vmul.f32 v24, v29  }
0x17d: {  	v55 =	vor.u32 v10, v20;
	v24 =	vld.idx.msk [tilespmem:v52+s23+$0x0], $0xffff  }
0x17e: {  	v26 =	vld.idx.msk [tilespmem:v26+s21+$0x0], $0xffff;
	v21 =	vadd.f32 v22, v21;
	v22 =	vmul.f32 v25, v31  }
0x17f: {  	v57 =	vor.u32 v11, v20;
	v25 =	vld.idx.msk [tilespmem:v53+s23+$0x0], $0xffff  }
0x180: {  	v27 =	vld.idx.msk [tilespmem:v27+s21+$0x0], $0xffff;
	v21 =	vadd.f32 v22, v21;
	v22 =	vmul.f32 v23, v28  }
0x181: {  	v59 =	vor.u32 v12, v20;
	v23 =	vld.idx.msk [tilespmem:v54+s23+$0x0], $0xffff  }
0x182: {  	v29 =	vld.idx.msk [tilespmem:v55+s21+$0x0], $0xffff;
	v21 =	vadd.f32 v22, v21;
	v22 =	vmul.f32 v24, v30  }
0x183: {  	v61 =	vor.u32 v13, v20;
	v24 =	vld.idx.msk [tilespmem:v56+s23+$0x0], $0xffff  }
0x184: {  	v31 =	vld.idx.msk [tilespmem:v57+s21+$0x0], $0xffff;
	v21 =	vadd.f32 v22, v21;
	v22 =	vmul.f32 v25, v26  }
0x185: {  	v25 =	vld.idx.msk [tilespmem:v58+s23+$0x0], $0xffff;
	v26 =	vor.u32 v15, v20  }
0x186: {  	v28 =	vld.idx.msk [tilespmem:v59+s21+$0x0], $0xffff;
	v21 =	vadd.f32 v22, v21;
	v22 =	vmul.f32 v23, v27  }
0x187: {  	v20 =	vor.u32 v16, v20;
	v23 =	vld.idx.msk [tilespmem:v60+s23+$0x0], $0xffff  }
0x188: {  	v27 =	vld.idx.msk [tilespmem:v61+s21+$0x0], $0xffff;
	v21 =	vadd.f32 v22, v21;
	v22 =	vmul.f32 v24, v29  }
0x189: {  	v24 =	vld.idx.msk [tilespmem:v62+s23+$0x0], $0xffff  }
0x18a: {  	v26 =	vld.idx.msk [tilespmem:v26+s21+$0x0], $0xffff;
	v21 =	vadd.f32 v22, v21;
	v22 =	vmul.f32 v25, v31  }
0x18b: {  	v25 =	vld.idx.msk [tilespmem:v63+s23+$0x0], $0xffff  }
0x18c: {  	s31 =	simm.s32 $0x10;
	v20 =	vld.idx.msk [tilespmem:v20+s21+$0x0], $0xffff;
	v21 =	vadd.f32 v22, v21;
	v22 =	vmul.f32 v23, v28  }
0x18d: {  	v23 =	vld [tilespmem:s31+$0x0]  }
0x18e: {  	v21 =	vadd.f32 v22, v21;
	v22 =	vmul.f32 v24, v27  }
0x18f: {  	v24 =	vld [tilespmem:s31+$0x200]  }
0x190: {  	v21 =	vadd.f32 v22, v21;
	v22 =	vmul.f32 v25, v26;
	_ =	sdelay $0x1  }
0x191: {  	v19 =	vmul.f32 v19, v20;
	(v2sf) =	vpush v23, $0x0;
	v21 =	vadd.f32 v22, v21  }
0x192: {  	v20 =	vperm.xlane v23, v14;
	v22 =	vperm.xlane v23, v18;
	(v2sf) =	vpush v23, $0x1  }
0x193: {  	v26 =	vperm.xlane v24, v14;
	(v2sf) =	vpush v24, $0x0;
	v25 =	vadd.f32 v19, v21  }
0x194: {  	v21 =	vand.u32 $0x7F, v20;
	v19 =	vand.u32 $0x7F, v22;
	v20 =	vperm.xlane v24, v18  }
0x195: {  	s30 =	simm.s32 $0x80;
	(v2sf) =	vpush v24, $0x1;
	v22 =	vand.u32 $0x7F, v26;
	v26 =	vperm.xlane v25, v17  }
.LBB2_2:
0x196: {  	_ = 	snop  }
0x197: {  	(v2sf) =	vpush v23, $0x2;
	_ =	sdelay $0x1  }
0x198: {  	(v2sf) =	vpush v24, $0x2  }
0x199: {  	(v2sf) =	vpush v23, $0x3;
	_ =	sdelay $0x1  }
0x19a: {  	(v2sf) =	vpush v24, $0x3;
	_ =	sdelay $0x1  }
0x19b: {  	(v2sf) =	vpush v23, $0x4;
	_ =	sdelay $0x1  }
0x19c: {  	s2 =	smov.u32 s30;
	v25 =	vadd.f32 v25, v26;
	s7 =	spop (v2sf)  }
0x19d: {  	[dreg:$0x7] =	wrdreg s2;
	s2 =	sand.u32 $0xFFFFF80, s7;
	s3 =	spop (v2sf)  }
0x19e: {  	[tilespmem:s15+$0x10808] =	vst.msk $0xff, v25;
	(v2sf) =	vpush v24, $0x4;
	s2 =	sadd.s32 s0, s2;
	s4 =	spop (v2sf)  }
0x19f: {  	[tilespmem:s21], [sflag:$0x1] =	stream.strided.gather [hbm4b:s2+s21], $0x1000, s20, s21, $0x38;
	[tilespmem:$0x10A80] =	vst v63  }
0x1a0: {  	s16 =	simm.s32 $0x9400;
	s3 =	sand.u32 $0xFFFFF80, s3;
	(v2sf) =	vpush v23, $0x5;
	s8 =	sand.u32 $0xFFFFF80, s4  }
0x1a1: {  	s9 =	spop (v2sf);
	s10 =	sadd.s32 s0, s3;
	s2 =	sadd.s32 s1, s8  }
0x1a2: {  	(v2sf) =	vpush v24, $0x5;
	s4 =	sand.u32 $0xFFFFF80, s9;
	s5 =	spop (v2sf);
	s9 =	simm.s32 $0x2400  }
0x1a3: {  	[tilespmem:s23], [sflag:$0x1] =	stream.strided.gather [hbm4b:s2+s21], $0x1000, s20, s21, $0x38;
	[tilespmem:$0x10A80] =	vst v63  }
0x1a4: {  	(v2sf) =	vpush v23, $0x6;
	s11 =	sand.u32 $0xFFFFF80, s5;
	s12 =	spop (v2sf);
	s13 =	sadd.s32 s1, s4  }
0x1a5: {  	s22 =	sand.u32 $0xFFFFF80, s12;
	s25 =	spop (v2sf);
	s6 =	sadd.s32 s0, s11  }
0x1a6: {  	(v2sf) =	vpush v24, $0x6;
	[tilespmem:s29], [sflag:$0x1] =	stream.strided.gather [hbm4b:s10+s21], $0x1000, s20, s21, $0x38;
	[tilespmem:$0x10A80] =	vst v63  }
0x1a7: {  	s7 =	sand.u32 $0xFFFFF80, s25;
	s8 =	spop (v2sf);
	s10 =	sadd.s32 s1, s22  }
0x1a8: {  	[tilespmem:s16], [sflag:$0x1] =	stream.strided.gather [hbm4b:s13+s21], $0x1000, s20, s21, $0x38;
	[tilespmem:$0x10A80] =	vst v63  }
0x1a9: {  	s22 =	simm.s32 $0xA400;
	s11 =	sand.u32 $0xFFFFF80, s8;
	s12 =	spop (v2sf)  }
0x1aa: {  	(v2sf) =	vpush v23, $0x7;
	[tilespmem:s9], [sflag:$0x1] =	stream.strided.gather [hbm4b:s6+s21], $0x1000, s20, s21, $0x38;
	[tilespmem:$0x10A80] =	vst v63  }
0x1ab: {  	s13 =	sadd.s32 s0, s7;
	s25 =	sand.u32 $0xFFFFF80, s12;
	s7 =	sadd.s32 s1, s11  }
0x1ac: {  	(v2sf) =	vpush v24, $0x7;
	[tilespmem:s22], [sflag:$0x1] =	stream.strided.gather [hbm4b:s10+s21], $0x1000, s20, s21, $0x38;
	[tilespmem:$0x10A80] =	vst v63  }
0x1ad: {  	s11 =	simm.s32 $0xB400;
	s10 =	simm.s32 $0x3400;
	s6 =	spop (v2sf)  }
0x1ae: {  	[tilespmem:s10], [sflag:$0x1] =	stream.strided.gather [hbm4b:s13+s21], $0x1000, s20, s21, $0x38;
	(v2sf) =	vpush v23, $0x8;
	[tilespmem:$0x10A80] =	vst v63  }
0x1af: {  	s13 =	sadd.s32 s0, s25;
	s8 =	sand.u32 $0xFFFFF80, s6;
	s12 =	spop (v2sf)  }
0x1b0: {  	[tilespmem:s11], [sflag:$0x1] =	stream.strided.gather [hbm4b:s7+s21], $0x1000, s20, s21, $0x38;
	(v2sf) =	vpush v24, $0x8;
	[tilespmem:$0x10A80] =	vst v63  }
0x1b1: {  	s25 =	simm.s32 $0x4400;
	s7 =	sadd.s32 s1, s8;
	s6 =	spop (v2sf)  }
0x1b2: {  	[tilespmem:s25], [sflag:$0x1] =	stream.strided.gather [hbm4b:s13+s21], $0x1000, s20, s21, $0x38;
	[tilespmem:$0x10A80] =	vst v63  }
0x1b3: {  	s3 =	sand.u32 $0xFFFFF80, s12;
	(v2sf) =	vpush v23, $0x9;
	s12 =	simm.s32 $0xC400;
	s13 =	spop (v2sf)  }
0x1b4: {  	(v2sf) =	vpush v24, $0x9;
	[tilespmem:s12], [sflag:$0x1] =	stream.strided.gather [hbm4b:s7+s21], $0x1000, s20, s21, $0x38;
	[tilespmem:$0x10A80] =	vst v63  }
0x1b5: {  	s8 =	sand.u32 $0xFFFFF80, s6;
	s6 =	sadd.s32 s0, s3;
	(v2sf) =	vpush v23, $0xA;
	s7 =	spop (v2sf)  }
0x1b6: {  	(v2sf) =	vpush v24, $0xA;
	[tilespmem:s18], [sflag:$0x1] =	stream.strided.gather [hbm4b:s6+s21], $0x1000, s20, s21, $0x38;
	[tilespmem:$0x10A80] =	vst v63  }
0x1b7: {  	s8 =	sadd.s32 s1, s8;
	s13 =	sand.u32 $0xFFFFF80, s13;
	(v2sf) =	vpush v23, $0xB  }
0x1b8: {  	(v2sf) =	vpush v24, $0xB;
	[tilespmem:s14], [sflag:$0x1] =	stream.strided.gather [hbm4b:s8+s21], $0x1000, s20, s21, $0x38;
	[tilespmem:$0x10A80] =	vst v63  }
0x1b9: {  	s3 =	sand.u32 $0xFFFFF80, s7;
	s18 =	spop (v2sf);
	(v2sf) =	vpush v23, $0xC;
	s14 =	sadd.s32 s0, s13  }
0x1ba: {  	(v2sf) =	vpush v24, $0xC;
	[tilespmem:s19], [sflag:$0x1] =	stream.strided.gather [hbm4b:s14+s21], $0x1000, s20, s21, $0x38;
	[tilespmem:$0x10A80] =	vst v63  }
0x1bb: {  	s3 =	sadd.s32 s1, s3;
	s4 =	sand.u32 $0xFFFFF80, s18;
	s5 =	spop (v2sf);
	(v2sf) =	vpush v23, $0xD  }
0x1bc: {  	(v2sf) =	vpush v24, $0xD;
	[tilespmem:s17], [sflag:$0x1] =	stream.strided.gather [hbm4b:s3+s21], $0x1000, s20, s21, $0x38;
	[tilespmem:$0x10A80] =	vst v63  }
0x1bd: {  	s6 =	sadd.s32 s0, s4;
	s7 =	sand.u32 $0xFFFFF80, s5;
	(v2sf) =	vpush v23, $0xE;
	s8 =	spop (v2sf)  }
0x1be: {  	(v2sf) =	vpush v24, $0xE;
	[tilespmem:s24], [sflag:$0x1] =	stream.strided.gather [hbm4b:s6+s21], $0x1000, s20, s21, $0x38;
	[tilespmem:$0x10A80] =	vst v63  }
0x1bf: {  	s13 =	sadd.s32 s1, s7;
	(v2sf) =	vpush v23, $0xF;
	s14 =	spop (v2sf)  }
0x1c0: {  	(v2sf) =	vpush v24, $0xF;
	[tilespmem:s28], [sflag:$0x1] =	stream.strided.gather [hbm4b:s13+s21], $0x1000, s20, s21, $0x38;
	[tilespmem:$0x10A80] =	vst v63  }
0x1c1: {  	_ =	swait.ge [sflag:s26], $0x1000  }
0x1c2: {  	s17 =	spop (v2sf)  }
0x1c3: {  	[sflag:s26] =	ssyncset.done $0x0;
	s18 =	spop (v2sf)  }
0x1c4: {  	[sflag:s26] =	ssyncadd.s32 $0xFFFFF000;
	s19 =	spop (v2sf)  }
0x1c5: {  	_ =	swait.ge [sflag:s26], $0x1000  }
0x1c6: {  	s15 =	smov.u32 s31;
	s24 =	spop (v2sf)  }
0x1c7: {  	s31 =	sand.u32 $0xFFFFF80, s8;
	[sflag:s26] =	ssyncset.done $0x0;
	s8 =	spop (v2sf)  }
0x1c8: {  	[sflag:s26] =	ssyncadd.s32 $0xFFFFF000;
	s4 =	spop (v2sf)  }
0x1c9: {  	_ =	swait.ge [sflag:s26], $0x1000  }
0x1ca: {  	s6 =	spop (v2sf)  }
0x1cb: {  	s29 =	sand.u32 $0xFFFFF80, s14;
	[sflag:s26] =	ssyncset.done $0x0;
	s13 =	spop (v2sf)  }
0x1cc: {  	s3 =	sand.u32 $0xFFFFF80, s17;
	[sflag:s26] =	ssyncadd.s32 $0xFFFFF000;
	s14 =	spop (v2sf)  }
0x1cd: {  	s5 =	sand.u32 $0xFFFFF80, s18;
	s7 =	sand.u32 $0xFFFFF80, s19;
	_ =	swait.ge [sflag:s26], $0x1000  }
0x1ce: {  	s18 =	sand.u32 $0xFFFFF80, s24;
	s19 =	sand.u32 $0xFFFFF80, s13;
	s13 =	spop (v2sf)  }
0x1cf: {  	s2 =	sand.u32 $0xFFFFF80, s4;
	[sflag:s26] =	ssyncset.done $0x0;
	s17 =	spop (v2sf)  }
0x1d0: {  	s4 =	sand.u32 $0xFFFFF80, s14;
	[sflag:s26] =	ssyncadd.s32 $0xFFFFF000;
	s24 =	spop (v2sf)  }
0x1d1: {  	s14 =	sand.u32 $0xFFFFF80, s13;
	s13 =	sand.u32 $0xFFFFF80, s17;
	_ =	swait.ge [sflag:s26], $0x1000  }
0x1d2: {  	s17 =	sand.u32 $0xFFFFF80, s24;
	s24 =	spop (v2sf);
	[sflag:s26] =	ssyncset.done $0x0  }
0x1d3: {  	s28 =	spop (v2sf);
	[sflag:s26] =	ssyncadd.s32 $0xFFFFF000  }
0x1d4: {  	_ =	swait.ge [sflag:s26], $0x1000  }
0x1d5: {  	[sflag:s26] =	ssyncset.done $0x0  }
0x1d6: {  	[sflag:s26] =	ssyncadd.s32 $0xFFFFF000  }
0x1d7: {  	_ =	swait.ge [sflag:s26], $0x1000  }
0x1d8: {  	[sflag:s26] =	ssyncset.done $0x0  }
0x1d9: {  	[sflag:s26] =	ssyncadd.s32 $0xFFFFF000  }
0x1da: {  	_ =	swait.ge [sflag:s26], $0x1000  }
0x1db: {  	[sflag:s26] =	ssyncset.done $0x0  }
0x1dc: {  	[sflag:s26] =	ssyncadd.s32 $0xFFFFF000  }
0x1dd: {  	_ =	swait.ge [sflag:s26], $0x1000  }
0x1de: {  	[sflag:s26] =	ssyncset.done $0x0  }
0x1df: {  	[sflag:s26] =	ssyncadd.s32 $0xFFFFF000  }
0x1e0: {  	_ =	swait.ge [sflag:s26], $0x1000  }
0x1e1: {  	[sflag:s26] =	ssyncset.done $0x0  }
0x1e2: {  	[sflag:s26] =	ssyncadd.s32 $0xFFFFF000  }
0x1e3: {  	_ =	swait.ge [sflag:s26], $0x1000  }
0x1e4: {  	[sflag:s26] =	ssyncset.done $0x0  }
0x1e5: {  	[sflag:s26] =	ssyncadd.s32 $0xFFFFF000  }
0x1e6: {  	_ =	swait.ge [sflag:s26], $0x1000  }
0x1e7: {  	[sflag:s26] =	ssyncset.done $0x0  }
0x1e8: {  	[sflag:s26] =	ssyncadd.s32 $0xFFFFF000  }
0x1e9: {  	_ =	swait.ge [sflag:s26], $0x1000  }
0x1ea: {  	[sflag:s26] =	ssyncset.done $0x0  }
0x1eb: {  	[sflag:s26] =	ssyncadd.s32 $0xFFFFF000  }
0x1ec: {  	_ =	swait.ge [sflag:s26], $0x1000  }
0x1ed: {  	[sflag:s26] =	ssyncset.done $0x0  }
0x1ee: {  	[sflag:s26] =	ssyncadd.s32 $0xFFFFF000  }
0x1ef: {  	_ =	swait.ge [sflag:s26], $0x1000  }
0x1f0: {  	v23 =	vor.u32 v0, v21;
	[sflag:s26] =	ssyncset.done $0x0  }
0x1f1: {  	v24 =	vor.u32 v0, v22;
	[sflag:s26] =	ssyncadd.s32 $0xFFFFF000  }
0x1f2: {  	v25 =	vor.u32 v1, v22;
	_ =	swait.ge [sflag:s26], $0x1000  }
0x1f3: {  	v26 =	vor.u32 v1, v21;
	[sflag:s26] =	ssyncset.done $0x0  }
0x1f4: {  	v27 =	vor.u32 v2, v22;
	[sflag:s26] =	ssyncadd.s32 $0xFFFFF000  }
0x1f5: {  	v28 =	vor.u32 v2, v21;
	v23 =	vld.idx.msk [tilespmem:v23+s21+$0x0], $0xffff  }
0x1f6: {  	v29 =	vor.u32 v3, v22;
	v24 =	vld.idx.msk [tilespmem:v24+s23+$0x0], $0xffff  }
0x1f7: {  	v30 =	vor.u32 v3, v21;
	v25 =	vld.idx.msk [tilespmem:v25+s23+$0x0], $0xffff  }
0x1f8: {  	v31 =	vor.u32 v4, v22;
	v26 =	vld.idx.msk [tilespmem:v26+s21+$0x0], $0xffff  }
0x1f9: {  	v32 =	vor.u32 v4, v21;
	v27 =	vld.idx.msk [tilespmem:v27+s23+$0x0], $0xffff  }
0x1fa: {  	v33 =	vor.u32 v5, v22;
	v28 =	vld.idx.msk [tilespmem:v28+s21+$0x0], $0xffff  }
0x1fb: {  	v34 =	vor.u32 v5, v21;
	v29 =	vld.idx.msk [tilespmem:v29+s23+$0x0], $0xffff;
	v23 =	vmul.f32 v24, v23  }
0x1fc: {  	v51 =	vor.u32 v6, v22;
	v24 =	vld.idx.msk [tilespmem:v30+s21+$0x0], $0xffff  }
0x1fd: {  	v35 =	vor.u32 v6, v21;
	v31 =	vld.idx.msk [tilespmem:v31+s23+$0x0], $0xffff;
	v25 =	vmul.f32 v25, v26;
	v23 =	vadd.f32 $0.0e+00, v23  }
0x1fe: {  	v52 =	vor.u32 v7, v22;
	v26 =	vld.idx.msk [tilespmem:v32+s21+$0x0], $0xffff  }
0x1ff: {  	v36 =	vor.u32 v7, v21;
	v33 =	vld.idx.msk [tilespmem:v33+s23+$0x0], $0xffff;
	v23 =	vadd.f32 v25, v23;
	v25 =	vmul.f32 v27, v28  }
0x200: {  	v53 =	vor.u32 v8, v22;
	v27 =	vld.idx.msk [tilespmem:v34+s21+$0x0], $0xffff  }
0x201: {  	v54 =	vor.u32 v8, v21;
	v30 =	vld.idx.msk [tilespmem:v51+s23+$0x0], $0xffff;
	v24 =	vmul.f32 v29, v24;
	v23 =	vadd.f32 v25, v23  }
0x202: {  	v55 =	vor.u32 v9, v22;
	v25 =	vld.idx.msk [tilespmem:v35+s21+$0x0], $0xffff  }
0x203: {  	v56 =	vor.u32 v9, v21;
	v32 =	vld.idx.msk [tilespmem:v52+s23+$0x0], $0xffff;
	v23 =	vadd.f32 v24, v23;
	v24 =	vmul.f32 v31, v26  }
0x204: {  	v57 =	vor.u32 v10, v22;
	v26 =	vld.idx.msk [tilespmem:v36+s21+$0x0], $0xffff  }
0x205: {  	v58 =	vor.u32 v10, v21;
	v28 =	vld.idx.msk [tilespmem:v53+s23+$0x0], $0xffff;
	v23 =	vadd.f32 v24, v23;
	v24 =	vmul.f32 v33, v27  }
0x206: {  	v59 =	vor.u32 v11, v22;
	v27 =	vld.idx.msk [tilespmem:v54+s21+$0x0], $0xffff  }
0x207: {  	v60 =	vor.u32 v11, v21;
	v29 =	vld.idx.msk [tilespmem:v55+s23+$0x0], $0xffff;
	v23 =	vadd.f32 v24, v23;
	v24 =	vmul.f32 v30, v25  }
0x208: {  	v61 =	vor.u32 v12, v22;
	v25 =	vld.idx.msk [tilespmem:v56+s21+$0x0], $0xffff  }
0x209: {  	v62 =	vor.u32 v12, v21;
	v31 =	vld.idx.msk [tilespmem:v57+s23+$0x0], $0xffff;
	v23 =	vadd.f32 v24, v23;
	v24 =	vmul.f32 v32, v26  }
0x20a: {  	v63 =	vor.u32 v13, v22;
	v26 =	vld.idx.msk [tilespmem:v58+s21+$0x0], $0xffff  }
0x20b: {  	v40 =	vor.u32 v13, v21;
	v33 =	vld.idx.msk [tilespmem:v59+s23+$0x0], $0xffff;
	v23 =	vadd.f32 v24, v23;
	v24 =	vmul.f32 v28, v27  }
0x20c: {  	v41 =	vor.u32 v15, v22;
	v27 =	vld.idx.msk [tilespmem:v60+s21+$0x0], $0xffff  }
0x20d: {  	v42 =	vor.u32 v15, v21;
	v30 =	vld.idx.msk [tilespmem:v61+s23+$0x0], $0xffff;
	v23 =	vadd.f32 v24, v23;
	v24 =	vmul.f32 v29, v25  }
0x20e: {  	v22 =	vor.u32 v16, v22;
	v25 =	vld.idx.msk [tilespmem:v62+s21+$0x0], $0xffff  }
0x20f: {  	v21 =	vor.u32 v16, v21;
	v43 =	vld.idx.msk [tilespmem:v63+s23+$0x0], $0xffff;
	v23 =	vadd.f32 v24, v23;
	v24 =	vmul.f32 v31, v26  }
0x210: {  	v26 =	vld.idx.msk [tilespmem:v40+s21+$0x0], $0xffff  }
0x211: {  	v28 =	vld.idx.msk [tilespmem:v41+s23+$0x0], $0xffff;
	v23 =	vadd.f32 v24, v23;
	v24 =	vmul.f32 v33, v27  }
0x212: {  	v27 =	vld.idx.msk [tilespmem:v42+s21+$0x0], $0xffff  }
0x213: {  	v22 =	vld.idx.msk [tilespmem:v22+s23+$0x0], $0xffff;
	v23 =	vadd.f32 v24, v23;
	v24 =	vmul.f32 v30, v25  }
0x214: {  	v21 =	vld.idx.msk [tilespmem:v21+s21+$0x0], $0xffff  }
0x215: {  	v23 =	vadd.f32 v24, v23;
	v24 =	vmul.f32 v43, v26;
	_ =	sdelay $0x1  }
0x216: {  	v23 =	vadd.f32 v24, v23;
	v24 =	vmul.f32 v28, v27;
	_ =	sdelay $0x1  }
0x217: {  	v21 =	vmul.f32 v22, v21;
	v23 =	vadd.f32 v24, v23;
	_ =	sdelay $0x1  }
0x218: {  	v21 =	vadd.f32 v21, v23;
	_ =	sdelay $0x1  }
0x219: {  	v22 =	vperm.xlane v21, v17;
	_ =	sdelay $0x1  }
0x21a: {  	v21 =	vadd.f32 v21, v22;
	_ =	sdelay $0x1  }
0x21b: {  	s31 =	sadd.s32 s0, s31;
	[tilespmem:s15+$0x10800] =	vst.msk $0xff, v21  }
0x21c: {  	[tilespmem:s21], [sflag:$0x1] =	stream.strided.gather [hbm4b:s31+s21], $0x1000, s20, s21, $0x38;
	[tilespmem:$0x10A80] =	vst v63  }
0x21d: {  	s29 =	sadd.s32 s1, s29  }
0x21e: {  	[tilespmem:s23], [sflag:$0x1] =	stream.strided.gather [hbm4b:s29+s21], $0x1000, s20, s21, $0x38;
	[tilespmem:$0x10A80] =	vst v63  }
0x21f: {  	s3 =	sadd.s32 s0, s3;
	s29 =	simm.s32 $0x1400  }
0x220: {  	[tilespmem:s29], [sflag:$0x1] =	stream.strided.gather [hbm4b:s3+s21], $0x1000, s20, s21, $0x38;
	[tilespmem:$0x10A80] =	vst v63  }
0x221: {  	s5 =	sadd.s32 s1, s5  }
0x222: {  	[tilespmem:s16], [sflag:$0x1] =	stream.strided.gather [hbm4b:s5+s21], $0x1000, s20, s21, $0x38;
	[tilespmem:$0x10A80] =	vst v63  }
0x223: {  	s7 =	sadd.s32 s0, s7  }
0x224: {  	[tilespmem:s9], [sflag:$0x1] =	stream.strided.gather [hbm4b:s7+s21], $0x1000, s20, s21, $0x38;
	[tilespmem:$0x10A80] =	vst v63  }
0x225: {  	s16 =	sand.u32 $0xFFFFF80, s8;
	s9 =	sadd.s32 s1, s18  }
0x226: {  	[tilespmem:s22], [sflag:$0x1] =	stream.strided.gather [hbm4b:s9+s21], $0x1000, s20, s21, $0x38;
	[tilespmem:$0x10A80] =	vst v63  }
0x227: {  	s7 =	sadd.s32 s0, s16  }
0x228: {  	[tilespmem:s10], [sflag:$0x1] =	stream.strided.gather [hbm4b:s7+s21], $0x1000, s20, s21, $0x38;
	[tilespmem:$0x10A80] =	vst v63  }
0x229: {  	s2 =	sadd.s32 s1, s2;
	s6 =	sand.u32 $0xFFFFF80, s6  }
0x22a: {  	[tilespmem:s11], [sflag:$0x1] =	stream.strided.gather [hbm4b:s2+s21], $0x1000, s20, s21, $0x38;
	[tilespmem:$0x10A80] =	vst v63  }
0x22b: {  	s8 =	sadd.s32 s0, s6  }
0x22c: {  	[tilespmem:s25], [sflag:$0x1] =	stream.strided.gather [hbm4b:s8+s21], $0x1000, s20, s21, $0x38;
	[tilespmem:$0x10A80] =	vst v63  }
0x22d: {  	s9 =	sadd.s32 s1, s19  }
0x22e: {  	[tilespmem:s12], [sflag:$0x1] =	stream.strided.gather [hbm4b:s9+s21], $0x1000, s20, s21, $0x38;
	[tilespmem:$0x10A80] =	vst v63  }
0x22f: {  	s18 =	simm.s32 $0x5400;
	s10 =	sadd.s32 s0, s4  }
0x230: {  	[tilespmem:s18], [sflag:$0x1] =	stream.strided.gather [hbm4b:s10+s21], $0x1000, s20, s21, $0x38;
	[tilespmem:$0x10A80] =	vst v63  }
0x231: {  	s11 =	sadd.s32 s1, s14;
	s14 =	simm.s32 $0xD400  }
0x232: {  	[tilespmem:s14], [sflag:$0x1] =	stream.strided.gather [hbm4b:s11+s21], $0x1000, s20, s21, $0x38;
	[tilespmem:$0x10A80] =	vst v63  }
0x233: {  	s19 =	simm.s32 $0x6400;
	s12 =	sadd.s32 s0, s13  }
0x234: {  	[tilespmem:s19], [sflag:$0x1] =	stream.strided.gather [hbm4b:s12+s21], $0x1000, s20, s21, $0x38;
	[tilespmem:$0x10A80] =	vst v63  }
0x235: {  	s24 =	sand.u32 $0xFFFFF80, s24;
	s13 =	sadd.s32 s1, s17;
	s17 =	simm.s32 $0xE400  }
0x236: {  	[tilespmem:s17], [sflag:$0x1] =	stream.strided.gather [hbm4b:s13+s21], $0x1000, s20, s21, $0x38;
	[tilespmem:$0x10A80] =	vst v63  }
0x237: {  	s28 =	sand.u32 $0xFFFFF80, s28;
	s16 =	sadd.s32 s0, s24;
	s24 =	simm.s32 $0x7400  }
0x238: {  	[tilespmem:s24], [sflag:$0x1] =	stream.strided.gather [hbm4b:s16+s21], $0x1000, s20, s21, $0x38;
	[tilespmem:$0x10A80] =	vst v63  }
0x239: {  	s22 =	sadd.s32 s1, s28;
	s28 =	simm.s32 $0xF400  }
0x23a: {  	[tilespmem:s28], [sflag:$0x1] =	stream.strided.gather [hbm4b:s22+s21], $0x1000, s20, s21, $0x38;
	[tilespmem:$0x10A80] =	vst v63  }
0x23b: {  	_ =	swait.ge [sflag:s26], $0x1000  }
0x23c: {  	[sflag:s26] =	ssyncset.done $0x0  }
0x23d: {  	[sflag:s26] =	ssyncadd.s32 $0xFFFFF000  }
0x23e: {  	_ =	swait.ge [sflag:s26], $0x1000  }
0x23f: {  	[sflag:s26] =	ssyncset.done $0x0  }
0x240: {  	[sflag:s26] =	ssyncadd.s32 $0xFFFFF000  }
0x241: {  	_ =	swait.ge [sflag:s26], $0x1000  }
0x242: {  	[sflag:s26] =	ssyncset.done $0x0  }
0x243: {  	[sflag:s26] =	ssyncadd.s32 $0xFFFFF000  }
0x244: {  	_ =	swait.ge [sflag:s26], $0x1000  }
0x245: {  	[sflag:s26] =	ssyncset.done $0x0  }
0x246: {  	[sflag:s26] =	ssyncadd.s32 $0xFFFFF000  }
0x247: {  	_ =	swait.ge [sflag:s26], $0x1000  }
0x248: {  	[sflag:s26] =	ssyncset.done $0x0  }
0x249: {  	[sflag:s26] =	ssyncadd.s32 $0xFFFFF000  }
0x24a: {  	_ =	swait.ge [sflag:s26], $0x1000  }
0x24b: {  	[sflag:s26] =	ssyncset.done $0x0  }
0x24c: {  	[sflag:s26] =	ssyncadd.s32 $0xFFFFF000  }
0x24d: {  	_ =	swait.ge [sflag:s26], $0x1000  }
0x24e: {  	[sflag:s26] =	ssyncset.done $0x0  }
0x24f: {  	[sflag:s26] =	ssyncadd.s32 $0xFFFFF000  }
0x250: {  	_ =	swait.ge [sflag:s26], $0x1000  }
0x251: {  	[sflag:s26] =	ssyncset.done $0x0  }
0x252: {  	[sflag:s26] =	ssyncadd.s32 $0xFFFFF000  }
0x253: {  	_ =	swait.ge [sflag:s26], $0x1000  }
0x254: {  	[sflag:s26] =	ssyncset.done $0x0  }
0x255: {  	[sflag:s26] =	ssyncadd.s32 $0xFFFFF000  }
0x256: {  	_ =	swait.ge [sflag:s26], $0x1000  }
0x257: {  	[sflag:s26] =	ssyncset.done $0x0  }
0x258: {  	[sflag:s26] =	ssyncadd.s32 $0xFFFFF000  }
0x259: {  	_ =	swait.ge [sflag:s26], $0x1000  }
0x25a: {  	[sflag:s26] =	ssyncset.done $0x0  }
0x25b: {  	[sflag:s26] =	ssyncadd.s32 $0xFFFFF000  }
0x25c: {  	_ =	swait.ge [sflag:s26], $0x1000  }
0x25d: {  	[sflag:s26] =	ssyncset.done $0x0  }
0x25e: {  	[sflag:s26] =	ssyncadd.s32 $0xFFFFF000  }
0x25f: {  	_ =	swait.ge [sflag:s26], $0x1000  }
0x260: {  	[sflag:s26] =	ssyncset.done $0x0  }
0x261: {  	[sflag:s26] =	ssyncadd.s32 $0xFFFFF000  }
0x262: {  	_ =	swait.ge [sflag:s26], $0x1000  }
0x263: {  	[sflag:s26] =	ssyncset.done $0x0  }
0x264: {  	[sflag:s26] =	ssyncadd.s32 $0xFFFFF000  }
0x265: {  	_ =	swait.ge [sflag:s26], $0x1000  }
0x266: {  	v20 =	vand.u32 $0x7F, v20;
	v21 =	vor.u32 v0, v19;
	[sflag:s26] =	ssyncset.done $0x0  }
0x267: {  	v22 =	vor.u32 v0, v20;
	[sflag:s26] =	ssyncadd.s32 $0xFFFFF000  }
0x268: {  	v23 =	vor.u32 v1, v19;
	_ =	swait.ge [sflag:s26], $0x1000  }
0x269: {  	v24 =	vor.u32 v1, v20;
	[sflag:s26] =	ssyncset.done $0x0  }
0x26a: {  	v25 =	vor.u32 v2, v19;
	[sflag:s26] =	ssyncadd.s32 $0xFFFFF000  }
0x26b: {  	v26 =	vor.u32 v2, v20;
	v21 =	vld.idx.msk [tilespmem:v21+s21+$0x0], $0xffff  }
0x26c: {  	v27 =	vor.u32 v3, v19;
	v22 =	vld.idx.msk [tilespmem:v22+s23+$0x0], $0xffff  }
0x26d: {  	v45 =	vor.u32 v4, v19;
	v23 =	vld.idx.msk [tilespmem:v23+s21+$0x0], $0xffff  }
0x26e: {  	v44 =	vor.u32 v3, v20;
	v24 =	vld.idx.msk [tilespmem:v24+s23+$0x0], $0xffff  }
0x26f: {  	v47 =	vor.u32 v5, v19;
	v25 =	vld.idx.msk [tilespmem:v25+s21+$0x0], $0xffff  }
0x270: {  	v49 =	vor.u32 v6, v19;
	v46 =	vor.u32 v4, v20;
	v26 =	vld.idx.msk [tilespmem:v26+s23+$0x0], $0xffff  }
0x271: {  	v48 =	vor.u32 v5, v20;
	v50 =	vor.u32 v6, v20;
	v63 =	vor.u32 v15, v20;
	v27 =	vld.idx.msk [tilespmem:v27+s21+$0x0], $0xffff  }
0x272: {  	v51 =	vor.u32 v7, v19;
	v52 =	vor.u32 v7, v20;
	v29 =	vld.idx.msk [tilespmem:v45+s21+$0x0], $0xffff;
	v21 =	vmul.f32 v22, v21  }
0x273: {  	v53 =	vor.u32 v8, v20;
	v54 =	vor.u32 v9, v20;
	v56 =	vor.u32 v10, v20;
	v22 =	vld.idx.msk [tilespmem:v44+s23+$0x0], $0xffff  }
0x274: {  	v58 =	vor.u32 v11, v20;
	v31 =	vld.idx.msk [tilespmem:v47+s21+$0x0], $0xffff;
	v23 =	vmul.f32 v24, v23;
	v21 =	vadd.f32 $0.0e+00, v21  }
0x275: {  	v60 =	vor.u32 v12, v20;
	v62 =	vor.u32 v13, v20;
	v20 =	vor.u32 v16, v20;
	v24 =	vld.idx.msk [tilespmem:v46+s23+$0x0], $0xffff  }
0x276: {  	v28 =	vld.idx.msk [tilespmem:v49+s21+$0x0], $0xffff;
	v21 =	vadd.f32 v23, v21;
	v23 =	vmul.f32 v26, v25  }
0x277: {  	v25 =	vld.idx.msk [tilespmem:v48+s23+$0x0], $0xffff;
	v26 =	vor.u32 v8, v19  }
0x278: {  	v30 =	vld.idx.msk [tilespmem:v51+s21+$0x0], $0xffff;
	v22 =	vmul.f32 v22, v27;
	v21 =	vadd.f32 v23, v21  }
0x279: {  	v27 =	vor.u32 v9, v19;
	v23 =	vld.idx.msk [tilespmem:v50+s23+$0x0], $0xffff  }
0x27a: {  	v20 =	vld.idx.msk [tilespmem:v20+s23+$0x0], $0xffff;
	v21 =	vadd.f32 v22, v21;
	v22 =	vmul.f32 v24, v29  }
0x27b: {  	v55 =	vor.u32 v10, v19;
	v24 =	vld.idx.msk [tilespmem:v52+s23+$0x0], $0xffff  }
0x27c: {  	v26 =	vld.idx.msk [tilespmem:v26+s21+$0x0], $0xffff;
	v21 =	vadd.f32 v22, v21;
	v22 =	vmul.f32 v25, v31  }
0x27d: {  	v57 =	vor.u32 v11, v19;
	v25 =	vld.idx.msk [tilespmem:v53+s23+$0x0], $0xffff  }
0x27e: {  	v27 =	vld.idx.msk [tilespmem:v27+s21+$0x0], $0xffff;
	v21 =	vadd.f32 v22, v21;
	v22 =	vmul.f32 v23, v28  }
0x27f: {  	v59 =	vor.u32 v12, v19;
	v23 =	vld.idx.msk [tilespmem:v54+s23+$0x0], $0xffff  }
0x280: {  	v29 =	vld.idx.msk [tilespmem:v55+s21+$0x0], $0xffff;
	v21 =	vadd.f32 v22, v21;
	v22 =	vmul.f32 v24, v30  }
0x281: {  	v61 =	vor.u32 v13, v19;
	v24 =	vld.idx.msk [tilespmem:v56+s23+$0x0], $0xffff  }
0x282: {  	v31 =	vld.idx.msk [tilespmem:v57+s21+$0x0], $0xffff;
	v21 =	vadd.f32 v22, v21;
	v22 =	vmul.f32 v25, v26  }
0x283: {  	v25 =	vld.idx.msk [tilespmem:v58+s23+$0x0], $0xffff;
	v26 =	vor.u32 v15, v19  }
0x284: {  	v28 =	vld.idx.msk [tilespmem:v59+s21+$0x0], $0xffff;
	v21 =	vadd.f32 v22, v21;
	v22 =	vmul.f32 v23, v27  }
0x285: {  	v19 =	vor.u32 v16, v19;
	v23 =	vld.idx.msk [tilespmem:v60+s23+$0x0], $0xffff  }
0x286: {  	v27 =	vld.idx.msk [tilespmem:v61+s21+$0x0], $0xffff;
	v21 =	vadd.f32 v22, v21;
	v22 =	vmul.f32 v24, v29  }
0x287: {  	v24 =	vld.idx.msk [tilespmem:v62+s23+$0x0], $0xffff  }
0x288: {  	v26 =	vld.idx.msk [tilespmem:v26+s21+$0x0], $0xffff;
	v21 =	vadd.f32 v22, v21;
	v22 =	vmul.f32 v25, v31  }
0x289: {  	s25 =	rddreg [dreg:$0x7];
	v25 =	vld.idx.msk [tilespmem:v63+s23+$0x0], $0xffff  }
0x28a: {  	s31 =	sshra.s32 s25, $0x2;
	v19 =	vld.idx.msk [tilespmem:v19+s21+$0x0], $0xffff;
	v21 =	vadd.f32 v22, v21;
	v22 =	vmul.f32 v23, v28  }
0x28b: {  	v23 =	vld [tilespmem:s31+$0x0]  }
0x28c: {  	v21 =	vadd.f32 v22, v21;
	v22 =	vmul.f32 v24, v27  }
0x28d: {  	v24 =	vld [tilespmem:s31+$0x200]  }
0x28e: {  	v21 =	vadd.f32 v22, v21;
	v22 =	vmul.f32 v25, v26  }
0x28f: {  	p0 =	sne.s32 s30, $0x7C0  }
.Ltmp0:
0x290: {  	v19 =	vmul.f32 v20, v19;
	(v2sf) =	vpush v23, $0x0;
	v21 =	vadd.f32 v22, v21;
	(pc) =	sbr.rel @p0 .LBB2_2-.Ltmp0, $4  }
0x291: {  	v20 =	vperm.xlane v23, v14;
	v22 =	vperm.xlane v23, v18;
	(v2sf) =	vpush v23, $0x1  }
0x292: {  	v26 =	vperm.xlane v24, v14;
	(v2sf) =	vpush v24, $0x0;
	v25 =	vadd.f32 v19, v21  }
0x293: {  	v21 =	vand.u32 $0x7F, v20;
	v19 =	vand.u32 $0x7F, v22;
	v20 =	vperm.xlane v24, v18  }
0x294: {  	s30 =	sadd.s32 $0x40, s30;
	(v2sf) =	vpush v24, $0x1;
	v22 =	vand.u32 $0x7F, v26;
	v26 =	vperm.xlane v25, v17  }
0x295: {  	_ =	sdelay $0x1  }
0x296: {  	(v2sf) =	vpush v23, $0x2  }
0x297: {  	(v2sf) =	vpush v24, $0x2;
	_ =	sdelay $0x3  }
0x298: {  	(v2sf) =	vpush v23, $0x3;
	_ =	sdelay $0x1  }
0x299: {  	(v2sf) =	vpush v24, $0x3  }
0x29a: {  	v25 =	vadd.f32 v25, v26;
	s2 =	spop (v2sf)  }
0x29b: {  	(v2sf) =	vpush v23, $0x4;
	s2 =	sand.u32 $0xFFFFF80, s2;
	s3 =	spop (v2sf)  }
0x29c: {  	[tilespmem:s15+$0x10808] =	vst.msk $0xff, v25;
	s2 =	sadd.s32 s0, s2;
	s4 =	spop (v2sf)  }
0x29d: {  	(v2sf) =	vpush v24, $0x4;
	[tilespmem:s21], [sflag:$0x1] =	stream.strided.gather [hbm4b:s2+s21], $0x1000, s20, s21, $0x38;
	[tilespmem:$0x10A80] =	vst v63  }
0x29e: {  	s30 =	simm.s32 $0x9400;
	(v2sf) =	vpush v23, $0x5;
	s7 =	sand.u32 $0xFFFFF80, s4  }
0x29f: {  	s3 =	sand.u32 $0xFFFFF80, s3;
	s8 =	spop (v2sf);
	s2 =	sadd.s32 s1, s7  }
0x2a0: {  	[tilespmem:s23], [sflag:$0x1] =	stream.strided.gather [hbm4b:s2+s21], $0x1000, s20, s21, $0x38;
	[tilespmem:$0x10A80] =	vst v63  }
0x2a1: {  	s22 =	simm.s32 $0xA400;
	s3 =	sadd.s32 s0, s3;
	s10 =	spop (v2sf)  }
0x2a2: {  	(v2sf) =	vpush v24, $0x5;
	s9 =	sand.u32 $0xFFFFF80, s8;
	s11 =	sand.u32 $0xFFFFF80, s10;
	s12 =	spop (v2sf)  }
0x2a3: {  	[tilespmem:s29], [sflag:$0x1] =	stream.strided.gather [hbm4b:s3+s21], $0x1000, s20, s21, $0x38;
	[tilespmem:$0x10A80] =	vst v63  }
0x2a4: {  	(v2sf) =	vpush v23, $0x6;
	s2 =	sadd.s32 s1, s9;
	s9 =	simm.s32 $0x2400;
	s10 =	simm.s32 $0x3400  }
0x2a5: {  	[tilespmem:s30], [sflag:$0x1] =	stream.strided.gather [hbm4b:s2+s21], $0x1000, s20, s21, $0x38;
	[tilespmem:$0x10A80] =	vst v63  }
0x2a6: {  	(v2sf) =	vpush v24, $0x6;
	s13 =	sand.u32 $0xFFFFF80, s12;
	s15 =	spop (v2sf);
	s3 =	sadd.s32 s0, s11  }
0x2a7: {  	[tilespmem:s9], [sflag:$0x1] =	stream.strided.gather [hbm4b:s3+s21], $0x1000, s20, s21, $0x38;
	[tilespmem:$0x10A80] =	vst v63  }
0x2a8: {  	(v2sf) =	vpush v23, $0x7;
	s16 =	sand.u32 $0xFFFFF80, s15;
	s25 =	spop (v2sf);
	s2 =	sadd.s32 s1, s13  }
0x2a9: {  	[tilespmem:s22], [sflag:$0x1] =	stream.strided.gather [hbm4b:s2+s21], $0x1000, s20, s21, $0x38;
	[tilespmem:$0x10A80] =	vst v63  }
0x2aa: {  	s11 =	simm.s32 $0xB400;
	(v2sf) =	vpush v24, $0x7;
	s6 =	spop (v2sf);
	s3 =	sadd.s32 s0, s16  }
0x2ab: {  	[tilespmem:s10], [sflag:$0x1] =	stream.strided.gather [hbm4b:s3+s21], $0x1000, s20, s21, $0x38;
	[tilespmem:$0x10A80] =	vst v63  }
0x2ac: {  	s5 =	sand.u32 $0xFFFFF80, s25;
	(v2sf) =	vpush v23, $0x8;
	s25 =	simm.s32 $0x4400;
	s8 =	spop (v2sf)  }
0x2ad: {  	s7 =	sand.u32 $0xFFFFF80, s6;
	s2 =	sadd.s32 s1, s5;
	s13 =	spop (v2sf)  }
0x2ae: {  	(v2sf) =	vpush v24, $0x8;
	[tilespmem:s11], [sflag:$0x1] =	stream.strided.gather [hbm4b:s2+s21], $0x1000, s20, s21, $0x38;
	[tilespmem:$0x10A80] =	vst v63  }
0x2af: {  	s3 =	sadd.s32 s0, s7;
	s12 =	sand.u32 $0xFFFFF80, s8;
	s15 =	sand.u32 $0xFFFFF80, s13  }
0x2b0: {  	[tilespmem:s25], [sflag:$0x1] =	stream.strided.gather [hbm4b:s3+s21], $0x1000, s20, s21, $0x38;
	[tilespmem:$0x10A80] =	vst v63  }
0x2b1: {  	(v2sf) =	vpush v23, $0x9;
	s2 =	sadd.s32 s1, s12;
	s12 =	simm.s32 $0xC400;
	s16 =	spop (v2sf)  }
0x2b2: {  	(v2sf) =	vpush v24, $0x9;
	[tilespmem:s12], [sflag:$0x1] =	stream.strided.gather [hbm4b:s2+s21], $0x1000, s20, s21, $0x38;
	[tilespmem:$0x10A80] =	vst v63  }
0x2b3: {  	(v2sf) =	vpush v23, $0xA;
	s3 =	sadd.s32 s0, s15;
	s5 =	sand.u32 $0xFFFFF80, s16;
	s6 =	spop (v2sf)  }
0x2b4: {  	(v2sf) =	vpush v24, $0xA;
	[tilespmem:s18], [sflag:$0x1] =	stream.strided.gather [hbm4b:s3+s21], $0x1000, s20, s21, $0x38;
	[tilespmem:$0x10A80] =	vst v63  }
0x2b5: {  	s7 =	spop (v2sf);
	(v2sf) =	vpush v23, $0xB;
	s2 =	sadd.s32 s1, s5;
	s4 =	sand.u32 $0xFFFFF80, s6  }
0x2b6: {  	(v2sf) =	vpush v24, $0xB;
	[tilespmem:s14], [sflag:$0x1] =	stream.strided.gather [hbm4b:s2+s21], $0x1000, s20, s21, $0x38;
	[tilespmem:$0x10A80] =	vst v63  }
0x2b7: {  	s8 =	sand.u32 $0xFFFFF80, s7;
	s13 =	sadd.s32 s0, s4;
	(v2sf) =	vpush v23, $0xC;
	s14 =	spop (v2sf)  }
0x2b8: {  	(v2sf) =	vpush v24, $0xC;
	[tilespmem:s19], [sflag:$0x1] =	stream.strided.gather [hbm4b:s13+s21], $0x1000, s20, s21, $0x38;
	[tilespmem:$0x10A80] =	vst v63  }
0x2b9: {  	(v2sf) =	vpush v23, $0xD;
	s2 =	sadd.s32 s1, s8;
	s15 =	sand.u32 $0xFFFFF80, s14;
	s16 =	spop (v2sf)  }
0x2ba: {  	(v2sf) =	vpush v24, $0xD;
	[tilespmem:s17], [sflag:$0x1] =	stream.strided.gather [hbm4b:s2+s21], $0x1000, s20, s21, $0x38;
	[tilespmem:$0x10A80] =	vst v63  }
0x2bb: {  	(v2sf) =	vpush v23, $0xE;
	s18 =	sadd.s32 s0, s15;
	s19 =	sand.u32 $0xFFFFF80, s16;
	s17 =	spop (v2sf)  }
0x2bc: {  	(v2sf) =	vpush v24, $0xE;
	[tilespmem:s24], [sflag:$0x1] =	stream.strided.gather [hbm4b:s18+s21], $0x1000, s20, s21, $0x38;
	[tilespmem:$0x10A80] =	vst v63  }
0x2bd: {  	(v2sf) =	vpush v23, $0xF;
	s24 =	sadd.s32 s1, s19;
	s19 =	spop (v2sf)  }
0x2be: {  	(v2sf) =	vpush v24, $0xF;
	[tilespmem:s28], [sflag:$0x1] =	stream.strided.gather [hbm4b:s24+s21], $0x1000, s20, s21, $0x38;
	[tilespmem:$0x10A80] =	vst v63  }
0x2bf: {  	_ =	swait.ge [sflag:s26], $0x1000  }
0x2c0: {  	s28 =	spop (v2sf)  }
0x2c1: {  	[sflag:s26] =	ssyncset.done $0x0;
	s24 =	spop (v2sf)  }
0x2c2: {  	[sflag:s26] =	ssyncadd.s32 $0xFFFFF000;
	s18 =	spop (v2sf)  }
0x2c3: {  	_ =	swait.ge [sflag:s26], $0x1000  }
0x2c4: {  	s16 =	spop (v2sf)  }
0x2c5: {  	[sflag:s26] =	ssyncset.done $0x0;
	s15 =	spop (v2sf)  }
0x2c6: {  	[sflag:s26] =	ssyncadd.s32 $0xFFFFF000;
	s14 =	spop (v2sf)  }
0x2c7: {  	_ =	swait.ge [sflag:s26], $0x1000  }
0x2c8: {  	s13 =	spop (v2sf)  }
0x2c9: {  	[sflag:s26] =	ssyncset.done $0x0;
	s8 =	spop (v2sf)  }
0x2ca: {  	[sflag:s26] =	ssyncadd.s32 $0xFFFFF000;
	s7 =	spop (v2sf)  }
0x2cb: {  	_ =	swait.ge [sflag:s26], $0x1000  }
0x2cc: {  	s6 =	spop (v2sf)  }
0x2cd: {  	[sflag:s26] =	ssyncset.done $0x0;
	s5 =	spop (v2sf)  }
0x2ce: {  	[sflag:s26] =	ssyncadd.s32 $0xFFFFF000;
	s4 =	spop (v2sf)  }
0x2cf: {  	_ =	swait.ge [sflag:s26], $0x1000  }
0x2d0: {  	s3 =	spop (v2sf);
	[sflag:s26] =	ssyncset.done $0x0  }
0x2d1: {  	s2 =	spop (v2sf);
	[sflag:s26] =	ssyncadd.s32 $0xFFFFF000  }
0x2d2: {  	_ =	swait.ge [sflag:s26], $0x1000  }
0x2d3: {  	[sflag:s26] =	ssyncset.done $0x0  }
0x2d4: {  	[sflag:s26] =	ssyncadd.s32 $0xFFFFF000  }
0x2d5: {  	_ =	swait.ge [sflag:s26], $0x1000  }
0x2d6: {  	[sflag:s26] =	ssyncset.done $0x0  }
0x2d7: {  	[sflag:s26] =	ssyncadd.s32 $0xFFFFF000  }
0x2d8: {  	_ =	swait.ge [sflag:s26], $0x1000  }
0x2d9: {  	[sflag:s26] =	ssyncset.done $0x0  }
0x2da: {  	[sflag:s26] =	ssyncadd.s32 $0xFFFFF000  }
0x2db: {  	_ =	swait.ge [sflag:s26], $0x1000  }
0x2dc: {  	[sflag:s26] =	ssyncset.done $0x0  }
0x2dd: {  	[sflag:s26] =	ssyncadd.s32 $0xFFFFF000  }
0x2de: {  	_ =	swait.ge [sflag:s26], $0x1000  }
0x2df: {  	[sflag:s26] =	ssyncset.done $0x0  }
0x2e0: {  	[sflag:s26] =	ssyncadd.s32 $0xFFFFF000  }
0x2e1: {  	_ =	swait.ge [sflag:s26], $0x1000  }
0x2e2: {  	[sflag:s26] =	ssyncset.done $0x0  }
0x2e3: {  	[sflag:s26] =	ssyncadd.s32 $0xFFFFF000  }
0x2e4: {  	_ =	swait.ge [sflag:s26], $0x1000  }
0x2e5: {  	[sflag:s26] =	ssyncset.done $0x0  }
0x2e6: {  	[sflag:s26] =	ssyncadd.s32 $0xFFFFF000  }
0x2e7: {  	_ =	swait.ge [sflag:s26], $0x1000  }
0x2e8: {  	[sflag:s26] =	ssyncset.done $0x0  }
0x2e9: {  	[sflag:s26] =	ssyncadd.s32 $0xFFFFF000  }
0x2ea: {  	_ =	swait.ge [sflag:s26], $0x1000  }
0x2eb: {  	[sflag:s26] =	ssyncset.done $0x0  }
0x2ec: {  	[sflag:s26] =	ssyncadd.s32 $0xFFFFF000  }
0x2ed: {  	_ =	swait.ge [sflag:s26], $0x1000  }
0x2ee: {  	v46 =	vor.u32 v0, v21;
	[sflag:s26] =	ssyncset.done $0x0  }
0x2ef: {  	v47 =	vor.u32 v0, v22;
	[sflag:s26] =	ssyncadd.s32 $0xFFFFF000  }
0x2f0: {  	v48 =	vor.u32 v1, v22;
	_ =	swait.ge [sflag:s26], $0x1000  }
0x2f1: {  	v49 =	vor.u32 v1, v21;
	[sflag:s26] =	ssyncset.done $0x0  }
0x2f2: {  	v27 =	vor.u32 v2, v22;
	[sflag:s26] =	ssyncadd.s32 $0xFFFFF000  }
0x2f3: {  	v28 =	vor.u32 v2, v21;
	v23 =	vld.idx.msk [tilespmem:v46+s21+$0x0], $0xffff  }
0x2f4: {  	v29 =	vor.u32 v3, v22;
	v24 =	vld.idx.msk [tilespmem:v47+s23+$0x0], $0xffff  }
0x2f5: {  	v30 =	vor.u32 v3, v21;
	v25 =	vld.idx.msk [tilespmem:v48+s23+$0x0], $0xffff  }
0x2f6: {  	v31 =	vor.u32 v4, v22;
	v26 =	vld.idx.msk [tilespmem:v49+s21+$0x0], $0xffff  }
0x2f7: {  	v32 =	vor.u32 v4, v21;
	v27 =	vld.idx.msk [tilespmem:v27+s23+$0x0], $0xffff  }
0x2f8: {  	v33 =	vor.u32 v5, v22;
	v28 =	vld.idx.msk [tilespmem:v28+s21+$0x0], $0xffff  }
0x2f9: {  	v34 =	vor.u32 v5, v21;
	v29 =	vld.idx.msk [tilespmem:v29+s23+$0x0], $0xffff;
	v23 =	vmul.f32 v24, v23  }
0x2fa: {  	v51 =	vor.u32 v6, v22;
	v50 =	vld.idx.msk [tilespmem:v30+s21+$0x0], $0xffff  }
0x2fb: {  	v35 =	vor.u32 v6, v21;
	v31 =	vld.idx.msk [tilespmem:v31+s23+$0x0], $0xffff;
	v25 =	vmul.f32 v25, v26;
	v23 =	vadd.f32 $0.0e+00, v23  }
0x2fc: {  	v53 =	vor.u32 v7, v22;
	v52 =	vld.idx.msk [tilespmem:v32+s21+$0x0], $0xffff  }
0x2fd: {  	v36 =	vor.u32 v7, v21;
	v33 =	vld.idx.msk [tilespmem:v33+s23+$0x0], $0xffff;
	v54 =	vmul.f32 v27, v28;
	v23 =	vadd.f32 v25, v23  }
0x2fe: {  	v57 =	vor.u32 v8, v21;
	v55 =	vld.idx.msk [tilespmem:v34+s21+$0x0], $0xffff  }
0x2ff: {  	v56 =	vor.u32 v8, v22;
	v30 =	vld.idx.msk [tilespmem:v51+s23+$0x0], $0xffff;
	v24 =	vmul.f32 v29, v50;
	v23 =	vadd.f32 v54, v23  }
0x300: {  	v60 =	vor.u32 v9, v21;
	v58 =	vld.idx.msk [tilespmem:v35+s21+$0x0], $0xffff  }
0x301: {  	v59 =	vor.u32 v9, v22;
	v32 =	vld.idx.msk [tilespmem:v53+s23+$0x0], $0xffff;
	v61 =	vmul.f32 v31, v52;
	v23 =	vadd.f32 v24, v23  }
0x302: {  	v63 =	vor.u32 v10, v22;
	v62 =	vld.idx.msk [tilespmem:v36+s21+$0x0], $0xffff  }
0x303: {  	v40 =	vor.u32 v10, v21;
	v42 =	vld.idx.msk [tilespmem:v57+s21+$0x0], $0xffff;
	v41 =	vmul.f32 v33, v55;
	v23 =	vadd.f32 v61, v23  }
0x304: {  	v43 =	vor.u32 v11, v22;
	v28 =	vld.idx.msk [tilespmem:v56+s23+$0x0], $0xffff  }
0x305: {  	v44 =	vor.u32 v11, v21;
	v46 =	vld.idx.msk [tilespmem:v60+s21+$0x0], $0xffff;
	v45 =	vmul.f32 v30, v58;
	v23 =	vadd.f32 v41, v23  }
0x306: {  	v47 =	vor.u32 v12, v22;
	v29 =	vld.idx.msk [tilespmem:v59+s23+$0x0], $0xffff  }
0x307: {  	v48 =	vor.u32 v12, v21;
	v31 =	vld.idx.msk [tilespmem:v63+s23+$0x0], $0xffff;
	v49 =	vmul.f32 v32, v62;
	v23 =	vadd.f32 v45, v23  }
0x308: {  	v51 =	vor.u32 v13, v22;
	v50 =	vld.idx.msk [tilespmem:v40+s21+$0x0], $0xffff  }
0x309: {  	v33 =	vld.idx.msk [tilespmem:v43+s23+$0x0], $0xffff;
	v52 =	vor.u32 v13, v21;
	v53 =	vmul.f32 v28, v42;
	v23 =	vadd.f32 v49, v23  }
0x30a: {  	v55 =	vor.u32 v15, v22;
	v54 =	vld.idx.msk [tilespmem:v44+s21+$0x0], $0xffff  }
0x30b: {  	v30 =	vld.idx.msk [tilespmem:v47+s23+$0x0], $0xffff;
	v56 =	vor.u32 v15, v21;
	v57 =	vmul.f32 v29, v46;
	v23 =	vadd.f32 v53, v23  }
0x30c: {  	v58 =	vld.idx.msk [tilespmem:v48+s21+$0x0], $0xffff;
	v59 =	vor.u32 v16, v22  }
0x30d: {  	v60 =	vld.idx.msk [tilespmem:v51+s23+$0x0], $0xffff;
	v62 =	vmul.f32 v31, v50;
	v61 =	vor.u32 v16, v21;
	v23 =	vadd.f32 v57, v23  }
0x30e: {  	v63 =	vld.idx.msk [tilespmem:v52+s21+$0x0], $0xffff  }
0x30f: {  	v28 =	vld.idx.msk [tilespmem:v55+s23+$0x0], $0xffff;
	v31 =	vmul.f32 v33, v54;
	v23 =	vadd.f32 v62, v23  }
0x310: {  	v32 =	vld.idx.msk [tilespmem:v56+s21+$0x0], $0xffff  }
0x311: {  	v22 =	vld.idx.msk [tilespmem:v59+s23+$0x0], $0xffff;
	v33 =	vmul.f32 v30, v58;
	v23 =	vadd.f32 v31, v23  }
0x312: {  	v21 =	vld.idx.msk [tilespmem:v61+s21+$0x0], $0xffff  }
0x313: {  	v34 =	vmul.f32 v60, v63;
	v23 =	vadd.f32 v33, v23;
	_ =	sdelay $0x1  }
0x314: {  	v35 =	vmul.f32 v28, v32;
	v23 =	vadd.f32 v34, v23;
	_ =	sdelay $0x1  }
0x315: {  	v21 =	vmul.f32 v22, v21;
	v23 =	vadd.f32 v35, v23;
	_ =	sdelay $0x1  }
0x316: {  	v21 =	vadd.f32 v21, v23;
	_ =	sdelay $0x1  }
0x317: {  	v36 =	vperm.xlane v21, v17;
	_ =	sdelay $0x1  }
0x318: {  	v21 =	vadd.f32 v21, v36  }
0x319: {  	s17 =	sand.u32 $0xFFFFF80, s17  }
0x31a: {  	s17 =	sadd.s32 s0, s17;
	[tilespmem:s31+$0x10800] =	vst.msk $0xff, v21  }
0x31b: {  	[tilespmem:s21], [sflag:$0x1] =	stream.strided.gather [hbm4b:s17+s21], $0x1000, s20, s21, $0x38;
	[tilespmem:$0x10A80] =	vst v63  }
0x31c: {  	s17 =	sand.u32 $0xFFFFF80, s19  }
0x31d: {  	s17 =	sadd.s32 s1, s17  }
0x31e: {  	[tilespmem:s23], [sflag:$0x1] =	stream.strided.gather [hbm4b:s17+s21], $0x1000, s20, s21, $0x38;
	[tilespmem:$0x10A80] =	vst v63  }
0x31f: {  	s17 =	sand.u32 $0xFFFFF80, s28  }
0x320: {  	s17 =	sadd.s32 s0, s17  }
0x321: {  	[tilespmem:s29], [sflag:$0x1] =	stream.strided.gather [hbm4b:s17+s21], $0x1000, s20, s21, $0x38;
	[tilespmem:$0x10A80] =	vst v63  }
0x322: {  	s17 =	sand.u32 $0xFFFFF80, s24  }
0x323: {  	s17 =	sadd.s32 s1, s17  }
0x324: {  	[tilespmem:s30], [sflag:$0x1] =	stream.strided.gather [hbm4b:s17+s21], $0x1000, s20, s21, $0x38;
	[tilespmem:$0x10A80] =	vst v63  }
0x325: {  	s17 =	sand.u32 $0xFFFFF80, s18  }
0x326: {  	s16 =	sand.u32 $0xFFFFF80, s16;
	s17 =	sadd.s32 s0, s17  }
0x327: {  	[tilespmem:s9], [sflag:$0x1] =	stream.strided.gather [hbm4b:s17+s21], $0x1000, s20, s21, $0x38;
	[tilespmem:$0x10A80] =	vst v63  }
0x328: {  	s16 =	sadd.s32 s1, s16;
	s15 =	sand.u32 $0xFFFFF80, s15  }
0x329: {  	[tilespmem:s22], [sflag:$0x1] =	stream.strided.gather [hbm4b:s16+s21], $0x1000, s20, s21, $0x38;
	[tilespmem:$0x10A80] =	vst v63  }
0x32a: {  	s15 =	sadd.s32 s0, s15;
	s14 =	sand.u32 $0xFFFFF80, s14  }
0x32b: {  	[tilespmem:s10], [sflag:$0x1] =	stream.strided.gather [hbm4b:s15+s21], $0x1000, s20, s21, $0x38;
	[tilespmem:$0x10A80] =	vst v63  }
0x32c: {  	s14 =	sadd.s32 s1, s14;
	s13 =	sand.u32 $0xFFFFF80, s13  }
0x32d: {  	[tilespmem:s11], [sflag:$0x1] =	stream.strided.gather [hbm4b:s14+s21], $0x1000, s20, s21, $0x38;
	[tilespmem:$0x10A80] =	vst v63  }
0x32e: {  	s13 =	sadd.s32 s0, s13;
	s8 =	sand.u32 $0xFFFFF80, s8  }
0x32f: {  	[tilespmem:s25], [sflag:$0x1] =	stream.strided.gather [hbm4b:s13+s21], $0x1000, s20, s21, $0x38;
	[tilespmem:$0x10A80] =	vst v63  }
0x330: {  	s8 =	sadd.s32 s1, s8;
	s7 =	sand.u32 $0xFFFFF80, s7  }
0x331: {  	[tilespmem:s12], [sflag:$0x1] =	stream.strided.gather [hbm4b:s8+s21], $0x1000, s20, s21, $0x38;
	[tilespmem:$0x10A80] =	vst v63  }
0x332: {  	s7 =	sadd.s32 s0, s7;
	s6 =	sand.u32 $0xFFFFF80, s6;
	s18 =	simm.s32 $0x5400  }
0x333: {  	[tilespmem:s18], [sflag:$0x1] =	stream.strided.gather [hbm4b:s7+s21], $0x1000, s20, s21, $0x38;
	[tilespmem:$0x10A80] =	vst v63  }
0x334: {  	s6 =	sadd.s32 s1, s6;
	s5 =	sand.u32 $0xFFFFF80, s5;
	s14 =	simm.s32 $0xD400  }
0x335: {  	[tilespmem:s14], [sflag:$0x1] =	stream.strided.gather [hbm4b:s6+s21], $0x1000, s20, s21, $0x38;
	[tilespmem:$0x10A80] =	vst v63  }
0x336: {  	s5 =	sadd.s32 s0, s5;
	s4 =	sand.u32 $0xFFFFF80, s4;
	s19 =	simm.s32 $0x6400  }
0x337: {  	[tilespmem:s19], [sflag:$0x1] =	stream.strided.gather [hbm4b:s5+s21], $0x1000, s20, s21, $0x38;
	[tilespmem:$0x10A80] =	vst v63  }
0x338: {  	s4 =	sadd.s32 s1, s4;
	s3 =	sand.u32 $0xFFFFF80, s3;
	s17 =	simm.s32 $0xE400  }
0x339: {  	[tilespmem:s17], [sflag:$0x1] =	stream.strided.gather [hbm4b:s4+s21], $0x1000, s20, s21, $0x38;
	[tilespmem:$0x10A80] =	vst v63  }
0x33a: {  	s3 =	sadd.s32 s0, s3;
	s2 =	sand.u32 $0xFFFFF80, s2;
	s24 =	simm.s32 $0x7400  }
0x33b: {  	[tilespmem:s24], [sflag:$0x1] =	stream.strided.gather [hbm4b:s3+s21], $0x1000, s20, s21, $0x38;
	[tilespmem:$0x10A80] =	vst v63  }
0x33c: {  	s2 =	sadd.s32 s1, s2;
	s28 =	simm.s32 $0xF400  }
0x33d: {  	[tilespmem:s28], [sflag:$0x1] =	stream.strided.gather [hbm4b:s2+s21], $0x1000, s20, s21, $0x38;
	[tilespmem:$0x10A80] =	vst v63  }
0x33e: {  	_ =	swait.ge [sflag:s26], $0x1000  }
0x33f: {  	[sflag:s26] =	ssyncset.done $0x0  }
0x340: {  	[sflag:s26] =	ssyncadd.s32 $0xFFFFF000  }
0x341: {  	_ =	swait.ge [sflag:s26], $0x1000  }
0x342: {  	[sflag:s26] =	ssyncset.done $0x0  }
0x343: {  	[sflag:s26] =	ssyncadd.s32 $0xFFFFF000  }
0x344: {  	_ =	swait.ge [sflag:s26], $0x1000  }
0x345: {  	[sflag:s26] =	ssyncset.done $0x0  }
0x346: {  	[sflag:s26] =	ssyncadd.s32 $0xFFFFF000  }
0x347: {  	_ =	swait.ge [sflag:s26], $0x1000  }
0x348: {  	[sflag:s26] =	ssyncset.done $0x0  }
0x349: {  	[sflag:s26] =	ssyncadd.s32 $0xFFFFF000  }
0x34a: {  	_ =	swait.ge [sflag:s26], $0x1000  }
0x34b: {  	[sflag:s26] =	ssyncset.done $0x0  }
0x34c: {  	[sflag:s26] =	ssyncadd.s32 $0xFFFFF000  }
0x34d: {  	_ =	swait.ge [sflag:s26], $0x1000  }
0x34e: {  	[sflag:s26] =	ssyncset.done $0x0  }
0x34f: {  	[sflag:s26] =	ssyncadd.s32 $0xFFFFF000  }
0x350: {  	_ =	swait.ge [sflag:s26], $0x1000  }
0x351: {  	[sflag:s26] =	ssyncset.done $0x0  }
0x352: {  	[sflag:s26] =	ssyncadd.s32 $0xFFFFF000  }
0x353: {  	_ =	swait.ge [sflag:s26], $0x1000  }
0x354: {  	[sflag:s26] =	ssyncset.done $0x0  }
0x355: {  	[sflag:s26] =	ssyncadd.s32 $0xFFFFF000  }
0x356: {  	_ =	swait.ge [sflag:s26], $0x1000  }
0x357: {  	[sflag:s26] =	ssyncset.done $0x0  }
0x358: {  	[sflag:s26] =	ssyncadd.s32 $0xFFFFF000  }
0x359: {  	_ =	swait.ge [sflag:s26], $0x1000  }
0x35a: {  	[sflag:s26] =	ssyncset.done $0x0  }
0x35b: {  	[sflag:s26] =	ssyncadd.s32 $0xFFFFF000  }
0x35c: {  	_ =	swait.ge [sflag:s26], $0x1000  }
0x35d: {  	[sflag:s26] =	ssyncset.done $0x0  }
0x35e: {  	[sflag:s26] =	ssyncadd.s32 $0xFFFFF000  }
0x35f: {  	_ =	swait.ge [sflag:s26], $0x1000  }
0x360: {  	[sflag:s26] =	ssyncset.done $0x0  }
0x361: {  	[sflag:s26] =	ssyncadd.s32 $0xFFFFF000  }
0x362: {  	_ =	swait.ge [sflag:s26], $0x1000  }
0x363: {  	[sflag:s26] =	ssyncset.done $0x0  }
0x364: {  	[sflag:s26] =	ssyncadd.s32 $0xFFFFF000  }
0x365: {  	_ =	swait.ge [sflag:s26], $0x1000  }
0x366: {  	[sflag:s26] =	ssyncset.done $0x0  }
0x367: {  	[sflag:s26] =	ssyncadd.s32 $0xFFFFF000  }
0x368: {  	_ =	swait.ge [sflag:s26], $0x1000  }
0x369: {  	v20 =	vand.u32 $0x7F, v20;
	v37 =	vor.u32 v0, v19;
	[sflag:s26] =	ssyncset.done $0x0  }
0x36a: {  	v38 =	vor.u32 v0, v20;
	[sflag:s26] =	ssyncadd.s32 $0xFFFFF000  }
0x36b: {  	v39 =	vor.u32 v1, v19;
	_ =	swait.ge [sflag:s26], $0x1000  }
0x36c: {  	v40 =	vor.u32 v1, v20;
	[sflag:s26] =	ssyncset.done $0x0  }
0x36d: {  	v41 =	vor.u32 v2, v19;
	[sflag:s26] =	ssyncadd.s32 $0xFFFFF000  }
0x36e: {  	v42 =	vor.u32 v2, v20;
	v21 =	vld.idx.msk [tilespmem:v37+s21+$0x0], $0xffff  }
0x36f: {  	v43 =	vor.u32 v3, v19;
	v22 =	vld.idx.msk [tilespmem:v38+s23+$0x0], $0xffff  }
0x370: {  	v44 =	vor.u32 v3, v20;
	v23 =	vld.idx.msk [tilespmem:v39+s21+$0x0], $0xffff  }
0x371: {  	v45 =	vor.u32 v4, v19;
	v24 =	vld.idx.msk [tilespmem:v40+s23+$0x0], $0xffff  }
0x372: {  	v46 =	vor.u32 v4, v20;
	v25 =	vld.idx.msk [tilespmem:v41+s21+$0x0], $0xffff  }
0x373: {  	v47 =	vor.u32 v5, v19;
	v26 =	vld.idx.msk [tilespmem:v42+s23+$0x0], $0xffff  }
0x374: {  	v48 =	vor.u32 v5, v20;
	v27 =	vld.idx.msk [tilespmem:v43+s21+$0x0], $0xffff;
	v21 =	vmul.f32 v22, v21  }
0x375: {  	v50 =	vor.u32 v6, v19;
	v49 =	vld.idx.msk [tilespmem:v44+s23+$0x0], $0xffff  }
0x376: {  	v51 =	vor.u32 v6, v20;
	v29 =	vld.idx.msk [tilespmem:v45+s21+$0x0], $0xffff;
	v23 =	vmul.f32 v24, v23;
	v21 =	vadd.f32 $0.0e+00, v21  }
0x377: {  	v53 =	vor.u32 v7, v19;
	v52 =	vld.idx.msk [tilespmem:v46+s23+$0x0], $0xffff  }
0x378: {  	v54 =	vor.u32 v7, v20;
	v31 =	vld.idx.msk [tilespmem:v47+s21+$0x0], $0xffff;
	v55 =	vmul.f32 v26, v25;
	v21 =	vadd.f32 v23, v21  }
0x379: {  	v58 =	vor.u32 v8, v20;
	v56 =	vld.idx.msk [tilespmem:v48+s23+$0x0], $0xffff  }
0x37a: {  	v57 =	vor.u32 v8, v19;
	v28 =	vld.idx.msk [tilespmem:v50+s21+$0x0], $0xffff;
	v22 =	vmul.f32 v49, v27;
	v21 =	vadd.f32 v55, v21  }
0x37b: {  	v61 =	vor.u32 v9, v20;
	v59 =	vld.idx.msk [tilespmem:v51+s23+$0x0], $0xffff  }
0x37c: {  	v60 =	vor.u32 v9, v19;
	v30 =	vld.idx.msk [tilespmem:v53+s21+$0x0], $0xffff;
	v62 =	vmul.f32 v52, v29;
	v21 =	vadd.f32 v22, v21  }
0x37d: {  	v36 =	vor.u32 v10, v19;
	v63 =	vld.idx.msk [tilespmem:v54+s23+$0x0], $0xffff  }
0x37e: {  	v37 =	vor.u32 v10, v20;
	v39 =	vld.idx.msk [tilespmem:v58+s23+$0x0], $0xffff;
	v38 =	vmul.f32 v56, v31;
	v21 =	vadd.f32 v62, v21  }
0x37f: {  	v40 =	vor.u32 v11, v19;
	v26 =	vld.idx.msk [tilespmem:v57+s21+$0x0], $0xffff  }
0x380: {  	v41 =	vor.u32 v11, v20;
	v43 =	vld.idx.msk [tilespmem:v61+s23+$0x0], $0xffff;
	v42 =	vmul.f32 v59, v28;
	v21 =	vadd.f32 v38, v21  }
0x381: {  	v44 =	vor.u32 v12, v19;
	v27 =	vld.idx.msk [tilespmem:v60+s21+$0x0], $0xffff  }
0x382: {  	v45 =	vor.u32 v12, v20;
	v29 =	vld.idx.msk [tilespmem:v36+s21+$0x0], $0xffff;
	v46 =	vmul.f32 v63, v30;
	v21 =	vadd.f32 v42, v21  }
0x383: {  	v48 =	vor.u32 v13, v19;
	v47 =	vld.idx.msk [tilespmem:v37+s23+$0x0], $0xffff  }
0x384: {  	v31 =	vld.idx.msk [tilespmem:v40+s21+$0x0], $0xffff;
	v49 =	vor.u32 v13, v20;
	v50 =	vmul.f32 v39, v26;
	v21 =	vadd.f32 v46, v21  }
0x385: {  	v53 =	vor.u32 v15, v20;
	v51 =	vld.idx.msk [tilespmem:v41+s23+$0x0], $0xffff  }
0x386: {  	v52 =	vor.u32 v15, v19;
	v28 =	vld.idx.msk [tilespmem:v44+s21+$0x0], $0xffff;
	v54 =	vmul.f32 v43, v27;
	v21 =	vadd.f32 v50, v21  }
0x387: {  	v19 =	vor.u32 v16, v19;
	v55 =	vld.idx.msk [tilespmem:v45+s23+$0x0], $0xffff  }
0x388: {  	v56 =	vld.idx.msk [tilespmem:v48+s21+$0x0], $0xffff;
	v20 =	vor.u32 v16, v20;
	v57 =	vmul.f32 v47, v29;
	v21 =	vadd.f32 v54, v21  }
0x389: {  	v58 =	vld.idx.msk [tilespmem:v49+s23+$0x0], $0xffff  }
0x38a: {  	v60 =	vld.idx.msk [tilespmem:v53+s23+$0x0], $0xffff;
	v59 =	vmul.f32 v51, v31;
	v21 =	vadd.f32 v57, v21  }
0x38b: {  	v26 =	vld.idx.msk [tilespmem:v52+s21+$0x0], $0xffff  }
0x38c: {  	v19 =	vld.idx.msk [tilespmem:v19+s21+$0x0], $0xffff;
	v61 =	vmul.f32 v55, v28;
	v21 =	vadd.f32 v59, v21  }
0x38d: {  	v20 =	vld.idx.msk [tilespmem:v20+s23+$0x0], $0xffff  }
0x38e: {  	v62 =	vmul.f32 v58, v56;
	v21 =	vadd.f32 v61, v21;
	_ =	sdelay $0x1  }
0x38f: {  	v63 =	vmul.f32 v60, v26;
	v21 =	vadd.f32 v62, v21;
	_ =	sdelay $0x1  }
0x390: {  	v19 =	vmul.f32 v20, v19;
	v21 =	vadd.f32 v63, v21;
	_ =	sdelay $0x1  }
0x391: {  	v19 =	vadd.f32 v19, v21;
	_ =	sdelay $0x1  }
0x392: {  	v20 =	vperm.xlane v19, v17;
	_ =	sdelay $0x1  }
0x393: {  	v19 =	vadd.f32 v19, v20;
	_ =	sdelay $0x1  }
0x394: {  	[tilespmem:s31+$0x10808] =	vst.msk $0xff, v19;
	s31 =	simm.s32 $0x2  }
0x395: {  	_ =	swait.ge [sflag:s31], $0x80  }
0x396: {  	[sflag:s31] =	ssyncset.done $0x0  }
0x397: {  	[sflag:s31] =	ssyncadd.s32 $0xFFFFFF80  }
0x398: {  	_ =	swait.ge [sflag:s31], $0x80  }
0x399: {  	[sflag:s31] =	ssyncset.done $0x0  }
0x39a: {  	[sflag:s31] =	ssyncadd.s32 $0xFFFFFF80  }
0x39b: {  	_ =	swait.ge [sflag:s31], $0x80  }
0x39c: {  	[sflag:s31] =	ssyncset.done $0x0  }
0x39d: {  	[sflag:s31] =	ssyncadd.s32 $0xFFFFFF80  }
0x39e: {  	_ =	swait.ge [sflag:s31], $0x80  }
0x39f: {  	[sflag:s31] =	ssyncset.done $0x0  }
0x3a0: {  	[sflag:s31] =	ssyncadd.s32 $0xFFFFFF80  }
0x3a1: {  	_ =	swait.ge [sflag:s31], $0x80  }
0x3a2: {  	[sflag:s31] =	ssyncset.done $0x0  }
0x3a3: {  	[sflag:s31] =	ssyncadd.s32 $0xFFFFFF80  }
0x3a4: {  	_ =	swait.ge [sflag:s31], $0x80  }
0x3a5: {  	[sflag:s31] =	ssyncset.done $0x0  }
0x3a6: {  	[sflag:s31] =	ssyncadd.s32 $0xFFFFFF80  }
0x3a7: {  	_ =	swait.ge [sflag:s31], $0x80  }
0x3a8: {  	[sflag:s31] =	ssyncset.done $0x0  }
0x3a9: {  	[sflag:s31] =	ssyncadd.s32 $0xFFFFFF80  }
0x3aa: {  	s30 =	simm.s32 $0xC400;
	s9 =	simm.s32 $0x9400;
	_ =	swait.ge [sflag:s31], $0x80  }
0x3ab: {  	s22 =	simm.s32 $0x2400;
	s10 =	simm.s32 $0xA400;
	[sflag:s31] =	ssyncset.done $0x0  }
0x3ac: {  	s11 =	simm.s32 $0x3400;
	s2 =	simm.s32 $0x0;
	[sflag:s31] =	ssyncadd.s32 $0xFFFFFF80  }
0x3ad: {  	s25 =	simm.s32 $0xB400;
	s12 =	simm.s32 $0x4400;
	s3 =	simm.s32 $0x40;
	v19 =	vld [tilespmem:s2+$0x10400]  }
.LBB2_4:
0x3ae: {  	p0 =	sne.s32 s3, $0x7C0;
	v20 =	vld [tilespmem:s2+$0x10800];
	_ =	sdelay $0x1  }
0x3af: {  	v21 =	vld [tilespmem:s2+$0x10600];
	_ =	sdelay $0x2  }
.Ltmp1:
0x3b0: {  	v19 =	vadd.f32 v19, v20;
	(pc) =	sbr.rel @p0 .LBB2_4-.Ltmp1, $4  }
0x3b1: {  	_ = 	snop  }
0x3b2: {  	v20 =	vadd.f32 v21, v19  }
0x3b3: {  	s4 =	sshra.s32 s3, $0x2  }
0x3b4: {  	s3 =	sadd.s32 $0x40, s3;
	v19 =	vld [tilespmem:s4+$0x10400];
	[tilespmem:s2+$0x10800] =	vst v20;
	s2 =	smov.u32 s4  }
0x3b5: {  	v20 =	vld [tilespmem:s2+$0x10800];
	_ =	sdelay $0x1  }
0x3b6: {  	v21 =	vld [tilespmem:s2+$0x10600];
	_ =	sdelay $0x2  }
0x3b7: {  	v19 =	vadd.f32 v19, v20;
	_ =	sdelay $0x1  }
0x3b8: {  	v19 =	vadd.f32 v21, v19  }
0x3b9: {  	s13 =	simm.s32 $0x0  }
0x3ba: {  	s15 =	rddreg [dreg:$0x11];
	s3 =	simm.s32 $0x10800;
	s5 =	simm.s32 $0x3;
	[tilespmem:s2+$0x10800] =	vst v19  }
0x3bb: {  	[hbm4b:s15+s13] =	stream.linear.scatter [tilespmem:s3], [sflag:$0x3], $0x200, $0x38;
	[tilespmem:$0x10A80] =	vst v63  }
0x3bc: {  	_ =	swait.ge [sflag:s5], $0x200  }
0x3bd: {  	s16 =	rddreg [dreg:$0x13]  }
0x3be: {  	s31 =	rddreg [dreg:$0x12];
	s3 =	sadd.s32 $0x1, s16  }
0x3bf: {  	p0 =	sne.s32 s3, s31  }
.Ltmp2:
0x3c0: {  	_ = 	snop;
	(pc) =	sbr.rel @p0 .LBB2_1-.Ltmp2, $3  }
0x3c1: {  	_ =	sdelay $0x1  }
0x3c2: {  	[sflag:s5] =	ssyncset.done $0x0  }
0x3c3: {  	[sflag:s5] =	ssyncadd.s32 $0xFFFFFE00  }
0x3c4: {  	_ =	sfence.sel $0x180000  }
0x3c5: {  	[bflag:$0x0] =	sbarrier.arrive $0xFFFF  }
0x3c6: {  	_ =	strace $0x90000047  }
0x3c7: {  	s0 =	stileid.u32;
	[bflag:$0x2] =	sbarrier.arrive $0xFFFF  }
0x3c8: {  	p0 =	sne.s32 s0, $0x0;
	s0 =	rddreg [dreg:$0x6]  }
0x3c9: {  	s0 =	sadd.s32 @!p0 $0x100000, s0  }
0x3ca: {  	[sflag:s0] =	ssyncadd.tile.s32 @!p0 $0x1;
	_ =	shalt  }
.Lfunc_end2:
_tile_overlayer_lowered:
.L_overlay_start_2:
0x3cb: {  	(tag) =	ssettag $0x2  }
0x3cc: {  	s0 =	rddreg [dreg:$0x0];
	s2 =	stileid.u32  }
0x3cd: {  	s1 =	rddreg [dreg:$0x1];
	p0 =	sne.s32 s2, $0x0  }
0x3ce: {  	s3 =	rddreg [dreg:$0x2];
	[bflag:$0x3] =	sbarrier.arrive $0xFFFF;
	s2 =	simm.s32 @!p0 $0x1C03  }
0x3cf: {  	[timem:s3], [sflag:s2] =	dma.local @!p0 [hbm:s0], s1  }
0x3d0: {  	s0 =	simm.s32 @!p0 $0x3  }
0x3d1: {  	_ =	swait.ge @!p0 [sflag:s0], s1  }
0x3d2: {  	s1 =	ssub.s32 @!p0 $0x0, s1;
	[sflag:s0] =	ssyncset.done @!p0 $0x0  }
0x3d3: {  	[sflag:s0] =	ssyncadd.s32 @!p0 s1  }
0x3d4: {  	[bflag:$0x3] =	sbarrier.arrive $0xFFFF  }
0x3d5: {  	_ =	shalt  }

</sc_bundles>
